<compile_context>
chip_gen: v7x
topology: tpu7x:2x2x1
jax: 0.10.2.dev20260603
libtpu: 0.0.44.dev20260713+nightly
codegen_flags: <defaults>
</compile_context>

<pallas_src>
import functools

import jax
import jax.numpy as jnp
from jax import lax
from jax.experimental import pallas as pl
from jax.experimental.pallas import tpu as pltpu
from jax.experimental.pallas import tpu_sc as plsc

N = 10000
E = 320000
F = 128

NC, NS = 2, 16
NW = NC * NS
EPW = E // NW
CH = 64
NBUF = 5
LOOK = 3
SOUT = 2
NCH = 160
EPAD = NCH * CH
PAD = EPAD - EPW
RPW = 626
NACC = NS * RPW
MB = 1000
VL = 16

assert NCH % NBUF == 0 and EPAD >= EPW and LOOK + SOUT <= NBUF


def _mm_body(x_ref, w_ref, o_ref):
    o_ref[...] = jnp.dot(x_ref[...], w_ref[...],
                         preferred_element_type=jnp.float32)


_matmul = pl.pallas_call(
    _mm_body,
    grid=(N // MB,),
    in_specs=[
        pl.BlockSpec((MB, F), lambda i: (i, 0)),
        pl.BlockSpec((F, F), lambda i: (0, 0)),
    ],
    out_specs=pl.BlockSpec((MB, F), lambda i: (i, 0)),
    out_shape=jax.ShapeDtypeStruct((N, F), jnp.float32),
)


def _comb_body(p_ref, b_ref, o_ref):
    o_ref[...] = p_ref[0] + p_ref[1] + b_ref[...]


_combine = pl.pallas_call(
    _comb_body,
    grid=(N // MB,),
    in_specs=[
        pl.BlockSpec((NC, MB, F), lambda i: (0, i, 0)),
        pl.BlockSpec((1, F), lambda i: (0, 0)),
    ],
    out_specs=pl.BlockSpec((MB, F), lambda i: (i, 0)),
    out_shape=jax.ShapeDtypeStruct((N, F), jnp.float32),
)


@functools.partial(
    pl.kernel,
    out_type=jax.ShapeDtypeStruct((NW, RPW, F), jnp.float32),
    mesh=plsc.VectorSubcoreMesh(core_axis_name="c", subcore_axis_name="s"),
    scratch_types=[
        pltpu.VMEM((NBUF, CH), jnp.int32),
        pltpu.VMEM((NBUF * CH,), jnp.int32),
        [pltpu.VMEM((CH,), jnp.int32) for _ in range(NBUF)],
        [pltpu.VMEM((CH, F), jnp.float32) for _ in range(NBUF)],
        pltpu.VMEM_SHARED((NACC, F), jnp.float32),
        [pltpu.SemaphoreType.DMA for _ in range(NBUF)],
        [pltpu.SemaphoreType.DMA for _ in range(NBUF)],
        [pltpu.SemaphoreType.DMA for _ in range(NBUF)],
    ],
)
def _sc_aggregate(edge_hbm, sup_hbm, out_hbm,
                  pck2, src1, dsts, rows, acc, sems, psems, ssems):
    pcks = [pck2.at[i] for i in range(NBUF)]
    srcs = [src1.at[pl.ds(i * CH, CH)] for i in range(NBUF)]
    cid = lax.axis_index("c")
    sid = lax.axis_index("s")
    w = cid * NS + sid

    def zrow(r, carry):
        for c in range(F // VL):
            rows[0][r, pl.ds(c * VL, VL)] = jnp.zeros((VL,), jnp.float32)
        return carry

    lax.fori_loop(0, CH, zrow, 0)
    for j in range(RPW // CH):
        pltpu.sync_copy(rows[0], acc.at[pl.ds(sid * RPW + j * CH, CH)])
    _tail = RPW % CH
    if _tail:
        pltpu.sync_copy(rows[0].at[pl.ds(0, _tail)],
                        acc.at[pl.ds(sid * RPW + RPW - _tail, _tail)])
    plsc.subcore_barrier()

    def unpack(pref, sref, dref):
        for c in range(CH // VL):
            v = pref[pl.ds(c * VL, VL)]
            sref[pl.ds(c * VL, VL)] = lax.bitwise_and(v, 0xFFFF)
            dref[pl.ds(c * VL, VL)] = lax.shift_right_logical(v, 16)

    def step(k, j, do_retire=True, do_prep=True, do_pck=True):
        jr = (j + NBUF - SOUT) % NBUF
        bg = (j + LOOK) % NBUF
        pltpu.make_async_copy(sup_hbm.at[srcs[j]], rows[j], sems[j]).wait()
        pltpu.async_copy(rows[j], acc.at[dsts[j]], ssems[j], add=True)
        if do_retire:
            pltpu.make_async_copy(rows[jr], acc.at[dsts[jr]], ssems[jr]).wait()
        if do_prep:
            g = k + LOOK
            pltpu.make_async_copy(edge_hbm.at[w, g], pcks[bg], psems[bg]).wait()
            unpack(pcks[bg], srcs[bg], dsts[bg])
            pltpu.async_copy(sup_hbm.at[srcs[bg]], rows[bg], sems[bg])
            if do_pck:
                pltpu.async_copy(
                    edge_hbm.at[w, g + NBUF], pcks[bg], psems[bg])

    for c in range(NBUF):
        pltpu.async_copy(edge_hbm.at[w, c], pcks[c], psems[c])
    for c in range(LOOK):
        pltpu.make_async_copy(edge_hbm.at[w, c], pcks[c], psems[c]).wait()
        unpack(pcks[c], srcs[c], dsts[c])
        pltpu.async_copy(sup_hbm.at[srcs[c]], rows[c], sems[c])
        pltpu.async_copy(edge_hbm.at[w, c + NBUF], pcks[c], psems[c])

    T = NCH // NBUF

    for j in range(NBUF):
        step(j, j, do_retire=j >= SOUT)

    def body(t, carry):
        for j in range(NBUF):
            step(NBUF * t + j, j)
        return carry

    lax.fori_loop(1, T - 2, body, 0)

    for t in (T - 2, T - 1):
        for j in range(NBUF):
            k = NBUF * t + j
            step(k, j,
                 do_prep=k + LOOK < NCH,
                 do_pck=k + LOOK + NBUF < NCH)

    for i in range(SOUT):
        jd = (NCH - SOUT + i) % NBUF
        pltpu.make_async_copy(rows[jd], acc.at[dsts[jd]], ssems[jd]).wait()
    plsc.subcore_barrier()

    pltpu.sync_copy(acc.at[pl.ds(sid * RPW, RPW)], out_hbm.at[w])


def kernel(input, edge_index, weight, bias):
    x = input.astype(jnp.float32)
    wt = weight.astype(jnp.float32)
    src = edge_index[0].astype(jnp.int32).reshape(NW, EPW)
    dst = edge_index[1].astype(jnp.int32).reshape(NW, EPW)
    pad_src = jnp.zeros((NW, PAD), jnp.int32)
    pad_dst = jnp.broadcast_to(
        N + (jnp.arange(PAD, dtype=jnp.int32) % (NACC - N)), (NW, PAD))
    src_p = jnp.concatenate([src, pad_src], axis=1)
    dst_p = jnp.concatenate([dst, pad_dst], axis=1)
    packed = (src_p | (dst_p << 16)).reshape(NW, NCH, CH)

    support = _matmul(x, wt)
    parts = _sc_aggregate(packed, support)
    parts = parts.reshape(NC, NS * RPW, F)[:, :N]
    return _combine(parts, bias.reshape(1, F).astype(jnp.float32))

# --- scband reference (transcript-rebuilt; emitter-appended) ---
"""Pipeline reference for scband-graph-convolution-56281251447199 (READ-ONLY COPY).

The authoritative reference and input builder live on the scoring server;
editing this copy changes nothing except your own understanding.
"""

import jax, jax.numpy as jnp
import numpy as np
import math

N_NODES = 10000
N_EDGES = 320000
IN_FEATURES = 128
OUT_FEATURES = 128


def setup_inputs(seed: int = 0) -> dict:
    key = jax.random.key(seed)
    k1, k2, k3 = jax.random.split(key, 3)
    x = jax.random.normal(k1, (N_NODES, IN_FEATURES), dtype=jnp.float32)
    edge_index = jax.random.randint(k2, (2, N_EDGES), 0, N_NODES, dtype=jnp.int64)
    stdv = 1.0 / math.sqrt(OUT_FEATURES)
    weight = jax.random.uniform(k3, (IN_FEATURES, OUT_FEATURES), dtype=jnp.float32, minval=-stdv, maxval=stdv)
    bias = jnp.zeros((OUT_FEATURES,), dtype=jnp.float32)
    return {"input": x, "edge_index": edge_index, "weight": weight, "bias": bias}


def reference(input, edge_index, weight, bias):
    # support = input @ W  (self.weight is not None branch)
    support = jnp.matmul(input, weight)
    # adj(support): sparse adjacency applied as gather + scatter-add (SpMM)
    src = edge_index[0]
    dst = edge_index[1]
    msgs = jnp.take(support, src, axis=0)
    output = jax.ops.segment_sum(msgs, dst, num_segments=N_NODES)
    # bias is not None branch
    return output + bias

if __name__ == "__main__":
    import jax
    _d = setup_inputs()
    print(jax.jit(kernel)(*tuple(_d.values())))

</pallas_src>

<mosaic_0001>
#map = affine_map<(d0, d1) -> (0, 0, 0)>
#map1 = affine_map<(d0, d1) -> (0, 0)>
module attributes {stable_mosaic.version = 14 : i64} {
  func.func @_sc_aggregate(%arg0: i32, %arg1: i32, %arg2: memref<32x160x64xi32, #tpu.memory_space<hbm>>, %arg3: memref<10000x128xf32, #tpu.memory_space<hbm>>, %arg4: memref<32x626x128xf32, #tpu.memory_space<hbm>>, %arg5: memref<5x64xi32, #tpu.memory_space<vmem>>, %arg6: memref<320xi32, #tpu.memory_space<vmem>>, %arg7: memref<64xi32, #tpu.memory_space<vmem>>, %arg8: memref<64xi32, #tpu.memory_space<vmem>>, %arg9: memref<64xi32, #tpu.memory_space<vmem>>, %arg10: memref<64xi32, #tpu.memory_space<vmem>>, %arg11: memref<64xi32, #tpu.memory_space<vmem>>, %arg12: memref<64x128xf32, #tpu.memory_space<vmem>>, %arg13: memref<64x128xf32, #tpu.memory_space<vmem>>, %arg14: memref<64x128xf32, #tpu.memory_space<vmem>>, %arg15: memref<64x128xf32, #tpu.memory_space<vmem>>, %arg16: memref<64x128xf32, #tpu.memory_space<vmem>>, %arg17: memref<10016x128xf32, #tpu.memory_space<vmem_shared>>, %arg18: memref<!tpu.dma_semaphore, #tpu.memory_space<semaphore_mem>>, %arg19: memref<!tpu.dma_semaphore, #tpu.memory_space<semaphore_mem>>, %arg20: memref<!tpu.dma_semaphore, #tpu.memory_space<semaphore_mem>>, %arg21: memref<!tpu.dma_semaphore, #tpu.memory_space<semaphore_mem>>, %arg22: memref<!tpu.dma_semaphore, #tpu.memory_space<semaphore_mem>>, %arg23: memref<!tpu.dma_semaphore, #tpu.memory_space<semaphore_mem>>, %arg24: memref<!tpu.dma_semaphore, #tpu.memory_space<semaphore_mem>>, %arg25: memref<!tpu.dma_semaphore, #tpu.memory_space<semaphore_mem>>, %arg26: memref<!tpu.dma_semaphore, #tpu.memory_space<semaphore_mem>>, %arg27: memref<!tpu.dma_semaphore, #tpu.memory_space<semaphore_mem>>, %arg28: memref<!tpu.dma_semaphore, #tpu.memory_space<semaphore_mem>>, %arg29: memref<!tpu.dma_semaphore, #tpu.memory_space<semaphore_mem>>, %arg30: memref<!tpu.dma_semaphore, #tpu.memory_space<semaphore_mem>>, %arg31: memref<!tpu.dma_semaphore, #tpu.memory_space<semaphore_mem>>, %arg32: memref<!tpu.dma_semaphore, #tpu.memory_space<semaphore_mem>>) attributes {dimension_semantics = [#tpu.dimension_semantics<core_parallel>, #tpu.dimension_semantics<subcore_parallel>], iteration_bounds = array<i64: 2, 16>, scalar_prefetch = 0 : i64, scratch_operands = 28 : i64, tpu.core_type = #tpu.core_type<sc_vector_subcore>, window_params = [{transform_indices = #map}, {transform_indices = #map1}, {transform_indices = #map}]} {
    %mul3A = arith.constant 16 : i32
    %mul3A_0 = arith.muli %arg0, %mul3A : i32
    %add3A = arith.addi %mul3A_0, %arg1 : i32
    %scan3A = arith.constant 0 : i32
    %scan3A_1 = arith.constant 0 : i32
    %scan3A_2 = arith.constant 64 : i32
    %scan3A_3 = arith.addi %scan3A_1, %scan3A_2 : i32
    %scan3A_4 = arith.constant 1 : i32
    scf.for %scan3A_2095 = %scan3A_1 to %scan3A_3 step %scan3A_4  : i32 {
      %broadcast_in_dim3A = arith.constant 0.000000e+00 : f32
      %broadcast_in_dim3A_2096 = vector.broadcast %broadcast_in_dim3A : f32 to vector<16xf32>
      %swap3A_2097 = arith.index_cast %scan3A_2095 : i32 to index
      %swap3A_2098 = arith.constant 0 : index
      %swap3A_2099 = tpu.vector_load %arg12[%swap3A_2097, %swap3A_2098] {strides = array<i32>} : memref<64x128xf32, #tpu.memory_space<vmem>>, vector<1x16xf32>,
      %swap3A_2100 = vector.shape_cast %swap3A_2099 : vector<1x16xf32> to vector<16xf32>
      %swap3A_2101 = vector.shape_cast %broadcast_in_dim3A_2096 : vector<16xf32> to vector<1x16xf32>
      tpu.vector_store %arg12[%swap3A_2097, %swap3A_2098], %swap3A_2101 {strides = array<i32>} : memref<64x128xf32, #tpu.memory_space<vmem>>, vector<1x16xf32>,
      %broadcast_in_dim3A_2102 = arith.constant 0.000000e+00 : f32
      %broadcast_in_dim3A_2103 = vector.broadcast %broadcast_in_dim3A_2102 : f32 to vector<16xf32>
      %swap3A_2104 = arith.index_cast %scan3A_2095 : i32 to index
      %swap3A_2105 = arith.constant 16 : index
      %swap3A_2106 = tpu.vector_load %arg12[%swap3A_2104, %swap3A_2105] {strides = array<i32>} : memref<64x128xf32, #tpu.memory_space<vmem>>, vector<1x16xf32>,
      %swap3A_2107 = vector.shape_cast %swap3A_2106 : vector<1x16xf32> to vector<16xf32>
      %swap3A_2108 = vector.shape_cast %broadcast_in_dim3A_2103 : vector<16xf32> to vector<1x16xf32>
      tpu.vector_store %arg12[%swap3A_2104, %swap3A_2105], %swap3A_2108 {strides = array<i32>} : memref<64x128xf32, #tpu.memory_space<vmem>>, vector<1x16xf32>,
      %broadcast_in_dim3A_2109 = arith.constant 0.000000e+00 : f32
      %broadcast_in_dim3A_2110 = vector.broadcast %broadcast_in_dim3A_2109 : f32 to vector<16xf32>
      %swap3A_2111 = arith.index_cast %scan3A_2095 : i32 to index
      %swap3A_2112 = arith.constant 32 : index
      %swap3A_2113 = tpu.vector_load %arg12[%swap3A_2111, %swap3A_2112] {strides = array<i32>} : memref<64x128xf32, #tpu.memory_space<vmem>>, vector<1x16xf32>,
      %swap3A_2114 = vector.shape_cast %swap3A_2113 : vector<1x16xf32> to vector<16xf32>
      %swap3A_2115 = vector.shape_cast %broadcast_in_dim3A_2110 : vector<16xf32> to vector<1x16xf32>
      tpu.vector_store %arg12[%swap3A_2111, %swap3A_2112], %swap3A_2115 {strides = array<i32>} : memref<64x128xf32, #tpu.memory_space<vmem>>, vector<1x16xf32>,
      %broadcast_in_dim3A_2116 = arith.constant 0.000000e+00 : f32
      %broadcast_in_dim3A_2117 = vector.broadcast %broadcast_in_dim3A_2116 : f32 to vector<16xf32>
      %swap3A_2118 = arith.index_cast %scan3A_2095 : i32 to index
      %swap3A_2119 = arith.constant 48 : index
      %swap3A_2120 = tpu.vector_load %arg12[%swap3A_2118, %swap3A_2119] {strides = array<i32>} : memref<64x128xf32, #tpu.memory_space<vmem>>, vector<1x16xf32>,
      %swap3A_2121 = vector.shape_cast %swap3A_2120 : vector<1x16xf32> to vector<16xf32>
      %swap3A_2122 = vector.shape_cast %broadcast_in_dim3A_2117 : vector<16xf32> to vector<1x16xf32>
      tpu.vector_store %arg12[%swap3A_2118, %swap3A_2119], %swap3A_2122 {strides = array<i32>} : memref<64x128xf32, #tpu.memory_space<vmem>>, vector<1x16xf32>,
      %broadcast_in_dim3A_2123 = arith.constant 0.000000e+00 : f32
      %broadcast_in_dim3A_2124 = vector.broadcast %broadcast_in_dim3A_2123 : f32 to vector<16xf32>
      %swap3A_2125 = arith.index_cast %scan3A_2095 : i32 to index
      %swap3A_2126 = arith.constant 64 : index
      %swap3A_2127 = tpu.vector_load %arg12[%swap3A_2125, %swap3A_2126] {strides = array<i32>} : memref<64x128xf32, #tpu.memory_space<vmem>>, vector<1x16xf32>,
      %swap3A_2128 = vector.shape_cast %swap3A_2127 : vector<1x16xf32> to vector<16xf32>
      %swap3A_2129 = vector.shape_cast %broadcast_in_dim3A_2124 : vector<16xf32> to vector<1x16xf32>
      tpu.vector_store %arg12[%swap3A_2125, %swap3A_2126], %swap3A_2129 {strides = array<i32>} : memref<64x128xf32, #tpu.memory_space<vmem>>, vector<1x16xf32>,
      %broadcast_in_dim3A_2130 = arith.constant 0.000000e+00 : f32
      %broadcast_in_dim3A_2131 = vector.broadcast %broadcast_in_dim3A_2130 : f32 to vector<16xf32>
      %swap3A_2132 = arith.index_cast %scan3A_2095 : i32 to index
      %swap3A_2133 = arith.constant 80 : index
      %swap3A_2134 = tpu.vector_load %arg12[%swap3A_2132, %swap3A_2133] {strides = array<i32>} : memref<64x128xf32, #tpu.memory_space<vmem>>, vector<1x16xf32>,
      %swap3A_2135 = vector.shape_cast %swap3A_2134 : vector<1x16xf32> to vector<16xf32>
      %swap3A_2136 = vector.shape_cast %broadcast_in_dim3A_2131 : vector<16xf32> to vector<1x16xf32>
      tpu.vector_store %arg12[%swap3A_2132, %swap3A_2133], %swap3A_2136 {strides = array<i32>} : memref<64x128xf32, #tpu.memory_space<vmem>>, vector<1x16xf32>,
      %broadcast_in_dim3A_2137 = arith.constant 0.000000e+00 : f32
      %broadcast_in_dim3A_2138 = vector.broadcast %broadcast_in_dim3A_2137 : f32 to vector<16xf32>
      %swap3A_2139 = arith.index_cast %scan3A_2095 : i32 to index
      %swap3A_2140 = arith.constant 96 : index
      %swap3A_2141 = tpu.vector_load %arg12[%swap3A_2139, %swap3A_2140] {strides = array<i32>} : memref<64x128xf32, #tpu.memory_space<vmem>>, vector<1x16xf32>,
      %swap3A_2142 = vector.shape_cast %swap3A_2141 : vector<1x16xf32> to vector<16xf32>
      %swap3A_2143 = vector.shape_cast %broadcast_in_dim3A_2138 : vector<16xf32> to vector<1x16xf32>
      tpu.vector_store %arg12[%swap3A_2139, %swap3A_2140], %swap3A_2143 {strides = array<i32>} : memref<64x128xf32, #tpu.memory_space<vmem>>, vector<1x16xf32>,
      %broadcast_in_dim3A_2144 = arith.constant 0.000000e+00 : f32
      %broadcast_in_dim3A_2145 = vector.broadcast %broadcast_in_dim3A_2144 : f32 to vector<16xf32>
      %swap3A_2146 = arith.index_cast %scan3A_2095 : i32 to index
      %swap3A_2147 = arith.constant 112 : index
      %swap3A_2148 = tpu.vector_load %arg12[%swap3A_2146, %swap3A_2147] {strides = array<i32>} : memref<64x128xf32, #tpu.memory_space<vmem>>, vector<1x16xf32>,
      %swap3A_2149 = vector.shape_cast %swap3A_2148 : vector<1x16xf32> to vector<16xf32>
      %swap3A_2150 = vector.shape_cast %broadcast_in_dim3A_2145 : vector<16xf32> to vector<1x16xf32>
      tpu.vector_store %arg12[%swap3A_2146, %swap3A_2147], %swap3A_2150 {strides = array<i32>} : memref<64x128xf32, #tpu.memory_space<vmem>>, vector<1x16xf32>,
    }
    %scan3A_5 = arith.constant 64 : i32
    %mul3A_6 = arith.constant 626 : i32
    %mul3A_7 = arith.muli %arg1, %mul3A_6 : i32
    %add3A_8 = arith.constant 0 : i32
    %add3A_9 = arith.addi %mul3A_7, %add3A_8 : i32
    "tpu.region"() ({
      %run_scoped3A = tpu.sem_alloc : memref<!tpu.dma_semaphore, #tpu.memory_space<semaphore_mem>>
      %dma_start3A_2095 = arith.constant 0 : i32
      %dma_start3A_2096 = tpu.memref_slice %arg17[%add3A_9, %dma_start3A_2095] : memref<10016x128xf32, #tpu.memory_space<vmem_shared>> -> memref<64x128xf32, #tpu.memory_space<vmem_shared>>
      %dma_start3A_2097 = arith.constant 0 : i32
      %dma_start3A_2098 = tpu.memref_slice %arg17[%add3A_9, %dma_start3A_2097] : memref<10016x128xf32, #tpu.memory_space<vmem_shared>> -> memref<64x128xf32, #tpu.memory_space<vmem_shared>>
      tpu.enqueue_dma source(%arg12 : memref<64x128xf32, #tpu.memory_space<vmem>>) target(%dma_start3A_2098 : memref<64x128xf32, #tpu.memory_space<vmem_shared>>) target_semaphore(%run_scoped3A : memref<!tpu.dma_semaphore, #tpu.memory_space<semaphore_mem>>)
      %dma_wait3A_2099 = arith.constant 0 : i32
      %dma_wait3A_2100 = tpu.memref_slice %arg17[%add3A_9, %dma_wait3A_2099] : memref<10016x128xf32, #tpu.memory_space<vmem_shared>> -> memref<64x128xf32, #tpu.memory_space<vmem_shared>>
      %dma_wait3A_2101 = arith.constant 0 : i32
      %dma_wait3A_2102 = tpu.memref_slice %arg17[%add3A_9, %dma_wait3A_2101] : memref<10016x128xf32, #tpu.memory_space<vmem_shared>> -> memref<64x128xf32, #tpu.memory_space<vmem_shared>>
      tpu.wait_dma2 semaphore(%run_scoped3A : memref<!tpu.dma_semaphore, #tpu.memory_space<semaphore_mem>>) src(%arg12 : memref<64x128xf32, #tpu.memory_space<vmem>>) dst(%dma_wait3A_2102 : memref<64x128xf32, #tpu.memory_space<vmem_shared>>)
      tpu.yield
    }) : () -> ()
    %mul3A_10 = arith.constant 626 : i32
    %mul3A_11 = arith.muli %arg1, %mul3A_10 : i32
    %add3A_12 = arith.constant 64 : i32
    %add3A_13 = arith.addi %mul3A_11, %add3A_12 : i32
    "tpu.region"() ({
      %run_scoped3A = tpu.sem_alloc : memref<!tpu.dma_semaphore, #tpu.memory_space<semaphore_mem>>
      %dma_start3A_2095 = arith.constant 0 : i32
      %dma_start3A_2096 = tpu.memref_slice %arg17[%add3A_13, %dma_start3A_2095] : memref<10016x128xf32, #tpu.memory_space<vmem_shared>> -> memref<64x128xf32, #tpu.memory_space<vmem_shared>>
      %dma_start3A_2097 = arith.constant 0 : i32
      %dma_start3A_2098 = tpu.memref_slice %arg17[%add3A_13, %dma_start3A_2097] : memref<10016x128xf32, #tpu.memory_space<vmem_shared>> -> memref<64x128xf32, #tpu.memory_space<vmem_shared>>
      tpu.enqueue_dma source(%arg12 : memref<64x128xf32, #tpu.memory_space<vmem>>) target(%dma_start3A_2098 : memref<64x128xf32, #tpu.memory_space<vmem_shared>>) target_semaphore(%run_scoped3A : memref<!tpu.dma_semaphore, #tpu.memory_space<semaphore_mem>>)
      %dma_wait3A_2099 = arith.constant 0 : i32
      %dma_wait3A_2100 = tpu.memref_slice %arg17[%add3A_13, %dma_wait3A_2099] : memref<10016x128xf32, #tpu.memory_space<vmem_shared>> -> memref<64x128xf32, #tpu.memory_space<vmem_shared>>
      %dma_wait3A_2101 = arith.constant 0 : i32
      %dma_wait3A_2102 = tpu.memref_slice %arg17[%add3A_13, %dma_wait3A_2101] : memref<10016x128xf32, #tpu.memory_space<vmem_shared>> -> memref<64x128xf32, #tpu.memory_space<vmem_shared>>
      tpu.wait_dma2 semaphore(%run_scoped3A : memref<!tpu.dma_semaphore, #tpu.memory_space<semaphore_mem>>) src(%arg12 : memref<64x128xf32, #tpu.memory_space<vmem>>) dst(%dma_wait3A_2102 : memref<64x128xf32, #tpu.memory_space<vmem_shared>>)
      tpu.yield
    }) : () -> ()
    %mul3A_14 = arith.constant 626 : i32
    %mul3A_15 = arith.muli %arg1, %mul3A_14 : i32
    %add3A_16 = arith.constant 128 : i32
    %add3A_17 = arith.addi %mul3A_15, %add3A_16 : i32
    "tpu.region"() ({
      %run_scoped3A = tpu.sem_alloc : memref<!tpu.dma_semaphore, #tpu.memory_space<semaphore_mem>>
      %dma_start3A_2095 = arith.constant 0 : i32
      %dma_start3A_2096 = tpu.memref_slice %arg17[%add3A_17, %dma_start3A_2095] : memref<10016x128xf32, #tpu.memory_space<vmem_shared>> -> memref<64x128xf32, #tpu.memory_space<vmem_shared>>
      %dma_start3A_2097 = arith.constant 0 : i32
      %dma_start3A_2098 = tpu.memref_slice %arg17[%add3A_17, %dma_start3A_2097] : memref<10016x128xf32, #tpu.memory_space<vmem_shared>> -> memref<64x128xf32, #tpu.memory_space<vmem_shared>>
      tpu.enqueue_dma source(%arg12 : memref<64x128xf32, #tpu.memory_space<vmem>>) target(%dma_start3A_2098 : memref<64x128xf32, #tpu.memory_space<vmem_shared>>) target_semaphore(%run_scoped3A : memref<!tpu.dma_semaphore, #tpu.memory_space<semaphore_mem>>)
      %dma_wait3A_2099 = arith.constant 0 : i32
      %dma_wait3A_2100 = tpu.memref_slice %arg17[%add3A_17, %dma_wait3A_2099] : memref<10016x128xf32, #tpu.memory_space<vmem_shared>> -> memref<64x128xf32, #tpu.memory_space<vmem_shared>>
      %dma_wait3A_2101 = arith.constant 0 : i32
      %dma_wait3A_2102 = tpu.memref_slice %arg17[%add3A_17, %dma_wait3A_2101] : memref<10016x128xf32, #tpu.memory_space<vmem_shared>> -> memref<64x128xf32, #tpu.memory_space<vmem_shared>>
      tpu.wait_dma2 semaphore(%run_scoped3A : memref<!tpu.dma_semaphore, #tpu.memory_space<semaphore_mem>>) src(%arg12 : memref<64x128xf32, #tpu.memory_space<vmem>>) dst(%dma_wait3A_2102 : memref<64x128xf32, #tpu.memory_space<vmem_shared>>)
      tpu.yield
    }) : () -> ()
    %mul3A_18 = arith.constant 626 : i32
    %mul3A_19 = arith.muli %arg1, %mul3A_18 : i32
    %add3A_20 = arith.constant 192 : i32
    %add3A_21 = arith.addi %mul3A_19, %add3A_20 : i32
    "tpu.region"() ({
      %run_scoped3A = tpu.sem_alloc : memref<!tpu.dma_semaphore, #tpu.memory_space<semaphore_mem>>
      %dma_start3A_2095 = arith.constant 0 : i32
      %dma_start3A_2096 = tpu.memref_slice %arg17[%add3A_21, %dma_start3A_2095] : memref<10016x128xf32, #tpu.memory_space<vmem_shared>> -> memref<64x128xf32, #tpu.memory_space<vmem_shared>>
      %dma_start3A_2097 = arith.constant 0 : i32
      %dma_start3A_2098 = tpu.memref_slice %arg17[%add3A_21, %dma_start3A_2097] : memref<10016x128xf32, #tpu.memory_space<vmem_shared>> -> memref<64x128xf32, #tpu.memory_space<vmem_shared>>
      tpu.enqueue_dma source(%arg12 : memref<64x128xf32, #tpu.memory_space<vmem>>) target(%dma_start3A_2098 : memref<64x128xf32, #tpu.memory_space<vmem_shared>>) target_semaphore(%run_scoped3A : memref<!tpu.dma_semaphore, #tpu.memory_space<semaphore_mem>>)
      %dma_wait3A_2099 = arith.constant 0 : i32
      %dma_wait3A_2100 = tpu.memref_slice %arg17[%add3A_21, %dma_wait3A_2099] : memref<10016x128xf32, #tpu.memory_space<vmem_shared>> -> memref<64x128xf32, #tpu.memory_space<vmem_shared>>
      %dma_wait3A_2101 = arith.constant 0 : i32
      %dma_wait3A_2102 = tpu.memref_slice %arg17[%add3A_21, %dma_wait3A_2101] : memref<10016x128xf32, #tpu.memory_space<vmem_shared>> -> memref<64x128xf32, #tpu.memory_space<vmem_shared>>
      tpu.wait_dma2 semaphore(%run_scoped3A : memref<!tpu.dma_semaphore, #tpu.memory_space<semaphore_mem>>) src(%arg12 : memref<64x128xf32, #tpu.memory_space<vmem>>) dst(%dma_wait3A_2102 : memref<64x128xf32, #tpu.memory_space<vmem_shared>>)
      tpu.yield
    }) : () -> ()
    %mul3A_22 = arith.constant 626 : i32
    %mul3A_23 = arith.muli %arg1, %mul3A_22 : i32
    %add3A_24 = arith.constant 256 : i32
    %add3A_25 = arith.addi %mul3A_23, %add3A_24 : i32
    "tpu.region"() ({
      %run_scoped3A = tpu.sem_alloc : memref<!tpu.dma_semaphore, #tpu.memory_space<semaphore_mem>>
      %dma_start3A_2095 = arith.constant 0 : i32
      %dma_start3A_2096 = tpu.memref_slice %arg17[%add3A_25, %dma_start3A_2095] : memref<10016x128xf32, #tpu.memory_space<vmem_shared>> -> memref<64x128xf32, #tpu.memory_space<vmem_shared>>
      %dma_start3A_2097 = arith.constant 0 : i32
      %dma_start3A_2098 = tpu.memref_slice %arg17[%add3A_25, %dma_start3A_2097] : memref<10016x128xf32, #tpu.memory_space<vmem_shared>> -> memref<64x128xf32, #tpu.memory_space<vmem_shared>>
      tpu.enqueue_dma source(%arg12 : memref<64x128xf32, #tpu.memory_space<vmem>>) target(%dma_start3A_2098 : memref<64x128xf32, #tpu.memory_space<vmem_shared>>) target_semaphore(%run_scoped3A : memref<!tpu.dma_semaphore, #tpu.memory_space<semaphore_mem>>)
      %dma_wait3A_2099 = arith.constant 0 : i32
      %dma_wait3A_2100 = tpu.memref_slice %arg17[%add3A_25, %dma_wait3A_2099] : memref<10016x128xf32, #tpu.memory_space<vmem_shared>> -> memref<64x128xf32, #tpu.memory_space<vmem_shared>>
      %dma_wait3A_2101 = arith.constant 0 : i32
      %dma_wait3A_2102 = tpu.memref_slice %arg17[%add3A_25, %dma_wait3A_2101] : memref<10016x128xf32, #tpu.memory_space<vmem_shared>> -> memref<64x128xf32, #tpu.memory_space<vmem_shared>>
      tpu.wait_dma2 semaphore(%run_scoped3A : memref<!tpu.dma_semaphore, #tpu.memory_space<semaphore_mem>>) src(%arg12 : memref<64x128xf32, #tpu.memory_space<vmem>>) dst(%dma_wait3A_2102 : memref<64x128xf32, #tpu.memory_space<vmem_shared>>)
      tpu.yield
    }) : () -> ()
    %mul3A_26 = arith.constant 626 : i32
    %mul3A_27 = arith.muli %arg1, %mul3A_26 : i32
    %add3A_28 = arith.constant 320 : i32
    %add3A_29 = arith.addi %mul3A_27, %add3A_28 : i32
    "tpu.region"() ({
      %run_scoped3A = tpu.sem_alloc : memref<!tpu.dma_semaphore, #tpu.memory_space<semaphore_mem>>
      %dma_start3A_2095 = arith.constant 0 : i32
      %dma_start3A_2096 = tpu.memref_slice %arg17[%add3A_29, %dma_start3A_2095] : memref<10016x128xf32, #tpu.memory_space<vmem_shared>> -> memref<64x128xf32, #tpu.memory_space<vmem_shared>>
      %dma_start3A_2097 = arith.constant 0 : i32
      %dma_start3A_2098 = tpu.memref_slice %arg17[%add3A_29, %dma_start3A_2097] : memref<10016x128xf32, #tpu.memory_space<vmem_shared>> -> memref<64x128xf32, #tpu.memory_space<vmem_shared>>
      tpu.enqueue_dma source(%arg12 : memref<64x128xf32, #tpu.memory_space<vmem>>) target(%dma_start3A_2098 : memref<64x128xf32, #tpu.memory_space<vmem_shared>>) target_semaphore(%run_scoped3A : memref<!tpu.dma_semaphore, #tpu.memory_space<semaphore_mem>>)
      %dma_wait3A_2099 = arith.constant 0 : i32
      %dma_wait3A_2100 = tpu.memref_slice %arg17[%add3A_29, %dma_wait3A_2099] : memref<10016x128xf32, #tpu.memory_space<vmem_shared>> -> memref<64x128xf32, #tpu.memory_space<vmem_shared>>
      %dma_wait3A_2101 = arith.constant 0 : i32
      %dma_wait3A_2102 = tpu.memref_slice %arg17[%add3A_29, %dma_wait3A_2101] : memref<10016x128xf32, #tpu.memory_space<vmem_shared>> -> memref<64x128xf32, #tpu.memory_space<vmem_shared>>
      tpu.wait_dma2 semaphore(%run_scoped3A : memref<!tpu.dma_semaphore, #tpu.memory_space<semaphore_mem>>) src(%arg12 : memref<64x128xf32, #tpu.memory_space<vmem>>) dst(%dma_wait3A_2102 : memref<64x128xf32, #tpu.memory_space<vmem_shared>>)
      tpu.yield
    }) : () -> ()
    %mul3A_30 = arith.constant 626 : i32
    %mul3A_31 = arith.muli %arg1, %mul3A_30 : i32
    %add3A_32 = arith.constant 384 : i32
    %add3A_33 = arith.addi %mul3A_31, %add3A_32 : i32
    "tpu.region"() ({
      %run_scoped3A = tpu.sem_alloc : memref<!tpu.dma_semaphore, #tpu.memory_space<semaphore_mem>>
      %dma_start3A_2095 = arith.constant 0 : i32
      %dma_start3A_2096 = tpu.memref_slice %arg17[%add3A_33, %dma_start3A_2095] : memref<10016x128xf32, #tpu.memory_space<vmem_shared>> -> memref<64x128xf32, #tpu.memory_space<vmem_shared>>
      %dma_start3A_2097 = arith.constant 0 : i32
      %dma_start3A_2098 = tpu.memref_slice %arg17[%add3A_33, %dma_start3A_2097] : memref<10016x128xf32, #tpu.memory_space<vmem_shared>> -> memref<64x128xf32, #tpu.memory_space<vmem_shared>>
      tpu.enqueue_dma source(%arg12 : memref<64x128xf32, #tpu.memory_space<vmem>>) target(%dma_start3A_2098 : memref<64x128xf32, #tpu.memory_space<vmem_shared>>) target_semaphore(%run_scoped3A : memref<!tpu.dma_semaphore, #tpu.memory_space<semaphore_mem>>)
      %dma_wait3A_2099 = arith.constant 0 : i32
      %dma_wait3A_2100 = tpu.memref_slice %arg17[%add3A_33, %dma_wait3A_2099] : memref<10016x128xf32, #tpu.memory_space<vmem_shared>> -> memref<64x128xf32, #tpu.memory_space<vmem_shared>>
      %dma_wait3A_2101 = arith.constant 0 : i32
      %dma_wait3A_2102 = tpu.memref_slice %arg17[%add3A_33, %dma_wait3A_2101] : memref<10016x128xf32, #tpu.memory_space<vmem_shared>> -> memref<64x128xf32, #tpu.memory_space<vmem_shared>>
      tpu.wait_dma2 semaphore(%run_scoped3A : memref<!tpu.dma_semaphore, #tpu.memory_space<semaphore_mem>>) src(%arg12 : memref<64x128xf32, #tpu.memory_space<vmem>>) dst(%dma_wait3A_2102 : memref<64x128xf32, #tpu.memory_space<vmem_shared>>)
      tpu.yield
    }) : () -> ()
    %mul3A_34 = arith.constant 626 : i32
    %mul3A_35 = arith.muli %arg1, %mul3A_34 : i32
    %add3A_36 = arith.constant 448 : i32
    %add3A_37 = arith.addi %mul3A_35, %add3A_36 : i32
    "tpu.region"() ({
      %run_scoped3A = tpu.sem_alloc : memref<!tpu.dma_semaphore, #tpu.memory_space<semaphore_mem>>
      %dma_start3A_2095 = arith.constant 0 : i32
      %dma_start3A_2096 = tpu.memref_slice %arg17[%add3A_37, %dma_start3A_2095] : memref<10016x128xf32, #tpu.memory_space<vmem_shared>> -> memref<64x128xf32, #tpu.memory_space<vmem_shared>>
      %dma_start3A_2097 = arith.constant 0 : i32
      %dma_start3A_2098 = tpu.memref_slice %arg17[%add3A_37, %dma_start3A_2097] : memref<10016x128xf32, #tpu.memory_space<vmem_shared>> -> memref<64x128xf32, #tpu.memory_space<vmem_shared>>
      tpu.enqueue_dma source(%arg12 : memref<64x128xf32, #tpu.memory_space<vmem>>) target(%dma_start3A_2098 : memref<64x128xf32, #tpu.memory_space<vmem_shared>>) target_semaphore(%run_scoped3A : memref<!tpu.dma_semaphore, #tpu.memory_space<semaphore_mem>>)
      %dma_wait3A_2099 = arith.constant 0 : i32
      %dma_wait3A_2100 = tpu.memref_slice %arg17[%add3A_37, %dma_wait3A_2099] : memref<10016x128xf32, #tpu.memory_space<vmem_shared>> -> memref<64x128xf32, #tpu.memory_space<vmem_shared>>
      %dma_wait3A_2101 = arith.constant 0 : i32
      %dma_wait3A_2102 = tpu.memref_slice %arg17[%add3A_37, %dma_wait3A_2101] : memref<10016x128xf32, #tpu.memory_space<vmem_shared>> -> memref<64x128xf32, #tpu.memory_space<vmem_shared>>
      tpu.wait_dma2 semaphore(%run_scoped3A : memref<!tpu.dma_semaphore, #tpu.memory_space<semaphore_mem>>) src(%arg12 : memref<64x128xf32, #tpu.memory_space<vmem>>) dst(%dma_wait3A_2102 : memref<64x128xf32, #tpu.memory_space<vmem_shared>>)
      tpu.yield
    }) : () -> ()
    %mul3A_38 = arith.constant 626 : i32
    %mul3A_39 = arith.muli %arg1, %mul3A_38 : i32
    %add3A_40 = arith.constant 512 : i32
    %add3A_41 = arith.addi %mul3A_39, %add3A_40 : i32
    "tpu.region"() ({
      %run_scoped3A = tpu.sem_alloc : memref<!tpu.dma_semaphore, #tpu.memory_space<semaphore_mem>>
      %dma_start3A_2095 = arith.constant 0 : i32
      %dma_start3A_2096 = tpu.memref_slice %arg17[%add3A_41, %dma_start3A_2095] : memref<10016x128xf32, #tpu.memory_space<vmem_shared>> -> memref<64x128xf32, #tpu.memory_space<vmem_shared>>
      %dma_start3A_2097 = arith.constant 0 : i32
      %dma_start3A_2098 = tpu.memref_slice %arg17[%add3A_41, %dma_start3A_2097] : memref<10016x128xf32, #tpu.memory_space<vmem_shared>> -> memref<64x128xf32, #tpu.memory_space<vmem_shared>>
      tpu.enqueue_dma source(%arg12 : memref<64x128xf32, #tpu.memory_space<vmem>>) target(%dma_start3A_2098 : memref<64x128xf32, #tpu.memory_space<vmem_shared>>) target_semaphore(%run_scoped3A : memref<!tpu.dma_semaphore, #tpu.memory_space<semaphore_mem>>)
      %dma_wait3A_2099 = arith.constant 0 : i32
      %dma_wait3A_2100 = tpu.memref_slice %arg17[%add3A_41, %dma_wait3A_2099] : memref<10016x128xf32, #tpu.memory_space<vmem_shared>> -> memref<64x128xf32, #tpu.memory_space<vmem_shared>>
      %dma_wait3A_2101 = arith.constant 0 : i32
      %dma_wait3A_2102 = tpu.memref_slice %arg17[%add3A_41, %dma_wait3A_2101] : memref<10016x128xf32, #tpu.memory_space<vmem_shared>> -> memref<64x128xf32, #tpu.memory_space<vmem_shared>>
      tpu.wait_dma2 semaphore(%run_scoped3A : memref<!tpu.dma_semaphore, #tpu.memory_space<semaphore_mem>>) src(%arg12 : memref<64x128xf32, #tpu.memory_space<vmem>>) dst(%dma_wait3A_2102 : memref<64x128xf32, #tpu.memory_space<vmem_shared>>)
      tpu.yield
    }) : () -> ()
    %mul3A_42 = arith.constant 626 : i32
    %mul3A_43 = arith.muli %arg1, %mul3A_42 : i32
    %add3A_44 = arith.constant 626 : i32
    %add3A_45 = arith.addi %mul3A_43, %add3A_44 : i32
    %sub3A = arith.constant 50 : i32
    %sub3A_46 = arith.subi %add3A_45, %sub3A : i32
    "tpu.region"() ({
      %run_scoped3A = tpu.sem_alloc : memref<!tpu.dma_semaphore, #tpu.memory_space<semaphore_mem>>
      %dma_start3A_2095 = arith.constant 0 : i32
      %dma_start3A_2096 = arith.constant 0 : i32
      %dma_start3A_2097 = tpu.memref_slice %arg12[%dma_start3A_2095, %dma_start3A_2096] : memref<64x128xf32, #tpu.memory_space<vmem>> -> memref<50x128xf32, #tpu.memory_space<vmem>>
      %dma_start3A_2098 = arith.constant 0 : i32
      %dma_start3A_2099 = tpu.memref_slice %arg17[%sub3A_46, %dma_start3A_2098] : memref<10016x128xf32, #tpu.memory_space<vmem_shared>> -> memref<50x128xf32, #tpu.memory_space<vmem_shared>>
      %dma_start3A_2100 = arith.constant 0 : i32
      %dma_start3A_2101 = tpu.memref_slice %arg17[%sub3A_46, %dma_start3A_2100] : memref<10016x128xf32, #tpu.memory_space<vmem_shared>> -> memref<50x128xf32, #tpu.memory_space<vmem_shared>>
      %dma_start3A_2102 = arith.constant 0 : i32
      %dma_start3A_2103 = arith.constant 0 : i32
      %dma_start3A_2104 = tpu.memref_slice %arg12[%dma_start3A_2102, %dma_start3A_2103] : memref<64x128xf32, #tpu.memory_space<vmem>> -> memref<50x128xf32, #tpu.memory_space<vmem>>
      tpu.enqueue_dma source(%dma_start3A_2104 : memref<50x128xf32, #tpu.memory_space<vmem>>) target(%dma_start3A_2101 : memref<50x128xf32, #tpu.memory_space<vmem_shared>>) target_semaphore(%run_scoped3A : memref<!tpu.dma_semaphore, #tpu.memory_space<semaphore_mem>>)
      %dma_wait3A_2105 = arith.constant 0 : i32
      %dma_wait3A_2106 = arith.constant 0 : i32
      %dma_wait3A_2107 = tpu.memref_slice %arg12[%dma_wait3A_2105, %dma_wait3A_2106] : memref<64x128xf32, #tpu.memory_space<vmem>> -> memref<50x128xf32, #tpu.memory_space<vmem>>
      %dma_wait3A_2108 = arith.constant 0 : i32
      %dma_wait3A_2109 = tpu.memref_slice %arg17[%sub3A_46, %dma_wait3A_2108] : memref<10016x128xf32, #tpu.memory_space<vmem_shared>> -> memref<50x128xf32, #tpu.memory_space<vmem_shared>>
      %dma_wait3A_2110 = arith.constant 0 : i32
      %dma_wait3A_2111 = tpu.memref_slice %arg17[%sub3A_46, %dma_wait3A_2110] : memref<10016x128xf32, #tpu.memory_space<vmem_shared>> -> memref<50x128xf32, #tpu.memory_space<vmem_shared>>
      %dma_wait3A_2112 = arith.constant 0 : i32
      %dma_wait3A_2113 = arith.constant 0 : i32
      %dma_wait3A_2114 = tpu.memref_slice %arg12[%dma_wait3A_2112, %dma_wait3A_2113] : memref<64x128xf32, #tpu.memory_space<vmem>> -> memref<50x128xf32, #tpu.memory_space<vmem>>
      tpu.wait_dma2 semaphore(%run_scoped3A : memref<!tpu.dma_semaphore, #tpu.memory_space<semaphore_mem>>) src(%dma_wait3A_2114 : memref<50x128xf32, #tpu.memory_space<vmem>>) dst(%dma_wait3A_2111 : memref<50x128xf32, #tpu.memory_space<vmem_shared>>)
      tpu.yield
    }) : () -> ()
    %barrier3A = arith.constant 0 : index
    tpu.barrier barrier_id(%barrier3A)
    %dma_start3A = arith.constant 0 : i32
    %dma_start3A_47 = arith.constant 0 : i32
    %dma_start3A_48 = arith.constant 0 : i32
    %dma_start3A_49 = tpu.memref_slice %arg5[%dma_start3A_47, %dma_start3A_48] : memref<5x64xi32, #tpu.memory_space<vmem>> -> memref<1x64xi32, #tpu.memory_space<vmem>>
    %dma_start3A_50 = tpu.memref_squeeze %dma_start3A_49 : memref<1x64xi32, #tpu.memory_space<vmem>> -> memref<64xi32, #tpu.memory_space<vmem>>
    %dma_start3A_51 = arith.constant 0 : i32
    %dma_start3A_52 = tpu.memref_slice %arg2[%add3A, %dma_start3A, %dma_start3A_51] : memref<32x160x64xi32, #tpu.memory_space<hbm>> -> memref<1x1x64xi32, #tpu.memory_space<hbm>>
    %dma_start3A_53 = tpu.memref_squeeze %dma_start3A_52 : memref<1x1x64xi32, #tpu.memory_space<hbm>> -> memref<64xi32, #tpu.memory_space<hbm>>
    %dma_start3A_54 = arith.constant 0 : i32
    %dma_start3A_55 = tpu.memref_slice %arg5[%dma_start3A_47, %dma_start3A_54] : memref<5x64xi32, #tpu.memory_space<vmem>> -> memref<1x64xi32, #tpu.memory_space<vmem>>
    %dma_start3A_56 = tpu.memref_squeeze %dma_start3A_55 : memref<1x64xi32, #tpu.memory_space<vmem>> -> memref<64xi32, #tpu.memory_space<vmem>>
    %dma_start3A_57 = arith.constant 0 : i32
    %dma_start3A_58 = tpu.memref_slice %arg2[%add3A, %dma_start3A, %dma_start3A_57] : memref<32x160x64xi32, #tpu.memory_space<hbm>> -> memref<1x1x64xi32, #tpu.memory_space<hbm>>
    %dma_start3A_59 = tpu.memref_squeeze %dma_start3A_58 : memref<1x1x64xi32, #tpu.memory_space<hbm>> -> memref<64xi32, #tpu.memory_space<hbm>>
    tpu.enqueue_dma source(%dma_start3A_59 : memref<64xi32, #tpu.memory_space<hbm>>) target(%dma_start3A_56 : memref<64xi32, #tpu.memory_space<vmem>>) target_semaphore(%arg23 : memref<!tpu.dma_semaphore, #tpu.memory_space<semaphore_mem>>)
    %dma_start3A_60 = arith.constant 1 : i32
    %dma_start3A_61 = arith.constant 1 : i32
    %dma_start3A_62 = arith.constant 0 : i32
    %dma_start3A_63 = tpu.memref_slice %arg5[%dma_start3A_61, %dma_start3A_62] : memref<5x64xi32, #tpu.memory_space<vmem>> -> memref<1x64xi32, #tpu.memory_space<vmem>>
    %dma_start3A_64 = tpu.memref_squeeze %dma_start3A_63 : memref<1x64xi32, #tpu.memory_space<vmem>> -> memref<64xi32, #tpu.memory_space<vmem>>
    %dma_start3A_65 = arith.constant 0 : i32
    %dma_start3A_66 = tpu.memref_slice %arg2[%add3A, %dma_start3A_60, %dma_start3A_65] : memref<32x160x64xi32, #tpu.memory_space<hbm>> -> memref<1x1x64xi32, #tpu.memory_space<hbm>>
    %dma_start3A_67 = tpu.memref_squeeze %dma_start3A_66 : memref<1x1x64xi32, #tpu.memory_space<hbm>> -> memref<64xi32, #tpu.memory_space<hbm>>
    %dma_start3A_68 = arith.constant 0 : i32
    %dma_start3A_69 = tpu.memref_slice %arg5[%dma_start3A_61, %dma_start3A_68] : memref<5x64xi32, #tpu.memory_space<vmem>> -> memref<1x64xi32, #tpu.memory_space<vmem>>
    %dma_start3A_70 = tpu.memref_squeeze %dma_start3A_69 : memref<1x64xi32, #tpu.memory_space<vmem>> -> memref<64xi32, #tpu.memory_space<vmem>>
    %dma_start3A_71 = arith.constant 0 : i32
    %dma_start3A_72 = tpu.memref_slice %arg2[%add3A, %dma_start3A_60, %dma_start3A_71] : memref<32x160x64xi32, #tpu.memory_space<hbm>> -> memref<1x1x64xi32, #tpu.memory_space<hbm>>
    %dma_start3A_73 = tpu.memref_squeeze %dma_start3A_72 : memref<1x1x64xi32, #tpu.memory_space<hbm>> -> memref<64xi32, #tpu.memory_space<hbm>>
    tpu.enqueue_dma source(%dma_start3A_73 : memref<64xi32, #tpu.memory_space<hbm>>) target(%dma_start3A_70 : memref<64xi32, #tpu.memory_space<vmem>>) target_semaphore(%arg24 : memref<!tpu.dma_semaphore, #tpu.memory_space<semaphore_mem>>)
    %dma_start3A_74 = arith.constant 2 : i32
    %dma_start3A_75 = arith.constant 2 : i32
    %dma_start3A_76 = arith.constant 0 : i32
    %dma_start3A_77 = tpu.memref_slice %arg5[%dma_start3A_75, %dma_start3A_76] : memref<5x64xi32, #tpu.memory_space<vmem>> -> memref<1x64xi32, #tpu.memory_space<vmem>>
    %dma_start3A_78 = tpu.memref_squeeze %dma_start3A_77 : memref<1x64xi32, #tpu.memory_space<vmem>> -> memref<64xi32, #tpu.memory_space<vmem>>
    %dma_start3A_79 = arith.constant 0 : i32
    %dma_start3A_80 = tpu.memref_slice %arg2[%add3A, %dma_start3A_74, %dma_start3A_79] : memref<32x160x64xi32, #tpu.memory_space<hbm>> -> memref<1x1x64xi32, #tpu.memory_space<hbm>>
    %dma_start3A_81 = tpu.memref_squeeze %dma_start3A_80 : memref<1x1x64xi32, #tpu.memory_space<hbm>> -> memref<64xi32, #tpu.memory_space<hbm>>
    %dma_start3A_82 = arith.constant 0 : i32
    %dma_start3A_83 = tpu.memref_slice %arg5[%dma_start3A_75, %dma_start3A_82] : memref<5x64xi32, #tpu.memory_space<vmem>> -> memref<1x64xi32, #tpu.memory_space<vmem>>
    %dma_start3A_84 = tpu.memref_squeeze %dma_start3A_83 : memref<1x64xi32, #tpu.memory_space<vmem>> -> memref<64xi32, #tpu.memory_space<vmem>>
    %dma_start3A_85 = arith.constant 0 : i32
    %dma_start3A_86 = tpu.memref_slice %arg2[%add3A, %dma_start3A_74, %dma_start3A_85] : memref<32x160x64xi32, #tpu.memory_space<hbm>> -> memref<1x1x64xi32, #tpu.memory_space<hbm>>
    %dma_start3A_87 = tpu.memref_squeeze %dma_start3A_86 : memref<1x1x64xi32, #tpu.memory_space<hbm>> -> memref<64xi32, #tpu.memory_space<hbm>>
    tpu.enqueue_dma source(%dma_start3A_87 : memref<64xi32, #tpu.memory_space<hbm>>) target(%dma_start3A_84 : memref<64xi32, #tpu.memory_space<vmem>>) target_semaphore(%arg25 : memref<!tpu.dma_semaphore, #tpu.memory_space<semaphore_mem>>)
    %dma_start3A_88 = arith.constant 3 : i32
    %dma_start3A_89 = arith.constant 3 : i32
    %dma_start3A_90 = arith.constant 0 : i32
    %dma_start3A_91 = tpu.memref_slice %arg5[%dma_start3A_89, %dma_start3A_90] : memref<5x64xi32, #tpu.memory_space<vmem>> -> memref<1x64xi32, #tpu.memory_space<vmem>>
    %dma_start3A_92 = tpu.memref_squeeze %dma_start3A_91 : memref<1x64xi32, #tpu.memory_space<vmem>> -> memref<64xi32, #tpu.memory_space<vmem>>
    %dma_start3A_93 = arith.constant 0 : i32
    %dma_start3A_94 = tpu.memref_slice %arg2[%add3A, %dma_start3A_88, %dma_start3A_93] : memref<32x160x64xi32, #tpu.memory_space<hbm>> -> memref<1x1x64xi32, #tpu.memory_space<hbm>>
    %dma_start3A_95 = tpu.memref_squeeze %dma_start3A_94 : memref<1x1x64xi32, #tpu.memory_space<hbm>> -> memref<64xi32, #tpu.memory_space<hbm>>
    %dma_start3A_96 = arith.constant 0 : i32
    %dma_start3A_97 = tpu.memref_slice %arg5[%dma_start3A_89, %dma_start3A_96] : memref<5x64xi32, #tpu.memory_space<vmem>> -> memref<1x64xi32, #tpu.memory_space<vmem>>
    %dma_start3A_98 = tpu.memref_squeeze %dma_start3A_97 : memref<1x64xi32, #tpu.memory_space<vmem>> -> memref<64xi32, #tpu.memory_space<vmem>>
    %dma_start3A_99 = arith.constant 0 : i32
    %dma_start3A_100 = tpu.memref_slice %arg2[%add3A, %dma_start3A_88, %dma_start3A_99] : memref<32x160x64xi32, #tpu.memory_space<hbm>> -> memref<1x1x64xi32, #tpu.memory_space<hbm>>
    %dma_start3A_101 = tpu.memref_squeeze %dma_start3A_100 : memref<1x1x64xi32, #tpu.memory_space<hbm>> -> memref<64xi32, #tpu.memory_space<hbm>>
    tpu.enqueue_dma source(%dma_start3A_101 : memref<64xi32, #tpu.memory_space<hbm>>) target(%dma_start3A_98 : memref<64xi32, #tpu.memory_space<vmem>>) target_semaphore(%arg26 : memref<!tpu.dma_semaphore, #tpu.memory_space<semaphore_mem>>)
    %dma_start3A_102 = arith.constant 4 : i32
    %dma_start3A_103 = arith.constant 4 : i32
    %dma_start3A_104 = arith.constant 0 : i32
    %dma_start3A_105 = tpu.memref_slice %arg5[%dma_start3A_103, %dma_start3A_104] : memref<5x64xi32, #tpu.memory_space<vmem>> -> memref<1x64xi32, #tpu.memory_space<vmem>>
    %dma_start3A_106 = tpu.memref_squeeze %dma_start3A_105 : memref<1x64xi32, #tpu.memory_space<vmem>> -> memref<64xi32, #tpu.memory_space<vmem>>
    %dma_start3A_107 = arith.constant 0 : i32
    %dma_start3A_108 = tpu.memref_slice %arg2[%add3A, %dma_start3A_102, %dma_start3A_107] : memref<32x160x64xi32, #tpu.memory_space<hbm>> -> memref<1x1x64xi32, #tpu.memory_space<hbm>>
    %dma_start3A_109 = tpu.memref_squeeze %dma_start3A_108 : memref<1x1x64xi32, #tpu.memory_space<hbm>> -> memref<64xi32, #tpu.memory_space<hbm>>
    %dma_start3A_110 = arith.constant 0 : i32
    %dma_start3A_111 = tpu.memref_slice %arg5[%dma_start3A_103, %dma_start3A_110] : memref<5x64xi32, #tpu.memory_space<vmem>> -> memref<1x64xi32, #tpu.memory_space<vmem>>
    %dma_start3A_112 = tpu.memref_squeeze %dma_start3A_111 : memref<1x64xi32, #tpu.memory_space<vmem>> -> memref<64xi32, #tpu.memory_space<vmem>>
    %dma_start3A_113 = arith.constant 0 : i32
    %dma_start3A_114 = tpu.memref_slice %arg2[%add3A, %dma_start3A_102, %dma_start3A_113] : memref<32x160x64xi32, #tpu.memory_space<hbm>> -> memref<1x1x64xi32, #tpu.memory_space<hbm>>
    %dma_start3A_115 = tpu.memref_squeeze %dma_start3A_114 : memref<1x1x64xi32, #tpu.memory_space<hbm>> -> memref<64xi32, #tpu.memory_space<hbm>>
    tpu.enqueue_dma source(%dma_start3A_115 : memref<64xi32, #tpu.memory_space<hbm>>) target(%dma_start3A_112 : memref<64xi32, #tpu.memory_space<vmem>>) target_semaphore(%arg27 : memref<!tpu.dma_semaphore, #tpu.memory_space<semaphore_mem>>)
    %dma_wait3A = arith.constant 0 : i32
    %dma_wait3A_116 = arith.constant 0 : i32
    %dma_wait3A_117 = arith.constant 0 : i32
    %dma_wait3A_118 = tpu.memref_slice %arg5[%dma_wait3A_116, %dma_wait3A_117] : memref<5x64xi32, #tpu.memory_space<vmem>> -> memref<1x64xi32, #tpu.memory_space<vmem>>
    %dma_wait3A_119 = tpu.memref_squeeze %dma_wait3A_118 : memref<1x64xi32, #tpu.memory_space<vmem>> -> memref<64xi32, #tpu.memory_space<vmem>>
    %dma_wait3A_120 = arith.constant 0 : i32
    %dma_wait3A_121 = tpu.memref_slice %arg2[%add3A, %dma_wait3A, %dma_wait3A_120] : memref<32x160x64xi32, #tpu.memory_space<hbm>> -> memref<1x1x64xi32, #tpu.memory_space<hbm>>
    %dma_wait3A_122 = tpu.memref_squeeze %dma_wait3A_121 : memref<1x1x64xi32, #tpu.memory_space<hbm>> -> memref<64xi32, #tpu.memory_space<hbm>>
    %dma_wait3A_123 = arith.constant 0 : i32
    %dma_wait3A_124 = tpu.memref_slice %arg5[%dma_wait3A_116, %dma_wait3A_123] : memref<5x64xi32, #tpu.memory_space<vmem>> -> memref<1x64xi32, #tpu.memory_space<vmem>>
    %dma_wait3A_125 = tpu.memref_squeeze %dma_wait3A_124 : memref<1x64xi32, #tpu.memory_space<vmem>> -> memref<64xi32, #tpu.memory_space<vmem>>
    %dma_wait3A_126 = arith.constant 0 : i32
    %dma_wait3A_127 = tpu.memref_slice %arg2[%add3A, %dma_wait3A, %dma_wait3A_126] : memref<32x160x64xi32, #tpu.memory_space<hbm>> -> memref<1x1x64xi32, #tpu.memory_space<hbm>>
    %dma_wait3A_128 = tpu.memref_squeeze %dma_wait3A_127 : memref<1x1x64xi32, #tpu.memory_space<hbm>> -> memref<64xi32, #tpu.memory_space<hbm>>
    tpu.wait_dma2 semaphore(%arg23 : memref<!tpu.dma_semaphore, #tpu.memory_space<semaphore_mem>>) src(%dma_wait3A_128 : memref<64xi32, #tpu.memory_space<hbm>>) dst(%dma_wait3A_125 : memref<64xi32, #tpu.memory_space<vmem>>)
    %get3A = arith.constant 0 : i32
    %get3A_129 = arith.constant 0 : i32
    %get3A_130 = tpu.memref_slice %arg5[%get3A, %get3A_129] : memref<5x64xi32, #tpu.memory_space<vmem>> -> memref<1x64xi32, #tpu.memory_space<vmem>>
    %get3A_131 = tpu.memref_squeeze %get3A_130 : memref<1x64xi32, #tpu.memory_space<vmem>> -> memref<64xi32, #tpu.memory_space<vmem>>
    %get3A_132 = arith.constant 0 : index
    %get3A_133 = tpu.vector_load %get3A_131[%get3A_132] {strides = array<i32>} : memref<64xi32, #tpu.memory_space<vmem>>, vector<16xi32>,
    %get3A_134 = vector.shape_cast %get3A_133 : vector<16xi32> to vector<16xi32>
    %and3A = arith.constant 65535 : i32
    %and3A_135 = vector.broadcast %and3A : i32 to vector<16xi32>
    %and3A_136 = arith.andi %get3A_134, %and3A_135 : vector<16xi32>
    %swap3A = arith.constant 0 : i32
    %swap3A_137 = tpu.memref_slice %arg6[%swap3A] : memref<320xi32, #tpu.memory_space<vmem>> -> memref<64xi32, #tpu.memory_space<vmem>>
    %swap3A_138 = arith.constant 0 : index
    %swap3A_139 = tpu.vector_load %swap3A_137[%swap3A_138] {strides = array<i32>} : memref<64xi32, #tpu.memory_space<vmem>>, vector<16xi32>,
    %swap3A_140 = vector.shape_cast %swap3A_139 : vector<16xi32> to vector<16xi32>
    %swap3A_141 = vector.shape_cast %and3A_136 : vector<16xi32> to vector<16xi32>
    tpu.vector_store %swap3A_137[%swap3A_138], %swap3A_141 {strides = array<i32>} : memref<64xi32, #tpu.memory_space<vmem>>, vector<16xi32>,
    %shift_right_logical3A = arith.constant 16 : i32
    %shift_right_logical3A_142 = vector.broadcast %shift_right_logical3A : i32 to vector<16xi32>
    %shift_right_logical3A_143 = arith.shrui %get3A_134, %shift_right_logical3A_142 : vector<16xi32>
    %swap3A_144 = arith.constant 0 : index
    %swap3A_145 = tpu.vector_load %arg7[%swap3A_144] {strides = array<i32>} : memref<64xi32, #tpu.memory_space<vmem>>, vector<16xi32>,
    %swap3A_146 = vector.shape_cast %swap3A_145 : vector<16xi32> to vector<16xi32>
    %swap3A_147 = vector.shape_cast %shift_right_logical3A_143 : vector<16xi32> to vector<16xi32>
    tpu.vector_store %arg7[%swap3A_144], %swap3A_147 {strides = array<i32>} : memref<64xi32, #tpu.memory_space<vmem>>, vector<16xi32>,
    %get3A_148 = arith.constant 0 : i32
    %get3A_149 = arith.constant 0 : i32
    %get3A_150 = tpu.memref_slice %arg5[%get3A_148, %get3A_149] : memref<5x64xi32, #tpu.memory_space<vmem>> -> memref<1x64xi32, #tpu.memory_space<vmem>>
    %get3A_151 = tpu.memref_squeeze %get3A_150 : memref<1x64xi32, #tpu.memory_space<vmem>> -> memref<64xi32, #tpu.memory_space<vmem>>
    %get3A_152 = arith.constant 16 : index
    %get3A_153 = tpu.vector_load %get3A_151[%get3A_152] {strides = array<i32>} : memref<64xi32, #tpu.memory_space<vmem>>, vector<16xi32>,
    %get3A_154 = vector.shape_cast %get3A_153 : vector<16xi32> to vector<16xi32>
    %and3A_155 = arith.constant 65535 : i32
    %and3A_156 = vector.broadcast %and3A_155 : i32 to vector<16xi32>
    %and3A_157 = arith.andi %get3A_154, %and3A_156 : vector<16xi32>
    %swap3A_158 = arith.constant 0 : i32
    %swap3A_159 = tpu.memref_slice %arg6[%swap3A_158] : memref<320xi32, #tpu.memory_space<vmem>> -> memref<64xi32, #tpu.memory_space<vmem>>
    %swap3A_160 = arith.constant 16 : index
    %swap3A_161 = tpu.vector_load %swap3A_159[%swap3A_160] {strides = array<i32>} : memref<64xi32, #tpu.memory_space<vmem>>, vector<16xi32>,
    %swap3A_162 = vector.shape_cast %swap3A_161 : vector<16xi32> to vector<16xi32>
    %swap3A_163 = vector.shape_cast %and3A_157 : vector<16xi32> to vector<16xi32>
    tpu.vector_store %swap3A_159[%swap3A_160], %swap3A_163 {strides = array<i32>} : memref<64xi32, #tpu.memory_space<vmem>>, vector<16xi32>,
    %shift_right_logical3A_164 = arith.constant 16 : i32
    %shift_right_logical3A_165 = vector.broadcast %shift_right_logical3A_164 : i32 to vector<16xi32>
    %shift_right_logical3A_166 = arith.shrui %get3A_154, %shift_right_logical3A_165 : vector<16xi32>
    %swap3A_167 = arith.constant 16 : index
    %swap3A_168 = tpu.vector_load %arg7[%swap3A_167] {strides = array<i32>} : memref<64xi32, #tpu.memory_space<vmem>>, vector<16xi32>,
    %swap3A_169 = vector.shape_cast %swap3A_168 : vector<16xi32> to vector<16xi32>
    %swap3A_170 = vector.shape_cast %shift_right_logical3A_166 : vector<16xi32> to vector<16xi32>
    tpu.vector_store %arg7[%swap3A_167], %swap3A_170 {strides = array<i32>} : memref<64xi32, #tpu.memory_space<vmem>>, vector<16xi32>,
    %get3A_171 = arith.constant 0 : i32
    %get3A_172 = arith.constant 0 : i32
    %get3A_173 = tpu.memref_slice %arg5[%get3A_171, %get3A_172] : memref<5x64xi32, #tpu.memory_space<vmem>> -> memref<1x64xi32, #tpu.memory_space<vmem>>
    %get3A_174 = tpu.memref_squeeze %get3A_173 : memref<1x64xi32, #tpu.memory_space<vmem>> -> memref<64xi32, #tpu.memory_space<vmem>>
    %get3A_175 = arith.constant 32 : index
    %get3A_176 = tpu.vector_load %get3A_174[%get3A_175] {strides = array<i32>} : memref<64xi32, #tpu.memory_space<vmem>>, vector<16xi32>,
    %get3A_177 = vector.shape_cast %get3A_176 : vector<16xi32> to vector<16xi32>
    %and3A_178 = arith.constant 65535 : i32
    %and3A_179 = vector.broadcast %and3A_178 : i32 to vector<16xi32>
    %and3A_180 = arith.andi %get3A_177, %and3A_179 : vector<16xi32>
    %swap3A_181 = arith.constant 0 : i32
    %swap3A_182 = tpu.memref_slice %arg6[%swap3A_181] : memref<320xi32, #tpu.memory_space<vmem>> -> memref<64xi32, #tpu.memory_space<vmem>>
    %swap3A_183 = arith.constant 32 : index
    %swap3A_184 = tpu.vector_load %swap3A_182[%swap3A_183] {strides = array<i32>} : memref<64xi32, #tpu.memory_space<vmem>>, vector<16xi32>,
    %swap3A_185 = vector.shape_cast %swap3A_184 : vector<16xi32> to vector<16xi32>
    %swap3A_186 = vector.shape_cast %and3A_180 : vector<16xi32> to vector<16xi32>
    tpu.vector_store %swap3A_182[%swap3A_183], %swap3A_186 {strides = array<i32>} : memref<64xi32, #tpu.memory_space<vmem>>, vector<16xi32>,
    %shift_right_logical3A_187 = arith.constant 16 : i32
    %shift_right_logical3A_188 = vector.broadcast %shift_right_logical3A_187 : i32 to vector<16xi32>
    %shift_right_logical3A_189 = arith.shrui %get3A_177, %shift_right_logical3A_188 : vector<16xi32>
    %swap3A_190 = arith.constant 32 : index
    %swap3A_191 = tpu.vector_load %arg7[%swap3A_190] {strides = array<i32>} : memref<64xi32, #tpu.memory_space<vmem>>, vector<16xi32>,
    %swap3A_192 = vector.shape_cast %swap3A_191 : vector<16xi32> to vector<16xi32>
    %swap3A_193 = vector.shape_cast %shift_right_logical3A_189 : vector<16xi32> to vector<16xi32>
    tpu.vector_store %arg7[%swap3A_190], %swap3A_193 {strides = array<i32>} : memref<64xi32, #tpu.memory_space<vmem>>, vector<16xi32>,
    %get3A_194 = arith.constant 0 : i32
    %get3A_195 = arith.constant 0 : i32
    %get3A_196 = tpu.memref_slice %arg5[%get3A_194, %get3A_195] : memref<5x64xi32, #tpu.memory_space<vmem>> -> memref<1x64xi32, #tpu.memory_space<vmem>>
    %get3A_197 = tpu.memref_squeeze %get3A_196 : memref<1x64xi32, #tpu.memory_space<vmem>> -> memref<64xi32, #tpu.memory_space<vmem>>
    %get3A_198 = arith.constant 48 : index
    %get3A_199 = tpu.vector_load %get3A_197[%get3A_198] {strides = array<i32>} : memref<64xi32, #tpu.memory_space<vmem>>, vector<16xi32>,
    %get3A_200 = vector.shape_cast %get3A_199 : vector<16xi32> to vector<16xi32>
    %and3A_201 = arith.constant 65535 : i32
    %and3A_202 = vector.broadcast %and3A_201 : i32 to vector<16xi32>
    %and3A_203 = arith.andi %get3A_200, %and3A_202 : vector<16xi32>
    %swap3A_204 = arith.constant 0 : i32
    %swap3A_205 = tpu.memref_slice %arg6[%swap3A_204] : memref<320xi32, #tpu.memory_space<vmem>> -> memref<64xi32, #tpu.memory_space<vmem>>
    %swap3A_206 = arith.constant 48 : index
    %swap3A_207 = tpu.vector_load %swap3A_205[%swap3A_206] {strides = array<i32>} : memref<64xi32, #tpu.memory_space<vmem>>, vector<16xi32>,
    %swap3A_208 = vector.shape_cast %swap3A_207 : vector<16xi32> to vector<16xi32>
    %swap3A_209 = vector.shape_cast %and3A_203 : vector<16xi32> to vector<16xi32>
    tpu.vector_store %swap3A_205[%swap3A_206], %swap3A_209 {strides = array<i32>} : memref<64xi32, #tpu.memory_space<vmem>>, vector<16xi32>,
    %shift_right_logical3A_210 = arith.constant 16 : i32
    %shift_right_logical3A_211 = vector.broadcast %shift_right_logical3A_210 : i32 to vector<16xi32>
    %shift_right_logical3A_212 = arith.shrui %get3A_200, %shift_right_logical3A_211 : vector<16xi32>
    %swap3A_213 = arith.constant 48 : index
    %swap3A_214 = tpu.vector_load %arg7[%swap3A_213] {strides = array<i32>} : memref<64xi32, #tpu.memory_space<vmem>>, vector<16xi32>,
    %swap3A_215 = vector.shape_cast %swap3A_214 : vector<16xi32> to vector<16xi32>
    %swap3A_216 = vector.shape_cast %shift_right_logical3A_212 : vector<16xi32> to vector<16xi32>
    tpu.vector_store %arg7[%swap3A_213], %swap3A_216 {strides = array<i32>} : memref<64xi32, #tpu.memory_space<vmem>>, vector<16xi32>,
    %dma_start3A_217 = arith.constant 0 : i32
    %dma_start3A_218 = tpu.memref_slice %arg6[%dma_start3A_217] : memref<320xi32, #tpu.memory_space<vmem>> -> memref<64xi32, #tpu.memory_space<vmem>>
    %dma_start3A_219 = arith.constant 0 : i32
    %dma_start3A_220 = arith.constant 0 : i32
    %dma_start3A_221 = tpu.memref_slice %arg3[%dma_start3A_219, %dma_start3A_220] : memref<10000x128xf32, #tpu.memory_space<hbm>> -> memref<10000x128xf32, #tpu.memory_space<hbm>>
    tpu.enqueue_indirect_dma source(%dma_start3A_221 : memref<10000x128xf32, #tpu.memory_space<hbm>>) target(%arg12 : memref<64x128xf32, #tpu.memory_space<vmem>>) offsets(%dma_start3A_218 : memref<64xi32, #tpu.memory_space<vmem>>) semaphore(%arg18 : memref<!tpu.dma_semaphore, #tpu.memory_space<semaphore_mem>>)
    %dma_start3A_222 = arith.constant 5 : i32
    %dma_start3A_223 = arith.constant 0 : i32
    %dma_start3A_224 = arith.constant 0 : i32
    %dma_start3A_225 = tpu.memref_slice %arg5[%dma_start3A_223, %dma_start3A_224] : memref<5x64xi32, #tpu.memory_space<vmem>> -> memref<1x64xi32, #tpu.memory_space<vmem>>
    %dma_start3A_226 = tpu.memref_squeeze %dma_start3A_225 : memref<1x64xi32, #tpu.memory_space<vmem>> -> memref<64xi32, #tpu.memory_space<vmem>>
    %dma_start3A_227 = arith.constant 0 : i32
    %dma_start3A_228 = tpu.memref_slice %arg2[%add3A, %dma_start3A_222, %dma_start3A_227] : memref<32x160x64xi32, #tpu.memory_space<hbm>> -> memref<1x1x64xi32, #tpu.memory_space<hbm>>
    %dma_start3A_229 = tpu.memref_squeeze %dma_start3A_228 : memref<1x1x64xi32, #tpu.memory_space<hbm>> -> memref<64xi32, #tpu.memory_space<hbm>>
    %dma_start3A_230 = arith.constant 0 : i32
    %dma_start3A_231 = tpu.memref_slice %arg5[%dma_start3A_223, %dma_start3A_230] : memref<5x64xi32, #tpu.memory_space<vmem>> -> memref<1x64xi32, #tpu.memory_space<vmem>>
    %dma_start3A_232 = tpu.memref_squeeze %dma_start3A_231 : memref<1x64xi32, #tpu.memory_space<vmem>> -> memref<64xi32, #tpu.memory_space<vmem>>
    %dma_start3A_233 = arith.constant 0 : i32
    %dma_start3A_234 = tpu.memref_slice %arg2[%add3A, %dma_start3A_222, %dma_start3A_233] : memref<32x160x64xi32, #tpu.memory_space<hbm>> -> memref<1x1x64xi32, #tpu.memory_space<hbm>>
    %dma_start3A_235 = tpu.memref_squeeze %dma_start3A_234 : memref<1x1x64xi32, #tpu.memory_space<hbm>> -> memref<64xi32, #tpu.memory_space<hbm>>
    tpu.enqueue_dma source(%dma_start3A_235 : memref<64xi32, #tpu.memory_space<hbm>>) target(%dma_start3A_232 : memref<64xi32, #tpu.memory_space<vmem>>) target_semaphore(%arg23 : memref<!tpu.dma_semaphore, #tpu.memory_space<semaphore_mem>>)
    %dma_wait3A_236 = arith.constant 1 : i32
    %dma_wait3A_237 = arith.constant 1 : i32
    %dma_wait3A_238 = arith.constant 0 : i32
    %dma_wait3A_239 = tpu.memref_slice %arg5[%dma_wait3A_237, %dma_wait3A_238] : memref<5x64xi32, #tpu.memory_space<vmem>> -> memref<1x64xi32, #tpu.memory_space<vmem>>
    %dma_wait3A_240 = tpu.memref_squeeze %dma_wait3A_239 : memref<1x64xi32, #tpu.memory_space<vmem>> -> memref<64xi32, #tpu.memory_space<vmem>>
    %dma_wait3A_241 = arith.constant 0 : i32
    %dma_wait3A_242 = tpu.memref_slice %arg2[%add3A, %dma_wait3A_236, %dma_wait3A_241] : memref<32x160x64xi32, #tpu.memory_space<hbm>> -> memref<1x1x64xi32, #tpu.memory_space<hbm>>
    %dma_wait3A_243 = tpu.memref_squeeze %dma_wait3A_242 : memref<1x1x64xi32, #tpu.memory_space<hbm>> -> memref<64xi32, #tpu.memory_space<hbm>>
    %dma_wait3A_244 = arith.constant 0 : i32
    %dma_wait3A_245 = tpu.memref_slice %arg5[%dma_wait3A_237, %dma_wait3A_244] : memref<5x64xi32, #tpu.memory_space<vmem>> -> memref<1x64xi32, #tpu.memory_space<vmem>>
    %dma_wait3A_246 = tpu.memref_squeeze %dma_wait3A_245 : memref<1x64xi32, #tpu.memory_space<vmem>> -> memref<64xi32, #tpu.memory_space<vmem>>
    %dma_wait3A_247 = arith.constant 0 : i32
    %dma_wait3A_248 = tpu.memref_slice %arg2[%add3A, %dma_wait3A_236, %dma_wait3A_247] : memref<32x160x64xi32, #tpu.memory_space<hbm>> -> memref<1x1x64xi32, #tpu.memory_space<hbm>>
    %dma_wait3A_249 = tpu.memref_squeeze %dma_wait3A_248 : memref<1x1x64xi32, #tpu.memory_space<hbm>> -> memref<64xi32, #tpu.memory_space<hbm>>
    tpu.wait_dma2 semaphore(%arg24 : memref<!tpu.dma_semaphore, #tpu.memory_space<semaphore_mem>>) src(%dma_wait3A_249 : memref<64xi32, #tpu.memory_space<hbm>>) dst(%dma_wait3A_246 : memref<64xi32, #tpu.memory_space<vmem>>)
    %get3A_250 = arith.constant 1 : i32
    %get3A_251 = arith.constant 0 : i32
    %get3A_252 = tpu.memref_slice %arg5[%get3A_250, %get3A_251] : memref<5x64xi32, #tpu.memory_space<vmem>> -> memref<1x64xi32, #tpu.memory_space<vmem>>
    %get3A_253 = tpu.memref_squeeze %get3A_252 : memref<1x64xi32, #tpu.memory_space<vmem>> -> memref<64xi32, #tpu.memory_space<vmem>>
    %get3A_254 = arith.constant 0 : index
    %get3A_255 = tpu.vector_load %get3A_253[%get3A_254] {strides = array<i32>} : memref<64xi32, #tpu.memory_space<vmem>>, vector<16xi32>,
    %get3A_256 = vector.shape_cast %get3A_255 : vector<16xi32> to vector<16xi32>
    %and3A_257 = arith.constant 65535 : i32
    %and3A_258 = vector.broadcast %and3A_257 : i32 to vector<16xi32>
    %and3A_259 = arith.andi %get3A_256, %and3A_258 : vector<16xi32>
    %swap3A_260 = arith.constant 64 : i32
    %swap3A_261 = tpu.memref_slice %arg6[%swap3A_260] : memref<320xi32, #tpu.memory_space<vmem>> -> memref<64xi32, #tpu.memory_space<vmem>>
    %swap3A_262 = arith.constant 0 : index
    %swap3A_263 = tpu.vector_load %swap3A_261[%swap3A_262] {strides = array<i32>} : memref<64xi32, #tpu.memory_space<vmem>>, vector<16xi32>,
    %swap3A_264 = vector.shape_cast %swap3A_263 : vector<16xi32> to vector<16xi32>
    %swap3A_265 = vector.shape_cast %and3A_259 : vector<16xi32> to vector<16xi32>
    tpu.vector_store %swap3A_261[%swap3A_262], %swap3A_265 {strides = array<i32>} : memref<64xi32, #tpu.memory_space<vmem>>, vector<16xi32>,
    %shift_right_logical3A_266 = arith.constant 16 : i32
    %shift_right_logical3A_267 = vector.broadcast %shift_right_logical3A_266 : i32 to vector<16xi32>
    %shift_right_logical3A_268 = arith.shrui %get3A_256, %shift_right_logical3A_267 : vector<16xi32>
    %swap3A_269 = arith.constant 0 : index
    %swap3A_270 = tpu.vector_load %arg8[%swap3A_269] {strides = array<i32>} : memref<64xi32, #tpu.memory_space<vmem>>, vector<16xi32>,
    %swap3A_271 = vector.shape_cast %swap3A_270 : vector<16xi32> to vector<16xi32>
    %swap3A_272 = vector.shape_cast %shift_right_logical3A_268 : vector<16xi32> to vector<16xi32>
    tpu.vector_store %arg8[%swap3A_269], %swap3A_272 {strides = array<i32>} : memref<64xi32, #tpu.memory_space<vmem>>, vector<16xi32>,
    %get3A_273 = arith.constant 1 : i32
    %get3A_274 = arith.constant 0 : i32
    %get3A_275 = tpu.memref_slice %arg5[%get3A_273, %get3A_274] : memref<5x64xi32, #tpu.memory_space<vmem>> -> memref<1x64xi32, #tpu.memory_space<vmem>>
    %get3A_276 = tpu.memref_squeeze %get3A_275 : memref<1x64xi32, #tpu.memory_space<vmem>> -> memref<64xi32, #tpu.memory_space<vmem>>
    %get3A_277 = arith.constant 16 : index
    %get3A_278 = tpu.vector_load %get3A_276[%get3A_277] {strides = array<i32>} : memref<64xi32, #tpu.memory_space<vmem>>, vector<16xi32>,
    %get3A_279 = vector.shape_cast %get3A_278 : vector<16xi32> to vector<16xi32>
    %and3A_280 = arith.constant 65535 : i32
    %and3A_281 = vector.broadcast %and3A_280 : i32 to vector<16xi32>
    %and3A_282 = arith.andi %get3A_279, %and3A_281 : vector<16xi32>
    %swap3A_283 = arith.constant 64 : i32
    %swap3A_284 = tpu.memref_slice %arg6[%swap3A_283] : memref<320xi32, #tpu.memory_space<vmem>> -> memref<64xi32, #tpu.memory_space<vmem>>
    %swap3A_285 = arith.constant 16 : index
    %swap3A_286 = tpu.vector_load %swap3A_284[%swap3A_285] {strides = array<i32>} : memref<64xi32, #tpu.memory_space<vmem>>, vector<16xi32>,
    %swap3A_287 = vector.shape_cast %swap3A_286 : vector<16xi32> to vector<16xi32>
    %swap3A_288 = vector.shape_cast %and3A_282 : vector<16xi32> to vector<16xi32>
    tpu.vector_store %swap3A_284[%swap3A_285], %swap3A_288 {strides = array<i32>} : memref<64xi32, #tpu.memory_space<vmem>>, vector<16xi32>,
    %shift_right_logical3A_289 = arith.constant 16 : i32
    %shift_right_logical3A_290 = vector.broadcast %shift_right_logical3A_289 : i32 to vector<16xi32>
    %shift_right_logical3A_291 = arith.shrui %get3A_279, %shift_right_logical3A_290 : vector<16xi32>
    %swap3A_292 = arith.constant 16 : index
    %swap3A_293 = tpu.vector_load %arg8[%swap3A_292] {strides = array<i32>} : memref<64xi32, #tpu.memory_space<vmem>>, vector<16xi32>,
    %swap3A_294 = vector.shape_cast %swap3A_293 : vector<16xi32> to vector<16xi32>
    %swap3A_295 = vector.shape_cast %shift_right_logical3A_291 : vector<16xi32> to vector<16xi32>
    tpu.vector_store %arg8[%swap3A_292], %swap3A_295 {strides = array<i32>} : memref<64xi32, #tpu.memory_space<vmem>>, vector<16xi32>,
    %get3A_296 = arith.constant 1 : i32
    %get3A_297 = arith.constant 0 : i32
    %get3A_298 = tpu.memref_slice %arg5[%get3A_296, %get3A_297] : memref<5x64xi32, #tpu.memory_space<vmem>> -> memref<1x64xi32, #tpu.memory_space<vmem>>
    %get3A_299 = tpu.memref_squeeze %get3A_298 : memref<1x64xi32, #tpu.memory_space<vmem>> -> memref<64xi32, #tpu.memory_space<vmem>>
    %get3A_300 = arith.constant 32 : index
    %get3A_301 = tpu.vector_load %get3A_299[%get3A_300] {strides = array<i32>} : memref<64xi32, #tpu.memory_space<vmem>>, vector<16xi32>,
    %get3A_302 = vector.shape_cast %get3A_301 : vector<16xi32> to vector<16xi32>
    %and3A_303 = arith.constant 65535 : i32
    %and3A_304 = vector.broadcast %and3A_303 : i32 to vector<16xi32>
    %and3A_305 = arith.andi %get3A_302, %and3A_304 : vector<16xi32>
    %swap3A_306 = arith.constant 64 : i32
    %swap3A_307 = tpu.memref_slice %arg6[%swap3A_306] : memref<320xi32, #tpu.memory_space<vmem>> -> memref<64xi32, #tpu.memory_space<vmem>>
    %swap3A_308 = arith.constant 32 : index
    %swap3A_309 = tpu.vector_load %swap3A_307[%swap3A_308] {strides = array<i32>} : memref<64xi32, #tpu.memory_space<vmem>>, vector<16xi32>,
    %swap3A_310 = vector.shape_cast %swap3A_309 : vector<16xi32> to vector<16xi32>
    %swap3A_311 = vector.shape_cast %and3A_305 : vector<16xi32> to vector<16xi32>
    tpu.vector_store %swap3A_307[%swap3A_308], %swap3A_311 {strides = array<i32>} : memref<64xi32, #tpu.memory_space<vmem>>, vector<16xi32>,
    %shift_right_logical3A_312 = arith.constant 16 : i32
    %shift_right_logical3A_313 = vector.broadcast %shift_right_logical3A_312 : i32 to vector<16xi32>
    %shift_right_logical3A_314 = arith.shrui %get3A_302, %shift_right_logical3A_313 : vector<16xi32>
    %swap3A_315 = arith.constant 32 : index
    %swap3A_316 = tpu.vector_load %arg8[%swap3A_315] {strides = array<i32>} : memref<64xi32, #tpu.memory_space<vmem>>, vector<16xi32>,
    %swap3A_317 = vector.shape_cast %swap3A_316 : vector<16xi32> to vector<16xi32>
    %swap3A_318 = vector.shape_cast %shift_right_logical3A_314 : vector<16xi32> to vector<16xi32>
    tpu.vector_store %arg8[%swap3A_315], %swap3A_318 {strides = array<i32>} : memref<64xi32, #tpu.memory_space<vmem>>, vector<16xi32>,
    %get3A_319 = arith.constant 1 : i32
    %get3A_320 = arith.constant 0 : i32
    %get3A_321 = tpu.memref_slice %arg5[%get3A_319, %get3A_320] : memref<5x64xi32, #tpu.memory_space<vmem>> -> memref<1x64xi32, #tpu.memory_space<vmem>>
    %get3A_322 = tpu.memref_squeeze %get3A_321 : memref<1x64xi32, #tpu.memory_space<vmem>> -> memref<64xi32, #tpu.memory_space<vmem>>
    %get3A_323 = arith.constant 48 : index
    %get3A_324 = tpu.vector_load %get3A_322[%get3A_323] {strides = array<i32>} : memref<64xi32, #tpu.memory_space<vmem>>, vector<16xi32>,
    %get3A_325 = vector.shape_cast %get3A_324 : vector<16xi32> to vector<16xi32>
    %and3A_326 = arith.constant 65535 : i32
    %and3A_327 = vector.broadcast %and3A_326 : i32 to vector<16xi32>
    %and3A_328 = arith.andi %get3A_325, %and3A_327 : vector<16xi32>
    %swap3A_329 = arith.constant 64 : i32
    %swap3A_330 = tpu.memref_slice %arg6[%swap3A_329] : memref<320xi32, #tpu.memory_space<vmem>> -> memref<64xi32, #tpu.memory_space<vmem>>
    %swap3A_331 = arith.constant 48 : index
    %swap3A_332 = tpu.vector_load %swap3A_330[%swap3A_331] {strides = array<i32>} : memref<64xi32, #tpu.memory_space<vmem>>, vector<16xi32>,
    %swap3A_333 = vector.shape_cast %swap3A_332 : vector<16xi32> to vector<16xi32>
    %swap3A_334 = vector.shape_cast %and3A_328 : vector<16xi32> to vector<16xi32>
    tpu.vector_store %swap3A_330[%swap3A_331], %swap3A_334 {strides = array<i32>} : memref<64xi32, #tpu.memory_space<vmem>>, vector<16xi32>,
    %shift_right_logical3A_335 = arith.constant 16 : i32
    %shift_right_logical3A_336 = vector.broadcast %shift_right_logical3A_335 : i32 to vector<16xi32>
    %shift_right_logical3A_337 = arith.shrui %get3A_325, %shift_right_logical3A_336 : vector<16xi32>
    %swap3A_338 = arith.constant 48 : index
    %swap3A_339 = tpu.vector_load %arg8[%swap3A_338] {strides = array<i32>} : memref<64xi32, #tpu.memory_space<vmem>>, vector<16xi32>,
    %swap3A_340 = vector.shape_cast %swap3A_339 : vector<16xi32> to vector<16xi32>
    %swap3A_341 = vector.shape_cast %shift_right_logical3A_337 : vector<16xi32> to vector<16xi32>
    tpu.vector_store %arg8[%swap3A_338], %swap3A_341 {strides = array<i32>} : memref<64xi32, #tpu.memory_space<vmem>>, vector<16xi32>,
    %dma_start3A_342 = arith.constant 64 : i32
    %dma_start3A_343 = tpu.memref_slice %arg6[%dma_start3A_342] : memref<320xi32, #tpu.memory_space<vmem>> -> memref<64xi32, #tpu.memory_space<vmem>>
    %dma_start3A_344 = arith.constant 0 : i32
    %dma_start3A_345 = arith.constant 0 : i32
    %dma_start3A_346 = tpu.memref_slice %arg3[%dma_start3A_344, %dma_start3A_345] : memref<10000x128xf32, #tpu.memory_space<hbm>> -> memref<10000x128xf32, #tpu.memory_space<hbm>>
    tpu.enqueue_indirect_dma source(%dma_start3A_346 : memref<10000x128xf32, #tpu.memory_space<hbm>>) target(%arg13 : memref<64x128xf32, #tpu.memory_space<vmem>>) offsets(%dma_start3A_343 : memref<64xi32, #tpu.memory_space<vmem>>) semaphore(%arg19 : memref<!tpu.dma_semaphore, #tpu.memory_space<semaphore_mem>>)
    %dma_start3A_347 = arith.constant 6 : i32
    %dma_start3A_348 = arith.constant 1 : i32
    %dma_start3A_349 = arith.constant 0 : i32
    %dma_start3A_350 = tpu.memref_slice %arg5[%dma_start3A_348, %dma_start3A_349] : memref<5x64xi32, #tpu.memory_space<vmem>> -> memref<1x64xi32, #tpu.memory_space<vmem>>
    %dma_start3A_351 = tpu.memref_squeeze %dma_start3A_350 : memref<1x64xi32, #tpu.memory_space<vmem>> -> memref<64xi32, #tpu.memory_space<vmem>>
    %dma_start3A_352 = arith.constant 0 : i32
    %dma_start3A_353 = tpu.memref_slice %arg2[%add3A, %dma_start3A_347, %dma_start3A_352] : memref<32x160x64xi32, #tpu.memory_space<hbm>> -> memref<1x1x64xi32, #tpu.memory_space<hbm>>
    %dma_start3A_354 = tpu.memref_squeeze %dma_start3A_353 : memref<1x1x64xi32, #tpu.memory_space<hbm>> -> memref<64xi32, #tpu.memory_space<hbm>>
    %dma_start3A_355 = arith.constant 0 : i32
    %dma_start3A_356 = tpu.memref_slice %arg5[%dma_start3A_348, %dma_start3A_355] : memref<5x64xi32, #tpu.memory_space<vmem>> -> memref<1x64xi32, #tpu.memory_space<vmem>>
    %dma_start3A_357 = tpu.memref_squeeze %dma_start3A_356 : memref<1x64xi32, #tpu.memory_space<vmem>> -> memref<64xi32, #tpu.memory_space<vmem>>
    %dma_start3A_358 = arith.constant 0 : i32
    %dma_start3A_359 = tpu.memref_slice %arg2[%add3A, %dma_start3A_347, %dma_start3A_358] : memref<32x160x64xi32, #tpu.memory_space<hbm>> -> memref<1x1x64xi32, #tpu.memory_space<hbm>>
    %dma_start3A_360 = tpu.memref_squeeze %dma_start3A_359 : memref<1x1x64xi32, #tpu.memory_space<hbm>> -> memref<64xi32, #tpu.memory_space<hbm>>
    tpu.enqueue_dma source(%dma_start3A_360 : memref<64xi32, #tpu.memory_space<hbm>>) target(%dma_start3A_357 : memref<64xi32, #tpu.memory_space<vmem>>) target_semaphore(%arg24 : memref<!tpu.dma_semaphore, #tpu.memory_space<semaphore_mem>>)
    %dma_wait3A_361 = arith.constant 2 : i32
    %dma_wait3A_362 = arith.constant 2 : i32
    %dma_wait3A_363 = arith.constant 0 : i32
    %dma_wait3A_364 = tpu.memref_slice %arg5[%dma_wait3A_362, %dma_wait3A_363] : memref<5x64xi32, #tpu.memory_space<vmem>> -> memref<1x64xi32, #tpu.memory_space<vmem>>
    %dma_wait3A_365 = tpu.memref_squeeze %dma_wait3A_364 : memref<1x64xi32, #tpu.memory_space<vmem>> -> memref<64xi32, #tpu.memory_space<vmem>>
    %dma_wait3A_366 = arith.constant 0 : i32
    %dma_wait3A_367 = tpu.memref_slice %arg2[%add3A, %dma_wait3A_361, %dma_wait3A_366] : memref<32x160x64xi32, #tpu.memory_space<hbm>> -> memref<1x1x64xi32, #tpu.memory_space<hbm>>
    %dma_wait3A_368 = tpu.memref_squeeze %dma_wait3A_367 : memref<1x1x64xi32, #tpu.memory_space<hbm>> -> memref<64xi32, #tpu.memory_space<hbm>>
    %dma_wait3A_369 = arith.constant 0 : i32
    %dma_wait3A_370 = tpu.memref_slice %arg5[%dma_wait3A_362, %dma_wait3A_369] : memref<5x64xi32, #tpu.memory_space<vmem>> -> memref<1x64xi32, #tpu.memory_space<vmem>>
    %dma_wait3A_371 = tpu.memref_squeeze %dma_wait3A_370 : memref<1x64xi32, #tpu.memory_space<vmem>> -> memref<64xi32, #tpu.memory_space<vmem>>
    %dma_wait3A_372 = arith.constant 0 : i32
    %dma_wait3A_373 = tpu.memref_slice %arg2[%add3A, %dma_wait3A_361, %dma_wait3A_372] : memref<32x160x64xi32, #tpu.memory_space<hbm>> -> memref<1x1x64xi32, #tpu.memory_space<hbm>>
    %dma_wait3A_374 = tpu.memref_squeeze %dma_wait3A_373 : memref<1x1x64xi32, #tpu.memory_space<hbm>> -> memref<64xi32, #tpu.memory_space<hbm>>
    tpu.wait_dma2 semaphore(%arg25 : memref<!tpu.dma_semaphore, #tpu.memory_space<semaphore_mem>>) src(%dma_wait3A_374 : memref<64xi32, #tpu.memory_space<hbm>>) dst(%dma_wait3A_371 : memref<64xi32, #tpu.memory_space<vmem>>)
    %get3A_375 = arith.constant 2 : i32
    %get3A_376 = arith.constant 0 : i32
    %get3A_377 = tpu.memref_slice %arg5[%get3A_375, %get3A_376] : memref<5x64xi32, #tpu.memory_space<vmem>> -> memref<1x64xi32, #tpu.memory_space<vmem>>
    %get3A_378 = tpu.memref_squeeze %get3A_377 : memref<1x64xi32, #tpu.memory_space<vmem>> -> memref<64xi32, #tpu.memory_space<vmem>>
    %get3A_379 = arith.constant 0 : index
    %get3A_380 = tpu.vector_load %get3A_378[%get3A_379] {strides = array<i32>} : memref<64xi32, #tpu.memory_space<vmem>>, vector<16xi32>,
    %get3A_381 = vector.shape_cast %get3A_380 : vector<16xi32> to vector<16xi32>
    %and3A_382 = arith.constant 65535 : i32
    %and3A_383 = vector.broadcast %and3A_382 : i32 to vector<16xi32>
    %and3A_384 = arith.andi %get3A_381, %and3A_383 : vector<16xi32>
    %swap3A_385 = arith.constant 128 : i32
    %swap3A_386 = tpu.memref_slice %arg6[%swap3A_385] : memref<320xi32, #tpu.memory_space<vmem>> -> memref<64xi32, #tpu.memory_space<vmem>>
    %swap3A_387 = arith.constant 0 : index
    %swap3A_388 = tpu.vector_load %swap3A_386[%swap3A_387] {strides = array<i32>} : memref<64xi32, #tpu.memory_space<vmem>>, vector<16xi32>,
    %swap3A_389 = vector.shape_cast %swap3A_388 : vector<16xi32> to vector<16xi32>
    %swap3A_390 = vector.shape_cast %and3A_384 : vector<16xi32> to vector<16xi32>
    tpu.vector_store %swap3A_386[%swap3A_387], %swap3A_390 {strides = array<i32>} : memref<64xi32, #tpu.memory_space<vmem>>, vector<16xi32>,
    %shift_right_logical3A_391 = arith.constant 16 : i32
    %shift_right_logical3A_392 = vector.broadcast %shift_right_logical3A_391 : i32 to vector<16xi32>
    %shift_right_logical3A_393 = arith.shrui %get3A_381, %shift_right_logical3A_392 : vector<16xi32>
    %swap3A_394 = arith.constant 0 : index
    %swap3A_395 = tpu.vector_load %arg9[%swap3A_394] {strides = array<i32>} : memref<64xi32, #tpu.memory_space<vmem>>, vector<16xi32>,
    %swap3A_396 = vector.shape_cast %swap3A_395 : vector<16xi32> to vector<16xi32>
    %swap3A_397 = vector.shape_cast %shift_right_logical3A_393 : vector<16xi32> to vector<16xi32>
    tpu.vector_store %arg9[%swap3A_394], %swap3A_397 {strides = array<i32>} : memref<64xi32, #tpu.memory_space<vmem>>, vector<16xi32>,
    %get3A_398 = arith.constant 2 : i32
    %get3A_399 = arith.constant 0 : i32
    %get3A_400 = tpu.memref_slice %arg5[%get3A_398, %get3A_399] : memref<5x64xi32, #tpu.memory_space<vmem>> -> memref<1x64xi32, #tpu.memory_space<vmem>>
    %get3A_401 = tpu.memref_squeeze %get3A_400 : memref<1x64xi32, #tpu.memory_space<vmem>> -> memref<64xi32, #tpu.memory_space<vmem>>
    %get3A_402 = arith.constant 16 : index
    %get3A_403 = tpu.vector_load %get3A_401[%get3A_402] {strides = array<i32>} : memref<64xi32, #tpu.memory_space<vmem>>, vector<16xi32>,
    %get3A_404 = vector.shape_cast %get3A_403 : vector<16xi32> to vector<16xi32>
    %and3A_405 = arith.constant 65535 : i32
    %and3A_406 = vector.broadcast %and3A_405 : i32 to vector<16xi32>
    %and3A_407 = arith.andi %get3A_404, %and3A_406 : vector<16xi32>
    %swap3A_408 = arith.constant 128 : i32
    %swap3A_409 = tpu.memref_slice %arg6[%swap3A_408] : memref<320xi32, #tpu.memory_space<vmem>> -> memref<64xi32, #tpu.memory_space<vmem>>
    %swap3A_410 = arith.constant 16 : index
    %swap3A_411 = tpu.vector_load %swap3A_409[%swap3A_410] {strides = array<i32>} : memref<64xi32, #tpu.memory_space<vmem>>, vector<16xi32>,
    %swap3A_412 = vector.shape_cast %swap3A_411 : vector<16xi32> to vector<16xi32>
    %swap3A_413 = vector.shape_cast %and3A_407 : vector<16xi32> to vector<16xi32>
    tpu.vector_store %swap3A_409[%swap3A_410], %swap3A_413 {strides = array<i32>} : memref<64xi32, #tpu.memory_space<vmem>>, vector<16xi32>,
    %shift_right_logical3A_414 = arith.constant 16 : i32
    %shift_right_logical3A_415 = vector.broadcast %shift_right_logical3A_414 : i32 to vector<16xi32>
    %shift_right_logical3A_416 = arith.shrui %get3A_404, %shift_right_logical3A_415 : vector<16xi32>
    %swap3A_417 = arith.constant 16 : index
    %swap3A_418 = tpu.vector_load %arg9[%swap3A_417] {strides = array<i32>} : memref<64xi32, #tpu.memory_space<vmem>>, vector<16xi32>,
    %swap3A_419 = vector.shape_cast %swap3A_418 : vector<16xi32> to vector<16xi32>
    %swap3A_420 = vector.shape_cast %shift_right_logical3A_416 : vector<16xi32> to vector<16xi32>
    tpu.vector_store %arg9[%swap3A_417], %swap3A_420 {strides = array<i32>} : memref<64xi32, #tpu.memory_space<vmem>>, vector<16xi32>,
    %get3A_421 = arith.constant 2 : i32
    %get3A_422 = arith.constant 0 : i32
    %get3A_423 = tpu.memref_slice %arg5[%get3A_421, %get3A_422] : memref<5x64xi32, #tpu.memory_space<vmem>> -> memref<1x64xi32, #tpu.memory_space<vmem>>
    %get3A_424 = tpu.memref_squeeze %get3A_423 : memref<1x64xi32, #tpu.memory_space<vmem>> -> memref<64xi32, #tpu.memory_space<vmem>>
    %get3A_425 = arith.constant 32 : index
    %get3A_426 = tpu.vector_load %get3A_424[%get3A_425] {strides = array<i32>} : memref<64xi32, #tpu.memory_space<vmem>>, vector<16xi32>,
    %get3A_427 = vector.shape_cast %get3A_426 : vector<16xi32> to vector<16xi32>
    %and3A_428 = arith.constant 65535 : i32
    %and3A_429 = vector.broadcast %and3A_428 : i32 to vector<16xi32>
    %and3A_430 = arith.andi %get3A_427, %and3A_429 : vector<16xi32>
    %swap3A_431 = arith.constant 128 : i32
    %swap3A_432 = tpu.memref_slice %arg6[%swap3A_431] : memref<320xi32, #tpu.memory_space<vmem>> -> memref<64xi32, #tpu.memory_space<vmem>>
    %swap3A_433 = arith.constant 32 : index
    %swap3A_434 = tpu.vector_load %swap3A_432[%swap3A_433] {strides = array<i32>} : memref<64xi32, #tpu.memory_space<vmem>>, vector<16xi32>,
    %swap3A_435 = vector.shape_cast %swap3A_434 : vector<16xi32> to vector<16xi32>
    %swap3A_436 = vector.shape_cast %and3A_430 : vector<16xi32> to vector<16xi32>
    tpu.vector_store %swap3A_432[%swap3A_433], %swap3A_436 {strides = array<i32>} : memref<64xi32, #tpu.memory_space<vmem>>, vector<16xi32>,
    %shift_right_logical3A_437 = arith.constant 16 : i32
    %shift_right_logical3A_438 = vector.broadcast %shift_right_logical3A_437 : i32 to vector<16xi32>
    %shift_right_logical3A_439 = arith.shrui %get3A_427, %shift_right_logical3A_438 : vector<16xi32>
    %swap3A_440 = arith.constant 32 : index
    %swap3A_441 = tpu.vector_load %arg9[%swap3A_440] {strides = array<i32>} : memref<64xi32, #tpu.memory_space<vmem>>, vector<16xi32>,
    %swap3A_442 = vector.shape_cast %swap3A_441 : vector<16xi32> to vector<16xi32>
    %swap3A_443 = vector.shape_cast %shift_right_logical3A_439 : vector<16xi32> to vector<16xi32>
    tpu.vector_store %arg9[%swap3A_440], %swap3A_443 {strides = array<i32>} : memref<64xi32, #tpu.memory_space<vmem>>, vector<16xi32>,
    %get3A_444 = arith.constant 2 : i32
    %get3A_445 = arith.constant 0 : i32
    %get3A_446 = tpu.memref_slice %arg5[%get3A_444, %get3A_445] : memref<5x64xi32, #tpu.memory_space<vmem>> -> memref<1x64xi32, #tpu.memory_space<vmem>>
    %get3A_447 = tpu.memref_squeeze %get3A_446 : memref<1x64xi32, #tpu.memory_space<vmem>> -> memref<64xi32, #tpu.memory_space<vmem>>
    %get3A_448 = arith.constant 48 : index
    %get3A_449 = tpu.vector_load %get3A_447[%get3A_448] {strides = array<i32>} : memref<64xi32, #tpu.memory_space<vmem>>, vector<16xi32>,
    %get3A_450 = vector.shape_cast %get3A_449 : vector<16xi32> to vector<16xi32>
    %and3A_451 = arith.constant 65535 : i32
    %and3A_452 = vector.broadcast %and3A_451 : i32 to vector<16xi32>
    %and3A_453 = arith.andi %get3A_450, %and3A_452 : vector<16xi32>
    %swap3A_454 = arith.constant 128 : i32
    %swap3A_455 = tpu.memref_slice %arg6[%swap3A_454] : memref<320xi32, #tpu.memory_space<vmem>> -> memref<64xi32, #tpu.memory_space<vmem>>
    %swap3A_456 = arith.constant 48 : index
    %swap3A_457 = tpu.vector_load %swap3A_455[%swap3A_456] {strides = array<i32>} : memref<64xi32, #tpu.memory_space<vmem>>, vector<16xi32>,
    %swap3A_458 = vector.shape_cast %swap3A_457 : vector<16xi32> to vector<16xi32>
    %swap3A_459 = vector.shape_cast %and3A_453 : vector<16xi32> to vector<16xi32>
    tpu.vector_store %swap3A_455[%swap3A_456], %swap3A_459 {strides = array<i32>} : memref<64xi32, #tpu.memory_space<vmem>>, vector<16xi32>,
    %shift_right_logical3A_460 = arith.constant 16 : i32
    %shift_right_logical3A_461 = vector.broadcast %shift_right_logical3A_460 : i32 to vector<16xi32>
    %shift_right_logical3A_462 = arith.shrui %get3A_450, %shift_right_logical3A_461 : vector<16xi32>
    %swap3A_463 = arith.constant 48 : index
    %swap3A_464 = tpu.vector_load %arg9[%swap3A_463] {strides = array<i32>} : memref<64xi32, #tpu.memory_space<vmem>>, vector<16xi32>,
    %swap3A_465 = vector.shape_cast %swap3A_464 : vector<16xi32> to vector<16xi32>
    %swap3A_466 = vector.shape_cast %shift_right_logical3A_462 : vector<16xi32> to vector<16xi32>
    tpu.vector_store %arg9[%swap3A_463], %swap3A_466 {strides = array<i32>} : memref<64xi32, #tpu.memory_space<vmem>>, vector<16xi32>,
    %dma_start3A_467 = arith.constant 128 : i32
    %dma_start3A_468 = tpu.memref_slice %arg6[%dma_start3A_467] : memref<320xi32, #tpu.memory_space<vmem>> -> memref<64xi32, #tpu.memory_space<vmem>>
    %dma_start3A_469 = arith.constant 0 : i32
    %dma_start3A_470 = arith.constant 0 : i32
    %dma_start3A_471 = tpu.memref_slice %arg3[%dma_start3A_469, %dma_start3A_470] : memref<10000x128xf32, #tpu.memory_space<hbm>> -> memref<10000x128xf32, #tpu.memory_space<hbm>>
    tpu.enqueue_indirect_dma source(%dma_start3A_471 : memref<10000x128xf32, #tpu.memory_space<hbm>>) target(%arg14 : memref<64x128xf32, #tpu.memory_space<vmem>>) offsets(%dma_start3A_468 : memref<64xi32, #tpu.memory_space<vmem>>) semaphore(%arg20 : memref<!tpu.dma_semaphore, #tpu.memory_space<semaphore_mem>>)
    %dma_start3A_472 = arith.constant 7 : i32
    %dma_start3A_473 = arith.constant 2 : i32
    %dma_start3A_474 = arith.constant 0 : i32
    %dma_start3A_475 = tpu.memref_slice %arg5[%dma_start3A_473, %dma_start3A_474] : memref<5x64xi32, #tpu.memory_space<vmem>> -> memref<1x64xi32, #tpu.memory_space<vmem>>
    %dma_start3A_476 = tpu.memref_squeeze %dma_start3A_475 : memref<1x64xi32, #tpu.memory_space<vmem>> -> memref<64xi32, #tpu.memory_space<vmem>>
    %dma_start3A_477 = arith.constant 0 : i32
    %dma_start3A_478 = tpu.memref_slice %arg2[%add3A, %dma_start3A_472, %dma_start3A_477] : memref<32x160x64xi32, #tpu.memory_space<hbm>> -> memref<1x1x64xi32, #tpu.memory_space<hbm>>
    %dma_start3A_479 = tpu.memref_squeeze %dma_start3A_478 : memref<1x1x64xi32, #tpu.memory_space<hbm>> -> memref<64xi32, #tpu.memory_space<hbm>>
    %dma_start3A_480 = arith.constant 0 : i32
    %dma_start3A_481 = tpu.memref_slice %arg5[%dma_start3A_473, %dma_start3A_480] : memref<5x64xi32, #tpu.memory_space<vmem>> -> memref<1x64xi32, #tpu.memory_space<vmem>>
    %dma_start3A_482 = tpu.memref_squeeze %dma_start3A_481 : memref<1x64xi32, #tpu.memory_space<vmem>> -> memref<64xi32, #tpu.memory_space<vmem>>
    %dma_start3A_483 = arith.constant 0 : i32
    %dma_start3A_484 = tpu.memref_slice %arg2[%add3A, %dma_start3A_472, %dma_start3A_483] : memref<32x160x64xi32, #tpu.memory_space<hbm>> -> memref<1x1x64xi32, #tpu.memory_space<hbm>>
    %dma_start3A_485 = tpu.memref_squeeze %dma_start3A_484 : memref<1x1x64xi32, #tpu.memory_space<hbm>> -> memref<64xi32, #tpu.memory_space<hbm>>
    tpu.enqueue_dma source(%dma_start3A_485 : memref<64xi32, #tpu.memory_space<hbm>>) target(%dma_start3A_482 : memref<64xi32, #tpu.memory_space<vmem>>) target_semaphore(%arg25 : memref<!tpu.dma_semaphore, #tpu.memory_space<semaphore_mem>>)
    %dma_wait3A_486 = arith.constant 0 : i32
    %dma_wait3A_487 = tpu.memref_slice %arg6[%dma_wait3A_486] : memref<320xi32, #tpu.memory_space<vmem>> -> memref<64xi32, #tpu.memory_space<vmem>>
    %dma_wait3A_488 = arith.constant 0 : i32
    %dma_wait3A_489 = arith.constant 0 : i32
    %dma_wait3A_490 = tpu.memref_slice %arg3[%dma_wait3A_488, %dma_wait3A_489] : memref<10000x128xf32, #tpu.memory_space<hbm>> -> memref<10000x128xf32, #tpu.memory_space<hbm>>
    tpu.wait_indirect_dma semaphore(%arg18 : memref<!tpu.dma_semaphore, #tpu.memory_space<semaphore_mem>>) src(%dma_wait3A_490 : memref<10000x128xf32, #tpu.memory_space<hbm>>) dst(%arg12 : memref<64x128xf32, #tpu.memory_space<vmem>>)
    %dma_start3A_491 = arith.constant 0 : i32
    %dma_start3A_492 = arith.constant 0 : i32
    %dma_start3A_493 = tpu.memref_slice %arg17[%dma_start3A_491, %dma_start3A_492] : memref<10016x128xf32, #tpu.memory_space<vmem_shared>> -> memref<10016x128xf32, #tpu.memory_space<vmem_shared>>
    tpu.enqueue_indirect_dma source(%arg12 : memref<64x128xf32, #tpu.memory_space<vmem>>) target(%dma_start3A_493 : memref<10016x128xf32, #tpu.memory_space<vmem_shared>>) offsets(%arg7 : memref<64xi32, #tpu.memory_space<vmem>>) semaphore(%arg28 : memref<!tpu.dma_semaphore, #tpu.memory_space<semaphore_mem>>) {add = true}
    %dma_wait3A_494 = arith.constant 3 : i32
    %dma_wait3A_495 = arith.constant 3 : i32
    %dma_wait3A_496 = arith.constant 0 : i32
    %dma_wait3A_497 = tpu.memref_slice %arg5[%dma_wait3A_495, %dma_wait3A_496] : memref<5x64xi32, #tpu.memory_space<vmem>> -> memref<1x64xi32, #tpu.memory_space<vmem>>
    %dma_wait3A_498 = tpu.memref_squeeze %dma_wait3A_497 : memref<1x64xi32, #tpu.memory_space<vmem>> -> memref<64xi32, #tpu.memory_space<vmem>>
    %dma_wait3A_499 = arith.constant 0 : i32
    %dma_wait3A_500 = tpu.memref_slice %arg2[%add3A, %dma_wait3A_494, %dma_wait3A_499] : memref<32x160x64xi32, #tpu.memory_space<hbm>> -> memref<1x1x64xi32, #tpu.memory_space<hbm>>
    %dma_wait3A_501 = tpu.memref_squeeze %dma_wait3A_500 : memref<1x1x64xi32, #tpu.memory_space<hbm>> -> memref<64xi32, #tpu.memory_space<hbm>>
    %dma_wait3A_502 = arith.constant 0 : i32
    %dma_wait3A_503 = tpu.memref_slice %arg5[%dma_wait3A_495, %dma_wait3A_502] : memref<5x64xi32, #tpu.memory_space<vmem>> -> memref<1x64xi32, #tpu.memory_space<vmem>>
    %dma_wait3A_504 = tpu.memref_squeeze %dma_wait3A_503 : memref<1x64xi32, #tpu.memory_space<vmem>> -> memref<64xi32, #tpu.memory_space<vmem>>
    %dma_wait3A_505 = arith.constant 0 : i32
    %dma_wait3A_506 = tpu.memref_slice %arg2[%add3A, %dma_wait3A_494, %dma_wait3A_505] : memref<32x160x64xi32, #tpu.memory_space<hbm>> -> memref<1x1x64xi32, #tpu.memory_space<hbm>>
    %dma_wait3A_507 = tpu.memref_squeeze %dma_wait3A_506 : memref<1x1x64xi32, #tpu.memory_space<hbm>> -> memref<64xi32, #tpu.memory_space<hbm>>
    tpu.wait_dma2 semaphore(%arg26 : memref<!tpu.dma_semaphore, #tpu.memory_space<semaphore_mem>>) src(%dma_wait3A_507 : memref<64xi32, #tpu.memory_space<hbm>>) dst(%dma_wait3A_504 : memref<64xi32, #tpu.memory_space<vmem>>)
    %get3A_508 = arith.constant 3 : i32
    %get3A_509 = arith.constant 0 : i32
    %get3A_510 = tpu.memref_slice %arg5[%get3A_508, %get3A_509] : memref<5x64xi32, #tpu.memory_space<vmem>> -> memref<1x64xi32, #tpu.memory_space<vmem>>
    %get3A_511 = tpu.memref_squeeze %get3A_510 : memref<1x64xi32, #tpu.memory_space<vmem>> -> memref<64xi32, #tpu.memory_space<vmem>>
    %get3A_512 = arith.constant 0 : index
    %get3A_513 = tpu.vector_load %get3A_511[%get3A_512] {strides = array<i32>} : memref<64xi32, #tpu.memory_space<vmem>>, vector<16xi32>,
    %get3A_514 = vector.shape_cast %get3A_513 : vector<16xi32> to vector<16xi32>
    %and3A_515 = arith.constant 65535 : i32
    %and3A_516 = vector.broadcast %and3A_515 : i32 to vector<16xi32>
    %and3A_517 = arith.andi %get3A_514, %and3A_516 : vector<16xi32>
    %swap3A_518 = arith.constant 192 : i32
    %swap3A_519 = tpu.memref_slice %arg6[%swap3A_518] : memref<320xi32, #tpu.memory_space<vmem>> -> memref<64xi32, #tpu.memory_space<vmem>>
    %swap3A_520 = arith.constant 0 : index
    %swap3A_521 = tpu.vector_load %swap3A_519[%swap3A_520] {strides = array<i32>} : memref<64xi32, #tpu.memory_space<vmem>>, vector<16xi32>,
    %swap3A_522 = vector.shape_cast %swap3A_521 : vector<16xi32> to vector<16xi32>
    %swap3A_523 = vector.shape_cast %and3A_517 : vector<16xi32> to vector<16xi32>
    tpu.vector_store %swap3A_519[%swap3A_520], %swap3A_523 {strides = array<i32>} : memref<64xi32, #tpu.memory_space<vmem>>, vector<16xi32>,
    %shift_right_logical3A_524 = arith.constant 16 : i32
    %shift_right_logical3A_525 = vector.broadcast %shift_right_logical3A_524 : i32 to vector<16xi32>
    %shift_right_logical3A_526 = arith.shrui %get3A_514, %shift_right_logical3A_525 : vector<16xi32>
    %swap3A_527 = arith.constant 0 : index
    %swap3A_528 = tpu.vector_load %arg10[%swap3A_527] {strides = array<i32>} : memref<64xi32, #tpu.memory_space<vmem>>, vector<16xi32>,
    %swap3A_529 = vector.shape_cast %swap3A_528 : vector<16xi32> to vector<16xi32>
    %swap3A_530 = vector.shape_cast %shift_right_logical3A_526 : vector<16xi32> to vector<16xi32>
    tpu.vector_store %arg10[%swap3A_527], %swap3A_530 {strides = array<i32>} : memref<64xi32, #tpu.memory_space<vmem>>, vector<16xi32>,
    %get3A_531 = arith.constant 3 : i32
    %get3A_532 = arith.constant 0 : i32
    %get3A_533 = tpu.memref_slice %arg5[%get3A_531, %get3A_532] : memref<5x64xi32, #tpu.memory_space<vmem>> -> memref<1x64xi32, #tpu.memory_space<vmem>>
    %get3A_534 = tpu.memref_squeeze %get3A_533 : memref<1x64xi32, #tpu.memory_space<vmem>> -> memref<64xi32, #tpu.memory_space<vmem>>
    %get3A_535 = arith.constant 16 : index
    %get3A_536 = tpu.vector_load %get3A_534[%get3A_535] {strides = array<i32>} : memref<64xi32, #tpu.memory_space<vmem>>, vector<16xi32>,
    %get3A_537 = vector.shape_cast %get3A_536 : vector<16xi32> to vector<16xi32>
    %and3A_538 = arith.constant 65535 : i32
    %and3A_539 = vector.broadcast %and3A_538 : i32 to vector<16xi32>
    %and3A_540 = arith.andi %get3A_537, %and3A_539 : vector<16xi32>
    %swap3A_541 = arith.constant 192 : i32
    %swap3A_542 = tpu.memref_slice %arg6[%swap3A_541] : memref<320xi32, #tpu.memory_space<vmem>> -> memref<64xi32, #tpu.memory_space<vmem>>
    %swap3A_543 = arith.constant 16 : index
    %swap3A_544 = tpu.vector_load %swap3A_542[%swap3A_543] {strides = array<i32>} : memref<64xi32, #tpu.memory_space<vmem>>, vector<16xi32>,
    %swap3A_545 = vector.shape_cast %swap3A_544 : vector<16xi32> to vector<16xi32>
    %swap3A_546 = vector.shape_cast %and3A_540 : vector<16xi32> to vector<16xi32>
    tpu.vector_store %swap3A_542[%swap3A_543], %swap3A_546 {strides = array<i32>} : memref<64xi32, #tpu.memory_space<vmem>>, vector<16xi32>,
    %shift_right_logical3A_547 = arith.constant 16 : i32
    %shift_right_logical3A_548 = vector.broadcast %shift_right_logical3A_547 : i32 to vector<16xi32>
    %shift_right_logical3A_549 = arith.shrui %get3A_537, %shift_right_logical3A_548 : vector<16xi32>
    %swap3A_550 = arith.constant 16 : index
    %swap3A_551 = tpu.vector_load %arg10[%swap3A_550] {strides = array<i32>} : memref<64xi32, #tpu.memory_space<vmem>>, vector<16xi32>,
    %swap3A_552 = vector.shape_cast %swap3A_551 : vector<16xi32> to vector<16xi32>
    %swap3A_553 = vector.shape_cast %shift_right_logical3A_549 : vector<16xi32> to vector<16xi32>
    tpu.vector_store %arg10[%swap3A_550], %swap3A_553 {strides = array<i32>} : memref<64xi32, #tpu.memory_space<vmem>>, vector<16xi32>,
    %get3A_554 = arith.constant 3 : i32
    %get3A_555 = arith.constant 0 : i32
    %get3A_556 = tpu.memref_slice %arg5[%get3A_554, %get3A_555] : memref<5x64xi32, #tpu.memory_space<vmem>> -> memref<1x64xi32, #tpu.memory_space<vmem>>
    %get3A_557 = tpu.memref_squeeze %get3A_556 : memref<1x64xi32, #tpu.memory_space<vmem>> -> memref<64xi32, #tpu.memory_space<vmem>>
    %get3A_558 = arith.constant 32 : index
    %get3A_559 = tpu.vector_load %get3A_557[%get3A_558] {strides = array<i32>} : memref<64xi32, #tpu.memory_space<vmem>>, vector<16xi32>,
    %get3A_560 = vector.shape_cast %get3A_559 : vector<16xi32> to vector<16xi32>
    %and3A_561 = arith.constant 65535 : i32
    %and3A_562 = vector.broadcast %and3A_561 : i32 to vector<16xi32>
    %and3A_563 = arith.andi %get3A_560, %and3A_562 : vector<16xi32>
    %swap3A_564 = arith.constant 192 : i32
    %swap3A_565 = tpu.memref_slice %arg6[%swap3A_564] : memref<320xi32, #tpu.memory_space<vmem>> -> memref<64xi32, #tpu.memory_space<vmem>>
    %swap3A_566 = arith.constant 32 : index
    %swap3A_567 = tpu.vector_load %swap3A_565[%swap3A_566] {strides = array<i32>} : memref<64xi32, #tpu.memory_space<vmem>>, vector<16xi32>,
    %swap3A_568 = vector.shape_cast %swap3A_567 : vector<16xi32> to vector<16xi32>
    %swap3A_569 = vector.shape_cast %and3A_563 : vector<16xi32> to vector<16xi32>
    tpu.vector_store %swap3A_565[%swap3A_566], %swap3A_569 {strides = array<i32>} : memref<64xi32, #tpu.memory_space<vmem>>, vector<16xi32>,
    %shift_right_logical3A_570 = arith.constant 16 : i32
    %shift_right_logical3A_571 = vector.broadcast %shift_right_logical3A_570 : i32 to vector<16xi32>
    %shift_right_logical3A_572 = arith.shrui %get3A_560, %shift_right_logical3A_571 : vector<16xi32>
    %swap3A_573 = arith.constant 32 : index
    %swap3A_574 = tpu.vector_load %arg10[%swap3A_573] {strides = array<i32>} : memref<64xi32, #tpu.memory_space<vmem>>, vector<16xi32>,
    %swap3A_575 = vector.shape_cast %swap3A_574 : vector<16xi32> to vector<16xi32>
    %swap3A_576 = vector.shape_cast %shift_right_logical3A_572 : vector<16xi32> to vector<16xi32>
    tpu.vector_store %arg10[%swap3A_573], %swap3A_576 {strides = array<i32>} : memref<64xi32, #tpu.memory_space<vmem>>, vector<16xi32>,
    %get3A_577 = arith.constant 3 : i32
    %get3A_578 = arith.constant 0 : i32
    %get3A_579 = tpu.memref_slice %arg5[%get3A_577, %get3A_578] : memref<5x64xi32, #tpu.memory_space<vmem>> -> memref<1x64xi32, #tpu.memory_space<vmem>>
    %get3A_580 = tpu.memref_squeeze %get3A_579 : memref<1x64xi32, #tpu.memory_space<vmem>> -> memref<64xi32, #tpu.memory_space<vmem>>
    %get3A_581 = arith.constant 48 : index
    %get3A_582 = tpu.vector_load %get3A_580[%get3A_581] {strides = array<i32>} : memref<64xi32, #tpu.memory_space<vmem>>, vector<16xi32>,
    %get3A_583 = vector.shape_cast %get3A_582 : vector<16xi32> to vector<16xi32>
    %and3A_584 = arith.constant 65535 : i32
    %and3A_585 = vector.broadcast %and3A_584 : i32 to vector<16xi32>
    %and3A_586 = arith.andi %get3A_583, %and3A_585 : vector<16xi32>
    %swap3A_587 = arith.constant 192 : i32
    %swap3A_588 = tpu.memref_slice %arg6[%swap3A_587] : memref<320xi32, #tpu.memory_space<vmem>> -> memref<64xi32, #tpu.memory_space<vmem>>
    %swap3A_589 = arith.constant 48 : index
    %swap3A_590 = tpu.vector_load %swap3A_588[%swap3A_589] {strides = array<i32>} : memref<64xi32, #tpu.memory_space<vmem>>, vector<16xi32>,
    %swap3A_591 = vector.shape_cast %swap3A_590 : vector<16xi32> to vector<16xi32>
    %swap3A_592 = vector.shape_cast %and3A_586 : vector<16xi32> to vector<16xi32>
    tpu.vector_store %swap3A_588[%swap3A_589], %swap3A_592 {strides = array<i32>} : memref<64xi32, #tpu.memory_space<vmem>>, vector<16xi32>,
    %shift_right_logical3A_593 = arith.constant 16 : i32
    %shift_right_logical3A_594 = vector.broadcast %shift_right_logical3A_593 : i32 to vector<16xi32>
    %shift_right_logical3A_595 = arith.shrui %get3A_583, %shift_right_logical3A_594 : vector<16xi32>
    %swap3A_596 = arith.constant 48 : index
    %swap3A_597 = tpu.vector_load %arg10[%swap3A_596] {strides = array<i32>} : memref<64xi32, #tpu.memory_space<vmem>>, vector<16xi32>,
    %swap3A_598 = vector.shape_cast %swap3A_597 : vector<16xi32> to vector<16xi32>
    %swap3A_599 = vector.shape_cast %shift_right_logical3A_595 : vector<16xi32> to vector<16xi32>
    tpu.vector_store %arg10[%swap3A_596], %swap3A_599 {strides = array<i32>} : memref<64xi32, #tpu.memory_space<vmem>>, vector<16xi32>,
    %dma_start3A_600 = arith.constant 192 : i32
    %dma_start3A_601 = tpu.memref_slice %arg6[%dma_start3A_600] : memref<320xi32, #tpu.memory_space<vmem>> -> memref<64xi32, #tpu.memory_space<vmem>>
    %dma_start3A_602 = arith.constant 0 : i32
    %dma_start3A_603 = arith.constant 0 : i32
    %dma_start3A_604 = tpu.memref_slice %arg3[%dma_start3A_602, %dma_start3A_603] : memref<10000x128xf32, #tpu.memory_space<hbm>> -> memref<10000x128xf32, #tpu.memory_space<hbm>>
    tpu.enqueue_indirect_dma source(%dma_start3A_604 : memref<10000x128xf32, #tpu.memory_space<hbm>>) target(%arg15 : memref<64x128xf32, #tpu.memory_space<vmem>>) offsets(%dma_start3A_601 : memref<64xi32, #tpu.memory_space<vmem>>) semaphore(%arg21 : memref<!tpu.dma_semaphore, #tpu.memory_space<semaphore_mem>>)
    %dma_start3A_605 = arith.constant 8 : i32
    %dma_start3A_606 = arith.constant 3 : i32
    %dma_start3A_607 = arith.constant 0 : i32
    %dma_start3A_608 = tpu.memref_slice %arg5[%dma_start3A_606, %dma_start3A_607] : memref<5x64xi32, #tpu.memory_space<vmem>> -> memref<1x64xi32, #tpu.memory_space<vmem>>
    %dma_start3A_609 = tpu.memref_squeeze %dma_start3A_608 : memref<1x64xi32, #tpu.memory_space<vmem>> -> memref<64xi32, #tpu.memory_space<vmem>>
    %dma_start3A_610 = arith.constant 0 : i32
    %dma_start3A_611 = tpu.memref_slice %arg2[%add3A, %dma_start3A_605, %dma_start3A_610] : memref<32x160x64xi32, #tpu.memory_space<hbm>> -> memref<1x1x64xi32, #tpu.memory_space<hbm>>
    %dma_start3A_612 = tpu.memref_squeeze %dma_start3A_611 : memref<1x1x64xi32, #tpu.memory_space<hbm>> -> memref<64xi32, #tpu.memory_space<hbm>>
    %dma_start3A_613 = arith.constant 0 : i32
    %dma_start3A_614 = tpu.memref_slice %arg5[%dma_start3A_606, %dma_start3A_613] : memref<5x64xi32, #tpu.memory_space<vmem>> -> memref<1x64xi32, #tpu.memory_space<vmem>>
    %dma_start3A_615 = tpu.memref_squeeze %dma_start3A_614 : memref<1x64xi32, #tpu.memory_space<vmem>> -> memref<64xi32, #tpu.memory_space<vmem>>
    %dma_start3A_616 = arith.constant 0 : i32
    %dma_start3A_617 = tpu.memref_slice %arg2[%add3A, %dma_start3A_605, %dma_start3A_616] : memref<32x160x64xi32, #tpu.memory_space<hbm>> -> memref<1x1x64xi32, #tpu.memory_space<hbm>>
    %dma_start3A_618 = tpu.memref_squeeze %dma_start3A_617 : memref<1x1x64xi32, #tpu.memory_space<hbm>> -> memref<64xi32, #tpu.memory_space<hbm>>
    tpu.enqueue_dma source(%dma_start3A_618 : memref<64xi32, #tpu.memory_space<hbm>>) target(%dma_start3A_615 : memref<64xi32, #tpu.memory_space<vmem>>) target_semaphore(%arg26 : memref<!tpu.dma_semaphore, #tpu.memory_space<semaphore_mem>>)
    %dma_wait3A_619 = arith.constant 64 : i32
    %dma_wait3A_620 = tpu.memref_slice %arg6[%dma_wait3A_619] : memref<320xi32, #tpu.memory_space<vmem>> -> memref<64xi32, #tpu.memory_space<vmem>>
    %dma_wait3A_621 = arith.constant 0 : i32
    %dma_wait3A_622 = arith.constant 0 : i32
    %dma_wait3A_623 = tpu.memref_slice %arg3[%dma_wait3A_621, %dma_wait3A_622] : memref<10000x128xf32, #tpu.memory_space<hbm>> -> memref<10000x128xf32, #tpu.memory_space<hbm>>
    tpu.wait_indirect_dma semaphore(%arg19 : memref<!tpu.dma_semaphore, #tpu.memory_space<semaphore_mem>>) src(%dma_wait3A_623 : memref<10000x128xf32, #tpu.memory_space<hbm>>) dst(%arg13 : memref<64x128xf32, #tpu.memory_space<vmem>>)
    %dma_start3A_624 = arith.constant 0 : i32
    %dma_start3A_625 = arith.constant 0 : i32
    %dma_start3A_626 = tpu.memref_slice %arg17[%dma_start3A_624, %dma_start3A_625] : memref<10016x128xf32, #tpu.memory_space<vmem_shared>> -> memref<10016x128xf32, #tpu.memory_space<vmem_shared>>
    tpu.enqueue_indirect_dma source(%arg13 : memref<64x128xf32, #tpu.memory_space<vmem>>) target(%dma_start3A_626 : memref<10016x128xf32, #tpu.memory_space<vmem_shared>>) offsets(%arg8 : memref<64xi32, #tpu.memory_space<vmem>>) semaphore(%arg29 : memref<!tpu.dma_semaphore, #tpu.memory_space<semaphore_mem>>) {add = true}
    %dma_wait3A_627 = arith.constant 4 : i32
    %dma_wait3A_628 = arith.constant 4 : i32
    %dma_wait3A_629 = arith.constant 0 : i32
    %dma_wait3A_630 = tpu.memref_slice %arg5[%dma_wait3A_628, %dma_wait3A_629] : memref<5x64xi32, #tpu.memory_space<vmem>> -> memref<1x64xi32, #tpu.memory_space<vmem>>
    %dma_wait3A_631 = tpu.memref_squeeze %dma_wait3A_630 : memref<1x64xi32, #tpu.memory_space<vmem>> -> memref<64xi32, #tpu.memory_space<vmem>>
    %dma_wait3A_632 = arith.constant 0 : i32
    %dma_wait3A_633 = tpu.memref_slice %arg2[%add3A, %dma_wait3A_627, %dma_wait3A_632] : memref<32x160x64xi32, #tpu.memory_space<hbm>> -> memref<1x1x64xi32, #tpu.memory_space<hbm>>
    %dma_wait3A_634 = tpu.memref_squeeze %dma_wait3A_633 : memref<1x1x64xi32, #tpu.memory_space<hbm>> -> memref<64xi32, #tpu.memory_space<hbm>>
    %dma_wait3A_635 = arith.constant 0 : i32
    %dma_wait3A_636 = tpu.memref_slice %arg5[%dma_wait3A_628, %dma_wait3A_635] : memref<5x64xi32, #tpu.memory_space<vmem>> -> memref<1x64xi32, #tpu.memory_space<vmem>>
    %dma_wait3A_637 = tpu.memref_squeeze %dma_wait3A_636 : memref<1x64xi32, #tpu.memory_space<vmem>> -> memref<64xi32, #tpu.memory_space<vmem>>
    %dma_wait3A_638 = arith.constant 0 : i32
    %dma_wait3A_639 = tpu.memref_slice %arg2[%add3A, %dma_wait3A_627, %dma_wait3A_638] : memref<32x160x64xi32, #tpu.memory_space<hbm>> -> memref<1x1x64xi32, #tpu.memory_space<hbm>>
    %dma_wait3A_640 = tpu.memref_squeeze %dma_wait3A_639 : memref<1x1x64xi32, #tpu.memory_space<hbm>> -> memref<64xi32, #tpu.memory_space<hbm>>
    tpu.wait_dma2 semaphore(%arg27 : memref<!tpu.dma_semaphore, #tpu.memory_space<semaphore_mem>>) src(%dma_wait3A_640 : memref<64xi32, #tpu.memory_space<hbm>>) dst(%dma_wait3A_637 : memref<64xi32, #tpu.memory_space<vmem>>)
    %get3A_641 = arith.constant 4 : i32
    %get3A_642 = arith.constant 0 : i32
    %get3A_643 = tpu.memref_slice %arg5[%get3A_641, %get3A_642] : memref<5x64xi32, #tpu.memory_space<vmem>> -> memref<1x64xi32, #tpu.memory_space<vmem>>
    %get3A_644 = tpu.memref_squeeze %get3A_643 : memref<1x64xi32, #tpu.memory_space<vmem>> -> memref<64xi32, #tpu.memory_space<vmem>>
    %get3A_645 = arith.constant 0 : index
    %get3A_646 = tpu.vector_load %get3A_644[%get3A_645] {strides = array<i32>} : memref<64xi32, #tpu.memory_space<vmem>>, vector<16xi32>,
    %get3A_647 = vector.shape_cast %get3A_646 : vector<16xi32> to vector<16xi32>
    %and3A_648 = arith.constant 65535 : i32
    %and3A_649 = vector.broadcast %and3A_648 : i32 to vector<16xi32>
    %and3A_650 = arith.andi %get3A_647, %and3A_649 : vector<16xi32>
    %swap3A_651 = arith.constant 256 : i32
    %swap3A_652 = tpu.memref_slice %arg6[%swap3A_651] : memref<320xi32, #tpu.memory_space<vmem>> -> memref<64xi32, #tpu.memory_space<vmem>>
    %swap3A_653 = arith.constant 0 : index
    %swap3A_654 = tpu.vector_load %swap3A_652[%swap3A_653] {strides = array<i32>} : memref<64xi32, #tpu.memory_space<vmem>>, vector<16xi32>,
    %swap3A_655 = vector.shape_cast %swap3A_654 : vector<16xi32> to vector<16xi32>
    %swap3A_656 = vector.shape_cast %and3A_650 : vector<16xi32> to vector<16xi32>
    tpu.vector_store %swap3A_652[%swap3A_653], %swap3A_656 {strides = array<i32>} : memref<64xi32, #tpu.memory_space<vmem>>, vector<16xi32>,
    %shift_right_logical3A_657 = arith.constant 16 : i32
    %shift_right_logical3A_658 = vector.broadcast %shift_right_logical3A_657 : i32 to vector<16xi32>
    %shift_right_logical3A_659 = arith.shrui %get3A_647, %shift_right_logical3A_658 : vector<16xi32>
    %swap3A_660 = arith.constant 0 : index
    %swap3A_661 = tpu.vector_load %arg11[%swap3A_660] {strides = array<i32>} : memref<64xi32, #tpu.memory_space<vmem>>, vector<16xi32>,
    %swap3A_662 = vector.shape_cast %swap3A_661 : vector<16xi32> to vector<16xi32>
    %swap3A_663 = vector.shape_cast %shift_right_logical3A_659 : vector<16xi32> to vector<16xi32>
    tpu.vector_store %arg11[%swap3A_660], %swap3A_663 {strides = array<i32>} : memref<64xi32, #tpu.memory_space<vmem>>, vector<16xi32>,
    %get3A_664 = arith.constant 4 : i32
    %get3A_665 = arith.constant 0 : i32
    %get3A_666 = tpu.memref_slice %arg5[%get3A_664, %get3A_665] : memref<5x64xi32, #tpu.memory_space<vmem>> -> memref<1x64xi32, #tpu.memory_space<vmem>>
    %get3A_667 = tpu.memref_squeeze %get3A_666 : memref<1x64xi32, #tpu.memory_space<vmem>> -> memref<64xi32, #tpu.memory_space<vmem>>
    %get3A_668 = arith.constant 16 : index
    %get3A_669 = tpu.vector_load %get3A_667[%get3A_668] {strides = array<i32>} : memref<64xi32, #tpu.memory_space<vmem>>, vector<16xi32>,
    %get3A_670 = vector.shape_cast %get3A_669 : vector<16xi32> to vector<16xi32>
    %and3A_671 = arith.constant 65535 : i32
    %and3A_672 = vector.broadcast %and3A_671 : i32 to vector<16xi32>
    %and3A_673 = arith.andi %get3A_670, %and3A_672 : vector<16xi32>
    %swap3A_674 = arith.constant 256 : i32
    %swap3A_675 = tpu.memref_slice %arg6[%swap3A_674] : memref<320xi32, #tpu.memory_space<vmem>> -> memref<64xi32, #tpu.memory_space<vmem>>
    %swap3A_676 = arith.constant 16 : index
    %swap3A_677 = tpu.vector_load %swap3A_675[%swap3A_676] {strides = array<i32>} : memref<64xi32, #tpu.memory_space<vmem>>, vector<16xi32>,
    %swap3A_678 = vector.shape_cast %swap3A_677 : vector<16xi32> to vector<16xi32>
    %swap3A_679 = vector.shape_cast %and3A_673 : vector<16xi32> to vector<16xi32>
    tpu.vector_store %swap3A_675[%swap3A_676], %swap3A_679 {strides = array<i32>} : memref<64xi32, #tpu.memory_space<vmem>>, vector<16xi32>,
    %shift_right_logical3A_680 = arith.constant 16 : i32
    %shift_right_logical3A_681 = vector.broadcast %shift_right_logical3A_680 : i32 to vector<16xi32>
    %shift_right_logical3A_682 = arith.shrui %get3A_670, %shift_right_logical3A_681 : vector<16xi32>
    %swap3A_683 = arith.constant 16 : index
    %swap3A_684 = tpu.vector_load %arg11[%swap3A_683] {strides = array<i32>} : memref<64xi32, #tpu.memory_space<vmem>>, vector<16xi32>,
    %swap3A_685 = vector.shape_cast %swap3A_684 : vector<16xi32> to vector<16xi32>
    %swap3A_686 = vector.shape_cast %shift_right_logical3A_682 : vector<16xi32> to vector<16xi32>
    tpu.vector_store %arg11[%swap3A_683], %swap3A_686 {strides = array<i32>} : memref<64xi32, #tpu.memory_space<vmem>>, vector<16xi32>,
    %get3A_687 = arith.constant 4 : i32
    %get3A_688 = arith.constant 0 : i32
    %get3A_689 = tpu.memref_slice %arg5[%get3A_687, %get3A_688] : memref<5x64xi32, #tpu.memory_space<vmem>> -> memref<1x64xi32, #tpu.memory_space<vmem>>
    %get3A_690 = tpu.memref_squeeze %get3A_689 : memref<1x64xi32, #tpu.memory_space<vmem>> -> memref<64xi32, #tpu.memory_space<vmem>>
    %get3A_691 = arith.constant 32 : index
    %get3A_692 = tpu.vector_load %get3A_690[%get3A_691] {strides = array<i32>} : memref<64xi32, #tpu.memory_space<vmem>>, vector<16xi32>,
    %get3A_693 = vector.shape_cast %get3A_692 : vector<16xi32> to vector<16xi32>
    %and3A_694 = arith.constant 65535 : i32
    %and3A_695 = vector.broadcast %and3A_694 : i32 to vector<16xi32>
    %and3A_696 = arith.andi %get3A_693, %and3A_695 : vector<16xi32>
    %swap3A_697 = arith.constant 256 : i32
    %swap3A_698 = tpu.memref_slice %arg6[%swap3A_697] : memref<320xi32, #tpu.memory_space<vmem>> -> memref<64xi32, #tpu.memory_space<vmem>>
    %swap3A_699 = arith.constant 32 : index
    %swap3A_700 = tpu.vector_load %swap3A_698[%swap3A_699] {strides = array<i32>} : memref<64xi32, #tpu.memory_space<vmem>>, vector<16xi32>,
    %swap3A_701 = vector.shape_cast %swap3A_700 : vector<16xi32> to vector<16xi32>
    %swap3A_702 = vector.shape_cast %and3A_696 : vector<16xi32> to vector<16xi32>
    tpu.vector_store %swap3A_698[%swap3A_699], %swap3A_702 {strides = array<i32>} : memref<64xi32, #tpu.memory_space<vmem>>, vector<16xi32>,
    %shift_right_logical3A_703 = arith.constant 16 : i32
    %shift_right_logical3A_704 = vector.broadcast %shift_right_logical3A_703 : i32 to vector<16xi32>
    %shift_right_logical3A_705 = arith.shrui %get3A_693, %shift_right_logical3A_704 : vector<16xi32>
    %swap3A_706 = arith.constant 32 : index
    %swap3A_707 = tpu.vector_load %arg11[%swap3A_706] {strides = array<i32>} : memref<64xi32, #tpu.memory_space<vmem>>, vector<16xi32>,
    %swap3A_708 = vector.shape_cast %swap3A_707 : vector<16xi32> to vector<16xi32>
    %swap3A_709 = vector.shape_cast %shift_right_logical3A_705 : vector<16xi32> to vector<16xi32>
    tpu.vector_store %arg11[%swap3A_706], %swap3A_709 {strides = array<i32>} : memref<64xi32, #tpu.memory_space<vmem>>, vector<16xi32>,
    %get3A_710 = arith.constant 4 : i32
    %get3A_711 = arith.constant 0 : i32
    %get3A_712 = tpu.memref_slice %arg5[%get3A_710, %get3A_711] : memref<5x64xi32, #tpu.memory_space<vmem>> -> memref<1x64xi32, #tpu.memory_space<vmem>>
    %get3A_713 = tpu.memref_squeeze %get3A_712 : memref<1x64xi32, #tpu.memory_space<vmem>> -> memref<64xi32, #tpu.memory_space<vmem>>
    %get3A_714 = arith.constant 48 : index
    %get3A_715 = tpu.vector_load %get3A_713[%get3A_714] {strides = array<i32>} : memref<64xi32, #tpu.memory_space<vmem>>, vector<16xi32>,
    %get3A_716 = vector.shape_cast %get3A_715 : vector<16xi32> to vector<16xi32>
    %and3A_717 = arith.constant 65535 : i32
    %and3A_718 = vector.broadcast %and3A_717 : i32 to vector<16xi32>
    %and3A_719 = arith.andi %get3A_716, %and3A_718 : vector<16xi32>
    %swap3A_720 = arith.constant 256 : i32
    %swap3A_721 = tpu.memref_slice %arg6[%swap3A_720] : memref<320xi32, #tpu.memory_space<vmem>> -> memref<64xi32, #tpu.memory_space<vmem>>
    %swap3A_722 = arith.constant 48 : index
    %swap3A_723 = tpu.vector_load %swap3A_721[%swap3A_722] {strides = array<i32>} : memref<64xi32, #tpu.memory_space<vmem>>, vector<16xi32>,
    %swap3A_724 = vector.shape_cast %swap3A_723 : vector<16xi32> to vector<16xi32>
    %swap3A_725 = vector.shape_cast %and3A_719 : vector<16xi32> to vector<16xi32>
    tpu.vector_store %swap3A_721[%swap3A_722], %swap3A_725 {strides = array<i32>} : memref<64xi32, #tpu.memory_space<vmem>>, vector<16xi32>,
    %shift_right_logical3A_726 = arith.constant 16 : i32
    %shift_right_logical3A_727 = vector.broadcast %shift_right_logical3A_726 : i32 to vector<16xi32>
    %shift_right_logical3A_728 = arith.shrui %get3A_716, %shift_right_logical3A_727 : vector<16xi32>
    %swap3A_729 = arith.constant 48 : index
    %swap3A_730 = tpu.vector_load %arg11[%swap3A_729] {strides = array<i32>} : memref<64xi32, #tpu.memory_space<vmem>>, vector<16xi32>,
    %swap3A_731 = vector.shape_cast %swap3A_730 : vector<16xi32> to vector<16xi32>
    %swap3A_732 = vector.shape_cast %shift_right_logical3A_728 : vector<16xi32> to vector<16xi32>
    tpu.vector_store %arg11[%swap3A_729], %swap3A_732 {strides = array<i32>} : memref<64xi32, #tpu.memory_space<vmem>>, vector<16xi32>,
    %dma_start3A_733 = arith.constant 256 : i32
    %dma_start3A_734 = tpu.memref_slice %arg6[%dma_start3A_733] : memref<320xi32, #tpu.memory_space<vmem>> -> memref<64xi32, #tpu.memory_space<vmem>>
    %dma_start3A_735 = arith.constant 0 : i32
    %dma_start3A_736 = arith.constant 0 : i32
    %dma_start3A_737 = tpu.memref_slice %arg3[%dma_start3A_735, %dma_start3A_736] : memref<10000x128xf32, #tpu.memory_space<hbm>> -> memref<10000x128xf32, #tpu.memory_space<hbm>>
    tpu.enqueue_indirect_dma source(%dma_start3A_737 : memref<10000x128xf32, #tpu.memory_space<hbm>>) target(%arg16 : memref<64x128xf32, #tpu.memory_space<vmem>>) offsets(%dma_start3A_734 : memref<64xi32, #tpu.memory_space<vmem>>) semaphore(%arg22 : memref<!tpu.dma_semaphore, #tpu.memory_space<semaphore_mem>>)
    %dma_start3A_738 = arith.constant 9 : i32
    %dma_start3A_739 = arith.constant 4 : i32
    %dma_start3A_740 = arith.constant 0 : i32
    %dma_start3A_741 = tpu.memref_slice %arg5[%dma_start3A_739, %dma_start3A_740] : memref<5x64xi32, #tpu.memory_space<vmem>> -> memref<1x64xi32, #tpu.memory_space<vmem>>
    %dma_start3A_742 = tpu.memref_squeeze %dma_start3A_741 : memref<1x64xi32, #tpu.memory_space<vmem>> -> memref<64xi32, #tpu.memory_space<vmem>>
    %dma_start3A_743 = arith.constant 0 : i32
    %dma_start3A_744 = tpu.memref_slice %arg2[%add3A, %dma_start3A_738, %dma_start3A_743] : memref<32x160x64xi32, #tpu.memory_space<hbm>> -> memref<1x1x64xi32, #tpu.memory_space<hbm>>
    %dma_start3A_745 = tpu.memref_squeeze %dma_start3A_744 : memref<1x1x64xi32, #tpu.memory_space<hbm>> -> memref<64xi32, #tpu.memory_space<hbm>>
    %dma_start3A_746 = arith.constant 0 : i32
    %dma_start3A_747 = tpu.memref_slice %arg5[%dma_start3A_739, %dma_start3A_746] : memref<5x64xi32, #tpu.memory_space<vmem>> -> memref<1x64xi32, #tpu.memory_space<vmem>>
    %dma_start3A_748 = tpu.memref_squeeze %dma_start3A_747 : memref<1x64xi32, #tpu.memory_space<vmem>> -> memref<64xi32, #tpu.memory_space<vmem>>
    %dma_start3A_749 = arith.constant 0 : i32
    %dma_start3A_750 = tpu.memref_slice %arg2[%add3A, %dma_start3A_738, %dma_start3A_749] : memref<32x160x64xi32, #tpu.memory_space<hbm>> -> memref<1x1x64xi32, #tpu.memory_space<hbm>>
    %dma_start3A_751 = tpu.memref_squeeze %dma_start3A_750 : memref<1x1x64xi32, #tpu.memory_space<hbm>> -> memref<64xi32, #tpu.memory_space<hbm>>
    tpu.enqueue_dma source(%dma_start3A_751 : memref<64xi32, #tpu.memory_space<hbm>>) target(%dma_start3A_748 : memref<64xi32, #tpu.memory_space<vmem>>) target_semaphore(%arg27 : memref<!tpu.dma_semaphore, #tpu.memory_space<semaphore_mem>>)
    %dma_wait3A_752 = arith.constant 128 : i32
    %dma_wait3A_753 = tpu.memref_slice %arg6[%dma_wait3A_752] : memref<320xi32, #tpu.memory_space<vmem>> -> memref<64xi32, #tpu.memory_space<vmem>>
    %dma_wait3A_754 = arith.constant 0 : i32
    %dma_wait3A_755 = arith.constant 0 : i32
    %dma_wait3A_756 = tpu.memref_slice %arg3[%dma_wait3A_754, %dma_wait3A_755] : memref<10000x128xf32, #tpu.memory_space<hbm>> -> memref<10000x128xf32, #tpu.memory_space<hbm>>
    tpu.wait_indirect_dma semaphore(%arg20 : memref<!tpu.dma_semaphore, #tpu.memory_space<semaphore_mem>>) src(%dma_wait3A_756 : memref<10000x128xf32, #tpu.memory_space<hbm>>) dst(%arg14 : memref<64x128xf32, #tpu.memory_space<vmem>>)
    %dma_start3A_757 = arith.constant 0 : i32
    %dma_start3A_758 = arith.constant 0 : i32
    %dma_start3A_759 = tpu.memref_slice %arg17[%dma_start3A_757, %dma_start3A_758] : memref<10016x128xf32, #tpu.memory_space<vmem_shared>> -> memref<10016x128xf32, #tpu.memory_space<vmem_shared>>
    tpu.enqueue_indirect_dma source(%arg14 : memref<64x128xf32, #tpu.memory_space<vmem>>) target(%dma_start3A_759 : memref<10016x128xf32, #tpu.memory_space<vmem_shared>>) offsets(%arg9 : memref<64xi32, #tpu.memory_space<vmem>>) semaphore(%arg30 : memref<!tpu.dma_semaphore, #tpu.memory_space<semaphore_mem>>) {add = true}
    %dma_wait3A_760 = arith.constant 0 : i32
    %dma_wait3A_761 = arith.constant 0 : i32
    %dma_wait3A_762 = tpu.memref_slice %arg17[%dma_wait3A_760, %dma_wait3A_761] : memref<10016x128xf32, #tpu.memory_space<vmem_shared>> -> memref<10016x128xf32, #tpu.memory_space<vmem_shared>>
    tpu.wait_indirect_dma semaphore(%arg28 : memref<!tpu.dma_semaphore, #tpu.memory_space<semaphore_mem>>) src(%arg12 : memref<64x128xf32, #tpu.memory_space<vmem>>) dst(%dma_wait3A_762 : memref<10016x128xf32, #tpu.memory_space<vmem_shared>>)
    %dma_wait3A_763 = arith.constant 5 : i32
    %dma_wait3A_764 = arith.constant 0 : i32
    %dma_wait3A_765 = arith.constant 0 : i32
    %dma_wait3A_766 = tpu.memref_slice %arg5[%dma_wait3A_764, %dma_wait3A_765] : memref<5x64xi32, #tpu.memory_space<vmem>> -> memref<1x64xi32, #tpu.memory_space<vmem>>
    %dma_wait3A_767 = tpu.memref_squeeze %dma_wait3A_766 : memref<1x64xi32, #tpu.memory_space<vmem>> -> memref<64xi32, #tpu.memory_space<vmem>>
    %dma_wait3A_768 = arith.constant 0 : i32
    %dma_wait3A_769 = tpu.memref_slice %arg2[%add3A, %dma_wait3A_763, %dma_wait3A_768] : memref<32x160x64xi32, #tpu.memory_space<hbm>> -> memref<1x1x64xi32, #tpu.memory_space<hbm>>
    %dma_wait3A_770 = tpu.memref_squeeze %dma_wait3A_769 : memref<1x1x64xi32, #tpu.memory_space<hbm>> -> memref<64xi32, #tpu.memory_space<hbm>>
    %dma_wait3A_771 = arith.constant 0 : i32
    %dma_wait3A_772 = tpu.memref_slice %arg5[%dma_wait3A_764, %dma_wait3A_771] : memref<5x64xi32, #tpu.memory_space<vmem>> -> memref<1x64xi32, #tpu.memory_space<vmem>>
    %dma_wait3A_773 = tpu.memref_squeeze %dma_wait3A_772 : memref<1x64xi32, #tpu.memory_space<vmem>> -> memref<64xi32, #tpu.memory_space<vmem>>
    %dma_wait3A_774 = arith.constant 0 : i32
    %dma_wait3A_775 = tpu.memref_slice %arg2[%add3A, %dma_wait3A_763, %dma_wait3A_774] : memref<32x160x64xi32, #tpu.memory_space<hbm>> -> memref<1x1x64xi32, #tpu.memory_space<hbm>>
    %dma_wait3A_776 = tpu.memref_squeeze %dma_wait3A_775 : memref<1x1x64xi32, #tpu.memory_space<hbm>> -> memref<64xi32, #tpu.memory_space<hbm>>
    tpu.wait_dma2 semaphore(%arg23 : memref<!tpu.dma_semaphore, #tpu.memory_space<semaphore_mem>>) src(%dma_wait3A_776 : memref<64xi32, #tpu.memory_space<hbm>>) dst(%dma_wait3A_773 : memref<64xi32, #tpu.memory_space<vmem>>)
    %get3A_777 = arith.constant 0 : i32
    %get3A_778 = arith.constant 0 : i32
    %get3A_779 = tpu.memref_slice %arg5[%get3A_777, %get3A_778] : memref<5x64xi32, #tpu.memory_space<vmem>> -> memref<1x64xi32, #tpu.memory_space<vmem>>
    %get3A_780 = tpu.memref_squeeze %get3A_779 : memref<1x64xi32, #tpu.memory_space<vmem>> -> memref<64xi32, #tpu.memory_space<vmem>>
    %get3A_781 = arith.constant 0 : index
    %get3A_782 = tpu.vector_load %get3A_780[%get3A_781] {strides = array<i32>} : memref<64xi32, #tpu.memory_space<vmem>>, vector<16xi32>,
    %get3A_783 = vector.shape_cast %get3A_782 : vector<16xi32> to vector<16xi32>
    %and3A_784 = arith.constant 65535 : i32
    %and3A_785 = vector.broadcast %and3A_784 : i32 to vector<16xi32>
    %and3A_786 = arith.andi %get3A_783, %and3A_785 : vector<16xi32>
    %swap3A_787 = arith.constant 0 : i32
    %swap3A_788 = tpu.memref_slice %arg6[%swap3A_787] : memref<320xi32, #tpu.memory_space<vmem>> -> memref<64xi32, #tpu.memory_space<vmem>>
    %swap3A_789 = arith.constant 0 : index
    %swap3A_790 = tpu.vector_load %swap3A_788[%swap3A_789] {strides = array<i32>} : memref<64xi32, #tpu.memory_space<vmem>>, vector<16xi32>,
    %swap3A_791 = vector.shape_cast %swap3A_790 : vector<16xi32> to vector<16xi32>
    %swap3A_792 = vector.shape_cast %and3A_786 : vector<16xi32> to vector<16xi32>
    tpu.vector_store %swap3A_788[%swap3A_789], %swap3A_792 {strides = array<i32>} : memref<64xi32, #tpu.memory_space<vmem>>, vector<16xi32>,
    %shift_right_logical3A_793 = arith.constant 16 : i32
    %shift_right_logical3A_794 = vector.broadcast %shift_right_logical3A_793 : i32 to vector<16xi32>
    %shift_right_logical3A_795 = arith.shrui %get3A_783, %shift_right_logical3A_794 : vector<16xi32>
    %swap3A_796 = arith.constant 0 : index
    %swap3A_797 = tpu.vector_load %arg7[%swap3A_796] {strides = array<i32>} : memref<64xi32, #tpu.memory_space<vmem>>, vector<16xi32>,
    %swap3A_798 = vector.shape_cast %swap3A_797 : vector<16xi32> to vector<16xi32>
    %swap3A_799 = vector.shape_cast %shift_right_logical3A_795 : vector<16xi32> to vector<16xi32>
    tpu.vector_store %arg7[%swap3A_796], %swap3A_799 {strides = array<i32>} : memref<64xi32, #tpu.memory_space<vmem>>, vector<16xi32>,
    %get3A_800 = arith.constant 0 : i32
    %get3A_801 = arith.constant 0 : i32
    %get3A_802 = tpu.memref_slice %arg5[%get3A_800, %get3A_801] : memref<5x64xi32, #tpu.memory_space<vmem>> -> memref<1x64xi32, #tpu.memory_space<vmem>>
    %get3A_803 = tpu.memref_squeeze %get3A_802 : memref<1x64xi32, #tpu.memory_space<vmem>> -> memref<64xi32, #tpu.memory_space<vmem>>
    %get3A_804 = arith.constant 16 : index
    %get3A_805 = tpu.vector_load %get3A_803[%get3A_804] {strides = array<i32>} : memref<64xi32, #tpu.memory_space<vmem>>, vector<16xi32>,
    %get3A_806 = vector.shape_cast %get3A_805 : vector<16xi32> to vector<16xi32>
    %and3A_807 = arith.constant 65535 : i32
    %and3A_808 = vector.broadcast %and3A_807 : i32 to vector<16xi32>
    %and3A_809 = arith.andi %get3A_806, %and3A_808 : vector<16xi32>
    %swap3A_810 = arith.constant 0 : i32
    %swap3A_811 = tpu.memref_slice %arg6[%swap3A_810] : memref<320xi32, #tpu.memory_space<vmem>> -> memref<64xi32, #tpu.memory_space<vmem>>
    %swap3A_812 = arith.constant 16 : index
    %swap3A_813 = tpu.vector_load %swap3A_811[%swap3A_812] {strides = array<i32>} : memref<64xi32, #tpu.memory_space<vmem>>, vector<16xi32>,
    %swap3A_814 = vector.shape_cast %swap3A_813 : vector<16xi32> to vector<16xi32>
    %swap3A_815 = vector.shape_cast %and3A_809 : vector<16xi32> to vector<16xi32>
    tpu.vector_store %swap3A_811[%swap3A_812], %swap3A_815 {strides = array<i32>} : memref<64xi32, #tpu.memory_space<vmem>>, vector<16xi32>,
    %shift_right_logical3A_816 = arith.constant 16 : i32
    %shift_right_logical3A_817 = vector.broadcast %shift_right_logical3A_816 : i32 to vector<16xi32>
    %shift_right_logical3A_818 = arith.shrui %get3A_806, %shift_right_logical3A_817 : vector<16xi32>
    %swap3A_819 = arith.constant 16 : index
    %swap3A_820 = tpu.vector_load %arg7[%swap3A_819] {strides = array<i32>} : memref<64xi32, #tpu.memory_space<vmem>>, vector<16xi32>,
    %swap3A_821 = vector.shape_cast %swap3A_820 : vector<16xi32> to vector<16xi32>
    %swap3A_822 = vector.shape_cast %shift_right_logical3A_818 : vector<16xi32> to vector<16xi32>
    tpu.vector_store %arg7[%swap3A_819], %swap3A_822 {strides = array<i32>} : memref<64xi32, #tpu.memory_space<vmem>>, vector<16xi32>,
    %get3A_823 = arith.constant 0 : i32
    %get3A_824 = arith.constant 0 : i32
    %get3A_825 = tpu.memref_slice %arg5[%get3A_823, %get3A_824] : memref<5x64xi32, #tpu.memory_space<vmem>> -> memref<1x64xi32, #tpu.memory_space<vmem>>
    %get3A_826 = tpu.memref_squeeze %get3A_825 : memref<1x64xi32, #tpu.memory_space<vmem>> -> memref<64xi32, #tpu.memory_space<vmem>>
    %get3A_827 = arith.constant 32 : index
    %get3A_828 = tpu.vector_load %get3A_826[%get3A_827] {strides = array<i32>} : memref<64xi32, #tpu.memory_space<vmem>>, vector<16xi32>,
    %get3A_829 = vector.shape_cast %get3A_828 : vector<16xi32> to vector<16xi32>
    %and3A_830 = arith.constant 65535 : i32
    %and3A_831 = vector.broadcast %and3A_830 : i32 to vector<16xi32>
    %and3A_832 = arith.andi %get3A_829, %and3A_831 : vector<16xi32>
    %swap3A_833 = arith.constant 0 : i32
    %swap3A_834 = tpu.memref_slice %arg6[%swap3A_833] : memref<320xi32, #tpu.memory_space<vmem>> -> memref<64xi32, #tpu.memory_space<vmem>>
    %swap3A_835 = arith.constant 32 : index
    %swap3A_836 = tpu.vector_load %swap3A_834[%swap3A_835] {strides = array<i32>} : memref<64xi32, #tpu.memory_space<vmem>>, vector<16xi32>,
    %swap3A_837 = vector.shape_cast %swap3A_836 : vector<16xi32> to vector<16xi32>
    %swap3A_838 = vector.shape_cast %and3A_832 : vector<16xi32> to vector<16xi32>
    tpu.vector_store %swap3A_834[%swap3A_835], %swap3A_838 {strides = array<i32>} : memref<64xi32, #tpu.memory_space<vmem>>, vector<16xi32>,
    %shift_right_logical3A_839 = arith.constant 16 : i32
    %shift_right_logical3A_840 = vector.broadcast %shift_right_logical3A_839 : i32 to vector<16xi32>
    %shift_right_logical3A_841 = arith.shrui %get3A_829, %shift_right_logical3A_840 : vector<16xi32>
    %swap3A_842 = arith.constant 32 : index
    %swap3A_843 = tpu.vector_load %arg7[%swap3A_842] {strides = array<i32>} : memref<64xi32, #tpu.memory_space<vmem>>, vector<16xi32>,
    %swap3A_844 = vector.shape_cast %swap3A_843 : vector<16xi32> to vector<16xi32>
    %swap3A_845 = vector.shape_cast %shift_right_logical3A_841 : vector<16xi32> to vector<16xi32>
    tpu.vector_store %arg7[%swap3A_842], %swap3A_845 {strides = array<i32>} : memref<64xi32, #tpu.memory_space<vmem>>, vector<16xi32>,
    %get3A_846 = arith.constant 0 : i32
    %get3A_847 = arith.constant 0 : i32
    %get3A_848 = tpu.memref_slice %arg5[%get3A_846, %get3A_847] : memref<5x64xi32, #tpu.memory_space<vmem>> -> memref<1x64xi32, #tpu.memory_space<vmem>>
    %get3A_849 = tpu.memref_squeeze %get3A_848 : memref<1x64xi32, #tpu.memory_space<vmem>> -> memref<64xi32, #tpu.memory_space<vmem>>
    %get3A_850 = arith.constant 48 : index
    %get3A_851 = tpu.vector_load %get3A_849[%get3A_850] {strides = array<i32>} : memref<64xi32, #tpu.memory_space<vmem>>, vector<16xi32>,
    %get3A_852 = vector.shape_cast %get3A_851 : vector<16xi32> to vector<16xi32>
    %and3A_853 = arith.constant 65535 : i32
    %and3A_854 = vector.broadcast %and3A_853 : i32 to vector<16xi32>
    %and3A_855 = arith.andi %get3A_852, %and3A_854 : vector<16xi32>
    %swap3A_856 = arith.constant 0 : i32
    %swap3A_857 = tpu.memref_slice %arg6[%swap3A_856] : memref<320xi32, #tpu.memory_space<vmem>> -> memref<64xi32, #tpu.memory_space<vmem>>
    %swap3A_858 = arith.constant 48 : index
    %swap3A_859 = tpu.vector_load %swap3A_857[%swap3A_858] {strides = array<i32>} : memref<64xi32, #tpu.memory_space<vmem>>, vector<16xi32>,
    %swap3A_860 = vector.shape_cast %swap3A_859 : vector<16xi32> to vector<16xi32>
    %swap3A_861 = vector.shape_cast %and3A_855 : vector<16xi32> to vector<16xi32>
    tpu.vector_store %swap3A_857[%swap3A_858], %swap3A_861 {strides = array<i32>} : memref<64xi32, #tpu.memory_space<vmem>>, vector<16xi32>,
    %shift_right_logical3A_862 = arith.constant 16 : i32
    %shift_right_logical3A_863 = vector.broadcast %shift_right_logical3A_862 : i32 to vector<16xi32>
    %shift_right_logical3A_864 = arith.shrui %get3A_852, %shift_right_logical3A_863 : vector<16xi32>
    %swap3A_865 = arith.constant 48 : index
    %swap3A_866 = tpu.vector_load %arg7[%swap3A_865] {strides = array<i32>} : memref<64xi32, #tpu.memory_space<vmem>>, vector<16xi32>,
    %swap3A_867 = vector.shape_cast %swap3A_866 : vector<16xi32> to vector<16xi32>
    %swap3A_868 = vector.shape_cast %shift_right_logical3A_864 : vector<16xi32> to vector<16xi32>
    tpu.vector_store %arg7[%swap3A_865], %swap3A_868 {strides = array<i32>} : memref<64xi32, #tpu.memory_space<vmem>>, vector<16xi32>,
    %dma_start3A_869 = arith.constant 0 : i32
    %dma_start3A_870 = tpu.memref_slice %arg6[%dma_start3A_869] : memref<320xi32, #tpu.memory_space<vmem>> -> memref<64xi32, #tpu.memory_space<vmem>>
    %dma_start3A_871 = arith.constant 0 : i32
    %dma_start3A_872 = arith.constant 0 : i32
    %dma_start3A_873 = tpu.memref_slice %arg3[%dma_start3A_871, %dma_start3A_872] : memref<10000x128xf32, #tpu.memory_space<hbm>> -> memref<10000x128xf32, #tpu.memory_space<hbm>>
    tpu.enqueue_indirect_dma source(%dma_start3A_873 : memref<10000x128xf32, #tpu.memory_space<hbm>>) target(%arg12 : memref<64x128xf32, #tpu.memory_space<vmem>>) offsets(%dma_start3A_870 : memref<64xi32, #tpu.memory_space<vmem>>) semaphore(%arg18 : memref<!tpu.dma_semaphore, #tpu.memory_space<semaphore_mem>>)
    %dma_start3A_874 = arith.constant 10 : i32
    %dma_start3A_875 = arith.constant 0 : i32
    %dma_start3A_876 = arith.constant 0 : i32
    %dma_start3A_877 = tpu.memref_slice %arg5[%dma_start3A_875, %dma_start3A_876] : memref<5x64xi32, #tpu.memory_space<vmem>> -> memref<1x64xi32, #tpu.memory_space<vmem>>
    %dma_start3A_878 = tpu.memref_squeeze %dma_start3A_877 : memref<1x64xi32, #tpu.memory_space<vmem>> -> memref<64xi32, #tpu.memory_space<vmem>>
    %dma_start3A_879 = arith.constant 0 : i32
    %dma_start3A_880 = tpu.memref_slice %arg2[%add3A, %dma_start3A_874, %dma_start3A_879] : memref<32x160x64xi32, #tpu.memory_space<hbm>> -> memref<1x1x64xi32, #tpu.memory_space<hbm>>
    %dma_start3A_881 = tpu.memref_squeeze %dma_start3A_880 : memref<1x1x64xi32, #tpu.memory_space<hbm>> -> memref<64xi32, #tpu.memory_space<hbm>>
    %dma_start3A_882 = arith.constant 0 : i32
    %dma_start3A_883 = tpu.memref_slice %arg5[%dma_start3A_875, %dma_start3A_882] : memref<5x64xi32, #tpu.memory_space<vmem>> -> memref<1x64xi32, #tpu.memory_space<vmem>>
    %dma_start3A_884 = tpu.memref_squeeze %dma_start3A_883 : memref<1x64xi32, #tpu.memory_space<vmem>> -> memref<64xi32, #tpu.memory_space<vmem>>
    %dma_start3A_885 = arith.constant 0 : i32
    %dma_start3A_886 = tpu.memref_slice %arg2[%add3A, %dma_start3A_874, %dma_start3A_885] : memref<32x160x64xi32, #tpu.memory_space<hbm>> -> memref<1x1x64xi32, #tpu.memory_space<hbm>>
    %dma_start3A_887 = tpu.memref_squeeze %dma_start3A_886 : memref<1x1x64xi32, #tpu.memory_space<hbm>> -> memref<64xi32, #tpu.memory_space<hbm>>
    tpu.enqueue_dma source(%dma_start3A_887 : memref<64xi32, #tpu.memory_space<hbm>>) target(%dma_start3A_884 : memref<64xi32, #tpu.memory_space<vmem>>) target_semaphore(%arg23 : memref<!tpu.dma_semaphore, #tpu.memory_space<semaphore_mem>>)
    %dma_wait3A_888 = arith.constant 192 : i32
    %dma_wait3A_889 = tpu.memref_slice %arg6[%dma_wait3A_888] : memref<320xi32, #tpu.memory_space<vmem>> -> memref<64xi32, #tpu.memory_space<vmem>>
    %dma_wait3A_890 = arith.constant 0 : i32
    %dma_wait3A_891 = arith.constant 0 : i32
    %dma_wait3A_892 = tpu.memref_slice %arg3[%dma_wait3A_890, %dma_wait3A_891] : memref<10000x128xf32, #tpu.memory_space<hbm>> -> memref<10000x128xf32, #tpu.memory_space<hbm>>
    tpu.wait_indirect_dma semaphore(%arg21 : memref<!tpu.dma_semaphore, #tpu.memory_space<semaphore_mem>>) src(%dma_wait3A_892 : memref<10000x128xf32, #tpu.memory_space<hbm>>) dst(%arg15 : memref<64x128xf32, #tpu.memory_space<vmem>>)
    %dma_start3A_893 = arith.constant 0 : i32
    %dma_start3A_894 = arith.constant 0 : i32
    %dma_start3A_895 = tpu.memref_slice %arg17[%dma_start3A_893, %dma_start3A_894] : memref<10016x128xf32, #tpu.memory_space<vmem_shared>> -> memref<10016x128xf32, #tpu.memory_space<vmem_shared>>
    tpu.enqueue_indirect_dma source(%arg15 : memref<64x128xf32, #tpu.memory_space<vmem>>) target(%dma_start3A_895 : memref<10016x128xf32, #tpu.memory_space<vmem_shared>>) offsets(%arg10 : memref<64xi32, #tpu.memory_space<vmem>>) semaphore(%arg31 : memref<!tpu.dma_semaphore, #tpu.memory_space<semaphore_mem>>) {add = true}
    %dma_wait3A_896 = arith.constant 0 : i32
    %dma_wait3A_897 = arith.constant 0 : i32
    %dma_wait3A_898 = tpu.memref_slice %arg17[%dma_wait3A_896, %dma_wait3A_897] : memref<10016x128xf32, #tpu.memory_space<vmem_shared>> -> memref<10016x128xf32, #tpu.memory_space<vmem_shared>>
    tpu.wait_indirect_dma semaphore(%arg29 : memref<!tpu.dma_semaphore, #tpu.memory_space<semaphore_mem>>) src(%arg13 : memref<64x128xf32, #tpu.memory_space<vmem>>) dst(%dma_wait3A_898 : memref<10016x128xf32, #tpu.memory_space<vmem_shared>>)
    %dma_wait3A_899 = arith.constant 6 : i32
    %dma_wait3A_900 = arith.constant 1 : i32
    %dma_wait3A_901 = arith.constant 0 : i32
    %dma_wait3A_902 = tpu.memref_slice %arg5[%dma_wait3A_900, %dma_wait3A_901] : memref<5x64xi32, #tpu.memory_space<vmem>> -> memref<1x64xi32, #tpu.memory_space<vmem>>
    %dma_wait3A_903 = tpu.memref_squeeze %dma_wait3A_902 : memref<1x64xi32, #tpu.memory_space<vmem>> -> memref<64xi32, #tpu.memory_space<vmem>>
    %dma_wait3A_904 = arith.constant 0 : i32
    %dma_wait3A_905 = tpu.memref_slice %arg2[%add3A, %dma_wait3A_899, %dma_wait3A_904] : memref<32x160x64xi32, #tpu.memory_space<hbm>> -> memref<1x1x64xi32, #tpu.memory_space<hbm>>
    %dma_wait3A_906 = tpu.memref_squeeze %dma_wait3A_905 : memref<1x1x64xi32, #tpu.memory_space<hbm>> -> memref<64xi32, #tpu.memory_space<hbm>>
    %dma_wait3A_907 = arith.constant 0 : i32
    %dma_wait3A_908 = tpu.memref_slice %arg5[%dma_wait3A_900, %dma_wait3A_907] : memref<5x64xi32, #tpu.memory_space<vmem>> -> memref<1x64xi32, #tpu.memory_space<vmem>>
    %dma_wait3A_909 = tpu.memref_squeeze %dma_wait3A_908 : memref<1x64xi32, #tpu.memory_space<vmem>> -> memref<64xi32, #tpu.memory_space<vmem>>
    %dma_wait3A_910 = arith.constant 0 : i32
    %dma_wait3A_911 = tpu.memref_slice %arg2[%add3A, %dma_wait3A_899, %dma_wait3A_910] : memref<32x160x64xi32, #tpu.memory_space<hbm>> -> memref<1x1x64xi32, #tpu.memory_space<hbm>>
    %dma_wait3A_912 = tpu.memref_squeeze %dma_wait3A_911 : memref<1x1x64xi32, #tpu.memory_space<hbm>> -> memref<64xi32, #tpu.memory_space<hbm>>
    tpu.wait_dma2 semaphore(%arg24 : memref<!tpu.dma_semaphore, #tpu.memory_space<semaphore_mem>>) src(%dma_wait3A_912 : memref<64xi32, #tpu.memory_space<hbm>>) dst(%dma_wait3A_909 : memref<64xi32, #tpu.memory_space<vmem>>)
    %get3A_913 = arith.constant 1 : i32
    %get3A_914 = arith.constant 0 : i32
    %get3A_915 = tpu.memref_slice %arg5[%get3A_913, %get3A_914] : memref<5x64xi32, #tpu.memory_space<vmem>> -> memref<1x64xi32, #tpu.memory_space<vmem>>
    %get3A_916 = tpu.memref_squeeze %get3A_915 : memref<1x64xi32, #tpu.memory_space<vmem>> -> memref<64xi32, #tpu.memory_space<vmem>>
    %get3A_917 = arith.constant 0 : index
    %get3A_918 = tpu.vector_load %get3A_916[%get3A_917] {strides = array<i32>} : memref<64xi32, #tpu.memory_space<vmem>>, vector<16xi32>,
    %get3A_919 = vector.shape_cast %get3A_918 : vector<16xi32> to vector<16xi32>
    %and3A_920 = arith.constant 65535 : i32
    %and3A_921 = vector.broadcast %and3A_920 : i32 to vector<16xi32>
    %and3A_922 = arith.andi %get3A_919, %and3A_921 : vector<16xi32>
    %swap3A_923 = arith.constant 64 : i32
    %swap3A_924 = tpu.memref_slice %arg6[%swap3A_923] : memref<320xi32, #tpu.memory_space<vmem>> -> memref<64xi32, #tpu.memory_space<vmem>>
    %swap3A_925 = arith.constant 0 : index
    %swap3A_926 = tpu.vector_load %swap3A_924[%swap3A_925] {strides = array<i32>} : memref<64xi32, #tpu.memory_space<vmem>>, vector<16xi32>,
    %swap3A_927 = vector.shape_cast %swap3A_926 : vector<16xi32> to vector<16xi32>
    %swap3A_928 = vector.shape_cast %and3A_922 : vector<16xi32> to vector<16xi32>
    tpu.vector_store %swap3A_924[%swap3A_925], %swap3A_928 {strides = array<i32>} : memref<64xi32, #tpu.memory_space<vmem>>, vector<16xi32>,
    %shift_right_logical3A_929 = arith.constant 16 : i32
    %shift_right_logical3A_930 = vector.broadcast %shift_right_logical3A_929 : i32 to vector<16xi32>
    %shift_right_logical3A_931 = arith.shrui %get3A_919, %shift_right_logical3A_930 : vector<16xi32>
    %swap3A_932 = arith.constant 0 : index
    %swap3A_933 = tpu.vector_load %arg8[%swap3A_932] {strides = array<i32>} : memref<64xi32, #tpu.memory_space<vmem>>, vector<16xi32>,
    %swap3A_934 = vector.shape_cast %swap3A_933 : vector<16xi32> to vector<16xi32>
    %swap3A_935 = vector.shape_cast %shift_right_logical3A_931 : vector<16xi32> to vector<16xi32>
    tpu.vector_store %arg8[%swap3A_932], %swap3A_935 {strides = array<i32>} : memref<64xi32, #tpu.memory_space<vmem>>, vector<16xi32>,
    %get3A_936 = arith.constant 1 : i32
    %get3A_937 = arith.constant 0 : i32
    %get3A_938 = tpu.memref_slice %arg5[%get3A_936, %get3A_937] : memref<5x64xi32, #tpu.memory_space<vmem>> -> memref<1x64xi32, #tpu.memory_space<vmem>>
    %get3A_939 = tpu.memref_squeeze %get3A_938 : memref<1x64xi32, #tpu.memory_space<vmem>> -> memref<64xi32, #tpu.memory_space<vmem>>
    %get3A_940 = arith.constant 16 : index
    %get3A_941 = tpu.vector_load %get3A_939[%get3A_940] {strides = array<i32>} : memref<64xi32, #tpu.memory_space<vmem>>, vector<16xi32>,
    %get3A_942 = vector.shape_cast %get3A_941 : vector<16xi32> to vector<16xi32>
    %and3A_943 = arith.constant 65535 : i32
    %and3A_944 = vector.broadcast %and3A_943 : i32 to vector<16xi32>
    %and3A_945 = arith.andi %get3A_942, %and3A_944 : vector<16xi32>
    %swap3A_946 = arith.constant 64 : i32
    %swap3A_947 = tpu.memref_slice %arg6[%swap3A_946] : memref<320xi32, #tpu.memory_space<vmem>> -> memref<64xi32, #tpu.memory_space<vmem>>
    %swap3A_948 = arith.constant 16 : index
    %swap3A_949 = tpu.vector_load %swap3A_947[%swap3A_948] {strides = array<i32>} : memref<64xi32, #tpu.memory_space<vmem>>, vector<16xi32>,
    %swap3A_950 = vector.shape_cast %swap3A_949 : vector<16xi32> to vector<16xi32>
    %swap3A_951 = vector.shape_cast %and3A_945 : vector<16xi32> to vector<16xi32>
    tpu.vector_store %swap3A_947[%swap3A_948], %swap3A_951 {strides = array<i32>} : memref<64xi32, #tpu.memory_space<vmem>>, vector<16xi32>,
    %shift_right_logical3A_952 = arith.constant 16 : i32
    %shift_right_logical3A_953 = vector.broadcast %shift_right_logical3A_952 : i32 to vector<16xi32>
    %shift_right_logical3A_954 = arith.shrui %get3A_942, %shift_right_logical3A_953 : vector<16xi32>
    %swap3A_955 = arith.constant 16 : index
    %swap3A_956 = tpu.vector_load %arg8[%swap3A_955] {strides = array<i32>} : memref<64xi32, #tpu.memory_space<vmem>>, vector<16xi32>,
    %swap3A_957 = vector.shape_cast %swap3A_956 : vector<16xi32> to vector<16xi32>
    %swap3A_958 = vector.shape_cast %shift_right_logical3A_954 : vector<16xi32> to vector<16xi32>
    tpu.vector_store %arg8[%swap3A_955], %swap3A_958 {strides = array<i32>} : memref<64xi32, #tpu.memory_space<vmem>>, vector<16xi32>,
    %get3A_959 = arith.constant 1 : i32
    %get3A_960 = arith.constant 0 : i32
    %get3A_961 = tpu.memref_slice %arg5[%get3A_959, %get3A_960] : memref<5x64xi32, #tpu.memory_space<vmem>> -> memref<1x64xi32, #tpu.memory_space<vmem>>
    %get3A_962 = tpu.memref_squeeze %get3A_961 : memref<1x64xi32, #tpu.memory_space<vmem>> -> memref<64xi32, #tpu.memory_space<vmem>>
    %get3A_963 = arith.constant 32 : index
    %get3A_964 = tpu.vector_load %get3A_962[%get3A_963] {strides = array<i32>} : memref<64xi32, #tpu.memory_space<vmem>>, vector<16xi32>,
    %get3A_965 = vector.shape_cast %get3A_964 : vector<16xi32> to vector<16xi32>
    %and3A_966 = arith.constant 65535 : i32
    %and3A_967 = vector.broadcast %and3A_966 : i32 to vector<16xi32>
    %and3A_968 = arith.andi %get3A_965, %and3A_967 : vector<16xi32>
    %swap3A_969 = arith.constant 64 : i32
    %swap3A_970 = tpu.memref_slice %arg6[%swap3A_969] : memref<320xi32, #tpu.memory_space<vmem>> -> memref<64xi32, #tpu.memory_space<vmem>>
    %swap3A_971 = arith.constant 32 : index
    %swap3A_972 = tpu.vector_load %swap3A_970[%swap3A_971] {strides = array<i32>} : memref<64xi32, #tpu.memory_space<vmem>>, vector<16xi32>,
    %swap3A_973 = vector.shape_cast %swap3A_972 : vector<16xi32> to vector<16xi32>
    %swap3A_974 = vector.shape_cast %and3A_968 : vector<16xi32> to vector<16xi32>
    tpu.vector_store %swap3A_970[%swap3A_971], %swap3A_974 {strides = array<i32>} : memref<64xi32, #tpu.memory_space<vmem>>, vector<16xi32>,
    %shift_right_logical3A_975 = arith.constant 16 : i32
    %shift_right_logical3A_976 = vector.broadcast %shift_right_logical3A_975 : i32 to vector<16xi32>
    %shift_right_logical3A_977 = arith.shrui %get3A_965, %shift_right_logical3A_976 : vector<16xi32>
    %swap3A_978 = arith.constant 32 : index
    %swap3A_979 = tpu.vector_load %arg8[%swap3A_978] {strides = array<i32>} : memref<64xi32, #tpu.memory_space<vmem>>, vector<16xi32>,
    %swap3A_980 = vector.shape_cast %swap3A_979 : vector<16xi32> to vector<16xi32>
    %swap3A_981 = vector.shape_cast %shift_right_logical3A_977 : vector<16xi32> to vector<16xi32>
    tpu.vector_store %arg8[%swap3A_978], %swap3A_981 {strides = array<i32>} : memref<64xi32, #tpu.memory_space<vmem>>, vector<16xi32>,
    %get3A_982 = arith.constant 1 : i32
    %get3A_983 = arith.constant 0 : i32
    %get3A_984 = tpu.memref_slice %arg5[%get3A_982, %get3A_983] : memref<5x64xi32, #tpu.memory_space<vmem>> -> memref<1x64xi32, #tpu.memory_space<vmem>>
    %get3A_985 = tpu.memref_squeeze %get3A_984 : memref<1x64xi32, #tpu.memory_space<vmem>> -> memref<64xi32, #tpu.memory_space<vmem>>
    %get3A_986 = arith.constant 48 : index
    %get3A_987 = tpu.vector_load %get3A_985[%get3A_986] {strides = array<i32>} : memref<64xi32, #tpu.memory_space<vmem>>, vector<16xi32>,
    %get3A_988 = vector.shape_cast %get3A_987 : vector<16xi32> to vector<16xi32>
    %and3A_989 = arith.constant 65535 : i32
    %and3A_990 = vector.broadcast %and3A_989 : i32 to vector<16xi32>
    %and3A_991 = arith.andi %get3A_988, %and3A_990 : vector<16xi32>
    %swap3A_992 = arith.constant 64 : i32
    %swap3A_993 = tpu.memref_slice %arg6[%swap3A_992] : memref<320xi32, #tpu.memory_space<vmem>> -> memref<64xi32, #tpu.memory_space<vmem>>
    %swap3A_994 = arith.constant 48 : index
    %swap3A_995 = tpu.vector_load %swap3A_993[%swap3A_994] {strides = array<i32>} : memref<64xi32, #tpu.memory_space<vmem>>, vector<16xi32>,
    %swap3A_996 = vector.shape_cast %swap3A_995 : vector<16xi32> to vector<16xi32>
    %swap3A_997 = vector.shape_cast %and3A_991 : vector<16xi32> to vector<16xi32>
    tpu.vector_store %swap3A_993[%swap3A_994], %swap3A_997 {strides = array<i32>} : memref<64xi32, #tpu.memory_space<vmem>>, vector<16xi32>,
    %shift_right_logical3A_998 = arith.constant 16 : i32
    %shift_right_logical3A_999 = vector.broadcast %shift_right_logical3A_998 : i32 to vector<16xi32>
    %shift_right_logical3A_1000 = arith.shrui %get3A_988, %shift_right_logical3A_999 : vector<16xi32>
    %swap3A_1001 = arith.constant 48 : index
    %swap3A_1002 = tpu.vector_load %arg8[%swap3A_1001] {strides = array<i32>} : memref<64xi32, #tpu.memory_space<vmem>>, vector<16xi32>,
    %swap3A_1003 = vector.shape_cast %swap3A_1002 : vector<16xi32> to vector<16xi32>
    %swap3A_1004 = vector.shape_cast %shift_right_logical3A_1000 : vector<16xi32> to vector<16xi32>
    tpu.vector_store %arg8[%swap3A_1001], %swap3A_1004 {strides = array<i32>} : memref<64xi32, #tpu.memory_space<vmem>>, vector<16xi32>,
    %dma_start3A_1005 = arith.constant 64 : i32
    %dma_start3A_1006 = tpu.memref_slice %arg6[%dma_start3A_1005] : memref<320xi32, #tpu.memory_space<vmem>> -> memref<64xi32, #tpu.memory_space<vmem>>
    %dma_start3A_1007 = arith.constant 0 : i32
    %dma_start3A_1008 = arith.constant 0 : i32
    %dma_start3A_1009 = tpu.memref_slice %arg3[%dma_start3A_1007, %dma_start3A_1008] : memref<10000x128xf32, #tpu.memory_space<hbm>> -> memref<10000x128xf32, #tpu.memory_space<hbm>>
    tpu.enqueue_indirect_dma source(%dma_start3A_1009 : memref<10000x128xf32, #tpu.memory_space<hbm>>) target(%arg13 : memref<64x128xf32, #tpu.memory_space<vmem>>) offsets(%dma_start3A_1006 : memref<64xi32, #tpu.memory_space<vmem>>) semaphore(%arg19 : memref<!tpu.dma_semaphore, #tpu.memory_space<semaphore_mem>>)
    %dma_start3A_1010 = arith.constant 11 : i32
    %dma_start3A_1011 = arith.constant 1 : i32
    %dma_start3A_1012 = arith.constant 0 : i32
    %dma_start3A_1013 = tpu.memref_slice %arg5[%dma_start3A_1011, %dma_start3A_1012] : memref<5x64xi32, #tpu.memory_space<vmem>> -> memref<1x64xi32, #tpu.memory_space<vmem>>
    %dma_start3A_1014 = tpu.memref_squeeze %dma_start3A_1013 : memref<1x64xi32, #tpu.memory_space<vmem>> -> memref<64xi32, #tpu.memory_space<vmem>>
    %dma_start3A_1015 = arith.constant 0 : i32
    %dma_start3A_1016 = tpu.memref_slice %arg2[%add3A, %dma_start3A_1010, %dma_start3A_1015] : memref<32x160x64xi32, #tpu.memory_space<hbm>> -> memref<1x1x64xi32, #tpu.memory_space<hbm>>
    %dma_start3A_1017 = tpu.memref_squeeze %dma_start3A_1016 : memref<1x1x64xi32, #tpu.memory_space<hbm>> -> memref<64xi32, #tpu.memory_space<hbm>>
    %dma_start3A_1018 = arith.constant 0 : i32
    %dma_start3A_1019 = tpu.memref_slice %arg5[%dma_start3A_1011, %dma_start3A_1018] : memref<5x64xi32, #tpu.memory_space<vmem>> -> memref<1x64xi32, #tpu.memory_space<vmem>>
    %dma_start3A_1020 = tpu.memref_squeeze %dma_start3A_1019 : memref<1x64xi32, #tpu.memory_space<vmem>> -> memref<64xi32, #tpu.memory_space<vmem>>
    %dma_start3A_1021 = arith.constant 0 : i32
    %dma_start3A_1022 = tpu.memref_slice %arg2[%add3A, %dma_start3A_1010, %dma_start3A_1021] : memref<32x160x64xi32, #tpu.memory_space<hbm>> -> memref<1x1x64xi32, #tpu.memory_space<hbm>>
    %dma_start3A_1023 = tpu.memref_squeeze %dma_start3A_1022 : memref<1x1x64xi32, #tpu.memory_space<hbm>> -> memref<64xi32, #tpu.memory_space<hbm>>
    tpu.enqueue_dma source(%dma_start3A_1023 : memref<64xi32, #tpu.memory_space<hbm>>) target(%dma_start3A_1020 : memref<64xi32, #tpu.memory_space<vmem>>) target_semaphore(%arg24 : memref<!tpu.dma_semaphore, #tpu.memory_space<semaphore_mem>>)
    %dma_wait3A_1024 = arith.constant 256 : i32
    %dma_wait3A_1025 = tpu.memref_slice %arg6[%dma_wait3A_1024] : memref<320xi32, #tpu.memory_space<vmem>> -> memref<64xi32, #tpu.memory_space<vmem>>
    %dma_wait3A_1026 = arith.constant 0 : i32
    %dma_wait3A_1027 = arith.constant 0 : i32
    %dma_wait3A_1028 = tpu.memref_slice %arg3[%dma_wait3A_1026, %dma_wait3A_1027] : memref<10000x128xf32, #tpu.memory_space<hbm>> -> memref<10000x128xf32, #tpu.memory_space<hbm>>
    tpu.wait_indirect_dma semaphore(%arg22 : memref<!tpu.dma_semaphore, #tpu.memory_space<semaphore_mem>>) src(%dma_wait3A_1028 : memref<10000x128xf32, #tpu.memory_space<hbm>>) dst(%arg16 : memref<64x128xf32, #tpu.memory_space<vmem>>)
    %dma_start3A_1029 = arith.constant 0 : i32
    %dma_start3A_1030 = arith.constant 0 : i32
    %dma_start3A_1031 = tpu.memref_slice %arg17[%dma_start3A_1029, %dma_start3A_1030] : memref<10016x128xf32, #tpu.memory_space<vmem_shared>> -> memref<10016x128xf32, #tpu.memory_space<vmem_shared>>
    tpu.enqueue_indirect_dma source(%arg16 : memref<64x128xf32, #tpu.memory_space<vmem>>) target(%dma_start3A_1031 : memref<10016x128xf32, #tpu.memory_space<vmem_shared>>) offsets(%arg11 : memref<64xi32, #tpu.memory_space<vmem>>) semaphore(%arg32 : memref<!tpu.dma_semaphore, #tpu.memory_space<semaphore_mem>>) {add = true}
    %dma_wait3A_1032 = arith.constant 0 : i32
    %dma_wait3A_1033 = arith.constant 0 : i32
    %dma_wait3A_1034 = tpu.memref_slice %arg17[%dma_wait3A_1032, %dma_wait3A_1033] : memref<10016x128xf32, #tpu.memory_space<vmem_shared>> -> memref<10016x128xf32, #tpu.memory_space<vmem_shared>>
    tpu.wait_indirect_dma semaphore(%arg30 : memref<!tpu.dma_semaphore, #tpu.memory_space<semaphore_mem>>) src(%arg14 : memref<64x128xf32, #tpu.memory_space<vmem>>) dst(%dma_wait3A_1034 : memref<10016x128xf32, #tpu.memory_space<vmem_shared>>)
    %dma_wait3A_1035 = arith.constant 7 : i32
    %dma_wait3A_1036 = arith.constant 2 : i32
    %dma_wait3A_1037 = arith.constant 0 : i32
    %dma_wait3A_1038 = tpu.memref_slice %arg5[%dma_wait3A_1036, %dma_wait3A_1037] : memref<5x64xi32, #tpu.memory_space<vmem>> -> memref<1x64xi32, #tpu.memory_space<vmem>>
    %dma_wait3A_1039 = tpu.memref_squeeze %dma_wait3A_1038 : memref<1x64xi32, #tpu.memory_space<vmem>> -> memref<64xi32, #tpu.memory_space<vmem>>
    %dma_wait3A_1040 = arith.constant 0 : i32
    %dma_wait3A_1041 = tpu.memref_slice %arg2[%add3A, %dma_wait3A_1035, %dma_wait3A_1040] : memref<32x160x64xi32, #tpu.memory_space<hbm>> -> memref<1x1x64xi32, #tpu.memory_space<hbm>>
    %dma_wait3A_1042 = tpu.memref_squeeze %dma_wait3A_1041 : memref<1x1x64xi32, #tpu.memory_space<hbm>> -> memref<64xi32, #tpu.memory_space<hbm>>
    %dma_wait3A_1043 = arith.constant 0 : i32
    %dma_wait3A_1044 = tpu.memref_slice %arg5[%dma_wait3A_1036, %dma_wait3A_1043] : memref<5x64xi32, #tpu.memory_space<vmem>> -> memref<1x64xi32, #tpu.memory_space<vmem>>
    %dma_wait3A_1045 = tpu.memref_squeeze %dma_wait3A_1044 : memref<1x64xi32, #tpu.memory_space<vmem>> -> memref<64xi32, #tpu.memory_space<vmem>>
    %dma_wait3A_1046 = arith.constant 0 : i32
    %dma_wait3A_1047 = tpu.memref_slice %arg2[%add3A, %dma_wait3A_1035, %dma_wait3A_1046] : memref<32x160x64xi32, #tpu.memory_space<hbm>> -> memref<1x1x64xi32, #tpu.memory_space<hbm>>
    %dma_wait3A_1048 = tpu.memref_squeeze %dma_wait3A_1047 : memref<1x1x64xi32, #tpu.memory_space<hbm>> -> memref<64xi32, #tpu.memory_space<hbm>>
    tpu.wait_dma2 semaphore(%arg25 : memref<!tpu.dma_semaphore, #tpu.memory_space<semaphore_mem>>) src(%dma_wait3A_1048 : memref<64xi32, #tpu.memory_space<hbm>>) dst(%dma_wait3A_1045 : memref<64xi32, #tpu.memory_space<vmem>>)
    %get3A_1049 = arith.constant 2 : i32
    %get3A_1050 = arith.constant 0 : i32
    %get3A_1051 = tpu.memref_slice %arg5[%get3A_1049, %get3A_1050] : memref<5x64xi32, #tpu.memory_space<vmem>> -> memref<1x64xi32, #tpu.memory_space<vmem>>
    %get3A_1052 = tpu.memref_squeeze %get3A_1051 : memref<1x64xi32, #tpu.memory_space<vmem>> -> memref<64xi32, #tpu.memory_space<vmem>>
    %get3A_1053 = arith.constant 0 : index
    %get3A_1054 = tpu.vector_load %get3A_1052[%get3A_1053] {strides = array<i32>} : memref<64xi32, #tpu.memory_space<vmem>>, vector<16xi32>,
    %get3A_1055 = vector.shape_cast %get3A_1054 : vector<16xi32> to vector<16xi32>
    %and3A_1056 = arith.constant 65535 : i32
    %and3A_1057 = vector.broadcast %and3A_1056 : i32 to vector<16xi32>
    %and3A_1058 = arith.andi %get3A_1055, %and3A_1057 : vector<16xi32>
    %swap3A_1059 = arith.constant 128 : i32
    %swap3A_1060 = tpu.memref_slice %arg6[%swap3A_1059] : memref<320xi32, #tpu.memory_space<vmem>> -> memref<64xi32, #tpu.memory_space<vmem>>
    %swap3A_1061 = arith.constant 0 : index
    %swap3A_1062 = tpu.vector_load %swap3A_1060[%swap3A_1061] {strides = array<i32>} : memref<64xi32, #tpu.memory_space<vmem>>, vector<16xi32>,
    %swap3A_1063 = vector.shape_cast %swap3A_1062 : vector<16xi32> to vector<16xi32>
    %swap3A_1064 = vector.shape_cast %and3A_1058 : vector<16xi32> to vector<16xi32>
    tpu.vector_store %swap3A_1060[%swap3A_1061], %swap3A_1064 {strides = array<i32>} : memref<64xi32, #tpu.memory_space<vmem>>, vector<16xi32>,
    %shift_right_logical3A_1065 = arith.constant 16 : i32
    %shift_right_logical3A_1066 = vector.broadcast %shift_right_logical3A_1065 : i32 to vector<16xi32>
    %shift_right_logical3A_1067 = arith.shrui %get3A_1055, %shift_right_logical3A_1066 : vector<16xi32>
    %swap3A_1068 = arith.constant 0 : index
    %swap3A_1069 = tpu.vector_load %arg9[%swap3A_1068] {strides = array<i32>} : memref<64xi32, #tpu.memory_space<vmem>>, vector<16xi32>,
    %swap3A_1070 = vector.shape_cast %swap3A_1069 : vector<16xi32> to vector<16xi32>
    %swap3A_1071 = vector.shape_cast %shift_right_logical3A_1067 : vector<16xi32> to vector<16xi32>
    tpu.vector_store %arg9[%swap3A_1068], %swap3A_1071 {strides = array<i32>} : memref<64xi32, #tpu.memory_space<vmem>>, vector<16xi32>,
    %get3A_1072 = arith.constant 2 : i32
    %get3A_1073 = arith.constant 0 : i32
    %get3A_1074 = tpu.memref_slice %arg5[%get3A_1072, %get3A_1073] : memref<5x64xi32, #tpu.memory_space<vmem>> -> memref<1x64xi32, #tpu.memory_space<vmem>>
    %get3A_1075 = tpu.memref_squeeze %get3A_1074 : memref<1x64xi32, #tpu.memory_space<vmem>> -> memref<64xi32, #tpu.memory_space<vmem>>
    %get3A_1076 = arith.constant 16 : index
    %get3A_1077 = tpu.vector_load %get3A_1075[%get3A_1076] {strides = array<i32>} : memref<64xi32, #tpu.memory_space<vmem>>, vector<16xi32>,
    %get3A_1078 = vector.shape_cast %get3A_1077 : vector<16xi32> to vector<16xi32>
    %and3A_1079 = arith.constant 65535 : i32
    %and3A_1080 = vector.broadcast %and3A_1079 : i32 to vector<16xi32>
    %and3A_1081 = arith.andi %get3A_1078, %and3A_1080 : vector<16xi32>
    %swap3A_1082 = arith.constant 128 : i32
    %swap3A_1083 = tpu.memref_slice %arg6[%swap3A_1082] : memref<320xi32, #tpu.memory_space<vmem>> -> memref<64xi32, #tpu.memory_space<vmem>>
    %swap3A_1084 = arith.constant 16 : index
    %swap3A_1085 = tpu.vector_load %swap3A_1083[%swap3A_1084] {strides = array<i32>} : memref<64xi32, #tpu.memory_space<vmem>>, vector<16xi32>,
    %swap3A_1086 = vector.shape_cast %swap3A_1085 : vector<16xi32> to vector<16xi32>
    %swap3A_1087 = vector.shape_cast %and3A_1081 : vector<16xi32> to vector<16xi32>
    tpu.vector_store %swap3A_1083[%swap3A_1084], %swap3A_1087 {strides = array<i32>} : memref<64xi32, #tpu.memory_space<vmem>>, vector<16xi32>,
    %shift_right_logical3A_1088 = arith.constant 16 : i32
    %shift_right_logical3A_1089 = vector.broadcast %shift_right_logical3A_1088 : i32 to vector<16xi32>
    %shift_right_logical3A_1090 = arith.shrui %get3A_1078, %shift_right_logical3A_1089 : vector<16xi32>
    %swap3A_1091 = arith.constant 16 : index
    %swap3A_1092 = tpu.vector_load %arg9[%swap3A_1091] {strides = array<i32>} : memref<64xi32, #tpu.memory_space<vmem>>, vector<16xi32>,
    %swap3A_1093 = vector.shape_cast %swap3A_1092 : vector<16xi32> to vector<16xi32>
    %swap3A_1094 = vector.shape_cast %shift_right_logical3A_1090 : vector<16xi32> to vector<16xi32>
    tpu.vector_store %arg9[%swap3A_1091], %swap3A_1094 {strides = array<i32>} : memref<64xi32, #tpu.memory_space<vmem>>, vector<16xi32>,
    %get3A_1095 = arith.constant 2 : i32
    %get3A_1096 = arith.constant 0 : i32
    %get3A_1097 = tpu.memref_slice %arg5[%get3A_1095, %get3A_1096] : memref<5x64xi32, #tpu.memory_space<vmem>> -> memref<1x64xi32, #tpu.memory_space<vmem>>
    %get3A_1098 = tpu.memref_squeeze %get3A_1097 : memref<1x64xi32, #tpu.memory_space<vmem>> -> memref<64xi32, #tpu.memory_space<vmem>>
    %get3A_1099 = arith.constant 32 : index
    %get3A_1100 = tpu.vector_load %get3A_1098[%get3A_1099] {strides = array<i32>} : memref<64xi32, #tpu.memory_space<vmem>>, vector<16xi32>,
    %get3A_1101 = vector.shape_cast %get3A_1100 : vector<16xi32> to vector<16xi32>
    %and3A_1102 = arith.constant 65535 : i32
    %and3A_1103 = vector.broadcast %and3A_1102 : i32 to vector<16xi32>
    %and3A_1104 = arith.andi %get3A_1101, %and3A_1103 : vector<16xi32>
    %swap3A_1105 = arith.constant 128 : i32
    %swap3A_1106 = tpu.memref_slice %arg6[%swap3A_1105] : memref<320xi32, #tpu.memory_space<vmem>> -> memref<64xi32, #tpu.memory_space<vmem>>
    %swap3A_1107 = arith.constant 32 : index
    %swap3A_1108 = tpu.vector_load %swap3A_1106[%swap3A_1107] {strides = array<i32>} : memref<64xi32, #tpu.memory_space<vmem>>, vector<16xi32>,
    %swap3A_1109 = vector.shape_cast %swap3A_1108 : vector<16xi32> to vector<16xi32>
    %swap3A_1110 = vector.shape_cast %and3A_1104 : vector<16xi32> to vector<16xi32>
    tpu.vector_store %swap3A_1106[%swap3A_1107], %swap3A_1110 {strides = array<i32>} : memref<64xi32, #tpu.memory_space<vmem>>, vector<16xi32>,
    %shift_right_logical3A_1111 = arith.constant 16 : i32
    %shift_right_logical3A_1112 = vector.broadcast %shift_right_logical3A_1111 : i32 to vector<16xi32>
    %shift_right_logical3A_1113 = arith.shrui %get3A_1101, %shift_right_logical3A_1112 : vector<16xi32>
    %swap3A_1114 = arith.constant 32 : index
    %swap3A_1115 = tpu.vector_load %arg9[%swap3A_1114] {strides = array<i32>} : memref<64xi32, #tpu.memory_space<vmem>>, vector<16xi32>,
    %swap3A_1116 = vector.shape_cast %swap3A_1115 : vector<16xi32> to vector<16xi32>
    %swap3A_1117 = vector.shape_cast %shift_right_logical3A_1113 : vector<16xi32> to vector<16xi32>
    tpu.vector_store %arg9[%swap3A_1114], %swap3A_1117 {strides = array<i32>} : memref<64xi32, #tpu.memory_space<vmem>>, vector<16xi32>,
    %get3A_1118 = arith.constant 2 : i32
    %get3A_1119 = arith.constant 0 : i32
    %get3A_1120 = tpu.memref_slice %arg5[%get3A_1118, %get3A_1119] : memref<5x64xi32, #tpu.memory_space<vmem>> -> memref<1x64xi32, #tpu.memory_space<vmem>>
    %get3A_1121 = tpu.memref_squeeze %get3A_1120 : memref<1x64xi32, #tpu.memory_space<vmem>> -> memref<64xi32, #tpu.memory_space<vmem>>
    %get3A_1122 = arith.constant 48 : index
    %get3A_1123 = tpu.vector_load %get3A_1121[%get3A_1122] {strides = array<i32>} : memref<64xi32, #tpu.memory_space<vmem>>, vector<16xi32>,
    %get3A_1124 = vector.shape_cast %get3A_1123 : vector<16xi32> to vector<16xi32>
    %and3A_1125 = arith.constant 65535 : i32
    %and3A_1126 = vector.broadcast %and3A_1125 : i32 to vector<16xi32>
    %and3A_1127 = arith.andi %get3A_1124, %and3A_1126 : vector<16xi32>
    %swap3A_1128 = arith.constant 128 : i32
    %swap3A_1129 = tpu.memref_slice %arg6[%swap3A_1128] : memref<320xi32, #tpu.memory_space<vmem>> -> memref<64xi32, #tpu.memory_space<vmem>>
    %swap3A_1130 = arith.constant 48 : index
    %swap3A_1131 = tpu.vector_load %swap3A_1129[%swap3A_1130] {strides = array<i32>} : memref<64xi32, #tpu.memory_space<vmem>>, vector<16xi32>,
    %swap3A_1132 = vector.shape_cast %swap3A_1131 : vector<16xi32> to vector<16xi32>
    %swap3A_1133 = vector.shape_cast %and3A_1127 : vector<16xi32> to vector<16xi32>
    tpu.vector_store %swap3A_1129[%swap3A_1130], %swap3A_1133 {strides = array<i32>} : memref<64xi32, #tpu.memory_space<vmem>>, vector<16xi32>,
    %shift_right_logical3A_1134 = arith.constant 16 : i32
    %shift_right_logical3A_1135 = vector.broadcast %shift_right_logical3A_1134 : i32 to vector<16xi32>
    %shift_right_logical3A_1136 = arith.shrui %get3A_1124, %shift_right_logical3A_1135 : vector<16xi32>
    %swap3A_1137 = arith.constant 48 : index
    %swap3A_1138 = tpu.vector_load %arg9[%swap3A_1137] {strides = array<i32>} : memref<64xi32, #tpu.memory_space<vmem>>, vector<16xi32>,
    %swap3A_1139 = vector.shape_cast %swap3A_1138 : vector<16xi32> to vector<16xi32>
    %swap3A_1140 = vector.shape_cast %shift_right_logical3A_1136 : vector<16xi32> to vector<16xi32>
    tpu.vector_store %arg9[%swap3A_1137], %swap3A_1140 {strides = array<i32>} : memref<64xi32, #tpu.memory_space<vmem>>, vector<16xi32>,
    %dma_start3A_1141 = arith.constant 128 : i32
    %dma_start3A_1142 = tpu.memref_slice %arg6[%dma_start3A_1141] : memref<320xi32, #tpu.memory_space<vmem>> -> memref<64xi32, #tpu.memory_space<vmem>>
    %dma_start3A_1143 = arith.constant 0 : i32
    %dma_start3A_1144 = arith.constant 0 : i32
    %dma_start3A_1145 = tpu.memref_slice %arg3[%dma_start3A_1143, %dma_start3A_1144] : memref<10000x128xf32, #tpu.memory_space<hbm>> -> memref<10000x128xf32, #tpu.memory_space<hbm>>
    tpu.enqueue_indirect_dma source(%dma_start3A_1145 : memref<10000x128xf32, #tpu.memory_space<hbm>>) target(%arg14 : memref<64x128xf32, #tpu.memory_space<vmem>>) offsets(%dma_start3A_1142 : memref<64xi32, #tpu.memory_space<vmem>>) semaphore(%arg20 : memref<!tpu.dma_semaphore, #tpu.memory_space<semaphore_mem>>)
    %dma_start3A_1146 = arith.constant 12 : i32
    %dma_start3A_1147 = arith.constant 2 : i32
    %dma_start3A_1148 = arith.constant 0 : i32
    %dma_start3A_1149 = tpu.memref_slice %arg5[%dma_start3A_1147, %dma_start3A_1148] : memref<5x64xi32, #tpu.memory_space<vmem>> -> memref<1x64xi32, #tpu.memory_space<vmem>>
    %dma_start3A_1150 = tpu.memref_squeeze %dma_start3A_1149 : memref<1x64xi32, #tpu.memory_space<vmem>> -> memref<64xi32, #tpu.memory_space<vmem>>
    %dma_start3A_1151 = arith.constant 0 : i32
    %dma_start3A_1152 = tpu.memref_slice %arg2[%add3A, %dma_start3A_1146, %dma_start3A_1151] : memref<32x160x64xi32, #tpu.memory_space<hbm>> -> memref<1x1x64xi32, #tpu.memory_space<hbm>>
    %dma_start3A_1153 = tpu.memref_squeeze %dma_start3A_1152 : memref<1x1x64xi32, #tpu.memory_space<hbm>> -> memref<64xi32, #tpu.memory_space<hbm>>
    %dma_start3A_1154 = arith.constant 0 : i32
    %dma_start3A_1155 = tpu.memref_slice %arg5[%dma_start3A_1147, %dma_start3A_1154] : memref<5x64xi32, #tpu.memory_space<vmem>> -> memref<1x64xi32, #tpu.memory_space<vmem>>
    %dma_start3A_1156 = tpu.memref_squeeze %dma_start3A_1155 : memref<1x64xi32, #tpu.memory_space<vmem>> -> memref<64xi32, #tpu.memory_space<vmem>>
    %dma_start3A_1157 = arith.constant 0 : i32
    %dma_start3A_1158 = tpu.memref_slice %arg2[%add3A, %dma_start3A_1146, %dma_start3A_1157] : memref<32x160x64xi32, #tpu.memory_space<hbm>> -> memref<1x1x64xi32, #tpu.memory_space<hbm>>
    %dma_start3A_1159 = tpu.memref_squeeze %dma_start3A_1158 : memref<1x1x64xi32, #tpu.memory_space<hbm>> -> memref<64xi32, #tpu.memory_space<hbm>>
    tpu.enqueue_dma source(%dma_start3A_1159 : memref<64xi32, #tpu.memory_space<hbm>>) target(%dma_start3A_1156 : memref<64xi32, #tpu.memory_space<vmem>>) target_semaphore(%arg25 : memref<!tpu.dma_semaphore, #tpu.memory_space<semaphore_mem>>)
    %scan3A_1160 = arith.constant 0 : i32
    %scan3A_1161 = arith.constant 3 : i32
    %scan3A_1162 = arith.constant 4 : i32
    %scan3A_1163 = arith.constant 0 : i32
    %scan3A_1164 = arith.constant 1 : i32
    %scan3A_1165 = arith.constant 2 : i32
    %scan3A_1166 = arith.constant 1 : i32
    %scan3A_1167 = arith.constant 29 : i32
    %scan3A_1168 = arith.addi %scan3A_1166, %scan3A_1167 : i32
    %scan3A_1169 = arith.constant 1 : i32
    scf.for %scan3A_2095 = %scan3A_1166 to %scan3A_1168 step %scan3A_1169  : i32 {
      %mul3A_2096 = arith.constant 5 : i32
      %mul3A_2097 = arith.muli %mul3A_2096, %scan3A_2095 : i32
      %add3A_2098 = arith.constant 0 : i32
      %add3A_2099 = arith.addi %mul3A_2097, %add3A_2098 : i32
      %dma_wait3A_2100 = arith.constant 0 : i32
      %dma_wait3A_2101 = tpu.memref_slice %arg6[%dma_wait3A_2100] : memref<320xi32, #tpu.memory_space<vmem>> -> memref<64xi32, #tpu.memory_space<vmem>>
      %dma_wait3A_2102 = arith.constant 0 : i32
      %dma_wait3A_2103 = arith.constant 0 : i32
      %dma_wait3A_2104 = tpu.memref_slice %arg3[%dma_wait3A_2102, %dma_wait3A_2103] : memref<10000x128xf32, #tpu.memory_space<hbm>> -> memref<10000x128xf32, #tpu.memory_space<hbm>>
      tpu.wait_indirect_dma semaphore(%arg18 : memref<!tpu.dma_semaphore, #tpu.memory_space<semaphore_mem>>) src(%dma_wait3A_2104 : memref<10000x128xf32, #tpu.memory_space<hbm>>) dst(%arg12 : memref<64x128xf32, #tpu.memory_space<vmem>>)
      %dma_start3A_2105 = arith.constant 0 : i32
      %dma_start3A_2106 = arith.constant 0 : i32
      %dma_start3A_2107 = tpu.memref_slice %arg17[%dma_start3A_2105, %dma_start3A_2106] : memref<10016x128xf32, #tpu.memory_space<vmem_shared>> -> memref<10016x128xf32, #tpu.memory_space<vmem_shared>>
      tpu.enqueue_indirect_dma source(%arg12 : memref<64x128xf32, #tpu.memory_space<vmem>>) target(%dma_start3A_2107 : memref<10016x128xf32, #tpu.memory_space<vmem_shared>>) offsets(%arg7 : memref<64xi32, #tpu.memory_space<vmem>>) semaphore(%arg28 : memref<!tpu.dma_semaphore, #tpu.memory_space<semaphore_mem>>) {add = true}
      %dma_wait3A_2108 = arith.constant 0 : i32
      %dma_wait3A_2109 = arith.constant 0 : i32
      %dma_wait3A_2110 = tpu.memref_slice %arg17[%dma_wait3A_2108, %dma_wait3A_2109] : memref<10016x128xf32, #tpu.memory_space<vmem_shared>> -> memref<10016x128xf32, #tpu.memory_space<vmem_shared>>
      tpu.wait_indirect_dma semaphore(%arg31 : memref<!tpu.dma_semaphore, #tpu.memory_space<semaphore_mem>>) src(%arg15 : memref<64x128xf32, #tpu.memory_space<vmem>>) dst(%dma_wait3A_2110 : memref<10016x128xf32, #tpu.memory_space<vmem_shared>>)
      %add3A_2111 = arith.constant 3 : i32
      %add3A_2112 = arith.addi %add3A_2099, %add3A_2111 : i32
      %dma_wait3A_2113 = arith.constant 0 : i32
      %dma_wait3A_2114 = tpu.memref_slice %arg5[%scan3A_1161, %dma_wait3A_2113] : memref<5x64xi32, #tpu.memory_space<vmem>> -> memref<1x64xi32, #tpu.memory_space<vmem>>
      %dma_wait3A_2115 = tpu.memref_squeeze %dma_wait3A_2114 : memref<1x64xi32, #tpu.memory_space<vmem>> -> memref<64xi32, #tpu.memory_space<vmem>>
      %dma_wait3A_2116 = arith.constant 0 : i32
      %dma_wait3A_2117 = tpu.memref_slice %arg2[%add3A, %add3A_2112, %dma_wait3A_2116] : memref<32x160x64xi32, #tpu.memory_space<hbm>> -> memref<1x1x64xi32, #tpu.memory_space<hbm>>
      %dma_wait3A_2118 = tpu.memref_squeeze %dma_wait3A_2117 : memref<1x1x64xi32, #tpu.memory_space<hbm>> -> memref<64xi32, #tpu.memory_space<hbm>>
      %dma_wait3A_2119 = arith.constant 0 : i32
      %dma_wait3A_2120 = tpu.memref_slice %arg5[%scan3A_1161, %dma_wait3A_2119] : memref<5x64xi32, #tpu.memory_space<vmem>> -> memref<1x64xi32, #tpu.memory_space<vmem>>
      %dma_wait3A_2121 = tpu.memref_squeeze %dma_wait3A_2120 : memref<1x64xi32, #tpu.memory_space<vmem>> -> memref<64xi32, #tpu.memory_space<vmem>>
      %dma_wait3A_2122 = arith.constant 0 : i32
      %dma_wait3A_2123 = tpu.memref_slice %arg2[%add3A, %add3A_2112, %dma_wait3A_2122] : memref<32x160x64xi32, #tpu.memory_space<hbm>> -> memref<1x1x64xi32, #tpu.memory_space<hbm>>
      %dma_wait3A_2124 = tpu.memref_squeeze %dma_wait3A_2123 : memref<1x1x64xi32, #tpu.memory_space<hbm>> -> memref<64xi32, #tpu.memory_space<hbm>>
      tpu.wait_dma2 semaphore(%arg26 : memref<!tpu.dma_semaphore, #tpu.memory_space<semaphore_mem>>) src(%dma_wait3A_2124 : memref<64xi32, #tpu.memory_space<hbm>>) dst(%dma_wait3A_2121 : memref<64xi32, #tpu.memory_space<vmem>>)
      %get3A_2125 = arith.constant 0 : i32
      %get3A_2126 = tpu.memref_slice %arg5[%scan3A_1161, %get3A_2125] : memref<5x64xi32, #tpu.memory_space<vmem>> -> memref<1x64xi32, #tpu.memory_space<vmem>>
      %get3A_2127 = tpu.memref_squeeze %get3A_2126 : memref<1x64xi32, #tpu.memory_space<vmem>> -> memref<64xi32, #tpu.memory_space<vmem>>
      %get3A_2128 = arith.constant 0 : index
      %get3A_2129 = tpu.vector_load %get3A_2127[%get3A_2128] {strides = array<i32>} : memref<64xi32, #tpu.memory_space<vmem>>, vector<16xi32>,
      %get3A_2130 = vector.shape_cast %get3A_2129 : vector<16xi32> to vector<16xi32>
      %and3A_2131 = arith.constant 65535 : i32
      %and3A_2132 = vector.broadcast %and3A_2131 : i32 to vector<16xi32>
      %and3A_2133 = arith.andi %get3A_2130, %and3A_2132 : vector<16xi32>
      %swap3A_2134 = arith.constant 192 : i32
      %swap3A_2135 = tpu.memref_slice %arg6[%swap3A_2134] : memref<320xi32, #tpu.memory_space<vmem>> -> memref<64xi32, #tpu.memory_space<vmem>>
      %swap3A_2136 = arith.constant 0 : index
      %swap3A_2137 = tpu.vector_load %swap3A_2135[%swap3A_2136] {strides = array<i32>} : memref<64xi32, #tpu.memory_space<vmem>>, vector<16xi32>,
      %swap3A_2138 = vector.shape_cast %swap3A_2137 : vector<16xi32> to vector<16xi32>
      %swap3A_2139 = vector.shape_cast %and3A_2133 : vector<16xi32> to vector<16xi32>
      tpu.vector_store %swap3A_2135[%swap3A_2136], %swap3A_2139 {strides = array<i32>} : memref<64xi32, #tpu.memory_space<vmem>>, vector<16xi32>,
      %shift_right_logical3A_2140 = arith.constant 16 : i32
      %shift_right_logical3A_2141 = vector.broadcast %shift_right_logical3A_2140 : i32 to vector<16xi32>
      %shift_right_logical3A_2142 = arith.shrui %get3A_2130, %shift_right_logical3A_2141 : vector<16xi32>
      %swap3A_2143 = arith.constant 0 : index
      %swap3A_2144 = tpu.vector_load %arg10[%swap3A_2143] {strides = array<i32>} : memref<64xi32, #tpu.memory_space<vmem>>, vector<16xi32>,
      %swap3A_2145 = vector.shape_cast %swap3A_2144 : vector<16xi32> to vector<16xi32>
      %swap3A_2146 = vector.shape_cast %shift_right_logical3A_2142 : vector<16xi32> to vector<16xi32>
      tpu.vector_store %arg10[%swap3A_2143], %swap3A_2146 {strides = array<i32>} : memref<64xi32, #tpu.memory_space<vmem>>, vector<16xi32>,
      %get3A_2147 = arith.constant 0 : i32
      %get3A_2148 = tpu.memref_slice %arg5[%scan3A_1161, %get3A_2147] : memref<5x64xi32, #tpu.memory_space<vmem>> -> memref<1x64xi32, #tpu.memory_space<vmem>>
      %get3A_2149 = tpu.memref_squeeze %get3A_2148 : memref<1x64xi32, #tpu.memory_space<vmem>> -> memref<64xi32, #tpu.memory_space<vmem>>
      %get3A_2150 = arith.constant 16 : index
      %get3A_2151 = tpu.vector_load %get3A_2149[%get3A_2150] {strides = array<i32>} : memref<64xi32, #tpu.memory_space<vmem>>, vector<16xi32>,
      %get3A_2152 = vector.shape_cast %get3A_2151 : vector<16xi32> to vector<16xi32>
      %and3A_2153 = arith.constant 65535 : i32
      %and3A_2154 = vector.broadcast %and3A_2153 : i32 to vector<16xi32>
      %and3A_2155 = arith.andi %get3A_2152, %and3A_2154 : vector<16xi32>
      %swap3A_2156 = arith.constant 192 : i32
      %swap3A_2157 = tpu.memref_slice %arg6[%swap3A_2156] : memref<320xi32, #tpu.memory_space<vmem>> -> memref<64xi32, #tpu.memory_space<vmem>>
      %swap3A_2158 = arith.constant 16 : index
      %swap3A_2159 = tpu.vector_load %swap3A_2157[%swap3A_2158] {strides = array<i32>} : memref<64xi32, #tpu.memory_space<vmem>>, vector<16xi32>,
      %swap3A_2160 = vector.shape_cast %swap3A_2159 : vector<16xi32> to vector<16xi32>
      %swap3A_2161 = vector.shape_cast %and3A_2155 : vector<16xi32> to vector<16xi32>
      tpu.vector_store %swap3A_2157[%swap3A_2158], %swap3A_2161 {strides = array<i32>} : memref<64xi32, #tpu.memory_space<vmem>>, vector<16xi32>,
      %shift_right_logical3A_2162 = arith.constant 16 : i32
      %shift_right_logical3A_2163 = vector.broadcast %shift_right_logical3A_2162 : i32 to vector<16xi32>
      %shift_right_logical3A_2164 = arith.shrui %get3A_2152, %shift_right_logical3A_2163 : vector<16xi32>
      %swap3A_2165 = arith.constant 16 : index
      %swap3A_2166 = tpu.vector_load %arg10[%swap3A_2165] {strides = array<i32>} : memref<64xi32, #tpu.memory_space<vmem>>, vector<16xi32>,
      %swap3A_2167 = vector.shape_cast %swap3A_2166 : vector<16xi32> to vector<16xi32>
      %swap3A_2168 = vector.shape_cast %shift_right_logical3A_2164 : vector<16xi32> to vector<16xi32>
      tpu.vector_store %arg10[%swap3A_2165], %swap3A_2168 {strides = array<i32>} : memref<64xi32, #tpu.memory_space<vmem>>, vector<16xi32>,
      %get3A_2169 = arith.constant 0 : i32
      %get3A_2170 = tpu.memref_slice %arg5[%scan3A_1161, %get3A_2169] : memref<5x64xi32, #tpu.memory_space<vmem>> -> memref<1x64xi32, #tpu.memory_space<vmem>>
      %get3A_2171 = tpu.memref_squeeze %get3A_2170 : memref<1x64xi32, #tpu.memory_space<vmem>> -> memref<64xi32, #tpu.memory_space<vmem>>
      %get3A_2172 = arith.constant 32 : index
      %get3A_2173 = tpu.vector_load %get3A_2171[%get3A_2172] {strides = array<i32>} : memref<64xi32, #tpu.memory_space<vmem>>, vector<16xi32>,
      %get3A_2174 = vector.shape_cast %get3A_2173 : vector<16xi32> to vector<16xi32>
      %and3A_2175 = arith.constant 65535 : i32
      %and3A_2176 = vector.broadcast %and3A_2175 : i32 to vector<16xi32>
      %and3A_2177 = arith.andi %get3A_2174, %and3A_2176 : vector<16xi32>
      %swap3A_2178 = arith.constant 192 : i32
      %swap3A_2179 = tpu.memref_slice %arg6[%swap3A_2178] : memref<320xi32, #tpu.memory_space<vmem>> -> memref<64xi32, #tpu.memory_space<vmem>>
      %swap3A_2180 = arith.constant 32 : index
      %swap3A_2181 = tpu.vector_load %swap3A_2179[%swap3A_2180] {strides = array<i32>} : memref<64xi32, #tpu.memory_space<vmem>>, vector<16xi32>,
      %swap3A_2182 = vector.shape_cast %swap3A_2181 : vector<16xi32> to vector<16xi32>
      %swap3A_2183 = vector.shape_cast %and3A_2177 : vector<16xi32> to vector<16xi32>
      tpu.vector_store %swap3A_2179[%swap3A_2180], %swap3A_2183 {strides = array<i32>} : memref<64xi32, #tpu.memory_space<vmem>>, vector<16xi32>,
      %shift_right_logical3A_2184 = arith.constant 16 : i32
      %shift_right_logical3A_2185 = vector.broadcast %shift_right_logical3A_2184 : i32 to vector<16xi32>
      %shift_right_logical3A_2186 = arith.shrui %get3A_2174, %shift_right_logical3A_2185 : vector<16xi32>
      %swap3A_2187 = arith.constant 32 : index
      %swap3A_2188 = tpu.vector_load %arg10[%swap3A_2187] {strides = array<i32>} : memref<64xi32, #tpu.memory_space<vmem>>, vector<16xi32>,
      %swap3A_2189 = vector.shape_cast %swap3A_2188 : vector<16xi32> to vector<16xi32>
      %swap3A_2190 = vector.shape_cast %shift_right_logical3A_2186 : vector<16xi32> to vector<16xi32>
      tpu.vector_store %arg10[%swap3A_2187], %swap3A_2190 {strides = array<i32>} : memref<64xi32, #tpu.memory_space<vmem>>, vector<16xi32>,
      %get3A_2191 = arith.constant 0 : i32
      %get3A_2192 = tpu.memref_slice %arg5[%scan3A_1161, %get3A_2191] : memref<5x64xi32, #tpu.memory_space<vmem>> -> memref<1x64xi32, #tpu.memory_space<vmem>>
      %get3A_2193 = tpu.memref_squeeze %get3A_2192 : memref<1x64xi32, #tpu.memory_space<vmem>> -> memref<64xi32, #tpu.memory_space<vmem>>
      %get3A_2194 = arith.constant 48 : index
      %get3A_2195 = tpu.vector_load %get3A_2193[%get3A_2194] {strides = array<i32>} : memref<64xi32, #tpu.memory_space<vmem>>, vector<16xi32>,
      %get3A_2196 = vector.shape_cast %get3A_2195 : vector<16xi32> to vector<16xi32>
      %and3A_2197 = arith.constant 65535 : i32
      %and3A_2198 = vector.broadcast %and3A_2197 : i32 to vector<16xi32>
      %and3A_2199 = arith.andi %get3A_2196, %and3A_2198 : vector<16xi32>
      %swap3A_2200 = arith.constant 192 : i32
      %swap3A_2201 = tpu.memref_slice %arg6[%swap3A_2200] : memref<320xi32, #tpu.memory_space<vmem>> -> memref<64xi32, #tpu.memory_space<vmem>>
      %swap3A_2202 = arith.constant 48 : index
      %swap3A_2203 = tpu.vector_load %swap3A_2201[%swap3A_2202] {strides = array<i32>} : memref<64xi32, #tpu.memory_space<vmem>>, vector<16xi32>,
      %swap3A_2204 = vector.shape_cast %swap3A_2203 : vector<16xi32> to vector<16xi32>
      %swap3A_2205 = vector.shape_cast %and3A_2199 : vector<16xi32> to vector<16xi32>
      tpu.vector_store %swap3A_2201[%swap3A_2202], %swap3A_2205 {strides = array<i32>} : memref<64xi32, #tpu.memory_space<vmem>>, vector<16xi32>,
      %shift_right_logical3A_2206 = arith.constant 16 : i32
      %shift_right_logical3A_2207 = vector.broadcast %shift_right_logical3A_2206 : i32 to vector<16xi32>
      %shift_right_logical3A_2208 = arith.shrui %get3A_2196, %shift_right_logical3A_2207 : vector<16xi32>
      %swap3A_2209 = arith.constant 48 : index
      %swap3A_2210 = tpu.vector_load %arg10[%swap3A_2209] {strides = array<i32>} : memref<64xi32, #tpu.memory_space<vmem>>, vector<16xi32>,
      %swap3A_2211 = vector.shape_cast %swap3A_2210 : vector<16xi32> to vector<16xi32>
      %swap3A_2212 = vector.shape_cast %shift_right_logical3A_2208 : vector<16xi32> to vector<16xi32>
      tpu.vector_store %arg10[%swap3A_2209], %swap3A_2212 {strides = array<i32>} : memref<64xi32, #tpu.memory_space<vmem>>, vector<16xi32>,
      %dma_start3A_2213 = arith.constant 192 : i32
      %dma_start3A_2214 = tpu.memref_slice %arg6[%dma_start3A_2213] : memref<320xi32, #tpu.memory_space<vmem>> -> memref<64xi32, #tpu.memory_space<vmem>>
      %dma_start3A_2215 = arith.constant 0 : i32
      %dma_start3A_2216 = arith.constant 0 : i32
      %dma_start3A_2217 = tpu.memref_slice %arg3[%dma_start3A_2215, %dma_start3A_2216] : memref<10000x128xf32, #tpu.memory_space<hbm>> -> memref<10000x128xf32, #tpu.memory_space<hbm>>
      tpu.enqueue_indirect_dma source(%dma_start3A_2217 : memref<10000x128xf32, #tpu.memory_space<hbm>>) target(%arg15 : memref<64x128xf32, #tpu.memory_space<vmem>>) offsets(%dma_start3A_2214 : memref<64xi32, #tpu.memory_space<vmem>>) semaphore(%arg21 : memref<!tpu.dma_semaphore, #tpu.memory_space<semaphore_mem>>)
      %add3A_2218 = arith.constant 5 : i32
      %add3A_2219 = arith.addi %add3A_2112, %add3A_2218 : i32
      %dma_start3A_2220 = arith.constant 0 : i32
      %dma_start3A_2221 = tpu.memref_slice %arg5[%scan3A_1161, %dma_start3A_2220] : memref<5x64xi32, #tpu.memory_space<vmem>> -> memref<1x64xi32, #tpu.memory_space<vmem>>
      %dma_start3A_2222 = tpu.memref_squeeze %dma_start3A_2221 : memref<1x64xi32, #tpu.memory_space<vmem>> -> memref<64xi32, #tpu.memory_space<vmem>>
      %dma_start3A_2223 = arith.constant 0 : i32
      %dma_start3A_2224 = tpu.memref_slice %arg2[%add3A, %add3A_2219, %dma_start3A_2223] : memref<32x160x64xi32, #tpu.memory_space<hbm>> -> memref<1x1x64xi32, #tpu.memory_space<hbm>>
      %dma_start3A_2225 = tpu.memref_squeeze %dma_start3A_2224 : memref<1x1x64xi32, #tpu.memory_space<hbm>> -> memref<64xi32, #tpu.memory_space<hbm>>
      %dma_start3A_2226 = arith.constant 0 : i32
      %dma_start3A_2227 = tpu.memref_slice %arg5[%scan3A_1161, %dma_start3A_2226] : memref<5x64xi32, #tpu.memory_space<vmem>> -> memref<1x64xi32, #tpu.memory_space<vmem>>
      %dma_start3A_2228 = tpu.memref_squeeze %dma_start3A_2227 : memref<1x64xi32, #tpu.memory_space<vmem>> -> memref<64xi32, #tpu.memory_space<vmem>>
      %dma_start3A_2229 = arith.constant 0 : i32
      %dma_start3A_2230 = tpu.memref_slice %arg2[%add3A, %add3A_2219, %dma_start3A_2229] : memref<32x160x64xi32, #tpu.memory_space<hbm>> -> memref<1x1x64xi32, #tpu.memory_space<hbm>>
      %dma_start3A_2231 = tpu.memref_squeeze %dma_start3A_2230 : memref<1x1x64xi32, #tpu.memory_space<hbm>> -> memref<64xi32, #tpu.memory_space<hbm>>
      tpu.enqueue_dma source(%dma_start3A_2231 : memref<64xi32, #tpu.memory_space<hbm>>) target(%dma_start3A_2228 : memref<64xi32, #tpu.memory_space<vmem>>) target_semaphore(%arg26 : memref<!tpu.dma_semaphore, #tpu.memory_space<semaphore_mem>>)
      %mul3A_2232 = arith.constant 5 : i32
      %mul3A_2233 = arith.muli %mul3A_2232, %scan3A_2095 : i32
      %add3A_2234 = arith.constant 1 : i32
      %add3A_2235 = arith.addi %mul3A_2233, %add3A_2234 : i32
      %dma_wait3A_2236 = arith.constant 64 : i32
      %dma_wait3A_2237 = tpu.memref_slice %arg6[%dma_wait3A_2236] : memref<320xi32, #tpu.memory_space<vmem>> -> memref<64xi32, #tpu.memory_space<vmem>>
      %dma_wait3A_2238 = arith.constant 0 : i32
      %dma_wait3A_2239 = arith.constant 0 : i32
      %dma_wait3A_2240 = tpu.memref_slice %arg3[%dma_wait3A_2238, %dma_wait3A_2239] : memref<10000x128xf32, #tpu.memory_space<hbm>> -> memref<10000x128xf32, #tpu.memory_space<hbm>>
      tpu.wait_indirect_dma semaphore(%arg19 : memref<!tpu.dma_semaphore, #tpu.memory_space<semaphore_mem>>) src(%dma_wait3A_2240 : memref<10000x128xf32, #tpu.memory_space<hbm>>) dst(%arg13 : memref<64x128xf32, #tpu.memory_space<vmem>>)
      %dma_start3A_2241 = arith.constant 0 : i32
      %dma_start3A_2242 = arith.constant 0 : i32
      %dma_start3A_2243 = tpu.memref_slice %arg17[%dma_start3A_2241, %dma_start3A_2242] : memref<10016x128xf32, #tpu.memory_space<vmem_shared>> -> memref<10016x128xf32, #tpu.memory_space<vmem_shared>>
      tpu.enqueue_indirect_dma source(%arg13 : memref<64x128xf32, #tpu.memory_space<vmem>>) target(%dma_start3A_2243 : memref<10016x128xf32, #tpu.memory_space<vmem_shared>>) offsets(%arg8 : memref<64xi32, #tpu.memory_space<vmem>>) semaphore(%arg29 : memref<!tpu.dma_semaphore, #tpu.memory_space<semaphore_mem>>) {add = true}
      %dma_wait3A_2244 = arith.constant 0 : i32
      %dma_wait3A_2245 = arith.constant 0 : i32
      %dma_wait3A_2246 = tpu.memref_slice %arg17[%dma_wait3A_2244, %dma_wait3A_2245] : memref<10016x128xf32, #tpu.memory_space<vmem_shared>> -> memref<10016x128xf32, #tpu.memory_space<vmem_shared>>
      tpu.wait_indirect_dma semaphore(%arg32 : memref<!tpu.dma_semaphore, #tpu.memory_space<semaphore_mem>>) src(%arg16 : memref<64x128xf32, #tpu.memory_space<vmem>>) dst(%dma_wait3A_2246 : memref<10016x128xf32, #tpu.memory_space<vmem_shared>>)
      %add3A_2247 = arith.constant 3 : i32
      %add3A_2248 = arith.addi %add3A_2235, %add3A_2247 : i32
      %dma_wait3A_2249 = arith.constant 0 : i32
      %dma_wait3A_2250 = tpu.memref_slice %arg5[%scan3A_1162, %dma_wait3A_2249] : memref<5x64xi32, #tpu.memory_space<vmem>> -> memref<1x64xi32, #tpu.memory_space<vmem>>
      %dma_wait3A_2251 = tpu.memref_squeeze %dma_wait3A_2250 : memref<1x64xi32, #tpu.memory_space<vmem>> -> memref<64xi32, #tpu.memory_space<vmem>>
      %dma_wait3A_2252 = arith.constant 0 : i32
      %dma_wait3A_2253 = tpu.memref_slice %arg2[%add3A, %add3A_2248, %dma_wait3A_2252] : memref<32x160x64xi32, #tpu.memory_space<hbm>> -> memref<1x1x64xi32, #tpu.memory_space<hbm>>
      %dma_wait3A_2254 = tpu.memref_squeeze %dma_wait3A_2253 : memref<1x1x64xi32, #tpu.memory_space<hbm>> -> memref<64xi32, #tpu.memory_space<hbm>>
      %dma_wait3A_2255 = arith.constant 0 : i32
      %dma_wait3A_2256 = tpu.memref_slice %arg5[%scan3A_1162, %dma_wait3A_2255] : memref<5x64xi32, #tpu.memory_space<vmem>> -> memref<1x64xi32, #tpu.memory_space<vmem>>
      %dma_wait3A_2257 = tpu.memref_squeeze %dma_wait3A_2256 : memref<1x64xi32, #tpu.memory_space<vmem>> -> memref<64xi32, #tpu.memory_space<vmem>>
      %dma_wait3A_2258 = arith.constant 0 : i32
      %dma_wait3A_2259 = tpu.memref_slice %arg2[%add3A, %add3A_2248, %dma_wait3A_2258] : memref<32x160x64xi32, #tpu.memory_space<hbm>> -> memref<1x1x64xi32, #tpu.memory_space<hbm>>
      %dma_wait3A_2260 = tpu.memref_squeeze %dma_wait3A_2259 : memref<1x1x64xi32, #tpu.memory_space<hbm>> -> memref<64xi32, #tpu.memory_space<hbm>>
      tpu.wait_dma2 semaphore(%arg27 : memref<!tpu.dma_semaphore, #tpu.memory_space<semaphore_mem>>) src(%dma_wait3A_2260 : memref<64xi32, #tpu.memory_space<hbm>>) dst(%dma_wait3A_2257 : memref<64xi32, #tpu.memory_space<vmem>>)
      %get3A_2261 = arith.constant 0 : i32
      %get3A_2262 = tpu.memref_slice %arg5[%scan3A_1162, %get3A_2261] : memref<5x64xi32, #tpu.memory_space<vmem>> -> memref<1x64xi32, #tpu.memory_space<vmem>>
      %get3A_2263 = tpu.memref_squeeze %get3A_2262 : memref<1x64xi32, #tpu.memory_space<vmem>> -> memref<64xi32, #tpu.memory_space<vmem>>
      %get3A_2264 = arith.constant 0 : index
      %get3A_2265 = tpu.vector_load %get3A_2263[%get3A_2264] {strides = array<i32>} : memref<64xi32, #tpu.memory_space<vmem>>, vector<16xi32>,
      %get3A_2266 = vector.shape_cast %get3A_2265 : vector<16xi32> to vector<16xi32>
      %and3A_2267 = arith.constant 65535 : i32
      %and3A_2268 = vector.broadcast %and3A_2267 : i32 to vector<16xi32>
      %and3A_2269 = arith.andi %get3A_2266, %and3A_2268 : vector<16xi32>
      %swap3A_2270 = arith.constant 256 : i32
      %swap3A_2271 = tpu.memref_slice %arg6[%swap3A_2270] : memref<320xi32, #tpu.memory_space<vmem>> -> memref<64xi32, #tpu.memory_space<vmem>>
      %swap3A_2272 = arith.constant 0 : index
      %swap3A_2273 = tpu.vector_load %swap3A_2271[%swap3A_2272] {strides = array<i32>} : memref<64xi32, #tpu.memory_space<vmem>>, vector<16xi32>,
      %swap3A_2274 = vector.shape_cast %swap3A_2273 : vector<16xi32> to vector<16xi32>
      %swap3A_2275 = vector.shape_cast %and3A_2269 : vector<16xi32> to vector<16xi32>
      tpu.vector_store %swap3A_2271[%swap3A_2272], %swap3A_2275 {strides = array<i32>} : memref<64xi32, #tpu.memory_space<vmem>>, vector<16xi32>,
      %shift_right_logical3A_2276 = arith.constant 16 : i32
      %shift_right_logical3A_2277 = vector.broadcast %shift_right_logical3A_2276 : i32 to vector<16xi32>
      %shift_right_logical3A_2278 = arith.shrui %get3A_2266, %shift_right_logical3A_2277 : vector<16xi32>
      %swap3A_2279 = arith.constant 0 : index
      %swap3A_2280 = tpu.vector_load %arg11[%swap3A_2279] {strides = array<i32>} : memref<64xi32, #tpu.memory_space<vmem>>, vector<16xi32>,
      %swap3A_2281 = vector.shape_cast %swap3A_2280 : vector<16xi32> to vector<16xi32>
      %swap3A_2282 = vector.shape_cast %shift_right_logical3A_2278 : vector<16xi32> to vector<16xi32>
      tpu.vector_store %arg11[%swap3A_2279], %swap3A_2282 {strides = array<i32>} : memref<64xi32, #tpu.memory_space<vmem>>, vector<16xi32>,
      %get3A_2283 = arith.constant 0 : i32
      %get3A_2284 = tpu.memref_slice %arg5[%scan3A_1162, %get3A_2283] : memref<5x64xi32, #tpu.memory_space<vmem>> -> memref<1x64xi32, #tpu.memory_space<vmem>>
      %get3A_2285 = tpu.memref_squeeze %get3A_2284 : memref<1x64xi32, #tpu.memory_space<vmem>> -> memref<64xi32, #tpu.memory_space<vmem>>
      %get3A_2286 = arith.constant 16 : index
      %get3A_2287 = tpu.vector_load %get3A_2285[%get3A_2286] {strides = array<i32>} : memref<64xi32, #tpu.memory_space<vmem>>, vector<16xi32>,
      %get3A_2288 = vector.shape_cast %get3A_2287 : vector<16xi32> to vector<16xi32>
      %and3A_2289 = arith.constant 65535 : i32
      %and3A_2290 = vector.broadcast %and3A_2289 : i32 to vector<16xi32>
      %and3A_2291 = arith.andi %get3A_2288, %and3A_2290 : vector<16xi32>
      %swap3A_2292 = arith.constant 256 : i32
      %swap3A_2293 = tpu.memref_slice %arg6[%swap3A_2292] : memref<320xi32, #tpu.memory_space<vmem>> -> memref<64xi32, #tpu.memory_space<vmem>>
      %swap3A_2294 = arith.constant 16 : index
      %swap3A_2295 = tpu.vector_load %swap3A_2293[%swap3A_2294] {strides = array<i32>} : memref<64xi32, #tpu.memory_space<vmem>>, vector<16xi32>,
      %swap3A_2296 = vector.shape_cast %swap3A_2295 : vector<16xi32> to vector<16xi32>
      %swap3A_2297 = vector.shape_cast %and3A_2291 : vector<16xi32> to vector<16xi32>
      tpu.vector_store %swap3A_2293[%swap3A_2294], %swap3A_2297 {strides = array<i32>} : memref<64xi32, #tpu.memory_space<vmem>>, vector<16xi32>,
      %shift_right_logical3A_2298 = arith.constant 16 : i32
      %shift_right_logical3A_2299 = vector.broadcast %shift_right_logical3A_2298 : i32 to vector<16xi32>
      %shift_right_logical3A_2300 = arith.shrui %get3A_2288, %shift_right_logical3A_2299 : vector<16xi32>
      %swap3A_2301 = arith.constant 16 : index
      %swap3A_2302 = tpu.vector_load %arg11[%swap3A_2301] {strides = array<i32>} : memref<64xi32, #tpu.memory_space<vmem>>, vector<16xi32>,
      %swap3A_2303 = vector.shape_cast %swap3A_2302 : vector<16xi32> to vector<16xi32>
      %swap3A_2304 = vector.shape_cast %shift_right_logical3A_2300 : vector<16xi32> to vector<16xi32>
      tpu.vector_store %arg11[%swap3A_2301], %swap3A_2304 {strides = array<i32>} : memref<64xi32, #tpu.memory_space<vmem>>, vector<16xi32>,
      %get3A_2305 = arith.constant 0 : i32
      %get3A_2306 = tpu.memref_slice %arg5[%scan3A_1162, %get3A_2305] : memref<5x64xi32, #tpu.memory_space<vmem>> -> memref<1x64xi32, #tpu.memory_space<vmem>>
      %get3A_2307 = tpu.memref_squeeze %get3A_2306 : memref<1x64xi32, #tpu.memory_space<vmem>> -> memref<64xi32, #tpu.memory_space<vmem>>
      %get3A_2308 = arith.constant 32 : index
      %get3A_2309 = tpu.vector_load %get3A_2307[%get3A_2308] {strides = array<i32>} : memref<64xi32, #tpu.memory_space<vmem>>, vector<16xi32>,
      %get3A_2310 = vector.shape_cast %get3A_2309 : vector<16xi32> to vector<16xi32>
      %and3A_2311 = arith.constant 65535 : i32
      %and3A_2312 = vector.broadcast %and3A_2311 : i32 to vector<16xi32>
      %and3A_2313 = arith.andi %get3A_2310, %and3A_2312 : vector<16xi32>
      %swap3A_2314 = arith.constant 256 : i32
      %swap3A_2315 = tpu.memref_slice %arg6[%swap3A_2314] : memref<320xi32, #tpu.memory_space<vmem>> -> memref<64xi32, #tpu.memory_space<vmem>>
      %swap3A_2316 = arith.constant 32 : index
      %swap3A_2317 = tpu.vector_load %swap3A_2315[%swap3A_2316] {strides = array<i32>} : memref<64xi32, #tpu.memory_space<vmem>>, vector<16xi32>,
      %swap3A_2318 = vector.shape_cast %swap3A_2317 : vector<16xi32> to vector<16xi32>
      %swap3A_2319 = vector.shape_cast %and3A_2313 : vector<16xi32> to vector<16xi32>
      tpu.vector_store %swap3A_2315[%swap3A_2316], %swap3A_2319 {strides = array<i32>} : memref<64xi32, #tpu.memory_space<vmem>>, vector<16xi32>,
      %shift_right_logical3A_2320 = arith.constant 16 : i32
      %shift_right_logical3A_2321 = vector.broadcast %shift_right_logical3A_2320 : i32 to vector<16xi32>
      %shift_right_logical3A_2322 = arith.shrui %get3A_2310, %shift_right_logical3A_2321 : vector<16xi32>
      %swap3A_2323 = arith.constant 32 : index
      %swap3A_2324 = tpu.vector_load %arg11[%swap3A_2323] {strides = array<i32>} : memref<64xi32, #tpu.memory_space<vmem>>, vector<16xi32>,
      %swap3A_2325 = vector.shape_cast %swap3A_2324 : vector<16xi32> to vector<16xi32>
      %swap3A_2326 = vector.shape_cast %shift_right_logical3A_2322 : vector<16xi32> to vector<16xi32>
      tpu.vector_store %arg11[%swap3A_2323], %swap3A_2326 {strides = array<i32>} : memref<64xi32, #tpu.memory_space<vmem>>, vector<16xi32>,
      %get3A_2327 = arith.constant 0 : i32
      %get3A_2328 = tpu.memref_slice %arg5[%scan3A_1162, %get3A_2327] : memref<5x64xi32, #tpu.memory_space<vmem>> -> memref<1x64xi32, #tpu.memory_space<vmem>>
      %get3A_2329 = tpu.memref_squeeze %get3A_2328 : memref<1x64xi32, #tpu.memory_space<vmem>> -> memref<64xi32, #tpu.memory_space<vmem>>
      %get3A_2330 = arith.constant 48 : index
      %get3A_2331 = tpu.vector_load %get3A_2329[%get3A_2330] {strides = array<i32>} : memref<64xi32, #tpu.memory_space<vmem>>, vector<16xi32>,
      %get3A_2332 = vector.shape_cast %get3A_2331 : vector<16xi32> to vector<16xi32>
      %and3A_2333 = arith.constant 65535 : i32
      %and3A_2334 = vector.broadcast %and3A_2333 : i32 to vector<16xi32>
      %and3A_2335 = arith.andi %get3A_2332, %and3A_2334 : vector<16xi32>
      %swap3A_2336 = arith.constant 256 : i32
      %swap3A_2337 = tpu.memref_slice %arg6[%swap3A_2336] : memref<320xi32, #tpu.memory_space<vmem>> -> memref<64xi32, #tpu.memory_space<vmem>>
      %swap3A_2338 = arith.constant 48 : index
      %swap3A_2339 = tpu.vector_load %swap3A_2337[%swap3A_2338] {strides = array<i32>} : memref<64xi32, #tpu.memory_space<vmem>>, vector<16xi32>,
      %swap3A_2340 = vector.shape_cast %swap3A_2339 : vector<16xi32> to vector<16xi32>
      %swap3A_2341 = vector.shape_cast %and3A_2335 : vector<16xi32> to vector<16xi32>
      tpu.vector_store %swap3A_2337[%swap3A_2338], %swap3A_2341 {strides = array<i32>} : memref<64xi32, #tpu.memory_space<vmem>>, vector<16xi32>,
      %shift_right_logical3A_2342 = arith.constant 16 : i32
      %shift_right_logical3A_2343 = vector.broadcast %shift_right_logical3A_2342 : i32 to vector<16xi32>
      %shift_right_logical3A_2344 = arith.shrui %get3A_2332, %shift_right_logical3A_2343 : vector<16xi32>
      %swap3A_2345 = arith.constant 48 : index
      %swap3A_2346 = tpu.vector_load %arg11[%swap3A_2345] {strides = array<i32>} : memref<64xi32, #tpu.memory_space<vmem>>, vector<16xi32>,
      %swap3A_2347 = vector.shape_cast %swap3A_2346 : vector<16xi32> to vector<16xi32>
      %swap3A_2348 = vector.shape_cast %shift_right_logical3A_2344 : vector<16xi32> to vector<16xi32>
      tpu.vector_store %arg11[%swap3A_2345], %swap3A_2348 {strides = array<i32>} : memref<64xi32, #tpu.memory_space<vmem>>, vector<16xi32>,
      %dma_start3A_2349 = arith.constant 256 : i32
      %dma_start3A_2350 = tpu.memref_slice %arg6[%dma_start3A_2349] : memref<320xi32, #tpu.memory_space<vmem>> -> memref<64xi32, #tpu.memory_space<vmem>>
      %dma_start3A_2351 = arith.constant 0 : i32
      %dma_start3A_2352 = arith.constant 0 : i32
      %dma_start3A_2353 = tpu.memref_slice %arg3[%dma_start3A_2351, %dma_start3A_2352] : memref<10000x128xf32, #tpu.memory_space<hbm>> -> memref<10000x128xf32, #tpu.memory_space<hbm>>
      tpu.enqueue_indirect_dma source(%dma_start3A_2353 : memref<10000x128xf32, #tpu.memory_space<hbm>>) target(%arg16 : memref<64x128xf32, #tpu.memory_space<vmem>>) offsets(%dma_start3A_2350 : memref<64xi32, #tpu.memory_space<vmem>>) semaphore(%arg22 : memref<!tpu.dma_semaphore, #tpu.memory_space<semaphore_mem>>)
      %add3A_2354 = arith.constant 5 : i32
      %add3A_2355 = arith.addi %add3A_2248, %add3A_2354 : i32
      %dma_start3A_2356 = arith.constant 0 : i32
      %dma_start3A_2357 = tpu.memref_slice %arg5[%scan3A_1162, %dma_start3A_2356] : memref<5x64xi32, #tpu.memory_space<vmem>> -> memref<1x64xi32, #tpu.memory_space<vmem>>
      %dma_start3A_2358 = tpu.memref_squeeze %dma_start3A_2357 : memref<1x64xi32, #tpu.memory_space<vmem>> -> memref<64xi32, #tpu.memory_space<vmem>>
      %dma_start3A_2359 = arith.constant 0 : i32
      %dma_start3A_2360 = tpu.memref_slice %arg2[%add3A, %add3A_2355, %dma_start3A_2359] : memref<32x160x64xi32, #tpu.memory_space<hbm>> -> memref<1x1x64xi32, #tpu.memory_space<hbm>>
      %dma_start3A_2361 = tpu.memref_squeeze %dma_start3A_2360 : memref<1x1x64xi32, #tpu.memory_space<hbm>> -> memref<64xi32, #tpu.memory_space<hbm>>
      %dma_start3A_2362 = arith.constant 0 : i32
      %dma_start3A_2363 = tpu.memref_slice %arg5[%scan3A_1162, %dma_start3A_2362] : memref<5x64xi32, #tpu.memory_space<vmem>> -> memref<1x64xi32, #tpu.memory_space<vmem>>
      %dma_start3A_2364 = tpu.memref_squeeze %dma_start3A_2363 : memref<1x64xi32, #tpu.memory_space<vmem>> -> memref<64xi32, #tpu.memory_space<vmem>>
      %dma_start3A_2365 = arith.constant 0 : i32
      %dma_start3A_2366 = tpu.memref_slice %arg2[%add3A, %add3A_2355, %dma_start3A_2365] : memref<32x160x64xi32, #tpu.memory_space<hbm>> -> memref<1x1x64xi32, #tpu.memory_space<hbm>>
      %dma_start3A_2367 = tpu.memref_squeeze %dma_start3A_2366 : memref<1x1x64xi32, #tpu.memory_space<hbm>> -> memref<64xi32, #tpu.memory_space<hbm>>
      tpu.enqueue_dma source(%dma_start3A_2367 : memref<64xi32, #tpu.memory_space<hbm>>) target(%dma_start3A_2364 : memref<64xi32, #tpu.memory_space<vmem>>) target_semaphore(%arg27 : memref<!tpu.dma_semaphore, #tpu.memory_space<semaphore_mem>>)
      %mul3A_2368 = arith.constant 5 : i32
      %mul3A_2369 = arith.muli %mul3A_2368, %scan3A_2095 : i32
      %add3A_2370 = arith.constant 2 : i32
      %add3A_2371 = arith.addi %mul3A_2369, %add3A_2370 : i32
      %dma_wait3A_2372 = arith.constant 128 : i32
      %dma_wait3A_2373 = tpu.memref_slice %arg6[%dma_wait3A_2372] : memref<320xi32, #tpu.memory_space<vmem>> -> memref<64xi32, #tpu.memory_space<vmem>>
      %dma_wait3A_2374 = arith.constant 0 : i32
      %dma_wait3A_2375 = arith.constant 0 : i32
      %dma_wait3A_2376 = tpu.memref_slice %arg3[%dma_wait3A_2374, %dma_wait3A_2375] : memref<10000x128xf32, #tpu.memory_space<hbm>> -> memref<10000x128xf32, #tpu.memory_space<hbm>>
      tpu.wait_indirect_dma semaphore(%arg20 : memref<!tpu.dma_semaphore, #tpu.memory_space<semaphore_mem>>) src(%dma_wait3A_2376 : memref<10000x128xf32, #tpu.memory_space<hbm>>) dst(%arg14 : memref<64x128xf32, #tpu.memory_space<vmem>>)
      %dma_start3A_2377 = arith.constant 0 : i32
      %dma_start3A_2378 = arith.constant 0 : i32
      %dma_start3A_2379 = tpu.memref_slice %arg17[%dma_start3A_2377, %dma_start3A_2378] : memref<10016x128xf32, #tpu.memory_space<vmem_shared>> -> memref<10016x128xf32, #tpu.memory_space<vmem_shared>>
      tpu.enqueue_indirect_dma source(%arg14 : memref<64x128xf32, #tpu.memory_space<vmem>>) target(%dma_start3A_2379 : memref<10016x128xf32, #tpu.memory_space<vmem_shared>>) offsets(%arg9 : memref<64xi32, #tpu.memory_space<vmem>>) semaphore(%arg30 : memref<!tpu.dma_semaphore, #tpu.memory_space<semaphore_mem>>) {add = true}
      %dma_wait3A_2380 = arith.constant 0 : i32
      %dma_wait3A_2381 = arith.constant 0 : i32
      %dma_wait3A_2382 = tpu.memref_slice %arg17[%dma_wait3A_2380, %dma_wait3A_2381] : memref<10016x128xf32, #tpu.memory_space<vmem_shared>> -> memref<10016x128xf32, #tpu.memory_space<vmem_shared>>
      tpu.wait_indirect_dma semaphore(%arg28 : memref<!tpu.dma_semaphore, #tpu.memory_space<semaphore_mem>>) src(%arg12 : memref<64x128xf32, #tpu.memory_space<vmem>>) dst(%dma_wait3A_2382 : memref<10016x128xf32, #tpu.memory_space<vmem_shared>>)
      %add3A_2383 = arith.constant 3 : i32
      %add3A_2384 = arith.addi %add3A_2371, %add3A_2383 : i32
      %dma_wait3A_2385 = arith.constant 0 : i32
      %dma_wait3A_2386 = tpu.memref_slice %arg5[%scan3A_1163, %dma_wait3A_2385] : memref<5x64xi32, #tpu.memory_space<vmem>> -> memref<1x64xi32, #tpu.memory_space<vmem>>
      %dma_wait3A_2387 = tpu.memref_squeeze %dma_wait3A_2386 : memref<1x64xi32, #tpu.memory_space<vmem>> -> memref<64xi32, #tpu.memory_space<vmem>>
      %dma_wait3A_2388 = arith.constant 0 : i32
      %dma_wait3A_2389 = tpu.memref_slice %arg2[%add3A, %add3A_2384, %dma_wait3A_2388] : memref<32x160x64xi32, #tpu.memory_space<hbm>> -> memref<1x1x64xi32, #tpu.memory_space<hbm>>
      %dma_wait3A_2390 = tpu.memref_squeeze %dma_wait3A_2389 : memref<1x1x64xi32, #tpu.memory_space<hbm>> -> memref<64xi32, #tpu.memory_space<hbm>>
      %dma_wait3A_2391 = arith.constant 0 : i32
      %dma_wait3A_2392 = tpu.memref_slice %arg5[%scan3A_1163, %dma_wait3A_2391] : memref<5x64xi32, #tpu.memory_space<vmem>> -> memref<1x64xi32, #tpu.memory_space<vmem>>
      %dma_wait3A_2393 = tpu.memref_squeeze %dma_wait3A_2392 : memref<1x64xi32, #tpu.memory_space<vmem>> -> memref<64xi32, #tpu.memory_space<vmem>>
      %dma_wait3A_2394 = arith.constant 0 : i32
      %dma_wait3A_2395 = tpu.memref_slice %arg2[%add3A, %add3A_2384, %dma_wait3A_2394] : memref<32x160x64xi32, #tpu.memory_space<hbm>> -> memref<1x1x64xi32, #tpu.memory_space<hbm>>
      %dma_wait3A_2396 = tpu.memref_squeeze %dma_wait3A_2395 : memref<1x1x64xi32, #tpu.memory_space<hbm>> -> memref<64xi32, #tpu.memory_space<hbm>>
      tpu.wait_dma2 semaphore(%arg23 : memref<!tpu.dma_semaphore, #tpu.memory_space<semaphore_mem>>) src(%dma_wait3A_2396 : memref<64xi32, #tpu.memory_space<hbm>>) dst(%dma_wait3A_2393 : memref<64xi32, #tpu.memory_space<vmem>>)
      %get3A_2397 = arith.constant 0 : i32
      %get3A_2398 = tpu.memref_slice %arg5[%scan3A_1163, %get3A_2397] : memref<5x64xi32, #tpu.memory_space<vmem>> -> memref<1x64xi32, #tpu.memory_space<vmem>>
      %get3A_2399 = tpu.memref_squeeze %get3A_2398 : memref<1x64xi32, #tpu.memory_space<vmem>> -> memref<64xi32, #tpu.memory_space<vmem>>
      %get3A_2400 = arith.constant 0 : index
      %get3A_2401 = tpu.vector_load %get3A_2399[%get3A_2400] {strides = array<i32>} : memref<64xi32, #tpu.memory_space<vmem>>, vector<16xi32>,
      %get3A_2402 = vector.shape_cast %get3A_2401 : vector<16xi32> to vector<16xi32>
      %and3A_2403 = arith.constant 65535 : i32
      %and3A_2404 = vector.broadcast %and3A_2403 : i32 to vector<16xi32>
      %and3A_2405 = arith.andi %get3A_2402, %and3A_2404 : vector<16xi32>
      %swap3A_2406 = arith.constant 0 : i32
      %swap3A_2407 = tpu.memref_slice %arg6[%swap3A_2406] : memref<320xi32, #tpu.memory_space<vmem>> -> memref<64xi32, #tpu.memory_space<vmem>>
      %swap3A_2408 = arith.constant 0 : index
      %swap3A_2409 = tpu.vector_load %swap3A_2407[%swap3A_2408] {strides = array<i32>} : memref<64xi32, #tpu.memory_space<vmem>>, vector<16xi32>,
      %swap3A_2410 = vector.shape_cast %swap3A_2409 : vector<16xi32> to vector<16xi32>
      %swap3A_2411 = vector.shape_cast %and3A_2405 : vector<16xi32> to vector<16xi32>
      tpu.vector_store %swap3A_2407[%swap3A_2408], %swap3A_2411 {strides = array<i32>} : memref<64xi32, #tpu.memory_space<vmem>>, vector<16xi32>,
      %shift_right_logical3A_2412 = arith.constant 16 : i32
      %shift_right_logical3A_2413 = vector.broadcast %shift_right_logical3A_2412 : i32 to vector<16xi32>
      %shift_right_logical3A_2414 = arith.shrui %get3A_2402, %shift_right_logical3A_2413 : vector<16xi32>
      %swap3A_2415 = arith.constant 0 : index
      %swap3A_2416 = tpu.vector_load %arg7[%swap3A_2415] {strides = array<i32>} : memref<64xi32, #tpu.memory_space<vmem>>, vector<16xi32>,
      %swap3A_2417 = vector.shape_cast %swap3A_2416 : vector<16xi32> to vector<16xi32>
      %swap3A_2418 = vector.shape_cast %shift_right_logical3A_2414 : vector<16xi32> to vector<16xi32>
      tpu.vector_store %arg7[%swap3A_2415], %swap3A_2418 {strides = array<i32>} : memref<64xi32, #tpu.memory_space<vmem>>, vector<16xi32>,
      %get3A_2419 = arith.constant 0 : i32
      %get3A_2420 = tpu.memref_slice %arg5[%scan3A_1163, %get3A_2419] : memref<5x64xi32, #tpu.memory_space<vmem>> -> memref<1x64xi32, #tpu.memory_space<vmem>>
      %get3A_2421 = tpu.memref_squeeze %get3A_2420 : memref<1x64xi32, #tpu.memory_space<vmem>> -> memref<64xi32, #tpu.memory_space<vmem>>
      %get3A_2422 = arith.constant 16 : index
      %get3A_2423 = tpu.vector_load %get3A_2421[%get3A_2422] {strides = array<i32>} : memref<64xi32, #tpu.memory_space<vmem>>, vector<16xi32>,
      %get3A_2424 = vector.shape_cast %get3A_2423 : vector<16xi32> to vector<16xi32>
      %and3A_2425 = arith.constant 65535 : i32
      %and3A_2426 = vector.broadcast %and3A_2425 : i32 to vector<16xi32>
      %and3A_2427 = arith.andi %get3A_2424, %and3A_2426 : vector<16xi32>
      %swap3A_2428 = arith.constant 0 : i32
      %swap3A_2429 = tpu.memref_slice %arg6[%swap3A_2428] : memref<320xi32, #tpu.memory_space<vmem>> -> memref<64xi32, #tpu.memory_space<vmem>>
      %swap3A_2430 = arith.constant 16 : index
      %swap3A_2431 = tpu.vector_load %swap3A_2429[%swap3A_2430] {strides = array<i32>} : memref<64xi32, #tpu.memory_space<vmem>>, vector<16xi32>,
      %swap3A_2432 = vector.shape_cast %swap3A_2431 : vector<16xi32> to vector<16xi32>
      %swap3A_2433 = vector.shape_cast %and3A_2427 : vector<16xi32> to vector<16xi32>
      tpu.vector_store %swap3A_2429[%swap3A_2430], %swap3A_2433 {strides = array<i32>} : memref<64xi32, #tpu.memory_space<vmem>>, vector<16xi32>,
      %shift_right_logical3A_2434 = arith.constant 16 : i32
      %shift_right_logical3A_2435 = vector.broadcast %shift_right_logical3A_2434 : i32 to vector<16xi32>
      %shift_right_logical3A_2436 = arith.shrui %get3A_2424, %shift_right_logical3A_2435 : vector<16xi32>
      %swap3A_2437 = arith.constant 16 : index
      %swap3A_2438 = tpu.vector_load %arg7[%swap3A_2437] {strides = array<i32>} : memref<64xi32, #tpu.memory_space<vmem>>, vector<16xi32>,
      %swap3A_2439 = vector.shape_cast %swap3A_2438 : vector<16xi32> to vector<16xi32>
      %swap3A_2440 = vector.shape_cast %shift_right_logical3A_2436 : vector<16xi32> to vector<16xi32>
      tpu.vector_store %arg7[%swap3A_2437], %swap3A_2440 {strides = array<i32>} : memref<64xi32, #tpu.memory_space<vmem>>, vector<16xi32>,
      %get3A_2441 = arith.constant 0 : i32
      %get3A_2442 = tpu.memref_slice %arg5[%scan3A_1163, %get3A_2441] : memref<5x64xi32, #tpu.memory_space<vmem>> -> memref<1x64xi32, #tpu.memory_space<vmem>>
      %get3A_2443 = tpu.memref_squeeze %get3A_2442 : memref<1x64xi32, #tpu.memory_space<vmem>> -> memref<64xi32, #tpu.memory_space<vmem>>
      %get3A_2444 = arith.constant 32 : index
      %get3A_2445 = tpu.vector_load %get3A_2443[%get3A_2444] {strides = array<i32>} : memref<64xi32, #tpu.memory_space<vmem>>, vector<16xi32>,
      %get3A_2446 = vector.shape_cast %get3A_2445 : vector<16xi32> to vector<16xi32>
      %and3A_2447 = arith.constant 65535 : i32
      %and3A_2448 = vector.broadcast %and3A_2447 : i32 to vector<16xi32>
      %and3A_2449 = arith.andi %get3A_2446, %and3A_2448 : vector<16xi32>
      %swap3A_2450 = arith.constant 0 : i32
      %swap3A_2451 = tpu.memref_slice %arg6[%swap3A_2450] : memref<320xi32, #tpu.memory_space<vmem>> -> memref<64xi32, #tpu.memory_space<vmem>>
      %swap3A_2452 = arith.constant 32 : index
      %swap3A_2453 = tpu.vector_load %swap3A_2451[%swap3A_2452] {strides = array<i32>} : memref<64xi32, #tpu.memory_space<vmem>>, vector<16xi32>,
      %swap3A_2454 = vector.shape_cast %swap3A_2453 : vector<16xi32> to vector<16xi32>
      %swap3A_2455 = vector.shape_cast %and3A_2449 : vector<16xi32> to vector<16xi32>
      tpu.vector_store %swap3A_2451[%swap3A_2452], %swap3A_2455 {strides = array<i32>} : memref<64xi32, #tpu.memory_space<vmem>>, vector<16xi32>,
      %shift_right_logical3A_2456 = arith.constant 16 : i32
      %shift_right_logical3A_2457 = vector.broadcast %shift_right_logical3A_2456 : i32 to vector<16xi32>
      %shift_right_logical3A_2458 = arith.shrui %get3A_2446, %shift_right_logical3A_2457 : vector<16xi32>
      %swap3A_2459 = arith.constant 32 : index
      %swap3A_2460 = tpu.vector_load %arg7[%swap3A_2459] {strides = array<i32>} : memref<64xi32, #tpu.memory_space<vmem>>, vector<16xi32>,
      %swap3A_2461 = vector.shape_cast %swap3A_2460 : vector<16xi32> to vector<16xi32>
      %swap3A_2462 = vector.shape_cast %shift_right_logical3A_2458 : vector<16xi32> to vector<16xi32>
      tpu.vector_store %arg7[%swap3A_2459], %swap3A_2462 {strides = array<i32>} : memref<64xi32, #tpu.memory_space<vmem>>, vector<16xi32>,
      %get3A_2463 = arith.constant 0 : i32
      %get3A_2464 = tpu.memref_slice %arg5[%scan3A_1163, %get3A_2463] : memref<5x64xi32, #tpu.memory_space<vmem>> -> memref<1x64xi32, #tpu.memory_space<vmem>>
      %get3A_2465 = tpu.memref_squeeze %get3A_2464 : memref<1x64xi32, #tpu.memory_space<vmem>> -> memref<64xi32, #tpu.memory_space<vmem>>
      %get3A_2466 = arith.constant 48 : index
      %get3A_2467 = tpu.vector_load %get3A_2465[%get3A_2466] {strides = array<i32>} : memref<64xi32, #tpu.memory_space<vmem>>, vector<16xi32>,
      %get3A_2468 = vector.shape_cast %get3A_2467 : vector<16xi32> to vector<16xi32>
      %and3A_2469 = arith.constant 65535 : i32
      %and3A_2470 = vector.broadcast %and3A_2469 : i32 to vector<16xi32>
      %and3A_2471 = arith.andi %get3A_2468, %and3A_2470 : vector<16xi32>
      %swap3A_2472 = arith.constant 0 : i32
      %swap3A_2473 = tpu.memref_slice %arg6[%swap3A_2472] : memref<320xi32, #tpu.memory_space<vmem>> -> memref<64xi32, #tpu.memory_space<vmem>>
      %swap3A_2474 = arith.constant 48 : index
      %swap3A_2475 = tpu.vector_load %swap3A_2473[%swap3A_2474] {strides = array<i32>} : memref<64xi32, #tpu.memory_space<vmem>>, vector<16xi32>,
      %swap3A_2476 = vector.shape_cast %swap3A_2475 : vector<16xi32> to vector<16xi32>
      %swap3A_2477 = vector.shape_cast %and3A_2471 : vector<16xi32> to vector<16xi32>
      tpu.vector_store %swap3A_2473[%swap3A_2474], %swap3A_2477 {strides = array<i32>} : memref<64xi32, #tpu.memory_space<vmem>>, vector<16xi32>,
      %shift_right_logical3A_2478 = arith.constant 16 : i32
      %shift_right_logical3A_2479 = vector.broadcast %shift_right_logical3A_2478 : i32 to vector<16xi32>
      %shift_right_logical3A_2480 = arith.shrui %get3A_2468, %shift_right_logical3A_2479 : vector<16xi32>
      %swap3A_2481 = arith.constant 48 : index
      %swap3A_2482 = tpu.vector_load %arg7[%swap3A_2481] {strides = array<i32>} : memref<64xi32, #tpu.memory_space<vmem>>, vector<16xi32>,
      %swap3A_2483 = vector.shape_cast %swap3A_2482 : vector<16xi32> to vector<16xi32>
      %swap3A_2484 = vector.shape_cast %shift_right_logical3A_2480 : vector<16xi32> to vector<16xi32>
      tpu.vector_store %arg7[%swap3A_2481], %swap3A_2484 {strides = array<i32>} : memref<64xi32, #tpu.memory_space<vmem>>, vector<16xi32>,
      %dma_start3A_2485 = arith.constant 0 : i32
      %dma_start3A_2486 = tpu.memref_slice %arg6[%dma_start3A_2485] : memref<320xi32, #tpu.memory_space<vmem>> -> memref<64xi32, #tpu.memory_space<vmem>>
      %dma_start3A_2487 = arith.constant 0 : i32
      %dma_start3A_2488 = arith.constant 0 : i32
      %dma_start3A_2489 = tpu.memref_slice %arg3[%dma_start3A_2487, %dma_start3A_2488] : memref<10000x128xf32, #tpu.memory_space<hbm>> -> memref<10000x128xf32, #tpu.memory_space<hbm>>
      tpu.enqueue_indirect_dma source(%dma_start3A_2489 : memref<10000x128xf32, #tpu.memory_space<hbm>>) target(%arg12 : memref<64x128xf32, #tpu.memory_space<vmem>>) offsets(%dma_start3A_2486 : memref<64xi32, #tpu.memory_space<vmem>>) semaphore(%arg18 : memref<!tpu.dma_semaphore, #tpu.memory_space<semaphore_mem>>)
      %add3A_2490 = arith.constant 5 : i32
      %add3A_2491 = arith.addi %add3A_2384, %add3A_2490 : i32
      %dma_start3A_2492 = arith.constant 0 : i32
      %dma_start3A_2493 = tpu.memref_slice %arg5[%scan3A_1163, %dma_start3A_2492] : memref<5x64xi32, #tpu.memory_space<vmem>> -> memref<1x64xi32, #tpu.memory_space<vmem>>
      %dma_start3A_2494 = tpu.memref_squeeze %dma_start3A_2493 : memref<1x64xi32, #tpu.memory_space<vmem>> -> memref<64xi32, #tpu.memory_space<vmem>>
      %dma_start3A_2495 = arith.constant 0 : i32
      %dma_start3A_2496 = tpu.memref_slice %arg2[%add3A, %add3A_2491, %dma_start3A_2495] : memref<32x160x64xi32, #tpu.memory_space<hbm>> -> memref<1x1x64xi32, #tpu.memory_space<hbm>>
      %dma_start3A_2497 = tpu.memref_squeeze %dma_start3A_2496 : memref<1x1x64xi32, #tpu.memory_space<hbm>> -> memref<64xi32, #tpu.memory_space<hbm>>
      %dma_start3A_2498 = arith.constant 0 : i32
      %dma_start3A_2499 = tpu.memref_slice %arg5[%scan3A_1163, %dma_start3A_2498] : memref<5x64xi32, #tpu.memory_space<vmem>> -> memref<1x64xi32, #tpu.memory_space<vmem>>
      %dma_start3A_2500 = tpu.memref_squeeze %dma_start3A_2499 : memref<1x64xi32, #tpu.memory_space<vmem>> -> memref<64xi32, #tpu.memory_space<vmem>>
      %dma_start3A_2501 = arith.constant 0 : i32
      %dma_start3A_2502 = tpu.memref_slice %arg2[%add3A, %add3A_2491, %dma_start3A_2501] : memref<32x160x64xi32, #tpu.memory_space<hbm>> -> memref<1x1x64xi32, #tpu.memory_space<hbm>>
      %dma_start3A_2503 = tpu.memref_squeeze %dma_start3A_2502 : memref<1x1x64xi32, #tpu.memory_space<hbm>> -> memref<64xi32, #tpu.memory_space<hbm>>
      tpu.enqueue_dma source(%dma_start3A_2503 : memref<64xi32, #tpu.memory_space<hbm>>) target(%dma_start3A_2500 : memref<64xi32, #tpu.memory_space<vmem>>) target_semaphore(%arg23 : memref<!tpu.dma_semaphore, #tpu.memory_space<semaphore_mem>>)
      %mul3A_2504 = arith.constant 5 : i32
      %mul3A_2505 = arith.muli %mul3A_2504, %scan3A_2095 : i32
      %add3A_2506 = arith.constant 3 : i32
      %add3A_2507 = arith.addi %mul3A_2505, %add3A_2506 : i32
      %dma_wait3A_2508 = arith.constant 192 : i32
      %dma_wait3A_2509 = tpu.memref_slice %arg6[%dma_wait3A_2508] : memref<320xi32, #tpu.memory_space<vmem>> -> memref<64xi32, #tpu.memory_space<vmem>>
      %dma_wait3A_2510 = arith.constant 0 : i32
      %dma_wait3A_2511 = arith.constant 0 : i32
      %dma_wait3A_2512 = tpu.memref_slice %arg3[%dma_wait3A_2510, %dma_wait3A_2511] : memref<10000x128xf32, #tpu.memory_space<hbm>> -> memref<10000x128xf32, #tpu.memory_space<hbm>>
      tpu.wait_indirect_dma semaphore(%arg21 : memref<!tpu.dma_semaphore, #tpu.memory_space<semaphore_mem>>) src(%dma_wait3A_2512 : memref<10000x128xf32, #tpu.memory_space<hbm>>) dst(%arg15 : memref<64x128xf32, #tpu.memory_space<vmem>>)
      %dma_start3A_2513 = arith.constant 0 : i32
      %dma_start3A_2514 = arith.constant 0 : i32
      %dma_start3A_2515 = tpu.memref_slice %arg17[%dma_start3A_2513, %dma_start3A_2514] : memref<10016x128xf32, #tpu.memory_space<vmem_shared>> -> memref<10016x128xf32, #tpu.memory_space<vmem_shared>>
      tpu.enqueue_indirect_dma source(%arg15 : memref<64x128xf32, #tpu.memory_space<vmem>>) target(%dma_start3A_2515 : memref<10016x128xf32, #tpu.memory_space<vmem_shared>>) offsets(%arg10 : memref<64xi32, #tpu.memory_space<vmem>>) semaphore(%arg31 : memref<!tpu.dma_semaphore, #tpu.memory_space<semaphore_mem>>) {add = true}
      %dma_wait3A_2516 = arith.constant 0 : i32
      %dma_wait3A_2517 = arith.constant 0 : i32
      %dma_wait3A_2518 = tpu.memref_slice %arg17[%dma_wait3A_2516, %dma_wait3A_2517] : memref<10016x128xf32, #tpu.memory_space<vmem_shared>> -> memref<10016x128xf32, #tpu.memory_space<vmem_shared>>
      tpu.wait_indirect_dma semaphore(%arg29 : memref<!tpu.dma_semaphore, #tpu.memory_space<semaphore_mem>>) src(%arg13 : memref<64x128xf32, #tpu.memory_space<vmem>>) dst(%dma_wait3A_2518 : memref<10016x128xf32, #tpu.memory_space<vmem_shared>>)
      %add3A_2519 = arith.constant 3 : i32
      %add3A_2520 = arith.addi %add3A_2507, %add3A_2519 : i32
      %dma_wait3A_2521 = arith.constant 0 : i32
      %dma_wait3A_2522 = tpu.memref_slice %arg5[%scan3A_1164, %dma_wait3A_2521] : memref<5x64xi32, #tpu.memory_space<vmem>> -> memref<1x64xi32, #tpu.memory_space<vmem>>
      %dma_wait3A_2523 = tpu.memref_squeeze %dma_wait3A_2522 : memref<1x64xi32, #tpu.memory_space<vmem>> -> memref<64xi32, #tpu.memory_space<vmem>>
      %dma_wait3A_2524 = arith.constant 0 : i32
      %dma_wait3A_2525 = tpu.memref_slice %arg2[%add3A, %add3A_2520, %dma_wait3A_2524] : memref<32x160x64xi32, #tpu.memory_space<hbm>> -> memref<1x1x64xi32, #tpu.memory_space<hbm>>
      %dma_wait3A_2526 = tpu.memref_squeeze %dma_wait3A_2525 : memref<1x1x64xi32, #tpu.memory_space<hbm>> -> memref<64xi32, #tpu.memory_space<hbm>>
      %dma_wait3A_2527 = arith.constant 0 : i32
      %dma_wait3A_2528 = tpu.memref_slice %arg5[%scan3A_1164, %dma_wait3A_2527] : memref<5x64xi32, #tpu.memory_space<vmem>> -> memref<1x64xi32, #tpu.memory_space<vmem>>
      %dma_wait3A_2529 = tpu.memref_squeeze %dma_wait3A_2528 : memref<1x64xi32, #tpu.memory_space<vmem>> -> memref<64xi32, #tpu.memory_space<vmem>>
      %dma_wait3A_2530 = arith.constant 0 : i32
      %dma_wait3A_2531 = tpu.memref_slice %arg2[%add3A, %add3A_2520, %dma_wait3A_2530] : memref<32x160x64xi32, #tpu.memory_space<hbm>> -> memref<1x1x64xi32, #tpu.memory_space<hbm>>
      %dma_wait3A_2532 = tpu.memref_squeeze %dma_wait3A_2531 : memref<1x1x64xi32, #tpu.memory_space<hbm>> -> memref<64xi32, #tpu.memory_space<hbm>>
      tpu.wait_dma2 semaphore(%arg24 : memref<!tpu.dma_semaphore, #tpu.memory_space<semaphore_mem>>) src(%dma_wait3A_2532 : memref<64xi32, #tpu.memory_space<hbm>>) dst(%dma_wait3A_2529 : memref<64xi32, #tpu.memory_space<vmem>>)
      %get3A_2533 = arith.constant 0 : i32
      %get3A_2534 = tpu.memref_slice %arg5[%scan3A_1164, %get3A_2533] : memref<5x64xi32, #tpu.memory_space<vmem>> -> memref<1x64xi32, #tpu.memory_space<vmem>>
      %get3A_2535 = tpu.memref_squeeze %get3A_2534 : memref<1x64xi32, #tpu.memory_space<vmem>> -> memref<64xi32, #tpu.memory_space<vmem>>
      %get3A_2536 = arith.constant 0 : index
      %get3A_2537 = tpu.vector_load %get3A_2535[%get3A_2536] {strides = array<i32>} : memref<64xi32, #tpu.memory_space<vmem>>, vector<16xi32>,
      %get3A_2538 = vector.shape_cast %get3A_2537 : vector<16xi32> to vector<16xi32>
      %and3A_2539 = arith.constant 65535 : i32
      %and3A_2540 = vector.broadcast %and3A_2539 : i32 to vector<16xi32>
      %and3A_2541 = arith.andi %get3A_2538, %and3A_2540 : vector<16xi32>
      %swap3A_2542 = arith.constant 64 : i32
      %swap3A_2543 = tpu.memref_slice %arg6[%swap3A_2542] : memref<320xi32, #tpu.memory_space<vmem>> -> memref<64xi32, #tpu.memory_space<vmem>>
      %swap3A_2544 = arith.constant 0 : index
      %swap3A_2545 = tpu.vector_load %swap3A_2543[%swap3A_2544] {strides = array<i32>} : memref<64xi32, #tpu.memory_space<vmem>>, vector<16xi32>,
      %swap3A_2546 = vector.shape_cast %swap3A_2545 : vector<16xi32> to vector<16xi32>
      %swap3A_2547 = vector.shape_cast %and3A_2541 : vector<16xi32> to vector<16xi32>
      tpu.vector_store %swap3A_2543[%swap3A_2544], %swap3A_2547 {strides = array<i32>} : memref<64xi32, #tpu.memory_space<vmem>>, vector<16xi32>,
      %shift_right_logical3A_2548 = arith.constant 16 : i32
      %shift_right_logical3A_2549 = vector.broadcast %shift_right_logical3A_2548 : i32 to vector<16xi32>
      %shift_right_logical3A_2550 = arith.shrui %get3A_2538, %shift_right_logical3A_2549 : vector<16xi32>
      %swap3A_2551 = arith.constant 0 : index
      %swap3A_2552 = tpu.vector_load %arg8[%swap3A_2551] {strides = array<i32>} : memref<64xi32, #tpu.memory_space<vmem>>, vector<16xi32>,
      %swap3A_2553 = vector.shape_cast %swap3A_2552 : vector<16xi32> to vector<16xi32>
      %swap3A_2554 = vector.shape_cast %shift_right_logical3A_2550 : vector<16xi32> to vector<16xi32>
      tpu.vector_store %arg8[%swap3A_2551], %swap3A_2554 {strides = array<i32>} : memref<64xi32, #tpu.memory_space<vmem>>, vector<16xi32>,
      %get3A_2555 = arith.constant 0 : i32
      %get3A_2556 = tpu.memref_slice %arg5[%scan3A_1164, %get3A_2555] : memref<5x64xi32, #tpu.memory_space<vmem>> -> memref<1x64xi32, #tpu.memory_space<vmem>>
      %get3A_2557 = tpu.memref_squeeze %get3A_2556 : memref<1x64xi32, #tpu.memory_space<vmem>> -> memref<64xi32, #tpu.memory_space<vmem>>
      %get3A_2558 = arith.constant 16 : index
      %get3A_2559 = tpu.vector_load %get3A_2557[%get3A_2558] {strides = array<i32>} : memref<64xi32, #tpu.memory_space<vmem>>, vector<16xi32>,
      %get3A_2560 = vector.shape_cast %get3A_2559 : vector<16xi32> to vector<16xi32>
      %and3A_2561 = arith.constant 65535 : i32
      %and3A_2562 = vector.broadcast %and3A_2561 : i32 to vector<16xi32>
      %and3A_2563 = arith.andi %get3A_2560, %and3A_2562 : vector<16xi32>
      %swap3A_2564 = arith.constant 64 : i32
      %swap3A_2565 = tpu.memref_slice %arg6[%swap3A_2564] : memref<320xi32, #tpu.memory_space<vmem>> -> memref<64xi32, #tpu.memory_space<vmem>>
      %swap3A_2566 = arith.constant 16 : index
      %swap3A_2567 = tpu.vector_load %swap3A_2565[%swap3A_2566] {strides = array<i32>} : memref<64xi32, #tpu.memory_space<vmem>>, vector<16xi32>,
      %swap3A_2568 = vector.shape_cast %swap3A_2567 : vector<16xi32> to vector<16xi32>
      %swap3A_2569 = vector.shape_cast %and3A_2563 : vector<16xi32> to vector<16xi32>
      tpu.vector_store %swap3A_2565[%swap3A_2566], %swap3A_2569 {strides = array<i32>} : memref<64xi32, #tpu.memory_space<vmem>>, vector<16xi32>,
      %shift_right_logical3A_2570 = arith.constant 16 : i32
      %shift_right_logical3A_2571 = vector.broadcast %shift_right_logical3A_2570 : i32 to vector<16xi32>
      %shift_right_logical3A_2572 = arith.shrui %get3A_2560, %shift_right_logical3A_2571 : vector<16xi32>
      %swap3A_2573 = arith.constant 16 : index
      %swap3A_2574 = tpu.vector_load %arg8[%swap3A_2573] {strides = array<i32>} : memref<64xi32, #tpu.memory_space<vmem>>, vector<16xi32>,
      %swap3A_2575 = vector.shape_cast %swap3A_2574 : vector<16xi32> to vector<16xi32>
      %swap3A_2576 = vector.shape_cast %shift_right_logical3A_2572 : vector<16xi32> to vector<16xi32>
      tpu.vector_store %arg8[%swap3A_2573], %swap3A_2576 {strides = array<i32>} : memref<64xi32, #tpu.memory_space<vmem>>, vector<16xi32>,
      %get3A_2577 = arith.constant 0 : i32
      %get3A_2578 = tpu.memref_slice %arg5[%scan3A_1164, %get3A_2577] : memref<5x64xi32, #tpu.memory_space<vmem>> -> memref<1x64xi32, #tpu.memory_space<vmem>>
      %get3A_2579 = tpu.memref_squeeze %get3A_2578 : memref<1x64xi32, #tpu.memory_space<vmem>> -> memref<64xi32, #tpu.memory_space<vmem>>
      %get3A_2580 = arith.constant 32 : index
      %get3A_2581 = tpu.vector_load %get3A_2579[%get3A_2580] {strides = array<i32>} : memref<64xi32, #tpu.memory_space<vmem>>, vector<16xi32>,
      %get3A_2582 = vector.shape_cast %get3A_2581 : vector<16xi32> to vector<16xi32>
      %and3A_2583 = arith.constant 65535 : i32
      %and3A_2584 = vector.broadcast %and3A_2583 : i32 to vector<16xi32>
      %and3A_2585 = arith.andi %get3A_2582, %and3A_2584 : vector<16xi32>
      %swap3A_2586 = arith.constant 64 : i32
      %swap3A_2587 = tpu.memref_slice %arg6[%swap3A_2586] : memref<320xi32, #tpu.memory_space<vmem>> -> memref<64xi32, #tpu.memory_space<vmem>>
      %swap3A_2588 = arith.constant 32 : index
      %swap3A_2589 = tpu.vector_load %swap3A_2587[%swap3A_2588] {strides = array<i32>} : memref<64xi32, #tpu.memory_space<vmem>>, vector<16xi32>,
      %swap3A_2590 = vector.shape_cast %swap3A_2589 : vector<16xi32> to vector<16xi32>
      %swap3A_2591 = vector.shape_cast %and3A_2585 : vector<16xi32> to vector<16xi32>
      tpu.vector_store %swap3A_2587[%swap3A_2588], %swap3A_2591 {strides = array<i32>} : memref<64xi32, #tpu.memory_space<vmem>>, vector<16xi32>,
      %shift_right_logical3A_2592 = arith.constant 16 : i32
      %shift_right_logical3A_2593 = vector.broadcast %shift_right_logical3A_2592 : i32 to vector<16xi32>
      %shift_right_logical3A_2594 = arith.shrui %get3A_2582, %shift_right_logical3A_2593 : vector<16xi32>
      %swap3A_2595 = arith.constant 32 : index
      %swap3A_2596 = tpu.vector_load %arg8[%swap3A_2595] {strides = array<i32>} : memref<64xi32, #tpu.memory_space<vmem>>, vector<16xi32>,
      %swap3A_2597 = vector.shape_cast %swap3A_2596 : vector<16xi32> to vector<16xi32>
      %swap3A_2598 = vector.shape_cast %shift_right_logical3A_2594 : vector<16xi32> to vector<16xi32>
      tpu.vector_store %arg8[%swap3A_2595], %swap3A_2598 {strides = array<i32>} : memref<64xi32, #tpu.memory_space<vmem>>, vector<16xi32>,
      %get3A_2599 = arith.constant 0 : i32
      %get3A_2600 = tpu.memref_slice %arg5[%scan3A_1164, %get3A_2599] : memref<5x64xi32, #tpu.memory_space<vmem>> -> memref<1x64xi32, #tpu.memory_space<vmem>>
      %get3A_2601 = tpu.memref_squeeze %get3A_2600 : memref<1x64xi32, #tpu.memory_space<vmem>> -> memref<64xi32, #tpu.memory_space<vmem>>
      %get3A_2602 = arith.constant 48 : index
      %get3A_2603 = tpu.vector_load %get3A_2601[%get3A_2602] {strides = array<i32>} : memref<64xi32, #tpu.memory_space<vmem>>, vector<16xi32>,
      %get3A_2604 = vector.shape_cast %get3A_2603 : vector<16xi32> to vector<16xi32>
      %and3A_2605 = arith.constant 65535 : i32
      %and3A_2606 = vector.broadcast %and3A_2605 : i32 to vector<16xi32>
      %and3A_2607 = arith.andi %get3A_2604, %and3A_2606 : vector<16xi32>
      %swap3A_2608 = arith.constant 64 : i32
      %swap3A_2609 = tpu.memref_slice %arg6[%swap3A_2608] : memref<320xi32, #tpu.memory_space<vmem>> -> memref<64xi32, #tpu.memory_space<vmem>>
      %swap3A_2610 = arith.constant 48 : index
      %swap3A_2611 = tpu.vector_load %swap3A_2609[%swap3A_2610] {strides = array<i32>} : memref<64xi32, #tpu.memory_space<vmem>>, vector<16xi32>,
      %swap3A_2612 = vector.shape_cast %swap3A_2611 : vector<16xi32> to vector<16xi32>
      %swap3A_2613 = vector.shape_cast %and3A_2607 : vector<16xi32> to vector<16xi32>
      tpu.vector_store %swap3A_2609[%swap3A_2610], %swap3A_2613 {strides = array<i32>} : memref<64xi32, #tpu.memory_space<vmem>>, vector<16xi32>,
      %shift_right_logical3A_2614 = arith.constant 16 : i32
      %shift_right_logical3A_2615 = vector.broadcast %shift_right_logical3A_2614 : i32 to vector<16xi32>
      %shift_right_logical3A_2616 = arith.shrui %get3A_2604, %shift_right_logical3A_2615 : vector<16xi32>
      %swap3A_2617 = arith.constant 48 : index
      %swap3A_2618 = tpu.vector_load %arg8[%swap3A_2617] {strides = array<i32>} : memref<64xi32, #tpu.memory_space<vmem>>, vector<16xi32>,
      %swap3A_2619 = vector.shape_cast %swap3A_2618 : vector<16xi32> to vector<16xi32>
      %swap3A_2620 = vector.shape_cast %shift_right_logical3A_2616 : vector<16xi32> to vector<16xi32>
      tpu.vector_store %arg8[%swap3A_2617], %swap3A_2620 {strides = array<i32>} : memref<64xi32, #tpu.memory_space<vmem>>, vector<16xi32>,
      %dma_start3A_2621 = arith.constant 64 : i32
      %dma_start3A_2622 = tpu.memref_slice %arg6[%dma_start3A_2621] : memref<320xi32, #tpu.memory_space<vmem>> -> memref<64xi32, #tpu.memory_space<vmem>>
      %dma_start3A_2623 = arith.constant 0 : i32
      %dma_start3A_2624 = arith.constant 0 : i32
      %dma_start3A_2625 = tpu.memref_slice %arg3[%dma_start3A_2623, %dma_start3A_2624] : memref<10000x128xf32, #tpu.memory_space<hbm>> -> memref<10000x128xf32, #tpu.memory_space<hbm>>
      tpu.enqueue_indirect_dma source(%dma_start3A_2625 : memref<10000x128xf32, #tpu.memory_space<hbm>>) target(%arg13 : memref<64x128xf32, #tpu.memory_space<vmem>>) offsets(%dma_start3A_2622 : memref<64xi32, #tpu.memory_space<vmem>>) semaphore(%arg19 : memref<!tpu.dma_semaphore, #tpu.memory_space<semaphore_mem>>)
      %add3A_2626 = arith.constant 5 : i32
      %add3A_2627 = arith.addi %add3A_2520, %add3A_2626 : i32
      %dma_start3A_2628 = arith.constant 0 : i32
      %dma_start3A_2629 = tpu.memref_slice %arg5[%scan3A_1164, %dma_start3A_2628] : memref<5x64xi32, #tpu.memory_space<vmem>> -> memref<1x64xi32, #tpu.memory_space<vmem>>
      %dma_start3A_2630 = tpu.memref_squeeze %dma_start3A_2629 : memref<1x64xi32, #tpu.memory_space<vmem>> -> memref<64xi32, #tpu.memory_space<vmem>>
      %dma_start3A_2631 = arith.constant 0 : i32
      %dma_start3A_2632 = tpu.memref_slice %arg2[%add3A, %add3A_2627, %dma_start3A_2631] : memref<32x160x64xi32, #tpu.memory_space<hbm>> -> memref<1x1x64xi32, #tpu.memory_space<hbm>>
      %dma_start3A_2633 = tpu.memref_squeeze %dma_start3A_2632 : memref<1x1x64xi32, #tpu.memory_space<hbm>> -> memref<64xi32, #tpu.memory_space<hbm>>
      %dma_start3A_2634 = arith.constant 0 : i32
      %dma_start3A_2635 = tpu.memref_slice %arg5[%scan3A_1164, %dma_start3A_2634] : memref<5x64xi32, #tpu.memory_space<vmem>> -> memref<1x64xi32, #tpu.memory_space<vmem>>
      %dma_start3A_2636 = tpu.memref_squeeze %dma_start3A_2635 : memref<1x64xi32, #tpu.memory_space<vmem>> -> memref<64xi32, #tpu.memory_space<vmem>>
      %dma_start3A_2637 = arith.constant 0 : i32
      %dma_start3A_2638 = tpu.memref_slice %arg2[%add3A, %add3A_2627, %dma_start3A_2637] : memref<32x160x64xi32, #tpu.memory_space<hbm>> -> memref<1x1x64xi32, #tpu.memory_space<hbm>>
      %dma_start3A_2639 = tpu.memref_squeeze %dma_start3A_2638 : memref<1x1x64xi32, #tpu.memory_space<hbm>> -> memref<64xi32, #tpu.memory_space<hbm>>
      tpu.enqueue_dma source(%dma_start3A_2639 : memref<64xi32, #tpu.memory_space<hbm>>) target(%dma_start3A_2636 : memref<64xi32, #tpu.memory_space<vmem>>) target_semaphore(%arg24 : memref<!tpu.dma_semaphore, #tpu.memory_space<semaphore_mem>>)
      %mul3A_2640 = arith.constant 5 : i32
      %mul3A_2641 = arith.muli %mul3A_2640, %scan3A_2095 : i32
      %add3A_2642 = arith.constant 4 : i32
      %add3A_2643 = arith.addi %mul3A_2641, %add3A_2642 : i32
      %dma_wait3A_2644 = arith.constant 256 : i32
      %dma_wait3A_2645 = tpu.memref_slice %arg6[%dma_wait3A_2644] : memref<320xi32, #tpu.memory_space<vmem>> -> memref<64xi32, #tpu.memory_space<vmem>>
      %dma_wait3A_2646 = arith.constant 0 : i32
      %dma_wait3A_2647 = arith.constant 0 : i32
      %dma_wait3A_2648 = tpu.memref_slice %arg3[%dma_wait3A_2646, %dma_wait3A_2647] : memref<10000x128xf32, #tpu.memory_space<hbm>> -> memref<10000x128xf32, #tpu.memory_space<hbm>>
      tpu.wait_indirect_dma semaphore(%arg22 : memref<!tpu.dma_semaphore, #tpu.memory_space<semaphore_mem>>) src(%dma_wait3A_2648 : memref<10000x128xf32, #tpu.memory_space<hbm>>) dst(%arg16 : memref<64x128xf32, #tpu.memory_space<vmem>>)
      %dma_start3A_2649 = arith.constant 0 : i32
      %dma_start3A_2650 = arith.constant 0 : i32
      %dma_start3A_2651 = tpu.memref_slice %arg17[%dma_start3A_2649, %dma_start3A_2650] : memref<10016x128xf32, #tpu.memory_space<vmem_shared>> -> memref<10016x128xf32, #tpu.memory_space<vmem_shared>>
      tpu.enqueue_indirect_dma source(%arg16 : memref<64x128xf32, #tpu.memory_space<vmem>>) target(%dma_start3A_2651 : memref<10016x128xf32, #tpu.memory_space<vmem_shared>>) offsets(%arg11 : memref<64xi32, #tpu.memory_space<vmem>>) semaphore(%arg32 : memref<!tpu.dma_semaphore, #tpu.memory_space<semaphore_mem>>) {add = true}
      %dma_wait3A_2652 = arith.constant 0 : i32
      %dma_wait3A_2653 = arith.constant 0 : i32
      %dma_wait3A_2654 = tpu.memref_slice %arg17[%dma_wait3A_2652, %dma_wait3A_2653] : memref<10016x128xf32, #tpu.memory_space<vmem_shared>> -> memref<10016x128xf32, #tpu.memory_space<vmem_shared>>
      tpu.wait_indirect_dma semaphore(%arg30 : memref<!tpu.dma_semaphore, #tpu.memory_space<semaphore_mem>>) src(%arg14 : memref<64x128xf32, #tpu.memory_space<vmem>>) dst(%dma_wait3A_2654 : memref<10016x128xf32, #tpu.memory_space<vmem_shared>>)
      %add3A_2655 = arith.constant 3 : i32
      %add3A_2656 = arith.addi %add3A_2643, %add3A_2655 : i32
      %dma_wait3A_2657 = arith.constant 0 : i32
      %dma_wait3A_2658 = tpu.memref_slice %arg5[%scan3A_1165, %dma_wait3A_2657] : memref<5x64xi32, #tpu.memory_space<vmem>> -> memref<1x64xi32, #tpu.memory_space<vmem>>
      %dma_wait3A_2659 = tpu.memref_squeeze %dma_wait3A_2658 : memref<1x64xi32, #tpu.memory_space<vmem>> -> memref<64xi32, #tpu.memory_space<vmem>>
      %dma_wait3A_2660 = arith.constant 0 : i32
      %dma_wait3A_2661 = tpu.memref_slice %arg2[%add3A, %add3A_2656, %dma_wait3A_2660] : memref<32x160x64xi32, #tpu.memory_space<hbm>> -> memref<1x1x64xi32, #tpu.memory_space<hbm>>
      %dma_wait3A_2662 = tpu.memref_squeeze %dma_wait3A_2661 : memref<1x1x64xi32, #tpu.memory_space<hbm>> -> memref<64xi32, #tpu.memory_space<hbm>>
      %dma_wait3A_2663 = arith.constant 0 : i32
      %dma_wait3A_2664 = tpu.memref_slice %arg5[%scan3A_1165, %dma_wait3A_2663] : memref<5x64xi32, #tpu.memory_space<vmem>> -> memref<1x64xi32, #tpu.memory_space<vmem>>
      %dma_wait3A_2665 = tpu.memref_squeeze %dma_wait3A_2664 : memref<1x64xi32, #tpu.memory_space<vmem>> -> memref<64xi32, #tpu.memory_space<vmem>>
      %dma_wait3A_2666 = arith.constant 0 : i32
      %dma_wait3A_2667 = tpu.memref_slice %arg2[%add3A, %add3A_2656, %dma_wait3A_2666] : memref<32x160x64xi32, #tpu.memory_space<hbm>> -> memref<1x1x64xi32, #tpu.memory_space<hbm>>
      %dma_wait3A_2668 = tpu.memref_squeeze %dma_wait3A_2667 : memref<1x1x64xi32, #tpu.memory_space<hbm>> -> memref<64xi32, #tpu.memory_space<hbm>>
      tpu.wait_dma2 semaphore(%arg25 : memref<!tpu.dma_semaphore, #tpu.memory_space<semaphore_mem>>) src(%dma_wait3A_2668 : memref<64xi32, #tpu.memory_space<hbm>>) dst(%dma_wait3A_2665 : memref<64xi32, #tpu.memory_space<vmem>>)
      %get3A_2669 = arith.constant 0 : i32
      %get3A_2670 = tpu.memref_slice %arg5[%scan3A_1165, %get3A_2669] : memref<5x64xi32, #tpu.memory_space<vmem>> -> memref<1x64xi32, #tpu.memory_space<vmem>>
      %get3A_2671 = tpu.memref_squeeze %get3A_2670 : memref<1x64xi32, #tpu.memory_space<vmem>> -> memref<64xi32, #tpu.memory_space<vmem>>
      %get3A_2672 = arith.constant 0 : index
      %get3A_2673 = tpu.vector_load %get3A_2671[%get3A_2672] {strides = array<i32>} : memref<64xi32, #tpu.memory_space<vmem>>, vector<16xi32>,
      %get3A_2674 = vector.shape_cast %get3A_2673 : vector<16xi32> to vector<16xi32>
      %and3A_2675 = arith.constant 65535 : i32
      %and3A_2676 = vector.broadcast %and3A_2675 : i32 to vector<16xi32>
      %and3A_2677 = arith.andi %get3A_2674, %and3A_2676 : vector<16xi32>
      %swap3A_2678 = arith.constant 128 : i32
      %swap3A_2679 = tpu.memref_slice %arg6[%swap3A_2678] : memref<320xi32, #tpu.memory_space<vmem>> -> memref<64xi32, #tpu.memory_space<vmem>>
      %swap3A_2680 = arith.constant 0 : index
      %swap3A_2681 = tpu.vector_load %swap3A_2679[%swap3A_2680] {strides = array<i32>} : memref<64xi32, #tpu.memory_space<vmem>>, vector<16xi32>,
      %swap3A_2682 = vector.shape_cast %swap3A_2681 : vector<16xi32> to vector<16xi32>
      %swap3A_2683 = vector.shape_cast %and3A_2677 : vector<16xi32> to vector<16xi32>
      tpu.vector_store %swap3A_2679[%swap3A_2680], %swap3A_2683 {strides = array<i32>} : memref<64xi32, #tpu.memory_space<vmem>>, vector<16xi32>,
      %shift_right_logical3A_2684 = arith.constant 16 : i32
      %shift_right_logical3A_2685 = vector.broadcast %shift_right_logical3A_2684 : i32 to vector<16xi32>
      %shift_right_logical3A_2686 = arith.shrui %get3A_2674, %shift_right_logical3A_2685 : vector<16xi32>
      %swap3A_2687 = arith.constant 0 : index
      %swap3A_2688 = tpu.vector_load %arg9[%swap3A_2687] {strides = array<i32>} : memref<64xi32, #tpu.memory_space<vmem>>, vector<16xi32>,
      %swap3A_2689 = vector.shape_cast %swap3A_2688 : vector<16xi32> to vector<16xi32>
      %swap3A_2690 = vector.shape_cast %shift_right_logical3A_2686 : vector<16xi32> to vector<16xi32>
      tpu.vector_store %arg9[%swap3A_2687], %swap3A_2690 {strides = array<i32>} : memref<64xi32, #tpu.memory_space<vmem>>, vector<16xi32>,
      %get3A_2691 = arith.constant 0 : i32
      %get3A_2692 = tpu.memref_slice %arg5[%scan3A_1165, %get3A_2691] : memref<5x64xi32, #tpu.memory_space<vmem>> -> memref<1x64xi32, #tpu.memory_space<vmem>>
      %get3A_2693 = tpu.memref_squeeze %get3A_2692 : memref<1x64xi32, #tpu.memory_space<vmem>> -> memref<64xi32, #tpu.memory_space<vmem>>
      %get3A_2694 = arith.constant 16 : index
      %get3A_2695 = tpu.vector_load %get3A_2693[%get3A_2694] {strides = array<i32>} : memref<64xi32, #tpu.memory_space<vmem>>, vector<16xi32>,
      %get3A_2696 = vector.shape_cast %get3A_2695 : vector<16xi32> to vector<16xi32>
      %and3A_2697 = arith.constant 65535 : i32
      %and3A_2698 = vector.broadcast %and3A_2697 : i32 to vector<16xi32>
      %and3A_2699 = arith.andi %get3A_2696, %and3A_2698 : vector<16xi32>
      %swap3A_2700 = arith.constant 128 : i32
      %swap3A_2701 = tpu.memref_slice %arg6[%swap3A_2700] : memref<320xi32, #tpu.memory_space<vmem>> -> memref<64xi32, #tpu.memory_space<vmem>>
      %swap3A_2702 = arith.constant 16 : index
      %swap3A_2703 = tpu.vector_load %swap3A_2701[%swap3A_2702] {strides = array<i32>} : memref<64xi32, #tpu.memory_space<vmem>>, vector<16xi32>,
      %swap3A_2704 = vector.shape_cast %swap3A_2703 : vector<16xi32> to vector<16xi32>
      %swap3A_2705 = vector.shape_cast %and3A_2699 : vector<16xi32> to vector<16xi32>
      tpu.vector_store %swap3A_2701[%swap3A_2702], %swap3A_2705 {strides = array<i32>} : memref<64xi32, #tpu.memory_space<vmem>>, vector<16xi32>,
      %shift_right_logical3A_2706 = arith.constant 16 : i32
      %shift_right_logical3A_2707 = vector.broadcast %shift_right_logical3A_2706 : i32 to vector<16xi32>
      %shift_right_logical3A_2708 = arith.shrui %get3A_2696, %shift_right_logical3A_2707 : vector<16xi32>
      %swap3A_2709 = arith.constant 16 : index
      %swap3A_2710 = tpu.vector_load %arg9[%swap3A_2709] {strides = array<i32>} : memref<64xi32, #tpu.memory_space<vmem>>, vector<16xi32>,
      %swap3A_2711 = vector.shape_cast %swap3A_2710 : vector<16xi32> to vector<16xi32>
      %swap3A_2712 = vector.shape_cast %shift_right_logical3A_2708 : vector<16xi32> to vector<16xi32>
      tpu.vector_store %arg9[%swap3A_2709], %swap3A_2712 {strides = array<i32>} : memref<64xi32, #tpu.memory_space<vmem>>, vector<16xi32>,
      %get3A_2713 = arith.constant 0 : i32
      %get3A_2714 = tpu.memref_slice %arg5[%scan3A_1165, %get3A_2713] : memref<5x64xi32, #tpu.memory_space<vmem>> -> memref<1x64xi32, #tpu.memory_space<vmem>>
      %get3A_2715 = tpu.memref_squeeze %get3A_2714 : memref<1x64xi32, #tpu.memory_space<vmem>> -> memref<64xi32, #tpu.memory_space<vmem>>
      %get3A_2716 = arith.constant 32 : index
      %get3A_2717 = tpu.vector_load %get3A_2715[%get3A_2716] {strides = array<i32>} : memref<64xi32, #tpu.memory_space<vmem>>, vector<16xi32>,
      %get3A_2718 = vector.shape_cast %get3A_2717 : vector<16xi32> to vector<16xi32>
      %and3A_2719 = arith.constant 65535 : i32
      %and3A_2720 = vector.broadcast %and3A_2719 : i32 to vector<16xi32>
      %and3A_2721 = arith.andi %get3A_2718, %and3A_2720 : vector<16xi32>
      %swap3A_2722 = arith.constant 128 : i32
      %swap3A_2723 = tpu.memref_slice %arg6[%swap3A_2722] : memref<320xi32, #tpu.memory_space<vmem>> -> memref<64xi32, #tpu.memory_space<vmem>>
      %swap3A_2724 = arith.constant 32 : index
      %swap3A_2725 = tpu.vector_load %swap3A_2723[%swap3A_2724] {strides = array<i32>} : memref<64xi32, #tpu.memory_space<vmem>>, vector<16xi32>,
      %swap3A_2726 = vector.shape_cast %swap3A_2725 : vector<16xi32> to vector<16xi32>
      %swap3A_2727 = vector.shape_cast %and3A_2721 : vector<16xi32> to vector<16xi32>
      tpu.vector_store %swap3A_2723[%swap3A_2724], %swap3A_2727 {strides = array<i32>} : memref<64xi32, #tpu.memory_space<vmem>>, vector<16xi32>,
      %shift_right_logical3A_2728 = arith.constant 16 : i32
      %shift_right_logical3A_2729 = vector.broadcast %shift_right_logical3A_2728 : i32 to vector<16xi32>
      %shift_right_logical3A_2730 = arith.shrui %get3A_2718, %shift_right_logical3A_2729 : vector<16xi32>
      %swap3A_2731 = arith.constant 32 : index
      %swap3A_2732 = tpu.vector_load %arg9[%swap3A_2731] {strides = array<i32>} : memref<64xi32, #tpu.memory_space<vmem>>, vector<16xi32>,
      %swap3A_2733 = vector.shape_cast %swap3A_2732 : vector<16xi32> to vector<16xi32>
      %swap3A_2734 = vector.shape_cast %shift_right_logical3A_2730 : vector<16xi32> to vector<16xi32>
      tpu.vector_store %arg9[%swap3A_2731], %swap3A_2734 {strides = array<i32>} : memref<64xi32, #tpu.memory_space<vmem>>, vector<16xi32>,
      %get3A_2735 = arith.constant 0 : i32
      %get3A_2736 = tpu.memref_slice %arg5[%scan3A_1165, %get3A_2735] : memref<5x64xi32, #tpu.memory_space<vmem>> -> memref<1x64xi32, #tpu.memory_space<vmem>>
      %get3A_2737 = tpu.memref_squeeze %get3A_2736 : memref<1x64xi32, #tpu.memory_space<vmem>> -> memref<64xi32, #tpu.memory_space<vmem>>
      %get3A_2738 = arith.constant 48 : index
      %get3A_2739 = tpu.vector_load %get3A_2737[%get3A_2738] {strides = array<i32>} : memref<64xi32, #tpu.memory_space<vmem>>, vector<16xi32>,
      %get3A_2740 = vector.shape_cast %get3A_2739 : vector<16xi32> to vector<16xi32>
      %and3A_2741 = arith.constant 65535 : i32
      %and3A_2742 = vector.broadcast %and3A_2741 : i32 to vector<16xi32>
      %and3A_2743 = arith.andi %get3A_2740, %and3A_2742 : vector<16xi32>
      %swap3A_2744 = arith.constant 128 : i32
      %swap3A_2745 = tpu.memref_slice %arg6[%swap3A_2744] : memref<320xi32, #tpu.memory_space<vmem>> -> memref<64xi32, #tpu.memory_space<vmem>>
      %swap3A_2746 = arith.constant 48 : index
      %swap3A_2747 = tpu.vector_load %swap3A_2745[%swap3A_2746] {strides = array<i32>} : memref<64xi32, #tpu.memory_space<vmem>>, vector<16xi32>,
      %swap3A_2748 = vector.shape_cast %swap3A_2747 : vector<16xi32> to vector<16xi32>
      %swap3A_2749 = vector.shape_cast %and3A_2743 : vector<16xi32> to vector<16xi32>
      tpu.vector_store %swap3A_2745[%swap3A_2746], %swap3A_2749 {strides = array<i32>} : memref<64xi32, #tpu.memory_space<vmem>>, vector<16xi32>,
      %shift_right_logical3A_2750 = arith.constant 16 : i32
      %shift_right_logical3A_2751 = vector.broadcast %shift_right_logical3A_2750 : i32 to vector<16xi32>
      %shift_right_logical3A_2752 = arith.shrui %get3A_2740, %shift_right_logical3A_2751 : vector<16xi32>
      %swap3A_2753 = arith.constant 48 : index
      %swap3A_2754 = tpu.vector_load %arg9[%swap3A_2753] {strides = array<i32>} : memref<64xi32, #tpu.memory_space<vmem>>, vector<16xi32>,
      %swap3A_2755 = vector.shape_cast %swap3A_2754 : vector<16xi32> to vector<16xi32>
      %swap3A_2756 = vector.shape_cast %shift_right_logical3A_2752 : vector<16xi32> to vector<16xi32>
      tpu.vector_store %arg9[%swap3A_2753], %swap3A_2756 {strides = array<i32>} : memref<64xi32, #tpu.memory_space<vmem>>, vector<16xi32>,
      %dma_start3A_2757 = arith.constant 128 : i32
      %dma_start3A_2758 = tpu.memref_slice %arg6[%dma_start3A_2757] : memref<320xi32, #tpu.memory_space<vmem>> -> memref<64xi32, #tpu.memory_space<vmem>>
      %dma_start3A_2759 = arith.constant 0 : i32
      %dma_start3A_2760 = arith.constant 0 : i32
      %dma_start3A_2761 = tpu.memref_slice %arg3[%dma_start3A_2759, %dma_start3A_2760] : memref<10000x128xf32, #tpu.memory_space<hbm>> -> memref<10000x128xf32, #tpu.memory_space<hbm>>
      tpu.enqueue_indirect_dma source(%dma_start3A_2761 : memref<10000x128xf32, #tpu.memory_space<hbm>>) target(%arg14 : memref<64x128xf32, #tpu.memory_space<vmem>>) offsets(%dma_start3A_2758 : memref<64xi32, #tpu.memory_space<vmem>>) semaphore(%arg20 : memref<!tpu.dma_semaphore, #tpu.memory_space<semaphore_mem>>)
      %add3A_2762 = arith.constant 5 : i32
      %add3A_2763 = arith.addi %add3A_2656, %add3A_2762 : i32
      %dma_start3A_2764 = arith.constant 0 : i32
      %dma_start3A_2765 = tpu.memref_slice %arg5[%scan3A_1165, %dma_start3A_2764] : memref<5x64xi32, #tpu.memory_space<vmem>> -> memref<1x64xi32, #tpu.memory_space<vmem>>
      %dma_start3A_2766 = tpu.memref_squeeze %dma_start3A_2765 : memref<1x64xi32, #tpu.memory_space<vmem>> -> memref<64xi32, #tpu.memory_space<vmem>>
      %dma_start3A_2767 = arith.constant 0 : i32
      %dma_start3A_2768 = tpu.memref_slice %arg2[%add3A, %add3A_2763, %dma_start3A_2767] : memref<32x160x64xi32, #tpu.memory_space<hbm>> -> memref<1x1x64xi32, #tpu.memory_space<hbm>>
      %dma_start3A_2769 = tpu.memref_squeeze %dma_start3A_2768 : memref<1x1x64xi32, #tpu.memory_space<hbm>> -> memref<64xi32, #tpu.memory_space<hbm>>
      %dma_start3A_2770 = arith.constant 0 : i32
      %dma_start3A_2771 = tpu.memref_slice %arg5[%scan3A_1165, %dma_start3A_2770] : memref<5x64xi32, #tpu.memory_space<vmem>> -> memref<1x64xi32, #tpu.memory_space<vmem>>
      %dma_start3A_2772 = tpu.memref_squeeze %dma_start3A_2771 : memref<1x64xi32, #tpu.memory_space<vmem>> -> memref<64xi32, #tpu.memory_space<vmem>>
      %dma_start3A_2773 = arith.constant 0 : i32
      %dma_start3A_2774 = tpu.memref_slice %arg2[%add3A, %add3A_2763, %dma_start3A_2773] : memref<32x160x64xi32, #tpu.memory_space<hbm>> -> memref<1x1x64xi32, #tpu.memory_space<hbm>>
      %dma_start3A_2775 = tpu.memref_squeeze %dma_start3A_2774 : memref<1x1x64xi32, #tpu.memory_space<hbm>> -> memref<64xi32, #tpu.memory_space<hbm>>
      tpu.enqueue_dma source(%dma_start3A_2775 : memref<64xi32, #tpu.memory_space<hbm>>) target(%dma_start3A_2772 : memref<64xi32, #tpu.memory_space<vmem>>) target_semaphore(%arg25 : memref<!tpu.dma_semaphore, #tpu.memory_space<semaphore_mem>>)
    }
    %scan3A_1170 = arith.constant 29 : i32
    %dma_wait3A_1171 = arith.constant 0 : i32
    %dma_wait3A_1172 = tpu.memref_slice %arg6[%dma_wait3A_1171] : memref<320xi32, #tpu.memory_space<vmem>> -> memref<64xi32, #tpu.memory_space<vmem>>
    %dma_wait3A_1173 = arith.constant 0 : i32
    %dma_wait3A_1174 = arith.constant 0 : i32
    %dma_wait3A_1175 = tpu.memref_slice %arg3[%dma_wait3A_1173, %dma_wait3A_1174] : memref<10000x128xf32, #tpu.memory_space<hbm>> -> memref<10000x128xf32, #tpu.memory_space<hbm>>
    tpu.wait_indirect_dma semaphore(%arg18 : memref<!tpu.dma_semaphore, #tpu.memory_space<semaphore_mem>>) src(%dma_wait3A_1175 : memref<10000x128xf32, #tpu.memory_space<hbm>>) dst(%arg12 : memref<64x128xf32, #tpu.memory_space<vmem>>)
    %dma_start3A_1176 = arith.constant 0 : i32
    %dma_start3A_1177 = arith.constant 0 : i32
    %dma_start3A_1178 = tpu.memref_slice %arg17[%dma_start3A_1176, %dma_start3A_1177] : memref<10016x128xf32, #tpu.memory_space<vmem_shared>> -> memref<10016x128xf32, #tpu.memory_space<vmem_shared>>
    tpu.enqueue_indirect_dma source(%arg12 : memref<64x128xf32, #tpu.memory_space<vmem>>) target(%dma_start3A_1178 : memref<10016x128xf32, #tpu.memory_space<vmem_shared>>) offsets(%arg7 : memref<64xi32, #tpu.memory_space<vmem>>) semaphore(%arg28 : memref<!tpu.dma_semaphore, #tpu.memory_space<semaphore_mem>>) {add = true}
    %dma_wait3A_1179 = arith.constant 0 : i32
    %dma_wait3A_1180 = arith.constant 0 : i32
    %dma_wait3A_1181 = tpu.memref_slice %arg17[%dma_wait3A_1179, %dma_wait3A_1180] : memref<10016x128xf32, #tpu.memory_space<vmem_shared>> -> memref<10016x128xf32, #tpu.memory_space<vmem_shared>>
    tpu.wait_indirect_dma semaphore(%arg31 : memref<!tpu.dma_semaphore, #tpu.memory_space<semaphore_mem>>) src(%arg15 : memref<64x128xf32, #tpu.memory_space<vmem>>) dst(%dma_wait3A_1181 : memref<10016x128xf32, #tpu.memory_space<vmem_shared>>)
    %dma_wait3A_1182 = arith.constant 153 : i32
    %dma_wait3A_1183 = arith.constant 3 : i32
    %dma_wait3A_1184 = arith.constant 0 : i32
    %dma_wait3A_1185 = tpu.memref_slice %arg5[%dma_wait3A_1183, %dma_wait3A_1184] : memref<5x64xi32, #tpu.memory_space<vmem>> -> memref<1x64xi32, #tpu.memory_space<vmem>>
    %dma_wait3A_1186 = tpu.memref_squeeze %dma_wait3A_1185 : memref<1x64xi32, #tpu.memory_space<vmem>> -> memref<64xi32, #tpu.memory_space<vmem>>
    %dma_wait3A_1187 = arith.constant 0 : i32
    %dma_wait3A_1188 = tpu.memref_slice %arg2[%add3A, %dma_wait3A_1182, %dma_wait3A_1187] : memref<32x160x64xi32, #tpu.memory_space<hbm>> -> memref<1x1x64xi32, #tpu.memory_space<hbm>>
    %dma_wait3A_1189 = tpu.memref_squeeze %dma_wait3A_1188 : memref<1x1x64xi32, #tpu.memory_space<hbm>> -> memref<64xi32, #tpu.memory_space<hbm>>
    %dma_wait3A_1190 = arith.constant 0 : i32
    %dma_wait3A_1191 = tpu.memref_slice %arg5[%dma_wait3A_1183, %dma_wait3A_1190] : memref<5x64xi32, #tpu.memory_space<vmem>> -> memref<1x64xi32, #tpu.memory_space<vmem>>
    %dma_wait3A_1192 = tpu.memref_squeeze %dma_wait3A_1191 : memref<1x64xi32, #tpu.memory_space<vmem>> -> memref<64xi32, #tpu.memory_space<vmem>>
    %dma_wait3A_1193 = arith.constant 0 : i32
    %dma_wait3A_1194 = tpu.memref_slice %arg2[%add3A, %dma_wait3A_1182, %dma_wait3A_1193] : memref<32x160x64xi32, #tpu.memory_space<hbm>> -> memref<1x1x64xi32, #tpu.memory_space<hbm>>
    %dma_wait3A_1195 = tpu.memref_squeeze %dma_wait3A_1194 : memref<1x1x64xi32, #tpu.memory_space<hbm>> -> memref<64xi32, #tpu.memory_space<hbm>>
    tpu.wait_dma2 semaphore(%arg26 : memref<!tpu.dma_semaphore, #tpu.memory_space<semaphore_mem>>) src(%dma_wait3A_1195 : memref<64xi32, #tpu.memory_space<hbm>>) dst(%dma_wait3A_1192 : memref<64xi32, #tpu.memory_space<vmem>>)
    %get3A_1196 = arith.constant 3 : i32
    %get3A_1197 = arith.constant 0 : i32
    %get3A_1198 = tpu.memref_slice %arg5[%get3A_1196, %get3A_1197] : memref<5x64xi32, #tpu.memory_space<vmem>> -> memref<1x64xi32, #tpu.memory_space<vmem>>
    %get3A_1199 = tpu.memref_squeeze %get3A_1198 : memref<1x64xi32, #tpu.memory_space<vmem>> -> memref<64xi32, #tpu.memory_space<vmem>>
    %get3A_1200 = arith.constant 0 : index
    %get3A_1201 = tpu.vector_load %get3A_1199[%get3A_1200] {strides = array<i32>} : memref<64xi32, #tpu.memory_space<vmem>>, vector<16xi32>,
    %get3A_1202 = vector.shape_cast %get3A_1201 : vector<16xi32> to vector<16xi32>
    %and3A_1203 = arith.constant 65535 : i32
    %and3A_1204 = vector.broadcast %and3A_1203 : i32 to vector<16xi32>
    %and3A_1205 = arith.andi %get3A_1202, %and3A_1204 : vector<16xi32>
    %swap3A_1206 = arith.constant 192 : i32
    %swap3A_1207 = tpu.memref_slice %arg6[%swap3A_1206] : memref<320xi32, #tpu.memory_space<vmem>> -> memref<64xi32, #tpu.memory_space<vmem>>
    %swap3A_1208 = arith.constant 0 : index
    %swap3A_1209 = tpu.vector_load %swap3A_1207[%swap3A_1208] {strides = array<i32>} : memref<64xi32, #tpu.memory_space<vmem>>, vector<16xi32>,
    %swap3A_1210 = vector.shape_cast %swap3A_1209 : vector<16xi32> to vector<16xi32>
    %swap3A_1211 = vector.shape_cast %and3A_1205 : vector<16xi32> to vector<16xi32>
    tpu.vector_store %swap3A_1207[%swap3A_1208], %swap3A_1211 {strides = array<i32>} : memref<64xi32, #tpu.memory_space<vmem>>, vector<16xi32>,
    %shift_right_logical3A_1212 = arith.constant 16 : i32
    %shift_right_logical3A_1213 = vector.broadcast %shift_right_logical3A_1212 : i32 to vector<16xi32>
    %shift_right_logical3A_1214 = arith.shrui %get3A_1202, %shift_right_logical3A_1213 : vector<16xi32>
    %swap3A_1215 = arith.constant 0 : index
    %swap3A_1216 = tpu.vector_load %arg10[%swap3A_1215] {strides = array<i32>} : memref<64xi32, #tpu.memory_space<vmem>>, vector<16xi32>,
    %swap3A_1217 = vector.shape_cast %swap3A_1216 : vector<16xi32> to vector<16xi32>
    %swap3A_1218 = vector.shape_cast %shift_right_logical3A_1214 : vector<16xi32> to vector<16xi32>
    tpu.vector_store %arg10[%swap3A_1215], %swap3A_1218 {strides = array<i32>} : memref<64xi32, #tpu.memory_space<vmem>>, vector<16xi32>,
    %get3A_1219 = arith.constant 3 : i32
    %get3A_1220 = arith.constant 0 : i32
    %get3A_1221 = tpu.memref_slice %arg5[%get3A_1219, %get3A_1220] : memref<5x64xi32, #tpu.memory_space<vmem>> -> memref<1x64xi32, #tpu.memory_space<vmem>>
    %get3A_1222 = tpu.memref_squeeze %get3A_1221 : memref<1x64xi32, #tpu.memory_space<vmem>> -> memref<64xi32, #tpu.memory_space<vmem>>
    %get3A_1223 = arith.constant 16 : index
    %get3A_1224 = tpu.vector_load %get3A_1222[%get3A_1223] {strides = array<i32>} : memref<64xi32, #tpu.memory_space<vmem>>, vector<16xi32>,
    %get3A_1225 = vector.shape_cast %get3A_1224 : vector<16xi32> to vector<16xi32>
    %and3A_1226 = arith.constant 65535 : i32
    %and3A_1227 = vector.broadcast %and3A_1226 : i32 to vector<16xi32>
    %and3A_1228 = arith.andi %get3A_1225, %and3A_1227 : vector<16xi32>
    %swap3A_1229 = arith.constant 192 : i32
    %swap3A_1230 = tpu.memref_slice %arg6[%swap3A_1229] : memref<320xi32, #tpu.memory_space<vmem>> -> memref<64xi32, #tpu.memory_space<vmem>>
    %swap3A_1231 = arith.constant 16 : index
    %swap3A_1232 = tpu.vector_load %swap3A_1230[%swap3A_1231] {strides = array<i32>} : memref<64xi32, #tpu.memory_space<vmem>>, vector<16xi32>,
    %swap3A_1233 = vector.shape_cast %swap3A_1232 : vector<16xi32> to vector<16xi32>
    %swap3A_1234 = vector.shape_cast %and3A_1228 : vector<16xi32> to vector<16xi32>
    tpu.vector_store %swap3A_1230[%swap3A_1231], %swap3A_1234 {strides = array<i32>} : memref<64xi32, #tpu.memory_space<vmem>>, vector<16xi32>,
    %shift_right_logical3A_1235 = arith.constant 16 : i32
    %shift_right_logical3A_1236 = vector.broadcast %shift_right_logical3A_1235 : i32 to vector<16xi32>
    %shift_right_logical3A_1237 = arith.shrui %get3A_1225, %shift_right_logical3A_1236 : vector<16xi32>
    %swap3A_1238 = arith.constant 16 : index
    %swap3A_1239 = tpu.vector_load %arg10[%swap3A_1238] {strides = array<i32>} : memref<64xi32, #tpu.memory_space<vmem>>, vector<16xi32>,
    %swap3A_1240 = vector.shape_cast %swap3A_1239 : vector<16xi32> to vector<16xi32>
    %swap3A_1241 = vector.shape_cast %shift_right_logical3A_1237 : vector<16xi32> to vector<16xi32>
    tpu.vector_store %arg10[%swap3A_1238], %swap3A_1241 {strides = array<i32>} : memref<64xi32, #tpu.memory_space<vmem>>, vector<16xi32>,
    %get3A_1242 = arith.constant 3 : i32
    %get3A_1243 = arith.constant 0 : i32
    %get3A_1244 = tpu.memref_slice %arg5[%get3A_1242, %get3A_1243] : memref<5x64xi32, #tpu.memory_space<vmem>> -> memref<1x64xi32, #tpu.memory_space<vmem>>
    %get3A_1245 = tpu.memref_squeeze %get3A_1244 : memref<1x64xi32, #tpu.memory_space<vmem>> -> memref<64xi32, #tpu.memory_space<vmem>>
    %get3A_1246 = arith.constant 32 : index
    %get3A_1247 = tpu.vector_load %get3A_1245[%get3A_1246] {strides = array<i32>} : memref<64xi32, #tpu.memory_space<vmem>>, vector<16xi32>,
    %get3A_1248 = vector.shape_cast %get3A_1247 : vector<16xi32> to vector<16xi32>
    %and3A_1249 = arith.constant 65535 : i32
    %and3A_1250 = vector.broadcast %and3A_1249 : i32 to vector<16xi32>
    %and3A_1251 = arith.andi %get3A_1248, %and3A_1250 : vector<16xi32>
    %swap3A_1252 = arith.constant 192 : i32
    %swap3A_1253 = tpu.memref_slice %arg6[%swap3A_1252] : memref<320xi32, #tpu.memory_space<vmem>> -> memref<64xi32, #tpu.memory_space<vmem>>
    %swap3A_1254 = arith.constant 32 : index
    %swap3A_1255 = tpu.vector_load %swap3A_1253[%swap3A_1254] {strides = array<i32>} : memref<64xi32, #tpu.memory_space<vmem>>, vector<16xi32>,
    %swap3A_1256 = vector.shape_cast %swap3A_1255 : vector<16xi32> to vector<16xi32>
    %swap3A_1257 = vector.shape_cast %and3A_1251 : vector<16xi32> to vector<16xi32>
    tpu.vector_store %swap3A_1253[%swap3A_1254], %swap3A_1257 {strides = array<i32>} : memref<64xi32, #tpu.memory_space<vmem>>, vector<16xi32>,
    %shift_right_logical3A_1258 = arith.constant 16 : i32
    %shift_right_logical3A_1259 = vector.broadcast %shift_right_logical3A_1258 : i32 to vector<16xi32>
    %shift_right_logical3A_1260 = arith.shrui %get3A_1248, %shift_right_logical3A_1259 : vector<16xi32>
    %swap3A_1261 = arith.constant 32 : index
    %swap3A_1262 = tpu.vector_load %arg10[%swap3A_1261] {strides = array<i32>} : memref<64xi32, #tpu.memory_space<vmem>>, vector<16xi32>,
    %swap3A_1263 = vector.shape_cast %swap3A_1262 : vector<16xi32> to vector<16xi32>
    %swap3A_1264 = vector.shape_cast %shift_right_logical3A_1260 : vector<16xi32> to vector<16xi32>
    tpu.vector_store %arg10[%swap3A_1261], %swap3A_1264 {strides = array<i32>} : memref<64xi32, #tpu.memory_space<vmem>>, vector<16xi32>,
    %get3A_1265 = arith.constant 3 : i32
    %get3A_1266 = arith.constant 0 : i32
    %get3A_1267 = tpu.memref_slice %arg5[%get3A_1265, %get3A_1266] : memref<5x64xi32, #tpu.memory_space<vmem>> -> memref<1x64xi32, #tpu.memory_space<vmem>>
    %get3A_1268 = tpu.memref_squeeze %get3A_1267 : memref<1x64xi32, #tpu.memory_space<vmem>> -> memref<64xi32, #tpu.memory_space<vmem>>
    %get3A_1269 = arith.constant 48 : index
    %get3A_1270 = tpu.vector_load %get3A_1268[%get3A_1269] {strides = array<i32>} : memref<64xi32, #tpu.memory_space<vmem>>, vector<16xi32>,
    %get3A_1271 = vector.shape_cast %get3A_1270 : vector<16xi32> to vector<16xi32>
    %and3A_1272 = arith.constant 65535 : i32
    %and3A_1273 = vector.broadcast %and3A_1272 : i32 to vector<16xi32>
    %and3A_1274 = arith.andi %get3A_1271, %and3A_1273 : vector<16xi32>
    %swap3A_1275 = arith.constant 192 : i32
    %swap3A_1276 = tpu.memref_slice %arg6[%swap3A_1275] : memref<320xi32, #tpu.memory_space<vmem>> -> memref<64xi32, #tpu.memory_space<vmem>>
    %swap3A_1277 = arith.constant 48 : index
    %swap3A_1278 = tpu.vector_load %swap3A_1276[%swap3A_1277] {strides = array<i32>} : memref<64xi32, #tpu.memory_space<vmem>>, vector<16xi32>,
    %swap3A_1279 = vector.shape_cast %swap3A_1278 : vector<16xi32> to vector<16xi32>
    %swap3A_1280 = vector.shape_cast %and3A_1274 : vector<16xi32> to vector<16xi32>
    tpu.vector_store %swap3A_1276[%swap3A_1277], %swap3A_1280 {strides = array<i32>} : memref<64xi32, #tpu.memory_space<vmem>>, vector<16xi32>,
    %shift_right_logical3A_1281 = arith.constant 16 : i32
    %shift_right_logical3A_1282 = vector.broadcast %shift_right_logical3A_1281 : i32 to vector<16xi32>
    %shift_right_logical3A_1283 = arith.shrui %get3A_1271, %shift_right_logical3A_1282 : vector<16xi32>
    %swap3A_1284 = arith.constant 48 : index
    %swap3A_1285 = tpu.vector_load %arg10[%swap3A_1284] {strides = array<i32>} : memref<64xi32, #tpu.memory_space<vmem>>, vector<16xi32>,
    %swap3A_1286 = vector.shape_cast %swap3A_1285 : vector<16xi32> to vector<16xi32>
    %swap3A_1287 = vector.shape_cast %shift_right_logical3A_1283 : vector<16xi32> to vector<16xi32>
    tpu.vector_store %arg10[%swap3A_1284], %swap3A_1287 {strides = array<i32>} : memref<64xi32, #tpu.memory_space<vmem>>, vector<16xi32>,
    %dma_start3A_1288 = arith.constant 192 : i32
    %dma_start3A_1289 = tpu.memref_slice %arg6[%dma_start3A_1288] : memref<320xi32, #tpu.memory_space<vmem>> -> memref<64xi32, #tpu.memory_space<vmem>>
    %dma_start3A_1290 = arith.constant 0 : i32
    %dma_start3A_1291 = arith.constant 0 : i32
    %dma_start3A_1292 = tpu.memref_slice %arg3[%dma_start3A_1290, %dma_start3A_1291] : memref<10000x128xf32, #tpu.memory_space<hbm>> -> memref<10000x128xf32, #tpu.memory_space<hbm>>
    tpu.enqueue_indirect_dma source(%dma_start3A_1292 : memref<10000x128xf32, #tpu.memory_space<hbm>>) target(%arg15 : memref<64x128xf32, #tpu.memory_space<vmem>>) offsets(%dma_start3A_1289 : memref<64xi32, #tpu.memory_space<vmem>>) semaphore(%arg21 : memref<!tpu.dma_semaphore, #tpu.memory_space<semaphore_mem>>)
    %dma_start3A_1293 = arith.constant 158 : i32
    %dma_start3A_1294 = arith.constant 3 : i32
    %dma_start3A_1295 = arith.constant 0 : i32
    %dma_start3A_1296 = tpu.memref_slice %arg5[%dma_start3A_1294, %dma_start3A_1295] : memref<5x64xi32, #tpu.memory_space<vmem>> -> memref<1x64xi32, #tpu.memory_space<vmem>>
    %dma_start3A_1297 = tpu.memref_squeeze %dma_start3A_1296 : memref<1x64xi32, #tpu.memory_space<vmem>> -> memref<64xi32, #tpu.memory_space<vmem>>
    %dma_start3A_1298 = arith.constant 0 : i32
    %dma_start3A_1299 = tpu.memref_slice %arg2[%add3A, %dma_start3A_1293, %dma_start3A_1298] : memref<32x160x64xi32, #tpu.memory_space<hbm>> -> memref<1x1x64xi32, #tpu.memory_space<hbm>>
    %dma_start3A_1300 = tpu.memref_squeeze %dma_start3A_1299 : memref<1x1x64xi32, #tpu.memory_space<hbm>> -> memref<64xi32, #tpu.memory_space<hbm>>
    %dma_start3A_1301 = arith.constant 0 : i32
    %dma_start3A_1302 = tpu.memref_slice %arg5[%dma_start3A_1294, %dma_start3A_1301] : memref<5x64xi32, #tpu.memory_space<vmem>> -> memref<1x64xi32, #tpu.memory_space<vmem>>
    %dma_start3A_1303 = tpu.memref_squeeze %dma_start3A_1302 : memref<1x64xi32, #tpu.memory_space<vmem>> -> memref<64xi32, #tpu.memory_space<vmem>>
    %dma_start3A_1304 = arith.constant 0 : i32
    %dma_start3A_1305 = tpu.memref_slice %arg2[%add3A, %dma_start3A_1293, %dma_start3A_1304] : memref<32x160x64xi32, #tpu.memory_space<hbm>> -> memref<1x1x64xi32, #tpu.memory_space<hbm>>
    %dma_start3A_1306 = tpu.memref_squeeze %dma_start3A_1305 : memref<1x1x64xi32, #tpu.memory_space<hbm>> -> memref<64xi32, #tpu.memory_space<hbm>>
    tpu.enqueue_dma source(%dma_start3A_1306 : memref<64xi32, #tpu.memory_space<hbm>>) target(%dma_start3A_1303 : memref<64xi32, #tpu.memory_space<vmem>>) target_semaphore(%arg26 : memref<!tpu.dma_semaphore, #tpu.memory_space<semaphore_mem>>)
    %dma_wait3A_1307 = arith.constant 64 : i32
    %dma_wait3A_1308 = tpu.memref_slice %arg6[%dma_wait3A_1307] : memref<320xi32, #tpu.memory_space<vmem>> -> memref<64xi32, #tpu.memory_space<vmem>>
    %dma_wait3A_1309 = arith.constant 0 : i32
    %dma_wait3A_1310 = arith.constant 0 : i32
    %dma_wait3A_1311 = tpu.memref_slice %arg3[%dma_wait3A_1309, %dma_wait3A_1310] : memref<10000x128xf32, #tpu.memory_space<hbm>> -> memref<10000x128xf32, #tpu.memory_space<hbm>>
    tpu.wait_indirect_dma semaphore(%arg19 : memref<!tpu.dma_semaphore, #tpu.memory_space<semaphore_mem>>) src(%dma_wait3A_1311 : memref<10000x128xf32, #tpu.memory_space<hbm>>) dst(%arg13 : memref<64x128xf32, #tpu.memory_space<vmem>>)
    %dma_start3A_1312 = arith.constant 0 : i32
    %dma_start3A_1313 = arith.constant 0 : i32
    %dma_start3A_1314 = tpu.memref_slice %arg17[%dma_start3A_1312, %dma_start3A_1313] : memref<10016x128xf32, #tpu.memory_space<vmem_shared>> -> memref<10016x128xf32, #tpu.memory_space<vmem_shared>>
    tpu.enqueue_indirect_dma source(%arg13 : memref<64x128xf32, #tpu.memory_space<vmem>>) target(%dma_start3A_1314 : memref<10016x128xf32, #tpu.memory_space<vmem_shared>>) offsets(%arg8 : memref<64xi32, #tpu.memory_space<vmem>>) semaphore(%arg29 : memref<!tpu.dma_semaphore, #tpu.memory_space<semaphore_mem>>) {add = true}
    %dma_wait3A_1315 = arith.constant 0 : i32
    %dma_wait3A_1316 = arith.constant 0 : i32
    %dma_wait3A_1317 = tpu.memref_slice %arg17[%dma_wait3A_1315, %dma_wait3A_1316] : memref<10016x128xf32, #tpu.memory_space<vmem_shared>> -> memref<10016x128xf32, #tpu.memory_space<vmem_shared>>
    tpu.wait_indirect_dma semaphore(%arg32 : memref<!tpu.dma_semaphore, #tpu.memory_space<semaphore_mem>>) src(%arg16 : memref<64x128xf32, #tpu.memory_space<vmem>>) dst(%dma_wait3A_1317 : memref<10016x128xf32, #tpu.memory_space<vmem_shared>>)
    %dma_wait3A_1318 = arith.constant 154 : i32
    %dma_wait3A_1319 = arith.constant 4 : i32
    %dma_wait3A_1320 = arith.constant 0 : i32
    %dma_wait3A_1321 = tpu.memref_slice %arg5[%dma_wait3A_1319, %dma_wait3A_1320] : memref<5x64xi32, #tpu.memory_space<vmem>> -> memref<1x64xi32, #tpu.memory_space<vmem>>
    %dma_wait3A_1322 = tpu.memref_squeeze %dma_wait3A_1321 : memref<1x64xi32, #tpu.memory_space<vmem>> -> memref<64xi32, #tpu.memory_space<vmem>>
    %dma_wait3A_1323 = arith.constant 0 : i32
    %dma_wait3A_1324 = tpu.memref_slice %arg2[%add3A, %dma_wait3A_1318, %dma_wait3A_1323] : memref<32x160x64xi32, #tpu.memory_space<hbm>> -> memref<1x1x64xi32, #tpu.memory_space<hbm>>
    %dma_wait3A_1325 = tpu.memref_squeeze %dma_wait3A_1324 : memref<1x1x64xi32, #tpu.memory_space<hbm>> -> memref<64xi32, #tpu.memory_space<hbm>>
    %dma_wait3A_1326 = arith.constant 0 : i32
    %dma_wait3A_1327 = tpu.memref_slice %arg5[%dma_wait3A_1319, %dma_wait3A_1326] : memref<5x64xi32, #tpu.memory_space<vmem>> -> memref<1x64xi32, #tpu.memory_space<vmem>>
    %dma_wait3A_1328 = tpu.memref_squeeze %dma_wait3A_1327 : memref<1x64xi32, #tpu.memory_space<vmem>> -> memref<64xi32, #tpu.memory_space<vmem>>
    %dma_wait3A_1329 = arith.constant 0 : i32
    %dma_wait3A_1330 = tpu.memref_slice %arg2[%add3A, %dma_wait3A_1318, %dma_wait3A_1329] : memref<32x160x64xi32, #tpu.memory_space<hbm>> -> memref<1x1x64xi32, #tpu.memory_space<hbm>>
    %dma_wait3A_1331 = tpu.memref_squeeze %dma_wait3A_1330 : memref<1x1x64xi32, #tpu.memory_space<hbm>> -> memref<64xi32, #tpu.memory_space<hbm>>
    tpu.wait_dma2 semaphore(%arg27 : memref<!tpu.dma_semaphore, #tpu.memory_space<semaphore_mem>>) src(%dma_wait3A_1331 : memref<64xi32, #tpu.memory_space<hbm>>) dst(%dma_wait3A_1328 : memref<64xi32, #tpu.memory_space<vmem>>)
    %get3A_1332 = arith.constant 4 : i32
    %get3A_1333 = arith.constant 0 : i32
    %get3A_1334 = tpu.memref_slice %arg5[%get3A_1332, %get3A_1333] : memref<5x64xi32, #tpu.memory_space<vmem>> -> memref<1x64xi32, #tpu.memory_space<vmem>>
    %get3A_1335 = tpu.memref_squeeze %get3A_1334 : memref<1x64xi32, #tpu.memory_space<vmem>> -> memref<64xi32, #tpu.memory_space<vmem>>
    %get3A_1336 = arith.constant 0 : index
    %get3A_1337 = tpu.vector_load %get3A_1335[%get3A_1336] {strides = array<i32>} : memref<64xi32, #tpu.memory_space<vmem>>, vector<16xi32>,
    %get3A_1338 = vector.shape_cast %get3A_1337 : vector<16xi32> to vector<16xi32>
    %and3A_1339 = arith.constant 65535 : i32
    %and3A_1340 = vector.broadcast %and3A_1339 : i32 to vector<16xi32>
    %and3A_1341 = arith.andi %get3A_1338, %and3A_1340 : vector<16xi32>
    %swap3A_1342 = arith.constant 256 : i32
    %swap3A_1343 = tpu.memref_slice %arg6[%swap3A_1342] : memref<320xi32, #tpu.memory_space<vmem>> -> memref<64xi32, #tpu.memory_space<vmem>>
    %swap3A_1344 = arith.constant 0 : index
    %swap3A_1345 = tpu.vector_load %swap3A_1343[%swap3A_1344] {strides = array<i32>} : memref<64xi32, #tpu.memory_space<vmem>>, vector<16xi32>,
    %swap3A_1346 = vector.shape_cast %swap3A_1345 : vector<16xi32> to vector<16xi32>
    %swap3A_1347 = vector.shape_cast %and3A_1341 : vector<16xi32> to vector<16xi32>
    tpu.vector_store %swap3A_1343[%swap3A_1344], %swap3A_1347 {strides = array<i32>} : memref<64xi32, #tpu.memory_space<vmem>>, vector<16xi32>,
    %shift_right_logical3A_1348 = arith.constant 16 : i32
    %shift_right_logical3A_1349 = vector.broadcast %shift_right_logical3A_1348 : i32 to vector<16xi32>
    %shift_right_logical3A_1350 = arith.shrui %get3A_1338, %shift_right_logical3A_1349 : vector<16xi32>
    %swap3A_1351 = arith.constant 0 : index
    %swap3A_1352 = tpu.vector_load %arg11[%swap3A_1351] {strides = array<i32>} : memref<64xi32, #tpu.memory_space<vmem>>, vector<16xi32>,
    %swap3A_1353 = vector.shape_cast %swap3A_1352 : vector<16xi32> to vector<16xi32>
    %swap3A_1354 = vector.shape_cast %shift_right_logical3A_1350 : vector<16xi32> to vector<16xi32>
    tpu.vector_store %arg11[%swap3A_1351], %swap3A_1354 {strides = array<i32>} : memref<64xi32, #tpu.memory_space<vmem>>, vector<16xi32>,
    %get3A_1355 = arith.constant 4 : i32
    %get3A_1356 = arith.constant 0 : i32
    %get3A_1357 = tpu.memref_slice %arg5[%get3A_1355, %get3A_1356] : memref<5x64xi32, #tpu.memory_space<vmem>> -> memref<1x64xi32, #tpu.memory_space<vmem>>
    %get3A_1358 = tpu.memref_squeeze %get3A_1357 : memref<1x64xi32, #tpu.memory_space<vmem>> -> memref<64xi32, #tpu.memory_space<vmem>>
    %get3A_1359 = arith.constant 16 : index
    %get3A_1360 = tpu.vector_load %get3A_1358[%get3A_1359] {strides = array<i32>} : memref<64xi32, #tpu.memory_space<vmem>>, vector<16xi32>,
    %get3A_1361 = vector.shape_cast %get3A_1360 : vector<16xi32> to vector<16xi32>
    %and3A_1362 = arith.constant 65535 : i32
    %and3A_1363 = vector.broadcast %and3A_1362 : i32 to vector<16xi32>
    %and3A_1364 = arith.andi %get3A_1361, %and3A_1363 : vector<16xi32>
    %swap3A_1365 = arith.constant 256 : i32
    %swap3A_1366 = tpu.memref_slice %arg6[%swap3A_1365] : memref<320xi32, #tpu.memory_space<vmem>> -> memref<64xi32, #tpu.memory_space<vmem>>
    %swap3A_1367 = arith.constant 16 : index
    %swap3A_1368 = tpu.vector_load %swap3A_1366[%swap3A_1367] {strides = array<i32>} : memref<64xi32, #tpu.memory_space<vmem>>, vector<16xi32>,
    %swap3A_1369 = vector.shape_cast %swap3A_1368 : vector<16xi32> to vector<16xi32>
    %swap3A_1370 = vector.shape_cast %and3A_1364 : vector<16xi32> to vector<16xi32>
    tpu.vector_store %swap3A_1366[%swap3A_1367], %swap3A_1370 {strides = array<i32>} : memref<64xi32, #tpu.memory_space<vmem>>, vector<16xi32>,
    %shift_right_logical3A_1371 = arith.constant 16 : i32
    %shift_right_logical3A_1372 = vector.broadcast %shift_right_logical3A_1371 : i32 to vector<16xi32>
    %shift_right_logical3A_1373 = arith.shrui %get3A_1361, %shift_right_logical3A_1372 : vector<16xi32>
    %swap3A_1374 = arith.constant 16 : index
    %swap3A_1375 = tpu.vector_load %arg11[%swap3A_1374] {strides = array<i32>} : memref<64xi32, #tpu.memory_space<vmem>>, vector<16xi32>,
    %swap3A_1376 = vector.shape_cast %swap3A_1375 : vector<16xi32> to vector<16xi32>
    %swap3A_1377 = vector.shape_cast %shift_right_logical3A_1373 : vector<16xi32> to vector<16xi32>
    tpu.vector_store %arg11[%swap3A_1374], %swap3A_1377 {strides = array<i32>} : memref<64xi32, #tpu.memory_space<vmem>>, vector<16xi32>,
    %get3A_1378 = arith.constant 4 : i32
    %get3A_1379 = arith.constant 0 : i32
    %get3A_1380 = tpu.memref_slice %arg5[%get3A_1378, %get3A_1379] : memref<5x64xi32, #tpu.memory_space<vmem>> -> memref<1x64xi32, #tpu.memory_space<vmem>>
    %get3A_1381 = tpu.memref_squeeze %get3A_1380 : memref<1x64xi32, #tpu.memory_space<vmem>> -> memref<64xi32, #tpu.memory_space<vmem>>
    %get3A_1382 = arith.constant 32 : index
    %get3A_1383 = tpu.vector_load %get3A_1381[%get3A_1382] {strides = array<i32>} : memref<64xi32, #tpu.memory_space<vmem>>, vector<16xi32>,
    %get3A_1384 = vector.shape_cast %get3A_1383 : vector<16xi32> to vector<16xi32>
    %and3A_1385 = arith.constant 65535 : i32
    %and3A_1386 = vector.broadcast %and3A_1385 : i32 to vector<16xi32>
    %and3A_1387 = arith.andi %get3A_1384, %and3A_1386 : vector<16xi32>
    %swap3A_1388 = arith.constant 256 : i32
    %swap3A_1389 = tpu.memref_slice %arg6[%swap3A_1388] : memref<320xi32, #tpu.memory_space<vmem>> -> memref<64xi32, #tpu.memory_space<vmem>>
    %swap3A_1390 = arith.constant 32 : index
    %swap3A_1391 = tpu.vector_load %swap3A_1389[%swap3A_1390] {strides = array<i32>} : memref<64xi32, #tpu.memory_space<vmem>>, vector<16xi32>,
    %swap3A_1392 = vector.shape_cast %swap3A_1391 : vector<16xi32> to vector<16xi32>
    %swap3A_1393 = vector.shape_cast %and3A_1387 : vector<16xi32> to vector<16xi32>
    tpu.vector_store %swap3A_1389[%swap3A_1390], %swap3A_1393 {strides = array<i32>} : memref<64xi32, #tpu.memory_space<vmem>>, vector<16xi32>,
    %shift_right_logical3A_1394 = arith.constant 16 : i32
    %shift_right_logical3A_1395 = vector.broadcast %shift_right_logical3A_1394 : i32 to vector<16xi32>
    %shift_right_logical3A_1396 = arith.shrui %get3A_1384, %shift_right_logical3A_1395 : vector<16xi32>
    %swap3A_1397 = arith.constant 32 : index
    %swap3A_1398 = tpu.vector_load %arg11[%swap3A_1397] {strides = array<i32>} : memref<64xi32, #tpu.memory_space<vmem>>, vector<16xi32>,
    %swap3A_1399 = vector.shape_cast %swap3A_1398 : vector<16xi32> to vector<16xi32>
    %swap3A_1400 = vector.shape_cast %shift_right_logical3A_1396 : vector<16xi32> to vector<16xi32>
    tpu.vector_store %arg11[%swap3A_1397], %swap3A_1400 {strides = array<i32>} : memref<64xi32, #tpu.memory_space<vmem>>, vector<16xi32>,
    %get3A_1401 = arith.constant 4 : i32
    %get3A_1402 = arith.constant 0 : i32
    %get3A_1403 = tpu.memref_slice %arg5[%get3A_1401, %get3A_1402] : memref<5x64xi32, #tpu.memory_space<vmem>> -> memref<1x64xi32, #tpu.memory_space<vmem>>
    %get3A_1404 = tpu.memref_squeeze %get3A_1403 : memref<1x64xi32, #tpu.memory_space<vmem>> -> memref<64xi32, #tpu.memory_space<vmem>>
    %get3A_1405 = arith.constant 48 : index
    %get3A_1406 = tpu.vector_load %get3A_1404[%get3A_1405] {strides = array<i32>} : memref<64xi32, #tpu.memory_space<vmem>>, vector<16xi32>,
    %get3A_1407 = vector.shape_cast %get3A_1406 : vector<16xi32> to vector<16xi32>
    %and3A_1408 = arith.constant 65535 : i32
    %and3A_1409 = vector.broadcast %and3A_1408 : i32 to vector<16xi32>
    %and3A_1410 = arith.andi %get3A_1407, %and3A_1409 : vector<16xi32>
    %swap3A_1411 = arith.constant 256 : i32
    %swap3A_1412 = tpu.memref_slice %arg6[%swap3A_1411] : memref<320xi32, #tpu.memory_space<vmem>> -> memref<64xi32, #tpu.memory_space<vmem>>
    %swap3A_1413 = arith.constant 48 : index
    %swap3A_1414 = tpu.vector_load %swap3A_1412[%swap3A_1413] {strides = array<i32>} : memref<64xi32, #tpu.memory_space<vmem>>, vector<16xi32>,
    %swap3A_1415 = vector.shape_cast %swap3A_1414 : vector<16xi32> to vector<16xi32>
    %swap3A_1416 = vector.shape_cast %and3A_1410 : vector<16xi32> to vector<16xi32>
    tpu.vector_store %swap3A_1412[%swap3A_1413], %swap3A_1416 {strides = array<i32>} : memref<64xi32, #tpu.memory_space<vmem>>, vector<16xi32>,
    %shift_right_logical3A_1417 = arith.constant 16 : i32
    %shift_right_logical3A_1418 = vector.broadcast %shift_right_logical3A_1417 : i32 to vector<16xi32>
    %shift_right_logical3A_1419 = arith.shrui %get3A_1407, %shift_right_logical3A_1418 : vector<16xi32>
    %swap3A_1420 = arith.constant 48 : index
    %swap3A_1421 = tpu.vector_load %arg11[%swap3A_1420] {strides = array<i32>} : memref<64xi32, #tpu.memory_space<vmem>>, vector<16xi32>,
    %swap3A_1422 = vector.shape_cast %swap3A_1421 : vector<16xi32> to vector<16xi32>
    %swap3A_1423 = vector.shape_cast %shift_right_logical3A_1419 : vector<16xi32> to vector<16xi32>
    tpu.vector_store %arg11[%swap3A_1420], %swap3A_1423 {strides = array<i32>} : memref<64xi32, #tpu.memory_space<vmem>>, vector<16xi32>,
    %dma_start3A_1424 = arith.constant 256 : i32
    %dma_start3A_1425 = tpu.memref_slice %arg6[%dma_start3A_1424] : memref<320xi32, #tpu.memory_space<vmem>> -> memref<64xi32, #tpu.memory_space<vmem>>
    %dma_start3A_1426 = arith.constant 0 : i32
    %dma_start3A_1427 = arith.constant 0 : i32
    %dma_start3A_1428 = tpu.memref_slice %arg3[%dma_start3A_1426, %dma_start3A_1427] : memref<10000x128xf32, #tpu.memory_space<hbm>> -> memref<10000x128xf32, #tpu.memory_space<hbm>>
    tpu.enqueue_indirect_dma source(%dma_start3A_1428 : memref<10000x128xf32, #tpu.memory_space<hbm>>) target(%arg16 : memref<64x128xf32, #tpu.memory_space<vmem>>) offsets(%dma_start3A_1425 : memref<64xi32, #tpu.memory_space<vmem>>) semaphore(%arg22 : memref<!tpu.dma_semaphore, #tpu.memory_space<semaphore_mem>>)
    %dma_start3A_1429 = arith.constant 159 : i32
    %dma_start3A_1430 = arith.constant 4 : i32
    %dma_start3A_1431 = arith.constant 0 : i32
    %dma_start3A_1432 = tpu.memref_slice %arg5[%dma_start3A_1430, %dma_start3A_1431] : memref<5x64xi32, #tpu.memory_space<vmem>> -> memref<1x64xi32, #tpu.memory_space<vmem>>
    %dma_start3A_1433 = tpu.memref_squeeze %dma_start3A_1432 : memref<1x64xi32, #tpu.memory_space<vmem>> -> memref<64xi32, #tpu.memory_space<vmem>>
    %dma_start3A_1434 = arith.constant 0 : i32
    %dma_start3A_1435 = tpu.memref_slice %arg2[%add3A, %dma_start3A_1429, %dma_start3A_1434] : memref<32x160x64xi32, #tpu.memory_space<hbm>> -> memref<1x1x64xi32, #tpu.memory_space<hbm>>
    %dma_start3A_1436 = tpu.memref_squeeze %dma_start3A_1435 : memref<1x1x64xi32, #tpu.memory_space<hbm>> -> memref<64xi32, #tpu.memory_space<hbm>>
    %dma_start3A_1437 = arith.constant 0 : i32
    %dma_start3A_1438 = tpu.memref_slice %arg5[%dma_start3A_1430, %dma_start3A_1437] : memref<5x64xi32, #tpu.memory_space<vmem>> -> memref<1x64xi32, #tpu.memory_space<vmem>>
    %dma_start3A_1439 = tpu.memref_squeeze %dma_start3A_1438 : memref<1x64xi32, #tpu.memory_space<vmem>> -> memref<64xi32, #tpu.memory_space<vmem>>
    %dma_start3A_1440 = arith.constant 0 : i32
    %dma_start3A_1441 = tpu.memref_slice %arg2[%add3A, %dma_start3A_1429, %dma_start3A_1440] : memref<32x160x64xi32, #tpu.memory_space<hbm>> -> memref<1x1x64xi32, #tpu.memory_space<hbm>>
    %dma_start3A_1442 = tpu.memref_squeeze %dma_start3A_1441 : memref<1x1x64xi32, #tpu.memory_space<hbm>> -> memref<64xi32, #tpu.memory_space<hbm>>
    tpu.enqueue_dma source(%dma_start3A_1442 : memref<64xi32, #tpu.memory_space<hbm>>) target(%dma_start3A_1439 : memref<64xi32, #tpu.memory_space<vmem>>) target_semaphore(%arg27 : memref<!tpu.dma_semaphore, #tpu.memory_space<semaphore_mem>>)
    %dma_wait3A_1443 = arith.constant 128 : i32
    %dma_wait3A_1444 = tpu.memref_slice %arg6[%dma_wait3A_1443] : memref<320xi32, #tpu.memory_space<vmem>> -> memref<64xi32, #tpu.memory_space<vmem>>
    %dma_wait3A_1445 = arith.constant 0 : i32
    %dma_wait3A_1446 = arith.constant 0 : i32
    %dma_wait3A_1447 = tpu.memref_slice %arg3[%dma_wait3A_1445, %dma_wait3A_1446] : memref<10000x128xf32, #tpu.memory_space<hbm>> -> memref<10000x128xf32, #tpu.memory_space<hbm>>
    tpu.wait_indirect_dma semaphore(%arg20 : memref<!tpu.dma_semaphore, #tpu.memory_space<semaphore_mem>>) src(%dma_wait3A_1447 : memref<10000x128xf32, #tpu.memory_space<hbm>>) dst(%arg14 : memref<64x128xf32, #tpu.memory_space<vmem>>)
    %dma_start3A_1448 = arith.constant 0 : i32
    %dma_start3A_1449 = arith.constant 0 : i32
    %dma_start3A_1450 = tpu.memref_slice %arg17[%dma_start3A_1448, %dma_start3A_1449] : memref<10016x128xf32, #tpu.memory_space<vmem_shared>> -> memref<10016x128xf32, #tpu.memory_space<vmem_shared>>
    tpu.enqueue_indirect_dma source(%arg14 : memref<64x128xf32, #tpu.memory_space<vmem>>) target(%dma_start3A_1450 : memref<10016x128xf32, #tpu.memory_space<vmem_shared>>) offsets(%arg9 : memref<64xi32, #tpu.memory_space<vmem>>) semaphore(%arg30 : memref<!tpu.dma_semaphore, #tpu.memory_space<semaphore_mem>>) {add = true}
    %dma_wait3A_1451 = arith.constant 0 : i32
    %dma_wait3A_1452 = arith.constant 0 : i32
    %dma_wait3A_1453 = tpu.memref_slice %arg17[%dma_wait3A_1451, %dma_wait3A_1452] : memref<10016x128xf32, #tpu.memory_space<vmem_shared>> -> memref<10016x128xf32, #tpu.memory_space<vmem_shared>>
    tpu.wait_indirect_dma semaphore(%arg28 : memref<!tpu.dma_semaphore, #tpu.memory_space<semaphore_mem>>) src(%arg12 : memref<64x128xf32, #tpu.memory_space<vmem>>) dst(%dma_wait3A_1453 : memref<10016x128xf32, #tpu.memory_space<vmem_shared>>)
    %dma_wait3A_1454 = arith.constant 155 : i32
    %dma_wait3A_1455 = arith.constant 0 : i32
    %dma_wait3A_1456 = arith.constant 0 : i32
    %dma_wait3A_1457 = tpu.memref_slice %arg5[%dma_wait3A_1455, %dma_wait3A_1456] : memref<5x64xi32, #tpu.memory_space<vmem>> -> memref<1x64xi32, #tpu.memory_space<vmem>>
    %dma_wait3A_1458 = tpu.memref_squeeze %dma_wait3A_1457 : memref<1x64xi32, #tpu.memory_space<vmem>> -> memref<64xi32, #tpu.memory_space<vmem>>
    %dma_wait3A_1459 = arith.constant 0 : i32
    %dma_wait3A_1460 = tpu.memref_slice %arg2[%add3A, %dma_wait3A_1454, %dma_wait3A_1459] : memref<32x160x64xi32, #tpu.memory_space<hbm>> -> memref<1x1x64xi32, #tpu.memory_space<hbm>>
    %dma_wait3A_1461 = tpu.memref_squeeze %dma_wait3A_1460 : memref<1x1x64xi32, #tpu.memory_space<hbm>> -> memref<64xi32, #tpu.memory_space<hbm>>
    %dma_wait3A_1462 = arith.constant 0 : i32
    %dma_wait3A_1463 = tpu.memref_slice %arg5[%dma_wait3A_1455, %dma_wait3A_1462] : memref<5x64xi32, #tpu.memory_space<vmem>> -> memref<1x64xi32, #tpu.memory_space<vmem>>
    %dma_wait3A_1464 = tpu.memref_squeeze %dma_wait3A_1463 : memref<1x64xi32, #tpu.memory_space<vmem>> -> memref<64xi32, #tpu.memory_space<vmem>>
    %dma_wait3A_1465 = arith.constant 0 : i32
    %dma_wait3A_1466 = tpu.memref_slice %arg2[%add3A, %dma_wait3A_1454, %dma_wait3A_1465] : memref<32x160x64xi32, #tpu.memory_space<hbm>> -> memref<1x1x64xi32, #tpu.memory_space<hbm>>
    %dma_wait3A_1467 = tpu.memref_squeeze %dma_wait3A_1466 : memref<1x1x64xi32, #tpu.memory_space<hbm>> -> memref<64xi32, #tpu.memory_space<hbm>>
    tpu.wait_dma2 semaphore(%arg23 : memref<!tpu.dma_semaphore, #tpu.memory_space<semaphore_mem>>) src(%dma_wait3A_1467 : memref<64xi32, #tpu.memory_space<hbm>>) dst(%dma_wait3A_1464 : memref<64xi32, #tpu.memory_space<vmem>>)
    %get3A_1468 = arith.constant 0 : i32
    %get3A_1469 = arith.constant 0 : i32
    %get3A_1470 = tpu.memref_slice %arg5[%get3A_1468, %get3A_1469] : memref<5x64xi32, #tpu.memory_space<vmem>> -> memref<1x64xi32, #tpu.memory_space<vmem>>
    %get3A_1471 = tpu.memref_squeeze %get3A_1470 : memref<1x64xi32, #tpu.memory_space<vmem>> -> memref<64xi32, #tpu.memory_space<vmem>>
    %get3A_1472 = arith.constant 0 : index
    %get3A_1473 = tpu.vector_load %get3A_1471[%get3A_1472] {strides = array<i32>} : memref<64xi32, #tpu.memory_space<vmem>>, vector<16xi32>,
    %get3A_1474 = vector.shape_cast %get3A_1473 : vector<16xi32> to vector<16xi32>
    %and3A_1475 = arith.constant 65535 : i32
    %and3A_1476 = vector.broadcast %and3A_1475 : i32 to vector<16xi32>
    %and3A_1477 = arith.andi %get3A_1474, %and3A_1476 : vector<16xi32>
    %swap3A_1478 = arith.constant 0 : i32
    %swap3A_1479 = tpu.memref_slice %arg6[%swap3A_1478] : memref<320xi32, #tpu.memory_space<vmem>> -> memref<64xi32, #tpu.memory_space<vmem>>
    %swap3A_1480 = arith.constant 0 : index
    %swap3A_1481 = tpu.vector_load %swap3A_1479[%swap3A_1480] {strides = array<i32>} : memref<64xi32, #tpu.memory_space<vmem>>, vector<16xi32>,
    %swap3A_1482 = vector.shape_cast %swap3A_1481 : vector<16xi32> to vector<16xi32>
    %swap3A_1483 = vector.shape_cast %and3A_1477 : vector<16xi32> to vector<16xi32>
    tpu.vector_store %swap3A_1479[%swap3A_1480], %swap3A_1483 {strides = array<i32>} : memref<64xi32, #tpu.memory_space<vmem>>, vector<16xi32>,
    %shift_right_logical3A_1484 = arith.constant 16 : i32
    %shift_right_logical3A_1485 = vector.broadcast %shift_right_logical3A_1484 : i32 to vector<16xi32>
    %shift_right_logical3A_1486 = arith.shrui %get3A_1474, %shift_right_logical3A_1485 : vector<16xi32>
    %swap3A_1487 = arith.constant 0 : index
    %swap3A_1488 = tpu.vector_load %arg7[%swap3A_1487] {strides = array<i32>} : memref<64xi32, #tpu.memory_space<vmem>>, vector<16xi32>,
    %swap3A_1489 = vector.shape_cast %swap3A_1488 : vector<16xi32> to vector<16xi32>
    %swap3A_1490 = vector.shape_cast %shift_right_logical3A_1486 : vector<16xi32> to vector<16xi32>
    tpu.vector_store %arg7[%swap3A_1487], %swap3A_1490 {strides = array<i32>} : memref<64xi32, #tpu.memory_space<vmem>>, vector<16xi32>,
    %get3A_1491 = arith.constant 0 : i32
    %get3A_1492 = arith.constant 0 : i32
    %get3A_1493 = tpu.memref_slice %arg5[%get3A_1491, %get3A_1492] : memref<5x64xi32, #tpu.memory_space<vmem>> -> memref<1x64xi32, #tpu.memory_space<vmem>>
    %get3A_1494 = tpu.memref_squeeze %get3A_1493 : memref<1x64xi32, #tpu.memory_space<vmem>> -> memref<64xi32, #tpu.memory_space<vmem>>
    %get3A_1495 = arith.constant 16 : index
    %get3A_1496 = tpu.vector_load %get3A_1494[%get3A_1495] {strides = array<i32>} : memref<64xi32, #tpu.memory_space<vmem>>, vector<16xi32>,
    %get3A_1497 = vector.shape_cast %get3A_1496 : vector<16xi32> to vector<16xi32>
    %and3A_1498 = arith.constant 65535 : i32
    %and3A_1499 = vector.broadcast %and3A_1498 : i32 to vector<16xi32>
    %and3A_1500 = arith.andi %get3A_1497, %and3A_1499 : vector<16xi32>
    %swap3A_1501 = arith.constant 0 : i32
    %swap3A_1502 = tpu.memref_slice %arg6[%swap3A_1501] : memref<320xi32, #tpu.memory_space<vmem>> -> memref<64xi32, #tpu.memory_space<vmem>>
    %swap3A_1503 = arith.constant 16 : index
    %swap3A_1504 = tpu.vector_load %swap3A_1502[%swap3A_1503] {strides = array<i32>} : memref<64xi32, #tpu.memory_space<vmem>>, vector<16xi32>,
    %swap3A_1505 = vector.shape_cast %swap3A_1504 : vector<16xi32> to vector<16xi32>
    %swap3A_1506 = vector.shape_cast %and3A_1500 : vector<16xi32> to vector<16xi32>
    tpu.vector_store %swap3A_1502[%swap3A_1503], %swap3A_1506 {strides = array<i32>} : memref<64xi32, #tpu.memory_space<vmem>>, vector<16xi32>,
    %shift_right_logical3A_1507 = arith.constant 16 : i32
    %shift_right_logical3A_1508 = vector.broadcast %shift_right_logical3A_1507 : i32 to vector<16xi32>
    %shift_right_logical3A_1509 = arith.shrui %get3A_1497, %shift_right_logical3A_1508 : vector<16xi32>
    %swap3A_1510 = arith.constant 16 : index
    %swap3A_1511 = tpu.vector_load %arg7[%swap3A_1510] {strides = array<i32>} : memref<64xi32, #tpu.memory_space<vmem>>, vector<16xi32>,
    %swap3A_1512 = vector.shape_cast %swap3A_1511 : vector<16xi32> to vector<16xi32>
    %swap3A_1513 = vector.shape_cast %shift_right_logical3A_1509 : vector<16xi32> to vector<16xi32>
    tpu.vector_store %arg7[%swap3A_1510], %swap3A_1513 {strides = array<i32>} : memref<64xi32, #tpu.memory_space<vmem>>, vector<16xi32>,
    %get3A_1514 = arith.constant 0 : i32
    %get3A_1515 = arith.constant 0 : i32
    %get3A_1516 = tpu.memref_slice %arg5[%get3A_1514, %get3A_1515] : memref<5x64xi32, #tpu.memory_space<vmem>> -> memref<1x64xi32, #tpu.memory_space<vmem>>
    %get3A_1517 = tpu.memref_squeeze %get3A_1516 : memref<1x64xi32, #tpu.memory_space<vmem>> -> memref<64xi32, #tpu.memory_space<vmem>>
    %get3A_1518 = arith.constant 32 : index
    %get3A_1519 = tpu.vector_load %get3A_1517[%get3A_1518] {strides = array<i32>} : memref<64xi32, #tpu.memory_space<vmem>>, vector<16xi32>,
    %get3A_1520 = vector.shape_cast %get3A_1519 : vector<16xi32> to vector<16xi32>
    %and3A_1521 = arith.constant 65535 : i32
    %and3A_1522 = vector.broadcast %and3A_1521 : i32 to vector<16xi32>
    %and3A_1523 = arith.andi %get3A_1520, %and3A_1522 : vector<16xi32>
    %swap3A_1524 = arith.constant 0 : i32
    %swap3A_1525 = tpu.memref_slice %arg6[%swap3A_1524] : memref<320xi32, #tpu.memory_space<vmem>> -> memref<64xi32, #tpu.memory_space<vmem>>
    %swap3A_1526 = arith.constant 32 : index
    %swap3A_1527 = tpu.vector_load %swap3A_1525[%swap3A_1526] {strides = array<i32>} : memref<64xi32, #tpu.memory_space<vmem>>, vector<16xi32>,
    %swap3A_1528 = vector.shape_cast %swap3A_1527 : vector<16xi32> to vector<16xi32>
    %swap3A_1529 = vector.shape_cast %and3A_1523 : vector<16xi32> to vector<16xi32>
    tpu.vector_store %swap3A_1525[%swap3A_1526], %swap3A_1529 {strides = array<i32>} : memref<64xi32, #tpu.memory_space<vmem>>, vector<16xi32>,
    %shift_right_logical3A_1530 = arith.constant 16 : i32
    %shift_right_logical3A_1531 = vector.broadcast %shift_right_logical3A_1530 : i32 to vector<16xi32>
    %shift_right_logical3A_1532 = arith.shrui %get3A_1520, %shift_right_logical3A_1531 : vector<16xi32>
    %swap3A_1533 = arith.constant 32 : index
    %swap3A_1534 = tpu.vector_load %arg7[%swap3A_1533] {strides = array<i32>} : memref<64xi32, #tpu.memory_space<vmem>>, vector<16xi32>,
    %swap3A_1535 = vector.shape_cast %swap3A_1534 : vector<16xi32> to vector<16xi32>
    %swap3A_1536 = vector.shape_cast %shift_right_logical3A_1532 : vector<16xi32> to vector<16xi32>
    tpu.vector_store %arg7[%swap3A_1533], %swap3A_1536 {strides = array<i32>} : memref<64xi32, #tpu.memory_space<vmem>>, vector<16xi32>,
    %get3A_1537 = arith.constant 0 : i32
    %get3A_1538 = arith.constant 0 : i32
    %get3A_1539 = tpu.memref_slice %arg5[%get3A_1537, %get3A_1538] : memref<5x64xi32, #tpu.memory_space<vmem>> -> memref<1x64xi32, #tpu.memory_space<vmem>>
    %get3A_1540 = tpu.memref_squeeze %get3A_1539 : memref<1x64xi32, #tpu.memory_space<vmem>> -> memref<64xi32, #tpu.memory_space<vmem>>
    %get3A_1541 = arith.constant 48 : index
    %get3A_1542 = tpu.vector_load %get3A_1540[%get3A_1541] {strides = array<i32>} : memref<64xi32, #tpu.memory_space<vmem>>, vector<16xi32>,
    %get3A_1543 = vector.shape_cast %get3A_1542 : vector<16xi32> to vector<16xi32>
    %and3A_1544 = arith.constant 65535 : i32
    %and3A_1545 = vector.broadcast %and3A_1544 : i32 to vector<16xi32>
    %and3A_1546 = arith.andi %get3A_1543, %and3A_1545 : vector<16xi32>
    %swap3A_1547 = arith.constant 0 : i32
    %swap3A_1548 = tpu.memref_slice %arg6[%swap3A_1547] : memref<320xi32, #tpu.memory_space<vmem>> -> memref<64xi32, #tpu.memory_space<vmem>>
    %swap3A_1549 = arith.constant 48 : index
    %swap3A_1550 = tpu.vector_load %swap3A_1548[%swap3A_1549] {strides = array<i32>} : memref<64xi32, #tpu.memory_space<vmem>>, vector<16xi32>,
    %swap3A_1551 = vector.shape_cast %swap3A_1550 : vector<16xi32> to vector<16xi32>
    %swap3A_1552 = vector.shape_cast %and3A_1546 : vector<16xi32> to vector<16xi32>
    tpu.vector_store %swap3A_1548[%swap3A_1549], %swap3A_1552 {strides = array<i32>} : memref<64xi32, #tpu.memory_space<vmem>>, vector<16xi32>,
    %shift_right_logical3A_1553 = arith.constant 16 : i32
    %shift_right_logical3A_1554 = vector.broadcast %shift_right_logical3A_1553 : i32 to vector<16xi32>
    %shift_right_logical3A_1555 = arith.shrui %get3A_1543, %shift_right_logical3A_1554 : vector<16xi32>
    %swap3A_1556 = arith.constant 48 : index
    %swap3A_1557 = tpu.vector_load %arg7[%swap3A_1556] {strides = array<i32>} : memref<64xi32, #tpu.memory_space<vmem>>, vector<16xi32>,
    %swap3A_1558 = vector.shape_cast %swap3A_1557 : vector<16xi32> to vector<16xi32>
    %swap3A_1559 = vector.shape_cast %shift_right_logical3A_1555 : vector<16xi32> to vector<16xi32>
    tpu.vector_store %arg7[%swap3A_1556], %swap3A_1559 {strides = array<i32>} : memref<64xi32, #tpu.memory_space<vmem>>, vector<16xi32>,
    %dma_start3A_1560 = arith.constant 0 : i32
    %dma_start3A_1561 = tpu.memref_slice %arg6[%dma_start3A_1560] : memref<320xi32, #tpu.memory_space<vmem>> -> memref<64xi32, #tpu.memory_space<vmem>>
    %dma_start3A_1562 = arith.constant 0 : i32
    %dma_start3A_1563 = arith.constant 0 : i32
    %dma_start3A_1564 = tpu.memref_slice %arg3[%dma_start3A_1562, %dma_start3A_1563] : memref<10000x128xf32, #tpu.memory_space<hbm>> -> memref<10000x128xf32, #tpu.memory_space<hbm>>
    tpu.enqueue_indirect_dma source(%dma_start3A_1564 : memref<10000x128xf32, #tpu.memory_space<hbm>>) target(%arg12 : memref<64x128xf32, #tpu.memory_space<vmem>>) offsets(%dma_start3A_1561 : memref<64xi32, #tpu.memory_space<vmem>>) semaphore(%arg18 : memref<!tpu.dma_semaphore, #tpu.memory_space<semaphore_mem>>)
    %dma_wait3A_1565 = arith.constant 192 : i32
    %dma_wait3A_1566 = tpu.memref_slice %arg6[%dma_wait3A_1565] : memref<320xi32, #tpu.memory_space<vmem>> -> memref<64xi32, #tpu.memory_space<vmem>>
    %dma_wait3A_1567 = arith.constant 0 : i32
    %dma_wait3A_1568 = arith.constant 0 : i32
    %dma_wait3A_1569 = tpu.memref_slice %arg3[%dma_wait3A_1567, %dma_wait3A_1568] : memref<10000x128xf32, #tpu.memory_space<hbm>> -> memref<10000x128xf32, #tpu.memory_space<hbm>>
    tpu.wait_indirect_dma semaphore(%arg21 : memref<!tpu.dma_semaphore, #tpu.memory_space<semaphore_mem>>) src(%dma_wait3A_1569 : memref<10000x128xf32, #tpu.memory_space<hbm>>) dst(%arg15 : memref<64x128xf32, #tpu.memory_space<vmem>>)
    %dma_start3A_1570 = arith.constant 0 : i32
    %dma_start3A_1571 = arith.constant 0 : i32
    %dma_start3A_1572 = tpu.memref_slice %arg17[%dma_start3A_1570, %dma_start3A_1571] : memref<10016x128xf32, #tpu.memory_space<vmem_shared>> -> memref<10016x128xf32, #tpu.memory_space<vmem_shared>>
    tpu.enqueue_indirect_dma source(%arg15 : memref<64x128xf32, #tpu.memory_space<vmem>>) target(%dma_start3A_1572 : memref<10016x128xf32, #tpu.memory_space<vmem_shared>>) offsets(%arg10 : memref<64xi32, #tpu.memory_space<vmem>>) semaphore(%arg31 : memref<!tpu.dma_semaphore, #tpu.memory_space<semaphore_mem>>) {add = true}
    %dma_wait3A_1573 = arith.constant 0 : i32
    %dma_wait3A_1574 = arith.constant 0 : i32
    %dma_wait3A_1575 = tpu.memref_slice %arg17[%dma_wait3A_1573, %dma_wait3A_1574] : memref<10016x128xf32, #tpu.memory_space<vmem_shared>> -> memref<10016x128xf32, #tpu.memory_space<vmem_shared>>
    tpu.wait_indirect_dma semaphore(%arg29 : memref<!tpu.dma_semaphore, #tpu.memory_space<semaphore_mem>>) src(%arg13 : memref<64x128xf32, #tpu.memory_space<vmem>>) dst(%dma_wait3A_1575 : memref<10016x128xf32, #tpu.memory_space<vmem_shared>>)
    %dma_wait3A_1576 = arith.constant 156 : i32
    %dma_wait3A_1577 = arith.constant 1 : i32
    %dma_wait3A_1578 = arith.constant 0 : i32
    %dma_wait3A_1579 = tpu.memref_slice %arg5[%dma_wait3A_1577, %dma_wait3A_1578] : memref<5x64xi32, #tpu.memory_space<vmem>> -> memref<1x64xi32, #tpu.memory_space<vmem>>
    %dma_wait3A_1580 = tpu.memref_squeeze %dma_wait3A_1579 : memref<1x64xi32, #tpu.memory_space<vmem>> -> memref<64xi32, #tpu.memory_space<vmem>>
    %dma_wait3A_1581 = arith.constant 0 : i32
    %dma_wait3A_1582 = tpu.memref_slice %arg2[%add3A, %dma_wait3A_1576, %dma_wait3A_1581] : memref<32x160x64xi32, #tpu.memory_space<hbm>> -> memref<1x1x64xi32, #tpu.memory_space<hbm>>
    %dma_wait3A_1583 = tpu.memref_squeeze %dma_wait3A_1582 : memref<1x1x64xi32, #tpu.memory_space<hbm>> -> memref<64xi32, #tpu.memory_space<hbm>>
    %dma_wait3A_1584 = arith.constant 0 : i32
    %dma_wait3A_1585 = tpu.memref_slice %arg5[%dma_wait3A_1577, %dma_wait3A_1584] : memref<5x64xi32, #tpu.memory_space<vmem>> -> memref<1x64xi32, #tpu.memory_space<vmem>>
    %dma_wait3A_1586 = tpu.memref_squeeze %dma_wait3A_1585 : memref<1x64xi32, #tpu.memory_space<vmem>> -> memref<64xi32, #tpu.memory_space<vmem>>
    %dma_wait3A_1587 = arith.constant 0 : i32
    %dma_wait3A_1588 = tpu.memref_slice %arg2[%add3A, %dma_wait3A_1576, %dma_wait3A_1587] : memref<32x160x64xi32, #tpu.memory_space<hbm>> -> memref<1x1x64xi32, #tpu.memory_space<hbm>>
    %dma_wait3A_1589 = tpu.memref_squeeze %dma_wait3A_1588 : memref<1x1x64xi32, #tpu.memory_space<hbm>> -> memref<64xi32, #tpu.memory_space<hbm>>
    tpu.wait_dma2 semaphore(%arg24 : memref<!tpu.dma_semaphore, #tpu.memory_space<semaphore_mem>>) src(%dma_wait3A_1589 : memref<64xi32, #tpu.memory_space<hbm>>) dst(%dma_wait3A_1586 : memref<64xi32, #tpu.memory_space<vmem>>)
    %get3A_1590 = arith.constant 1 : i32
    %get3A_1591 = arith.constant 0 : i32
    %get3A_1592 = tpu.memref_slice %arg5[%get3A_1590, %get3A_1591] : memref<5x64xi32, #tpu.memory_space<vmem>> -> memref<1x64xi32, #tpu.memory_space<vmem>>
    %get3A_1593 = tpu.memref_squeeze %get3A_1592 : memref<1x64xi32, #tpu.memory_space<vmem>> -> memref<64xi32, #tpu.memory_space<vmem>>
    %get3A_1594 = arith.constant 0 : index
    %get3A_1595 = tpu.vector_load %get3A_1593[%get3A_1594] {strides = array<i32>} : memref<64xi32, #tpu.memory_space<vmem>>, vector<16xi32>,
    %get3A_1596 = vector.shape_cast %get3A_1595 : vector<16xi32> to vector<16xi32>
    %and3A_1597 = arith.constant 65535 : i32
    %and3A_1598 = vector.broadcast %and3A_1597 : i32 to vector<16xi32>
    %and3A_1599 = arith.andi %get3A_1596, %and3A_1598 : vector<16xi32>
    %swap3A_1600 = arith.constant 64 : i32
    %swap3A_1601 = tpu.memref_slice %arg6[%swap3A_1600] : memref<320xi32, #tpu.memory_space<vmem>> -> memref<64xi32, #tpu.memory_space<vmem>>
    %swap3A_1602 = arith.constant 0 : index
    %swap3A_1603 = tpu.vector_load %swap3A_1601[%swap3A_1602] {strides = array<i32>} : memref<64xi32, #tpu.memory_space<vmem>>, vector<16xi32>,
    %swap3A_1604 = vector.shape_cast %swap3A_1603 : vector<16xi32> to vector<16xi32>
    %swap3A_1605 = vector.shape_cast %and3A_1599 : vector<16xi32> to vector<16xi32>
    tpu.vector_store %swap3A_1601[%swap3A_1602], %swap3A_1605 {strides = array<i32>} : memref<64xi32, #tpu.memory_space<vmem>>, vector<16xi32>,
    %shift_right_logical3A_1606 = arith.constant 16 : i32
    %shift_right_logical3A_1607 = vector.broadcast %shift_right_logical3A_1606 : i32 to vector<16xi32>
    %shift_right_logical3A_1608 = arith.shrui %get3A_1596, %shift_right_logical3A_1607 : vector<16xi32>
    %swap3A_1609 = arith.constant 0 : index
    %swap3A_1610 = tpu.vector_load %arg8[%swap3A_1609] {strides = array<i32>} : memref<64xi32, #tpu.memory_space<vmem>>, vector<16xi32>,
    %swap3A_1611 = vector.shape_cast %swap3A_1610 : vector<16xi32> to vector<16xi32>
    %swap3A_1612 = vector.shape_cast %shift_right_logical3A_1608 : vector<16xi32> to vector<16xi32>
    tpu.vector_store %arg8[%swap3A_1609], %swap3A_1612 {strides = array<i32>} : memref<64xi32, #tpu.memory_space<vmem>>, vector<16xi32>,
    %get3A_1613 = arith.constant 1 : i32
    %get3A_1614 = arith.constant 0 : i32
    %get3A_1615 = tpu.memref_slice %arg5[%get3A_1613, %get3A_1614] : memref<5x64xi32, #tpu.memory_space<vmem>> -> memref<1x64xi32, #tpu.memory_space<vmem>>
    %get3A_1616 = tpu.memref_squeeze %get3A_1615 : memref<1x64xi32, #tpu.memory_space<vmem>> -> memref<64xi32, #tpu.memory_space<vmem>>
    %get3A_1617 = arith.constant 16 : index
    %get3A_1618 = tpu.vector_load %get3A_1616[%get3A_1617] {strides = array<i32>} : memref<64xi32, #tpu.memory_space<vmem>>, vector<16xi32>,
    %get3A_1619 = vector.shape_cast %get3A_1618 : vector<16xi32> to vector<16xi32>
    %and3A_1620 = arith.constant 65535 : i32
    %and3A_1621 = vector.broadcast %and3A_1620 : i32 to vector<16xi32>
    %and3A_1622 = arith.andi %get3A_1619, %and3A_1621 : vector<16xi32>
    %swap3A_1623 = arith.constant 64 : i32
    %swap3A_1624 = tpu.memref_slice %arg6[%swap3A_1623] : memref<320xi32, #tpu.memory_space<vmem>> -> memref<64xi32, #tpu.memory_space<vmem>>
    %swap3A_1625 = arith.constant 16 : index
    %swap3A_1626 = tpu.vector_load %swap3A_1624[%swap3A_1625] {strides = array<i32>} : memref<64xi32, #tpu.memory_space<vmem>>, vector<16xi32>,
    %swap3A_1627 = vector.shape_cast %swap3A_1626 : vector<16xi32> to vector<16xi32>
    %swap3A_1628 = vector.shape_cast %and3A_1622 : vector<16xi32> to vector<16xi32>
    tpu.vector_store %swap3A_1624[%swap3A_1625], %swap3A_1628 {strides = array<i32>} : memref<64xi32, #tpu.memory_space<vmem>>, vector<16xi32>,
    %shift_right_logical3A_1629 = arith.constant 16 : i32
    %shift_right_logical3A_1630 = vector.broadcast %shift_right_logical3A_1629 : i32 to vector<16xi32>
    %shift_right_logical3A_1631 = arith.shrui %get3A_1619, %shift_right_logical3A_1630 : vector<16xi32>
    %swap3A_1632 = arith.constant 16 : index
    %swap3A_1633 = tpu.vector_load %arg8[%swap3A_1632] {strides = array<i32>} : memref<64xi32, #tpu.memory_space<vmem>>, vector<16xi32>,
    %swap3A_1634 = vector.shape_cast %swap3A_1633 : vector<16xi32> to vector<16xi32>
    %swap3A_1635 = vector.shape_cast %shift_right_logical3A_1631 : vector<16xi32> to vector<16xi32>
    tpu.vector_store %arg8[%swap3A_1632], %swap3A_1635 {strides = array<i32>} : memref<64xi32, #tpu.memory_space<vmem>>, vector<16xi32>,
    %get3A_1636 = arith.constant 1 : i32
    %get3A_1637 = arith.constant 0 : i32
    %get3A_1638 = tpu.memref_slice %arg5[%get3A_1636, %get3A_1637] : memref<5x64xi32, #tpu.memory_space<vmem>> -> memref<1x64xi32, #tpu.memory_space<vmem>>
    %get3A_1639 = tpu.memref_squeeze %get3A_1638 : memref<1x64xi32, #tpu.memory_space<vmem>> -> memref<64xi32, #tpu.memory_space<vmem>>
    %get3A_1640 = arith.constant 32 : index
    %get3A_1641 = tpu.vector_load %get3A_1639[%get3A_1640] {strides = array<i32>} : memref<64xi32, #tpu.memory_space<vmem>>, vector<16xi32>,
    %get3A_1642 = vector.shape_cast %get3A_1641 : vector<16xi32> to vector<16xi32>
    %and3A_1643 = arith.constant 65535 : i32
    %and3A_1644 = vector.broadcast %and3A_1643 : i32 to vector<16xi32>
    %and3A_1645 = arith.andi %get3A_1642, %and3A_1644 : vector<16xi32>
    %swap3A_1646 = arith.constant 64 : i32
    %swap3A_1647 = tpu.memref_slice %arg6[%swap3A_1646] : memref<320xi32, #tpu.memory_space<vmem>> -> memref<64xi32, #tpu.memory_space<vmem>>
    %swap3A_1648 = arith.constant 32 : index
    %swap3A_1649 = tpu.vector_load %swap3A_1647[%swap3A_1648] {strides = array<i32>} : memref<64xi32, #tpu.memory_space<vmem>>, vector<16xi32>,
    %swap3A_1650 = vector.shape_cast %swap3A_1649 : vector<16xi32> to vector<16xi32>
    %swap3A_1651 = vector.shape_cast %and3A_1645 : vector<16xi32> to vector<16xi32>
    tpu.vector_store %swap3A_1647[%swap3A_1648], %swap3A_1651 {strides = array<i32>} : memref<64xi32, #tpu.memory_space<vmem>>, vector<16xi32>,
    %shift_right_logical3A_1652 = arith.constant 16 : i32
    %shift_right_logical3A_1653 = vector.broadcast %shift_right_logical3A_1652 : i32 to vector<16xi32>
    %shift_right_logical3A_1654 = arith.shrui %get3A_1642, %shift_right_logical3A_1653 : vector<16xi32>
    %swap3A_1655 = arith.constant 32 : index
    %swap3A_1656 = tpu.vector_load %arg8[%swap3A_1655] {strides = array<i32>} : memref<64xi32, #tpu.memory_space<vmem>>, vector<16xi32>,
    %swap3A_1657 = vector.shape_cast %swap3A_1656 : vector<16xi32> to vector<16xi32>
    %swap3A_1658 = vector.shape_cast %shift_right_logical3A_1654 : vector<16xi32> to vector<16xi32>
    tpu.vector_store %arg8[%swap3A_1655], %swap3A_1658 {strides = array<i32>} : memref<64xi32, #tpu.memory_space<vmem>>, vector<16xi32>,
    %get3A_1659 = arith.constant 1 : i32
    %get3A_1660 = arith.constant 0 : i32
    %get3A_1661 = tpu.memref_slice %arg5[%get3A_1659, %get3A_1660] : memref<5x64xi32, #tpu.memory_space<vmem>> -> memref<1x64xi32, #tpu.memory_space<vmem>>
    %get3A_1662 = tpu.memref_squeeze %get3A_1661 : memref<1x64xi32, #tpu.memory_space<vmem>> -> memref<64xi32, #tpu.memory_space<vmem>>
    %get3A_1663 = arith.constant 48 : index
    %get3A_1664 = tpu.vector_load %get3A_1662[%get3A_1663] {strides = array<i32>} : memref<64xi32, #tpu.memory_space<vmem>>, vector<16xi32>,
    %get3A_1665 = vector.shape_cast %get3A_1664 : vector<16xi32> to vector<16xi32>
    %and3A_1666 = arith.constant 65535 : i32
    %and3A_1667 = vector.broadcast %and3A_1666 : i32 to vector<16xi32>
    %and3A_1668 = arith.andi %get3A_1665, %and3A_1667 : vector<16xi32>
    %swap3A_1669 = arith.constant 64 : i32
    %swap3A_1670 = tpu.memref_slice %arg6[%swap3A_1669] : memref<320xi32, #tpu.memory_space<vmem>> -> memref<64xi32, #tpu.memory_space<vmem>>
    %swap3A_1671 = arith.constant 48 : index
    %swap3A_1672 = tpu.vector_load %swap3A_1670[%swap3A_1671] {strides = array<i32>} : memref<64xi32, #tpu.memory_space<vmem>>, vector<16xi32>,
    %swap3A_1673 = vector.shape_cast %swap3A_1672 : vector<16xi32> to vector<16xi32>
    %swap3A_1674 = vector.shape_cast %and3A_1668 : vector<16xi32> to vector<16xi32>
    tpu.vector_store %swap3A_1670[%swap3A_1671], %swap3A_1674 {strides = array<i32>} : memref<64xi32, #tpu.memory_space<vmem>>, vector<16xi32>,
    %shift_right_logical3A_1675 = arith.constant 16 : i32
    %shift_right_logical3A_1676 = vector.broadcast %shift_right_logical3A_1675 : i32 to vector<16xi32>
    %shift_right_logical3A_1677 = arith.shrui %get3A_1665, %shift_right_logical3A_1676 : vector<16xi32>
    %swap3A_1678 = arith.constant 48 : index
    %swap3A_1679 = tpu.vector_load %arg8[%swap3A_1678] {strides = array<i32>} : memref<64xi32, #tpu.memory_space<vmem>>, vector<16xi32>,
    %swap3A_1680 = vector.shape_cast %swap3A_1679 : vector<16xi32> to vector<16xi32>
    %swap3A_1681 = vector.shape_cast %shift_right_logical3A_1677 : vector<16xi32> to vector<16xi32>
    tpu.vector_store %arg8[%swap3A_1678], %swap3A_1681 {strides = array<i32>} : memref<64xi32, #tpu.memory_space<vmem>>, vector<16xi32>,
    %dma_start3A_1682 = arith.constant 64 : i32
    %dma_start3A_1683 = tpu.memref_slice %arg6[%dma_start3A_1682] : memref<320xi32, #tpu.memory_space<vmem>> -> memref<64xi32, #tpu.memory_space<vmem>>
    %dma_start3A_1684 = arith.constant 0 : i32
    %dma_start3A_1685 = arith.constant 0 : i32
    %dma_start3A_1686 = tpu.memref_slice %arg3[%dma_start3A_1684, %dma_start3A_1685] : memref<10000x128xf32, #tpu.memory_space<hbm>> -> memref<10000x128xf32, #tpu.memory_space<hbm>>
    tpu.enqueue_indirect_dma source(%dma_start3A_1686 : memref<10000x128xf32, #tpu.memory_space<hbm>>) target(%arg13 : memref<64x128xf32, #tpu.memory_space<vmem>>) offsets(%dma_start3A_1683 : memref<64xi32, #tpu.memory_space<vmem>>) semaphore(%arg19 : memref<!tpu.dma_semaphore, #tpu.memory_space<semaphore_mem>>)
    %dma_wait3A_1687 = arith.constant 256 : i32
    %dma_wait3A_1688 = tpu.memref_slice %arg6[%dma_wait3A_1687] : memref<320xi32, #tpu.memory_space<vmem>> -> memref<64xi32, #tpu.memory_space<vmem>>
    %dma_wait3A_1689 = arith.constant 0 : i32
    %dma_wait3A_1690 = arith.constant 0 : i32
    %dma_wait3A_1691 = tpu.memref_slice %arg3[%dma_wait3A_1689, %dma_wait3A_1690] : memref<10000x128xf32, #tpu.memory_space<hbm>> -> memref<10000x128xf32, #tpu.memory_space<hbm>>
    tpu.wait_indirect_dma semaphore(%arg22 : memref<!tpu.dma_semaphore, #tpu.memory_space<semaphore_mem>>) src(%dma_wait3A_1691 : memref<10000x128xf32, #tpu.memory_space<hbm>>) dst(%arg16 : memref<64x128xf32, #tpu.memory_space<vmem>>)
    %dma_start3A_1692 = arith.constant 0 : i32
    %dma_start3A_1693 = arith.constant 0 : i32
    %dma_start3A_1694 = tpu.memref_slice %arg17[%dma_start3A_1692, %dma_start3A_1693] : memref<10016x128xf32, #tpu.memory_space<vmem_shared>> -> memref<10016x128xf32, #tpu.memory_space<vmem_shared>>
    tpu.enqueue_indirect_dma source(%arg16 : memref<64x128xf32, #tpu.memory_space<vmem>>) target(%dma_start3A_1694 : memref<10016x128xf32, #tpu.memory_space<vmem_shared>>) offsets(%arg11 : memref<64xi32, #tpu.memory_space<vmem>>) semaphore(%arg32 : memref<!tpu.dma_semaphore, #tpu.memory_space<semaphore_mem>>) {add = true}
    %dma_wait3A_1695 = arith.constant 0 : i32
    %dma_wait3A_1696 = arith.constant 0 : i32
    %dma_wait3A_1697 = tpu.memref_slice %arg17[%dma_wait3A_1695, %dma_wait3A_1696] : memref<10016x128xf32, #tpu.memory_space<vmem_shared>> -> memref<10016x128xf32, #tpu.memory_space<vmem_shared>>
    tpu.wait_indirect_dma semaphore(%arg30 : memref<!tpu.dma_semaphore, #tpu.memory_space<semaphore_mem>>) src(%arg14 : memref<64x128xf32, #tpu.memory_space<vmem>>) dst(%dma_wait3A_1697 : memref<10016x128xf32, #tpu.memory_space<vmem_shared>>)
    %dma_wait3A_1698 = arith.constant 157 : i32
    %dma_wait3A_1699 = arith.constant 2 : i32
    %dma_wait3A_1700 = arith.constant 0 : i32
    %dma_wait3A_1701 = tpu.memref_slice %arg5[%dma_wait3A_1699, %dma_wait3A_1700] : memref<5x64xi32, #tpu.memory_space<vmem>> -> memref<1x64xi32, #tpu.memory_space<vmem>>
    %dma_wait3A_1702 = tpu.memref_squeeze %dma_wait3A_1701 : memref<1x64xi32, #tpu.memory_space<vmem>> -> memref<64xi32, #tpu.memory_space<vmem>>
    %dma_wait3A_1703 = arith.constant 0 : i32
    %dma_wait3A_1704 = tpu.memref_slice %arg2[%add3A, %dma_wait3A_1698, %dma_wait3A_1703] : memref<32x160x64xi32, #tpu.memory_space<hbm>> -> memref<1x1x64xi32, #tpu.memory_space<hbm>>
    %dma_wait3A_1705 = tpu.memref_squeeze %dma_wait3A_1704 : memref<1x1x64xi32, #tpu.memory_space<hbm>> -> memref<64xi32, #tpu.memory_space<hbm>>
    %dma_wait3A_1706 = arith.constant 0 : i32
    %dma_wait3A_1707 = tpu.memref_slice %arg5[%dma_wait3A_1699, %dma_wait3A_1706] : memref<5x64xi32, #tpu.memory_space<vmem>> -> memref<1x64xi32, #tpu.memory_space<vmem>>
    %dma_wait3A_1708 = tpu.memref_squeeze %dma_wait3A_1707 : memref<1x64xi32, #tpu.memory_space<vmem>> -> memref<64xi32, #tpu.memory_space<vmem>>
    %dma_wait3A_1709 = arith.constant 0 : i32
    %dma_wait3A_1710 = tpu.memref_slice %arg2[%add3A, %dma_wait3A_1698, %dma_wait3A_1709] : memref<32x160x64xi32, #tpu.memory_space<hbm>> -> memref<1x1x64xi32, #tpu.memory_space<hbm>>
    %dma_wait3A_1711 = tpu.memref_squeeze %dma_wait3A_1710 : memref<1x1x64xi32, #tpu.memory_space<hbm>> -> memref<64xi32, #tpu.memory_space<hbm>>
    tpu.wait_dma2 semaphore(%arg25 : memref<!tpu.dma_semaphore, #tpu.memory_space<semaphore_mem>>) src(%dma_wait3A_1711 : memref<64xi32, #tpu.memory_space<hbm>>) dst(%dma_wait3A_1708 : memref<64xi32, #tpu.memory_space<vmem>>)
    %get3A_1712 = arith.constant 2 : i32
    %get3A_1713 = arith.constant 0 : i32
    %get3A_1714 = tpu.memref_slice %arg5[%get3A_1712, %get3A_1713] : memref<5x64xi32, #tpu.memory_space<vmem>> -> memref<1x64xi32, #tpu.memory_space<vmem>>
    %get3A_1715 = tpu.memref_squeeze %get3A_1714 : memref<1x64xi32, #tpu.memory_space<vmem>> -> memref<64xi32, #tpu.memory_space<vmem>>
    %get3A_1716 = arith.constant 0 : index
    %get3A_1717 = tpu.vector_load %get3A_1715[%get3A_1716] {strides = array<i32>} : memref<64xi32, #tpu.memory_space<vmem>>, vector<16xi32>,
    %get3A_1718 = vector.shape_cast %get3A_1717 : vector<16xi32> to vector<16xi32>
    %and3A_1719 = arith.constant 65535 : i32
    %and3A_1720 = vector.broadcast %and3A_1719 : i32 to vector<16xi32>
    %and3A_1721 = arith.andi %get3A_1718, %and3A_1720 : vector<16xi32>
    %swap3A_1722 = arith.constant 128 : i32
    %swap3A_1723 = tpu.memref_slice %arg6[%swap3A_1722] : memref<320xi32, #tpu.memory_space<vmem>> -> memref<64xi32, #tpu.memory_space<vmem>>
    %swap3A_1724 = arith.constant 0 : index
    %swap3A_1725 = tpu.vector_load %swap3A_1723[%swap3A_1724] {strides = array<i32>} : memref<64xi32, #tpu.memory_space<vmem>>, vector<16xi32>,
    %swap3A_1726 = vector.shape_cast %swap3A_1725 : vector<16xi32> to vector<16xi32>
    %swap3A_1727 = vector.shape_cast %and3A_1721 : vector<16xi32> to vector<16xi32>
    tpu.vector_store %swap3A_1723[%swap3A_1724], %swap3A_1727 {strides = array<i32>} : memref<64xi32, #tpu.memory_space<vmem>>, vector<16xi32>,
    %shift_right_logical3A_1728 = arith.constant 16 : i32
    %shift_right_logical3A_1729 = vector.broadcast %shift_right_logical3A_1728 : i32 to vector<16xi32>
    %shift_right_logical3A_1730 = arith.shrui %get3A_1718, %shift_right_logical3A_1729 : vector<16xi32>
    %swap3A_1731 = arith.constant 0 : index
    %swap3A_1732 = tpu.vector_load %arg9[%swap3A_1731] {strides = array<i32>} : memref<64xi32, #tpu.memory_space<vmem>>, vector<16xi32>,
    %swap3A_1733 = vector.shape_cast %swap3A_1732 : vector<16xi32> to vector<16xi32>
    %swap3A_1734 = vector.shape_cast %shift_right_logical3A_1730 : vector<16xi32> to vector<16xi32>
    tpu.vector_store %arg9[%swap3A_1731], %swap3A_1734 {strides = array<i32>} : memref<64xi32, #tpu.memory_space<vmem>>, vector<16xi32>,
    %get3A_1735 = arith.constant 2 : i32
    %get3A_1736 = arith.constant 0 : i32
    %get3A_1737 = tpu.memref_slice %arg5[%get3A_1735, %get3A_1736] : memref<5x64xi32, #tpu.memory_space<vmem>> -> memref<1x64xi32, #tpu.memory_space<vmem>>
    %get3A_1738 = tpu.memref_squeeze %get3A_1737 : memref<1x64xi32, #tpu.memory_space<vmem>> -> memref<64xi32, #tpu.memory_space<vmem>>
    %get3A_1739 = arith.constant 16 : index
    %get3A_1740 = tpu.vector_load %get3A_1738[%get3A_1739] {strides = array<i32>} : memref<64xi32, #tpu.memory_space<vmem>>, vector<16xi32>,
    %get3A_1741 = vector.shape_cast %get3A_1740 : vector<16xi32> to vector<16xi32>
    %and3A_1742 = arith.constant 65535 : i32
    %and3A_1743 = vector.broadcast %and3A_1742 : i32 to vector<16xi32>
    %and3A_1744 = arith.andi %get3A_1741, %and3A_1743 : vector<16xi32>
    %swap3A_1745 = arith.constant 128 : i32
    %swap3A_1746 = tpu.memref_slice %arg6[%swap3A_1745] : memref<320xi32, #tpu.memory_space<vmem>> -> memref<64xi32, #tpu.memory_space<vmem>>
    %swap3A_1747 = arith.constant 16 : index
    %swap3A_1748 = tpu.vector_load %swap3A_1746[%swap3A_1747] {strides = array<i32>} : memref<64xi32, #tpu.memory_space<vmem>>, vector<16xi32>,
    %swap3A_1749 = vector.shape_cast %swap3A_1748 : vector<16xi32> to vector<16xi32>
    %swap3A_1750 = vector.shape_cast %and3A_1744 : vector<16xi32> to vector<16xi32>
    tpu.vector_store %swap3A_1746[%swap3A_1747], %swap3A_1750 {strides = array<i32>} : memref<64xi32, #tpu.memory_space<vmem>>, vector<16xi32>,
    %shift_right_logical3A_1751 = arith.constant 16 : i32
    %shift_right_logical3A_1752 = vector.broadcast %shift_right_logical3A_1751 : i32 to vector<16xi32>
    %shift_right_logical3A_1753 = arith.shrui %get3A_1741, %shift_right_logical3A_1752 : vector<16xi32>
    %swap3A_1754 = arith.constant 16 : index
    %swap3A_1755 = tpu.vector_load %arg9[%swap3A_1754] {strides = array<i32>} : memref<64xi32, #tpu.memory_space<vmem>>, vector<16xi32>,
    %swap3A_1756 = vector.shape_cast %swap3A_1755 : vector<16xi32> to vector<16xi32>
    %swap3A_1757 = vector.shape_cast %shift_right_logical3A_1753 : vector<16xi32> to vector<16xi32>
    tpu.vector_store %arg9[%swap3A_1754], %swap3A_1757 {strides = array<i32>} : memref<64xi32, #tpu.memory_space<vmem>>, vector<16xi32>,
    %get3A_1758 = arith.constant 2 : i32
    %get3A_1759 = arith.constant 0 : i32
    %get3A_1760 = tpu.memref_slice %arg5[%get3A_1758, %get3A_1759] : memref<5x64xi32, #tpu.memory_space<vmem>> -> memref<1x64xi32, #tpu.memory_space<vmem>>
    %get3A_1761 = tpu.memref_squeeze %get3A_1760 : memref<1x64xi32, #tpu.memory_space<vmem>> -> memref<64xi32, #tpu.memory_space<vmem>>
    %get3A_1762 = arith.constant 32 : index
    %get3A_1763 = tpu.vector_load %get3A_1761[%get3A_1762] {strides = array<i32>} : memref<64xi32, #tpu.memory_space<vmem>>, vector<16xi32>,
    %get3A_1764 = vector.shape_cast %get3A_1763 : vector<16xi32> to vector<16xi32>
    %and3A_1765 = arith.constant 65535 : i32
    %and3A_1766 = vector.broadcast %and3A_1765 : i32 to vector<16xi32>
    %and3A_1767 = arith.andi %get3A_1764, %and3A_1766 : vector<16xi32>
    %swap3A_1768 = arith.constant 128 : i32
    %swap3A_1769 = tpu.memref_slice %arg6[%swap3A_1768] : memref<320xi32, #tpu.memory_space<vmem>> -> memref<64xi32, #tpu.memory_space<vmem>>
    %swap3A_1770 = arith.constant 32 : index
    %swap3A_1771 = tpu.vector_load %swap3A_1769[%swap3A_1770] {strides = array<i32>} : memref<64xi32, #tpu.memory_space<vmem>>, vector<16xi32>,
    %swap3A_1772 = vector.shape_cast %swap3A_1771 : vector<16xi32> to vector<16xi32>
    %swap3A_1773 = vector.shape_cast %and3A_1767 : vector<16xi32> to vector<16xi32>
    tpu.vector_store %swap3A_1769[%swap3A_1770], %swap3A_1773 {strides = array<i32>} : memref<64xi32, #tpu.memory_space<vmem>>, vector<16xi32>,
    %shift_right_logical3A_1774 = arith.constant 16 : i32
    %shift_right_logical3A_1775 = vector.broadcast %shift_right_logical3A_1774 : i32 to vector<16xi32>
    %shift_right_logical3A_1776 = arith.shrui %get3A_1764, %shift_right_logical3A_1775 : vector<16xi32>
    %swap3A_1777 = arith.constant 32 : index
    %swap3A_1778 = tpu.vector_load %arg9[%swap3A_1777] {strides = array<i32>} : memref<64xi32, #tpu.memory_space<vmem>>, vector<16xi32>,
    %swap3A_1779 = vector.shape_cast %swap3A_1778 : vector<16xi32> to vector<16xi32>
    %swap3A_1780 = vector.shape_cast %shift_right_logical3A_1776 : vector<16xi32> to vector<16xi32>
    tpu.vector_store %arg9[%swap3A_1777], %swap3A_1780 {strides = array<i32>} : memref<64xi32, #tpu.memory_space<vmem>>, vector<16xi32>,
    %get3A_1781 = arith.constant 2 : i32
    %get3A_1782 = arith.constant 0 : i32
    %get3A_1783 = tpu.memref_slice %arg5[%get3A_1781, %get3A_1782] : memref<5x64xi32, #tpu.memory_space<vmem>> -> memref<1x64xi32, #tpu.memory_space<vmem>>
    %get3A_1784 = tpu.memref_squeeze %get3A_1783 : memref<1x64xi32, #tpu.memory_space<vmem>> -> memref<64xi32, #tpu.memory_space<vmem>>
    %get3A_1785 = arith.constant 48 : index
    %get3A_1786 = tpu.vector_load %get3A_1784[%get3A_1785] {strides = array<i32>} : memref<64xi32, #tpu.memory_space<vmem>>, vector<16xi32>,
    %get3A_1787 = vector.shape_cast %get3A_1786 : vector<16xi32> to vector<16xi32>
    %and3A_1788 = arith.constant 65535 : i32
    %and3A_1789 = vector.broadcast %and3A_1788 : i32 to vector<16xi32>
    %and3A_1790 = arith.andi %get3A_1787, %and3A_1789 : vector<16xi32>
    %swap3A_1791 = arith.constant 128 : i32
    %swap3A_1792 = tpu.memref_slice %arg6[%swap3A_1791] : memref<320xi32, #tpu.memory_space<vmem>> -> memref<64xi32, #tpu.memory_space<vmem>>
    %swap3A_1793 = arith.constant 48 : index
    %swap3A_1794 = tpu.vector_load %swap3A_1792[%swap3A_1793] {strides = array<i32>} : memref<64xi32, #tpu.memory_space<vmem>>, vector<16xi32>,
    %swap3A_1795 = vector.shape_cast %swap3A_1794 : vector<16xi32> to vector<16xi32>
    %swap3A_1796 = vector.shape_cast %and3A_1790 : vector<16xi32> to vector<16xi32>
    tpu.vector_store %swap3A_1792[%swap3A_1793], %swap3A_1796 {strides = array<i32>} : memref<64xi32, #tpu.memory_space<vmem>>, vector<16xi32>,
    %shift_right_logical3A_1797 = arith.constant 16 : i32
    %shift_right_logical3A_1798 = vector.broadcast %shift_right_logical3A_1797 : i32 to vector<16xi32>
    %shift_right_logical3A_1799 = arith.shrui %get3A_1787, %shift_right_logical3A_1798 : vector<16xi32>
    %swap3A_1800 = arith.constant 48 : index
    %swap3A_1801 = tpu.vector_load %arg9[%swap3A_1800] {strides = array<i32>} : memref<64xi32, #tpu.memory_space<vmem>>, vector<16xi32>,
    %swap3A_1802 = vector.shape_cast %swap3A_1801 : vector<16xi32> to vector<16xi32>
    %swap3A_1803 = vector.shape_cast %shift_right_logical3A_1799 : vector<16xi32> to vector<16xi32>
    tpu.vector_store %arg9[%swap3A_1800], %swap3A_1803 {strides = array<i32>} : memref<64xi32, #tpu.memory_space<vmem>>, vector<16xi32>,
    %dma_start3A_1804 = arith.constant 128 : i32
    %dma_start3A_1805 = tpu.memref_slice %arg6[%dma_start3A_1804] : memref<320xi32, #tpu.memory_space<vmem>> -> memref<64xi32, #tpu.memory_space<vmem>>
    %dma_start3A_1806 = arith.constant 0 : i32
    %dma_start3A_1807 = arith.constant 0 : i32
    %dma_start3A_1808 = tpu.memref_slice %arg3[%dma_start3A_1806, %dma_start3A_1807] : memref<10000x128xf32, #tpu.memory_space<hbm>> -> memref<10000x128xf32, #tpu.memory_space<hbm>>
    tpu.enqueue_indirect_dma source(%dma_start3A_1808 : memref<10000x128xf32, #tpu.memory_space<hbm>>) target(%arg14 : memref<64x128xf32, #tpu.memory_space<vmem>>) offsets(%dma_start3A_1805 : memref<64xi32, #tpu.memory_space<vmem>>) semaphore(%arg20 : memref<!tpu.dma_semaphore, #tpu.memory_space<semaphore_mem>>)
    %dma_wait3A_1809 = arith.constant 0 : i32
    %dma_wait3A_1810 = tpu.memref_slice %arg6[%dma_wait3A_1809] : memref<320xi32, #tpu.memory_space<vmem>> -> memref<64xi32, #tpu.memory_space<vmem>>
    %dma_wait3A_1811 = arith.constant 0 : i32
    %dma_wait3A_1812 = arith.constant 0 : i32
    %dma_wait3A_1813 = tpu.memref_slice %arg3[%dma_wait3A_1811, %dma_wait3A_1812] : memref<10000x128xf32, #tpu.memory_space<hbm>> -> memref<10000x128xf32, #tpu.memory_space<hbm>>
    tpu.wait_indirect_dma semaphore(%arg18 : memref<!tpu.dma_semaphore, #tpu.memory_space<semaphore_mem>>) src(%dma_wait3A_1813 : memref<10000x128xf32, #tpu.memory_space<hbm>>) dst(%arg12 : memref<64x128xf32, #tpu.memory_space<vmem>>)
    %dma_start3A_1814 = arith.constant 0 : i32
    %dma_start3A_1815 = arith.constant 0 : i32
    %dma_start3A_1816 = tpu.memref_slice %arg17[%dma_start3A_1814, %dma_start3A_1815] : memref<10016x128xf32, #tpu.memory_space<vmem_shared>> -> memref<10016x128xf32, #tpu.memory_space<vmem_shared>>
    tpu.enqueue_indirect_dma source(%arg12 : memref<64x128xf32, #tpu.memory_space<vmem>>) target(%dma_start3A_1816 : memref<10016x128xf32, #tpu.memory_space<vmem_shared>>) offsets(%arg7 : memref<64xi32, #tpu.memory_space<vmem>>) semaphore(%arg28 : memref<!tpu.dma_semaphore, #tpu.memory_space<semaphore_mem>>) {add = true}
    %dma_wait3A_1817 = arith.constant 0 : i32
    %dma_wait3A_1818 = arith.constant 0 : i32
    %dma_wait3A_1819 = tpu.memref_slice %arg17[%dma_wait3A_1817, %dma_wait3A_1818] : memref<10016x128xf32, #tpu.memory_space<vmem_shared>> -> memref<10016x128xf32, #tpu.memory_space<vmem_shared>>
    tpu.wait_indirect_dma semaphore(%arg31 : memref<!tpu.dma_semaphore, #tpu.memory_space<semaphore_mem>>) src(%arg15 : memref<64x128xf32, #tpu.memory_space<vmem>>) dst(%dma_wait3A_1819 : memref<10016x128xf32, #tpu.memory_space<vmem_shared>>)
    %dma_wait3A_1820 = arith.constant 158 : i32
    %dma_wait3A_1821 = arith.constant 3 : i32
    %dma_wait3A_1822 = arith.constant 0 : i32
    %dma_wait3A_1823 = tpu.memref_slice %arg5[%dma_wait3A_1821, %dma_wait3A_1822] : memref<5x64xi32, #tpu.memory_space<vmem>> -> memref<1x64xi32, #tpu.memory_space<vmem>>
    %dma_wait3A_1824 = tpu.memref_squeeze %dma_wait3A_1823 : memref<1x64xi32, #tpu.memory_space<vmem>> -> memref<64xi32, #tpu.memory_space<vmem>>
    %dma_wait3A_1825 = arith.constant 0 : i32
    %dma_wait3A_1826 = tpu.memref_slice %arg2[%add3A, %dma_wait3A_1820, %dma_wait3A_1825] : memref<32x160x64xi32, #tpu.memory_space<hbm>> -> memref<1x1x64xi32, #tpu.memory_space<hbm>>
    %dma_wait3A_1827 = tpu.memref_squeeze %dma_wait3A_1826 : memref<1x1x64xi32, #tpu.memory_space<hbm>> -> memref<64xi32, #tpu.memory_space<hbm>>
    %dma_wait3A_1828 = arith.constant 0 : i32
    %dma_wait3A_1829 = tpu.memref_slice %arg5[%dma_wait3A_1821, %dma_wait3A_1828] : memref<5x64xi32, #tpu.memory_space<vmem>> -> memref<1x64xi32, #tpu.memory_space<vmem>>
    %dma_wait3A_1830 = tpu.memref_squeeze %dma_wait3A_1829 : memref<1x64xi32, #tpu.memory_space<vmem>> -> memref<64xi32, #tpu.memory_space<vmem>>
    %dma_wait3A_1831 = arith.constant 0 : i32
    %dma_wait3A_1832 = tpu.memref_slice %arg2[%add3A, %dma_wait3A_1820, %dma_wait3A_1831] : memref<32x160x64xi32, #tpu.memory_space<hbm>> -> memref<1x1x64xi32, #tpu.memory_space<hbm>>
    %dma_wait3A_1833 = tpu.memref_squeeze %dma_wait3A_1832 : memref<1x1x64xi32, #tpu.memory_space<hbm>> -> memref<64xi32, #tpu.memory_space<hbm>>
    tpu.wait_dma2 semaphore(%arg26 : memref<!tpu.dma_semaphore, #tpu.memory_space<semaphore_mem>>) src(%dma_wait3A_1833 : memref<64xi32, #tpu.memory_space<hbm>>) dst(%dma_wait3A_1830 : memref<64xi32, #tpu.memory_space<vmem>>)
    %get3A_1834 = arith.constant 3 : i32
    %get3A_1835 = arith.constant 0 : i32
    %get3A_1836 = tpu.memref_slice %arg5[%get3A_1834, %get3A_1835] : memref<5x64xi32, #tpu.memory_space<vmem>> -> memref<1x64xi32, #tpu.memory_space<vmem>>
    %get3A_1837 = tpu.memref_squeeze %get3A_1836 : memref<1x64xi32, #tpu.memory_space<vmem>> -> memref<64xi32, #tpu.memory_space<vmem>>
    %get3A_1838 = arith.constant 0 : index
    %get3A_1839 = tpu.vector_load %get3A_1837[%get3A_1838] {strides = array<i32>} : memref<64xi32, #tpu.memory_space<vmem>>, vector<16xi32>,
    %get3A_1840 = vector.shape_cast %get3A_1839 : vector<16xi32> to vector<16xi32>
    %and3A_1841 = arith.constant 65535 : i32
    %and3A_1842 = vector.broadcast %and3A_1841 : i32 to vector<16xi32>
    %and3A_1843 = arith.andi %get3A_1840, %and3A_1842 : vector<16xi32>
    %swap3A_1844 = arith.constant 192 : i32
    %swap3A_1845 = tpu.memref_slice %arg6[%swap3A_1844] : memref<320xi32, #tpu.memory_space<vmem>> -> memref<64xi32, #tpu.memory_space<vmem>>
    %swap3A_1846 = arith.constant 0 : index
    %swap3A_1847 = tpu.vector_load %swap3A_1845[%swap3A_1846] {strides = array<i32>} : memref<64xi32, #tpu.memory_space<vmem>>, vector<16xi32>,
    %swap3A_1848 = vector.shape_cast %swap3A_1847 : vector<16xi32> to vector<16xi32>
    %swap3A_1849 = vector.shape_cast %and3A_1843 : vector<16xi32> to vector<16xi32>
    tpu.vector_store %swap3A_1845[%swap3A_1846], %swap3A_1849 {strides = array<i32>} : memref<64xi32, #tpu.memory_space<vmem>>, vector<16xi32>,
    %shift_right_logical3A_1850 = arith.constant 16 : i32
    %shift_right_logical3A_1851 = vector.broadcast %shift_right_logical3A_1850 : i32 to vector<16xi32>
    %shift_right_logical3A_1852 = arith.shrui %get3A_1840, %shift_right_logical3A_1851 : vector<16xi32>
    %swap3A_1853 = arith.constant 0 : index
    %swap3A_1854 = tpu.vector_load %arg10[%swap3A_1853] {strides = array<i32>} : memref<64xi32, #tpu.memory_space<vmem>>, vector<16xi32>,
    %swap3A_1855 = vector.shape_cast %swap3A_1854 : vector<16xi32> to vector<16xi32>
    %swap3A_1856 = vector.shape_cast %shift_right_logical3A_1852 : vector<16xi32> to vector<16xi32>
    tpu.vector_store %arg10[%swap3A_1853], %swap3A_1856 {strides = array<i32>} : memref<64xi32, #tpu.memory_space<vmem>>, vector<16xi32>,
    %get3A_1857 = arith.constant 3 : i32
    %get3A_1858 = arith.constant 0 : i32
    %get3A_1859 = tpu.memref_slice %arg5[%get3A_1857, %get3A_1858] : memref<5x64xi32, #tpu.memory_space<vmem>> -> memref<1x64xi32, #tpu.memory_space<vmem>>
    %get3A_1860 = tpu.memref_squeeze %get3A_1859 : memref<1x64xi32, #tpu.memory_space<vmem>> -> memref<64xi32, #tpu.memory_space<vmem>>
    %get3A_1861 = arith.constant 16 : index
    %get3A_1862 = tpu.vector_load %get3A_1860[%get3A_1861] {strides = array<i32>} : memref<64xi32, #tpu.memory_space<vmem>>, vector<16xi32>,
    %get3A_1863 = vector.shape_cast %get3A_1862 : vector<16xi32> to vector<16xi32>
    %and3A_1864 = arith.constant 65535 : i32
    %and3A_1865 = vector.broadcast %and3A_1864 : i32 to vector<16xi32>
    %and3A_1866 = arith.andi %get3A_1863, %and3A_1865 : vector<16xi32>
    %swap3A_1867 = arith.constant 192 : i32
    %swap3A_1868 = tpu.memref_slice %arg6[%swap3A_1867] : memref<320xi32, #tpu.memory_space<vmem>> -> memref<64xi32, #tpu.memory_space<vmem>>
    %swap3A_1869 = arith.constant 16 : index
    %swap3A_1870 = tpu.vector_load %swap3A_1868[%swap3A_1869] {strides = array<i32>} : memref<64xi32, #tpu.memory_space<vmem>>, vector<16xi32>,
    %swap3A_1871 = vector.shape_cast %swap3A_1870 : vector<16xi32> to vector<16xi32>
    %swap3A_1872 = vector.shape_cast %and3A_1866 : vector<16xi32> to vector<16xi32>
    tpu.vector_store %swap3A_1868[%swap3A_1869], %swap3A_1872 {strides = array<i32>} : memref<64xi32, #tpu.memory_space<vmem>>, vector<16xi32>,
    %shift_right_logical3A_1873 = arith.constant 16 : i32
    %shift_right_logical3A_1874 = vector.broadcast %shift_right_logical3A_1873 : i32 to vector<16xi32>
    %shift_right_logical3A_1875 = arith.shrui %get3A_1863, %shift_right_logical3A_1874 : vector<16xi32>
    %swap3A_1876 = arith.constant 16 : index
    %swap3A_1877 = tpu.vector_load %arg10[%swap3A_1876] {strides = array<i32>} : memref<64xi32, #tpu.memory_space<vmem>>, vector<16xi32>,
    %swap3A_1878 = vector.shape_cast %swap3A_1877 : vector<16xi32> to vector<16xi32>
    %swap3A_1879 = vector.shape_cast %shift_right_logical3A_1875 : vector<16xi32> to vector<16xi32>
    tpu.vector_store %arg10[%swap3A_1876], %swap3A_1879 {strides = array<i32>} : memref<64xi32, #tpu.memory_space<vmem>>, vector<16xi32>,
    %get3A_1880 = arith.constant 3 : i32
    %get3A_1881 = arith.constant 0 : i32
    %get3A_1882 = tpu.memref_slice %arg5[%get3A_1880, %get3A_1881] : memref<5x64xi32, #tpu.memory_space<vmem>> -> memref<1x64xi32, #tpu.memory_space<vmem>>
    %get3A_1883 = tpu.memref_squeeze %get3A_1882 : memref<1x64xi32, #tpu.memory_space<vmem>> -> memref<64xi32, #tpu.memory_space<vmem>>
    %get3A_1884 = arith.constant 32 : index
    %get3A_1885 = tpu.vector_load %get3A_1883[%get3A_1884] {strides = array<i32>} : memref<64xi32, #tpu.memory_space<vmem>>, vector<16xi32>,
    %get3A_1886 = vector.shape_cast %get3A_1885 : vector<16xi32> to vector<16xi32>
    %and3A_1887 = arith.constant 65535 : i32
    %and3A_1888 = vector.broadcast %and3A_1887 : i32 to vector<16xi32>
    %and3A_1889 = arith.andi %get3A_1886, %and3A_1888 : vector<16xi32>
    %swap3A_1890 = arith.constant 192 : i32
    %swap3A_1891 = tpu.memref_slice %arg6[%swap3A_1890] : memref<320xi32, #tpu.memory_space<vmem>> -> memref<64xi32, #tpu.memory_space<vmem>>
    %swap3A_1892 = arith.constant 32 : index
    %swap3A_1893 = tpu.vector_load %swap3A_1891[%swap3A_1892] {strides = array<i32>} : memref<64xi32, #tpu.memory_space<vmem>>, vector<16xi32>,
    %swap3A_1894 = vector.shape_cast %swap3A_1893 : vector<16xi32> to vector<16xi32>
    %swap3A_1895 = vector.shape_cast %and3A_1889 : vector<16xi32> to vector<16xi32>
    tpu.vector_store %swap3A_1891[%swap3A_1892], %swap3A_1895 {strides = array<i32>} : memref<64xi32, #tpu.memory_space<vmem>>, vector<16xi32>,
    %shift_right_logical3A_1896 = arith.constant 16 : i32
    %shift_right_logical3A_1897 = vector.broadcast %shift_right_logical3A_1896 : i32 to vector<16xi32>
    %shift_right_logical3A_1898 = arith.shrui %get3A_1886, %shift_right_logical3A_1897 : vector<16xi32>
    %swap3A_1899 = arith.constant 32 : index
    %swap3A_1900 = tpu.vector_load %arg10[%swap3A_1899] {strides = array<i32>} : memref<64xi32, #tpu.memory_space<vmem>>, vector<16xi32>,
    %swap3A_1901 = vector.shape_cast %swap3A_1900 : vector<16xi32> to vector<16xi32>
    %swap3A_1902 = vector.shape_cast %shift_right_logical3A_1898 : vector<16xi32> to vector<16xi32>
    tpu.vector_store %arg10[%swap3A_1899], %swap3A_1902 {strides = array<i32>} : memref<64xi32, #tpu.memory_space<vmem>>, vector<16xi32>,
    %get3A_1903 = arith.constant 3 : i32
    %get3A_1904 = arith.constant 0 : i32
    %get3A_1905 = tpu.memref_slice %arg5[%get3A_1903, %get3A_1904] : memref<5x64xi32, #tpu.memory_space<vmem>> -> memref<1x64xi32, #tpu.memory_space<vmem>>
    %get3A_1906 = tpu.memref_squeeze %get3A_1905 : memref<1x64xi32, #tpu.memory_space<vmem>> -> memref<64xi32, #tpu.memory_space<vmem>>
    %get3A_1907 = arith.constant 48 : index
    %get3A_1908 = tpu.vector_load %get3A_1906[%get3A_1907] {strides = array<i32>} : memref<64xi32, #tpu.memory_space<vmem>>, vector<16xi32>,
    %get3A_1909 = vector.shape_cast %get3A_1908 : vector<16xi32> to vector<16xi32>
    %and3A_1910 = arith.constant 65535 : i32
    %and3A_1911 = vector.broadcast %and3A_1910 : i32 to vector<16xi32>
    %and3A_1912 = arith.andi %get3A_1909, %and3A_1911 : vector<16xi32>
    %swap3A_1913 = arith.constant 192 : i32
    %swap3A_1914 = tpu.memref_slice %arg6[%swap3A_1913] : memref<320xi32, #tpu.memory_space<vmem>> -> memref<64xi32, #tpu.memory_space<vmem>>
    %swap3A_1915 = arith.constant 48 : index
    %swap3A_1916 = tpu.vector_load %swap3A_1914[%swap3A_1915] {strides = array<i32>} : memref<64xi32, #tpu.memory_space<vmem>>, vector<16xi32>,
    %swap3A_1917 = vector.shape_cast %swap3A_1916 : vector<16xi32> to vector<16xi32>
    %swap3A_1918 = vector.shape_cast %and3A_1912 : vector<16xi32> to vector<16xi32>
    tpu.vector_store %swap3A_1914[%swap3A_1915], %swap3A_1918 {strides = array<i32>} : memref<64xi32, #tpu.memory_space<vmem>>, vector<16xi32>,
    %shift_right_logical3A_1919 = arith.constant 16 : i32
    %shift_right_logical3A_1920 = vector.broadcast %shift_right_logical3A_1919 : i32 to vector<16xi32>
    %shift_right_logical3A_1921 = arith.shrui %get3A_1909, %shift_right_logical3A_1920 : vector<16xi32>
    %swap3A_1922 = arith.constant 48 : index
    %swap3A_1923 = tpu.vector_load %arg10[%swap3A_1922] {strides = array<i32>} : memref<64xi32, #tpu.memory_space<vmem>>, vector<16xi32>,
    %swap3A_1924 = vector.shape_cast %swap3A_1923 : vector<16xi32> to vector<16xi32>
    %swap3A_1925 = vector.shape_cast %shift_right_logical3A_1921 : vector<16xi32> to vector<16xi32>
    tpu.vector_store %arg10[%swap3A_1922], %swap3A_1925 {strides = array<i32>} : memref<64xi32, #tpu.memory_space<vmem>>, vector<16xi32>,
    %dma_start3A_1926 = arith.constant 192 : i32
    %dma_start3A_1927 = tpu.memref_slice %arg6[%dma_start3A_1926] : memref<320xi32, #tpu.memory_space<vmem>> -> memref<64xi32, #tpu.memory_space<vmem>>
    %dma_start3A_1928 = arith.constant 0 : i32
    %dma_start3A_1929 = arith.constant 0 : i32
    %dma_start3A_1930 = tpu.memref_slice %arg3[%dma_start3A_1928, %dma_start3A_1929] : memref<10000x128xf32, #tpu.memory_space<hbm>> -> memref<10000x128xf32, #tpu.memory_space<hbm>>
    tpu.enqueue_indirect_dma source(%dma_start3A_1930 : memref<10000x128xf32, #tpu.memory_space<hbm>>) target(%arg15 : memref<64x128xf32, #tpu.memory_space<vmem>>) offsets(%dma_start3A_1927 : memref<64xi32, #tpu.memory_space<vmem>>) semaphore(%arg21 : memref<!tpu.dma_semaphore, #tpu.memory_space<semaphore_mem>>)
    %dma_wait3A_1931 = arith.constant 64 : i32
    %dma_wait3A_1932 = tpu.memref_slice %arg6[%dma_wait3A_1931] : memref<320xi32, #tpu.memory_space<vmem>> -> memref<64xi32, #tpu.memory_space<vmem>>
    %dma_wait3A_1933 = arith.constant 0 : i32
    %dma_wait3A_1934 = arith.constant 0 : i32
    %dma_wait3A_1935 = tpu.memref_slice %arg3[%dma_wait3A_1933, %dma_wait3A_1934] : memref<10000x128xf32, #tpu.memory_space<hbm>> -> memref<10000x128xf32, #tpu.memory_space<hbm>>
    tpu.wait_indirect_dma semaphore(%arg19 : memref<!tpu.dma_semaphore, #tpu.memory_space<semaphore_mem>>) src(%dma_wait3A_1935 : memref<10000x128xf32, #tpu.memory_space<hbm>>) dst(%arg13 : memref<64x128xf32, #tpu.memory_space<vmem>>)
    %dma_start3A_1936 = arith.constant 0 : i32
    %dma_start3A_1937 = arith.constant 0 : i32
    %dma_start3A_1938 = tpu.memref_slice %arg17[%dma_start3A_1936, %dma_start3A_1937] : memref<10016x128xf32, #tpu.memory_space<vmem_shared>> -> memref<10016x128xf32, #tpu.memory_space<vmem_shared>>
    tpu.enqueue_indirect_dma source(%arg13 : memref<64x128xf32, #tpu.memory_space<vmem>>) target(%dma_start3A_1938 : memref<10016x128xf32, #tpu.memory_space<vmem_shared>>) offsets(%arg8 : memref<64xi32, #tpu.memory_space<vmem>>) semaphore(%arg29 : memref<!tpu.dma_semaphore, #tpu.memory_space<semaphore_mem>>) {add = true}
    %dma_wait3A_1939 = arith.constant 0 : i32
    %dma_wait3A_1940 = arith.constant 0 : i32
    %dma_wait3A_1941 = tpu.memref_slice %arg17[%dma_wait3A_1939, %dma_wait3A_1940] : memref<10016x128xf32, #tpu.memory_space<vmem_shared>> -> memref<10016x128xf32, #tpu.memory_space<vmem_shared>>
    tpu.wait_indirect_dma semaphore(%arg32 : memref<!tpu.dma_semaphore, #tpu.memory_space<semaphore_mem>>) src(%arg16 : memref<64x128xf32, #tpu.memory_space<vmem>>) dst(%dma_wait3A_1941 : memref<10016x128xf32, #tpu.memory_space<vmem_shared>>)
    %dma_wait3A_1942 = arith.constant 159 : i32
    %dma_wait3A_1943 = arith.constant 4 : i32
    %dma_wait3A_1944 = arith.constant 0 : i32
    %dma_wait3A_1945 = tpu.memref_slice %arg5[%dma_wait3A_1943, %dma_wait3A_1944] : memref<5x64xi32, #tpu.memory_space<vmem>> -> memref<1x64xi32, #tpu.memory_space<vmem>>
    %dma_wait3A_1946 = tpu.memref_squeeze %dma_wait3A_1945 : memref<1x64xi32, #tpu.memory_space<vmem>> -> memref<64xi32, #tpu.memory_space<vmem>>
    %dma_wait3A_1947 = arith.constant 0 : i32
    %dma_wait3A_1948 = tpu.memref_slice %arg2[%add3A, %dma_wait3A_1942, %dma_wait3A_1947] : memref<32x160x64xi32, #tpu.memory_space<hbm>> -> memref<1x1x64xi32, #tpu.memory_space<hbm>>
    %dma_wait3A_1949 = tpu.memref_squeeze %dma_wait3A_1948 : memref<1x1x64xi32, #tpu.memory_space<hbm>> -> memref<64xi32, #tpu.memory_space<hbm>>
    %dma_wait3A_1950 = arith.constant 0 : i32
    %dma_wait3A_1951 = tpu.memref_slice %arg5[%dma_wait3A_1943, %dma_wait3A_1950] : memref<5x64xi32, #tpu.memory_space<vmem>> -> memref<1x64xi32, #tpu.memory_space<vmem>>
    %dma_wait3A_1952 = tpu.memref_squeeze %dma_wait3A_1951 : memref<1x64xi32, #tpu.memory_space<vmem>> -> memref<64xi32, #tpu.memory_space<vmem>>
    %dma_wait3A_1953 = arith.constant 0 : i32
    %dma_wait3A_1954 = tpu.memref_slice %arg2[%add3A, %dma_wait3A_1942, %dma_wait3A_1953] : memref<32x160x64xi32, #tpu.memory_space<hbm>> -> memref<1x1x64xi32, #tpu.memory_space<hbm>>
    %dma_wait3A_1955 = tpu.memref_squeeze %dma_wait3A_1954 : memref<1x1x64xi32, #tpu.memory_space<hbm>> -> memref<64xi32, #tpu.memory_space<hbm>>
    tpu.wait_dma2 semaphore(%arg27 : memref<!tpu.dma_semaphore, #tpu.memory_space<semaphore_mem>>) src(%dma_wait3A_1955 : memref<64xi32, #tpu.memory_space<hbm>>) dst(%dma_wait3A_1952 : memref<64xi32, #tpu.memory_space<vmem>>)
    %get3A_1956 = arith.constant 4 : i32
    %get3A_1957 = arith.constant 0 : i32
    %get3A_1958 = tpu.memref_slice %arg5[%get3A_1956, %get3A_1957] : memref<5x64xi32, #tpu.memory_space<vmem>> -> memref<1x64xi32, #tpu.memory_space<vmem>>
    %get3A_1959 = tpu.memref_squeeze %get3A_1958 : memref<1x64xi32, #tpu.memory_space<vmem>> -> memref<64xi32, #tpu.memory_space<vmem>>
    %get3A_1960 = arith.constant 0 : index
    %get3A_1961 = tpu.vector_load %get3A_1959[%get3A_1960] {strides = array<i32>} : memref<64xi32, #tpu.memory_space<vmem>>, vector<16xi32>,
    %get3A_1962 = vector.shape_cast %get3A_1961 : vector<16xi32> to vector<16xi32>
    %and3A_1963 = arith.constant 65535 : i32
    %and3A_1964 = vector.broadcast %and3A_1963 : i32 to vector<16xi32>
    %and3A_1965 = arith.andi %get3A_1962, %and3A_1964 : vector<16xi32>
    %swap3A_1966 = arith.constant 256 : i32
    %swap3A_1967 = tpu.memref_slice %arg6[%swap3A_1966] : memref<320xi32, #tpu.memory_space<vmem>> -> memref<64xi32, #tpu.memory_space<vmem>>
    %swap3A_1968 = arith.constant 0 : index
    %swap3A_1969 = tpu.vector_load %swap3A_1967[%swap3A_1968] {strides = array<i32>} : memref<64xi32, #tpu.memory_space<vmem>>, vector<16xi32>,
    %swap3A_1970 = vector.shape_cast %swap3A_1969 : vector<16xi32> to vector<16xi32>
    %swap3A_1971 = vector.shape_cast %and3A_1965 : vector<16xi32> to vector<16xi32>
    tpu.vector_store %swap3A_1967[%swap3A_1968], %swap3A_1971 {strides = array<i32>} : memref<64xi32, #tpu.memory_space<vmem>>, vector<16xi32>,
    %shift_right_logical3A_1972 = arith.constant 16 : i32
    %shift_right_logical3A_1973 = vector.broadcast %shift_right_logical3A_1972 : i32 to vector<16xi32>
    %shift_right_logical3A_1974 = arith.shrui %get3A_1962, %shift_right_logical3A_1973 : vector<16xi32>
    %swap3A_1975 = arith.constant 0 : index
    %swap3A_1976 = tpu.vector_load %arg11[%swap3A_1975] {strides = array<i32>} : memref<64xi32, #tpu.memory_space<vmem>>, vector<16xi32>,
    %swap3A_1977 = vector.shape_cast %swap3A_1976 : vector<16xi32> to vector<16xi32>
    %swap3A_1978 = vector.shape_cast %shift_right_logical3A_1974 : vector<16xi32> to vector<16xi32>
    tpu.vector_store %arg11[%swap3A_1975], %swap3A_1978 {strides = array<i32>} : memref<64xi32, #tpu.memory_space<vmem>>, vector<16xi32>,
    %get3A_1979 = arith.constant 4 : i32
    %get3A_1980 = arith.constant 0 : i32
    %get3A_1981 = tpu.memref_slice %arg5[%get3A_1979, %get3A_1980] : memref<5x64xi32, #tpu.memory_space<vmem>> -> memref<1x64xi32, #tpu.memory_space<vmem>>
    %get3A_1982 = tpu.memref_squeeze %get3A_1981 : memref<1x64xi32, #tpu.memory_space<vmem>> -> memref<64xi32, #tpu.memory_space<vmem>>
    %get3A_1983 = arith.constant 16 : index
    %get3A_1984 = tpu.vector_load %get3A_1982[%get3A_1983] {strides = array<i32>} : memref<64xi32, #tpu.memory_space<vmem>>, vector<16xi32>,
    %get3A_1985 = vector.shape_cast %get3A_1984 : vector<16xi32> to vector<16xi32>
    %and3A_1986 = arith.constant 65535 : i32
    %and3A_1987 = vector.broadcast %and3A_1986 : i32 to vector<16xi32>
    %and3A_1988 = arith.andi %get3A_1985, %and3A_1987 : vector<16xi32>
    %swap3A_1989 = arith.constant 256 : i32
    %swap3A_1990 = tpu.memref_slice %arg6[%swap3A_1989] : memref<320xi32, #tpu.memory_space<vmem>> -> memref<64xi32, #tpu.memory_space<vmem>>
    %swap3A_1991 = arith.constant 16 : index
    %swap3A_1992 = tpu.vector_load %swap3A_1990[%swap3A_1991] {strides = array<i32>} : memref<64xi32, #tpu.memory_space<vmem>>, vector<16xi32>,
    %swap3A_1993 = vector.shape_cast %swap3A_1992 : vector<16xi32> to vector<16xi32>
    %swap3A_1994 = vector.shape_cast %and3A_1988 : vector<16xi32> to vector<16xi32>
    tpu.vector_store %swap3A_1990[%swap3A_1991], %swap3A_1994 {strides = array<i32>} : memref<64xi32, #tpu.memory_space<vmem>>, vector<16xi32>,
    %shift_right_logical3A_1995 = arith.constant 16 : i32
    %shift_right_logical3A_1996 = vector.broadcast %shift_right_logical3A_1995 : i32 to vector<16xi32>
    %shift_right_logical3A_1997 = arith.shrui %get3A_1985, %shift_right_logical3A_1996 : vector<16xi32>
    %swap3A_1998 = arith.constant 16 : index
    %swap3A_1999 = tpu.vector_load %arg11[%swap3A_1998] {strides = array<i32>} : memref<64xi32, #tpu.memory_space<vmem>>, vector<16xi32>,
    %swap3A_2000 = vector.shape_cast %swap3A_1999 : vector<16xi32> to vector<16xi32>
    %swap3A_2001 = vector.shape_cast %shift_right_logical3A_1997 : vector<16xi32> to vector<16xi32>
    tpu.vector_store %arg11[%swap3A_1998], %swap3A_2001 {strides = array<i32>} : memref<64xi32, #tpu.memory_space<vmem>>, vector<16xi32>,
    %get3A_2002 = arith.constant 4 : i32
    %get3A_2003 = arith.constant 0 : i32
    %get3A_2004 = tpu.memref_slice %arg5[%get3A_2002, %get3A_2003] : memref<5x64xi32, #tpu.memory_space<vmem>> -> memref<1x64xi32, #tpu.memory_space<vmem>>
    %get3A_2005 = tpu.memref_squeeze %get3A_2004 : memref<1x64xi32, #tpu.memory_space<vmem>> -> memref<64xi32, #tpu.memory_space<vmem>>
    %get3A_2006 = arith.constant 32 : index
    %get3A_2007 = tpu.vector_load %get3A_2005[%get3A_2006] {strides = array<i32>} : memref<64xi32, #tpu.memory_space<vmem>>, vector<16xi32>,
    %get3A_2008 = vector.shape_cast %get3A_2007 : vector<16xi32> to vector<16xi32>
    %and3A_2009 = arith.constant 65535 : i32
    %and3A_2010 = vector.broadcast %and3A_2009 : i32 to vector<16xi32>
    %and3A_2011 = arith.andi %get3A_2008, %and3A_2010 : vector<16xi32>
    %swap3A_2012 = arith.constant 256 : i32
    %swap3A_2013 = tpu.memref_slice %arg6[%swap3A_2012] : memref<320xi32, #tpu.memory_space<vmem>> -> memref<64xi32, #tpu.memory_space<vmem>>
    %swap3A_2014 = arith.constant 32 : index
    %swap3A_2015 = tpu.vector_load %swap3A_2013[%swap3A_2014] {strides = array<i32>} : memref<64xi32, #tpu.memory_space<vmem>>, vector<16xi32>,
    %swap3A_2016 = vector.shape_cast %swap3A_2015 : vector<16xi32> to vector<16xi32>
    %swap3A_2017 = vector.shape_cast %and3A_2011 : vector<16xi32> to vector<16xi32>
    tpu.vector_store %swap3A_2013[%swap3A_2014], %swap3A_2017 {strides = array<i32>} : memref<64xi32, #tpu.memory_space<vmem>>, vector<16xi32>,
    %shift_right_logical3A_2018 = arith.constant 16 : i32
    %shift_right_logical3A_2019 = vector.broadcast %shift_right_logical3A_2018 : i32 to vector<16xi32>
    %shift_right_logical3A_2020 = arith.shrui %get3A_2008, %shift_right_logical3A_2019 : vector<16xi32>
    %swap3A_2021 = arith.constant 32 : index
    %swap3A_2022 = tpu.vector_load %arg11[%swap3A_2021] {strides = array<i32>} : memref<64xi32, #tpu.memory_space<vmem>>, vector<16xi32>,
    %swap3A_2023 = vector.shape_cast %swap3A_2022 : vector<16xi32> to vector<16xi32>
    %swap3A_2024 = vector.shape_cast %shift_right_logical3A_2020 : vector<16xi32> to vector<16xi32>
    tpu.vector_store %arg11[%swap3A_2021], %swap3A_2024 {strides = array<i32>} : memref<64xi32, #tpu.memory_space<vmem>>, vector<16xi32>,
    %get3A_2025 = arith.constant 4 : i32
    %get3A_2026 = arith.constant 0 : i32
    %get3A_2027 = tpu.memref_slice %arg5[%get3A_2025, %get3A_2026] : memref<5x64xi32, #tpu.memory_space<vmem>> -> memref<1x64xi32, #tpu.memory_space<vmem>>
    %get3A_2028 = tpu.memref_squeeze %get3A_2027 : memref<1x64xi32, #tpu.memory_space<vmem>> -> memref<64xi32, #tpu.memory_space<vmem>>
    %get3A_2029 = arith.constant 48 : index
    %get3A_2030 = tpu.vector_load %get3A_2028[%get3A_2029] {strides = array<i32>} : memref<64xi32, #tpu.memory_space<vmem>>, vector<16xi32>,
    %get3A_2031 = vector.shape_cast %get3A_2030 : vector<16xi32> to vector<16xi32>
    %and3A_2032 = arith.constant 65535 : i32
    %and3A_2033 = vector.broadcast %and3A_2032 : i32 to vector<16xi32>
    %and3A_2034 = arith.andi %get3A_2031, %and3A_2033 : vector<16xi32>
    %swap3A_2035 = arith.constant 256 : i32
    %swap3A_2036 = tpu.memref_slice %arg6[%swap3A_2035] : memref<320xi32, #tpu.memory_space<vmem>> -> memref<64xi32, #tpu.memory_space<vmem>>
    %swap3A_2037 = arith.constant 48 : index
    %swap3A_2038 = tpu.vector_load %swap3A_2036[%swap3A_2037] {strides = array<i32>} : memref<64xi32, #tpu.memory_space<vmem>>, vector<16xi32>,
    %swap3A_2039 = vector.shape_cast %swap3A_2038 : vector<16xi32> to vector<16xi32>
    %swap3A_2040 = vector.shape_cast %and3A_2034 : vector<16xi32> to vector<16xi32>
    tpu.vector_store %swap3A_2036[%swap3A_2037], %swap3A_2040 {strides = array<i32>} : memref<64xi32, #tpu.memory_space<vmem>>, vector<16xi32>,
    %shift_right_logical3A_2041 = arith.constant 16 : i32
    %shift_right_logical3A_2042 = vector.broadcast %shift_right_logical3A_2041 : i32 to vector<16xi32>
    %shift_right_logical3A_2043 = arith.shrui %get3A_2031, %shift_right_logical3A_2042 : vector<16xi32>
    %swap3A_2044 = arith.constant 48 : index
    %swap3A_2045 = tpu.vector_load %arg11[%swap3A_2044] {strides = array<i32>} : memref<64xi32, #tpu.memory_space<vmem>>, vector<16xi32>,
    %swap3A_2046 = vector.shape_cast %swap3A_2045 : vector<16xi32> to vector<16xi32>
    %swap3A_2047 = vector.shape_cast %shift_right_logical3A_2043 : vector<16xi32> to vector<16xi32>
    tpu.vector_store %arg11[%swap3A_2044], %swap3A_2047 {strides = array<i32>} : memref<64xi32, #tpu.memory_space<vmem>>, vector<16xi32>,
    %dma_start3A_2048 = arith.constant 256 : i32
    %dma_start3A_2049 = tpu.memref_slice %arg6[%dma_start3A_2048] : memref<320xi32, #tpu.memory_space<vmem>> -> memref<64xi32, #tpu.memory_space<vmem>>
    %dma_start3A_2050 = arith.constant 0 : i32
    %dma_start3A_2051 = arith.constant 0 : i32
    %dma_start3A_2052 = tpu.memref_slice %arg3[%dma_start3A_2050, %dma_start3A_2051] : memref<10000x128xf32, #tpu.memory_space<hbm>> -> memref<10000x128xf32, #tpu.memory_space<hbm>>
    tpu.enqueue_indirect_dma source(%dma_start3A_2052 : memref<10000x128xf32, #tpu.memory_space<hbm>>) target(%arg16 : memref<64x128xf32, #tpu.memory_space<vmem>>) offsets(%dma_start3A_2049 : memref<64xi32, #tpu.memory_space<vmem>>) semaphore(%arg22 : memref<!tpu.dma_semaphore, #tpu.memory_space<semaphore_mem>>)
    %dma_wait3A_2053 = arith.constant 128 : i32
    %dma_wait3A_2054 = tpu.memref_slice %arg6[%dma_wait3A_2053] : memref<320xi32, #tpu.memory_space<vmem>> -> memref<64xi32, #tpu.memory_space<vmem>>
    %dma_wait3A_2055 = arith.constant 0 : i32
    %dma_wait3A_2056 = arith.constant 0 : i32
    %dma_wait3A_2057 = tpu.memref_slice %arg3[%dma_wait3A_2055, %dma_wait3A_2056] : memref<10000x128xf32, #tpu.memory_space<hbm>> -> memref<10000x128xf32, #tpu.memory_space<hbm>>
    tpu.wait_indirect_dma semaphore(%arg20 : memref<!tpu.dma_semaphore, #tpu.memory_space<semaphore_mem>>) src(%dma_wait3A_2057 : memref<10000x128xf32, #tpu.memory_space<hbm>>) dst(%arg14 : memref<64x128xf32, #tpu.memory_space<vmem>>)
    %dma_start3A_2058 = arith.constant 0 : i32
    %dma_start3A_2059 = arith.constant 0 : i32
    %dma_start3A_2060 = tpu.memref_slice %arg17[%dma_start3A_2058, %dma_start3A_2059] : memref<10016x128xf32, #tpu.memory_space<vmem_shared>> -> memref<10016x128xf32, #tpu.memory_space<vmem_shared>>
    tpu.enqueue_indirect_dma source(%arg14 : memref<64x128xf32, #tpu.memory_space<vmem>>) target(%dma_start3A_2060 : memref<10016x128xf32, #tpu.memory_space<vmem_shared>>) offsets(%arg9 : memref<64xi32, #tpu.memory_space<vmem>>) semaphore(%arg30 : memref<!tpu.dma_semaphore, #tpu.memory_space<semaphore_mem>>) {add = true}
    %dma_wait3A_2061 = arith.constant 0 : i32
    %dma_wait3A_2062 = arith.constant 0 : i32
    %dma_wait3A_2063 = tpu.memref_slice %arg17[%dma_wait3A_2061, %dma_wait3A_2062] : memref<10016x128xf32, #tpu.memory_space<vmem_shared>> -> memref<10016x128xf32, #tpu.memory_space<vmem_shared>>
    tpu.wait_indirect_dma semaphore(%arg28 : memref<!tpu.dma_semaphore, #tpu.memory_space<semaphore_mem>>) src(%arg12 : memref<64x128xf32, #tpu.memory_space<vmem>>) dst(%dma_wait3A_2063 : memref<10016x128xf32, #tpu.memory_space<vmem_shared>>)
    %dma_wait3A_2064 = arith.constant 192 : i32
    %dma_wait3A_2065 = tpu.memref_slice %arg6[%dma_wait3A_2064] : memref<320xi32, #tpu.memory_space<vmem>> -> memref<64xi32, #tpu.memory_space<vmem>>
    %dma_wait3A_2066 = arith.constant 0 : i32
    %dma_wait3A_2067 = arith.constant 0 : i32
    %dma_wait3A_2068 = tpu.memref_slice %arg3[%dma_wait3A_2066, %dma_wait3A_2067] : memref<10000x128xf32, #tpu.memory_space<hbm>> -> memref<10000x128xf32, #tpu.memory_space<hbm>>
    tpu.wait_indirect_dma semaphore(%arg21 : memref<!tpu.dma_semaphore, #tpu.memory_space<semaphore_mem>>) src(%dma_wait3A_2068 : memref<10000x128xf32, #tpu.memory_space<hbm>>) dst(%arg15 : memref<64x128xf32, #tpu.memory_space<vmem>>)
    %dma_start3A_2069 = arith.constant 0 : i32
    %dma_start3A_2070 = arith.constant 0 : i32
    %dma_start3A_2071 = tpu.memref_slice %arg17[%dma_start3A_2069, %dma_start3A_2070] : memref<10016x128xf32, #tpu.memory_space<vmem_shared>> -> memref<10016x128xf32, #tpu.memory_space<vmem_shared>>
    tpu.enqueue_indirect_dma source(%arg15 : memref<64x128xf32, #tpu.memory_space<vmem>>) target(%dma_start3A_2071 : memref<10016x128xf32, #tpu.memory_space<vmem_shared>>) offsets(%arg10 : memref<64xi32, #tpu.memory_space<vmem>>) semaphore(%arg31 : memref<!tpu.dma_semaphore, #tpu.memory_space<semaphore_mem>>) {add = true}
    %dma_wait3A_2072 = arith.constant 0 : i32
    %dma_wait3A_2073 = arith.constant 0 : i32
    %dma_wait3A_2074 = tpu.memref_slice %arg17[%dma_wait3A_2072, %dma_wait3A_2073] : memref<10016x128xf32, #tpu.memory_space<vmem_shared>> -> memref<10016x128xf32, #tpu.memory_space<vmem_shared>>
    tpu.wait_indirect_dma semaphore(%arg29 : memref<!tpu.dma_semaphore, #tpu.memory_space<semaphore_mem>>) src(%arg13 : memref<64x128xf32, #tpu.memory_space<vmem>>) dst(%dma_wait3A_2074 : memref<10016x128xf32, #tpu.memory_space<vmem_shared>>)
    %dma_wait3A_2075 = arith.constant 256 : i32
    %dma_wait3A_2076 = tpu.memref_slice %arg6[%dma_wait3A_2075] : memref<320xi32, #tpu.memory_space<vmem>> -> memref<64xi32, #tpu.memory_space<vmem>>
    %dma_wait3A_2077 = arith.constant 0 : i32
    %dma_wait3A_2078 = arith.constant 0 : i32
    %dma_wait3A_2079 = tpu.memref_slice %arg3[%dma_wait3A_2077, %dma_wait3A_2078] : memref<10000x128xf32, #tpu.memory_space<hbm>> -> memref<10000x128xf32, #tpu.memory_space<hbm>>
    tpu.wait_indirect_dma semaphore(%arg22 : memref<!tpu.dma_semaphore, #tpu.memory_space<semaphore_mem>>) src(%dma_wait3A_2079 : memref<10000x128xf32, #tpu.memory_space<hbm>>) dst(%arg16 : memref<64x128xf32, #tpu.memory_space<vmem>>)
    %dma_start3A_2080 = arith.constant 0 : i32
    %dma_start3A_2081 = arith.constant 0 : i32
    %dma_start3A_2082 = tpu.memref_slice %arg17[%dma_start3A_2080, %dma_start3A_2081] : memref<10016x128xf32, #tpu.memory_space<vmem_shared>> -> memref<10016x128xf32, #tpu.memory_space<vmem_shared>>
    tpu.enqueue_indirect_dma source(%arg16 : memref<64x128xf32, #tpu.memory_space<vmem>>) target(%dma_start3A_2082 : memref<10016x128xf32, #tpu.memory_space<vmem_shared>>) offsets(%arg11 : memref<64xi32, #tpu.memory_space<vmem>>) semaphore(%arg32 : memref<!tpu.dma_semaphore, #tpu.memory_space<semaphore_mem>>) {add = true}
    %dma_wait3A_2083 = arith.constant 0 : i32
    %dma_wait3A_2084 = arith.constant 0 : i32
    %dma_wait3A_2085 = tpu.memref_slice %arg17[%dma_wait3A_2083, %dma_wait3A_2084] : memref<10016x128xf32, #tpu.memory_space<vmem_shared>> -> memref<10016x128xf32, #tpu.memory_space<vmem_shared>>
    tpu.wait_indirect_dma semaphore(%arg30 : memref<!tpu.dma_semaphore, #tpu.memory_space<semaphore_mem>>) src(%arg14 : memref<64x128xf32, #tpu.memory_space<vmem>>) dst(%dma_wait3A_2085 : memref<10016x128xf32, #tpu.memory_space<vmem_shared>>)
    %dma_wait3A_2086 = arith.constant 0 : i32
    %dma_wait3A_2087 = arith.constant 0 : i32
    %dma_wait3A_2088 = tpu.memref_slice %arg17[%dma_wait3A_2086, %dma_wait3A_2087] : memref<10016x128xf32, #tpu.memory_space<vmem_shared>> -> memref<10016x128xf32, #tpu.memory_space<vmem_shared>>
    tpu.wait_indirect_dma semaphore(%arg31 : memref<!tpu.dma_semaphore, #tpu.memory_space<semaphore_mem>>) src(%arg15 : memref<64x128xf32, #tpu.memory_space<vmem>>) dst(%dma_wait3A_2088 : memref<10016x128xf32, #tpu.memory_space<vmem_shared>>)
    %dma_wait3A_2089 = arith.constant 0 : i32
    %dma_wait3A_2090 = arith.constant 0 : i32
    %dma_wait3A_2091 = tpu.memref_slice %arg17[%dma_wait3A_2089, %dma_wait3A_2090] : memref<10016x128xf32, #tpu.memory_space<vmem_shared>> -> memref<10016x128xf32, #tpu.memory_space<vmem_shared>>
    tpu.wait_indirect_dma semaphore(%arg32 : memref<!tpu.dma_semaphore, #tpu.memory_space<semaphore_mem>>) src(%arg16 : memref<64x128xf32, #tpu.memory_space<vmem>>) dst(%dma_wait3A_2091 : memref<10016x128xf32, #tpu.memory_space<vmem_shared>>)
    %barrier3A_2092 = arith.constant 0 : index
    tpu.barrier barrier_id(%barrier3A_2092)
    %mul3A_2093 = arith.constant 626 : i32
    %mul3A_2094 = arith.muli %arg1, %mul3A_2093 : i32
    "tpu.region"() ({
      %run_scoped3A = tpu.sem_alloc : memref<!tpu.dma_semaphore, #tpu.memory_space<semaphore_mem>>
      %dma_start3A_2095 = arith.constant 0 : i32
      %dma_start3A_2096 = arith.constant 0 : i32
      %dma_start3A_2097 = tpu.memref_slice %arg4[%add3A, %dma_start3A_2095, %dma_start3A_2096] : memref<32x626x128xf32, #tpu.memory_space<hbm>> -> memref<1x626x128xf32, #tpu.memory_space<hbm>>
      %dma_start3A_2098 = tpu.memref_squeeze %dma_start3A_2097 : memref<1x626x128xf32, #tpu.memory_space<hbm>> -> memref<626x128xf32, #tpu.memory_space<hbm>>
      %dma_start3A_2099 = arith.constant 0 : i32
      %dma_start3A_2100 = tpu.memref_slice %arg17[%mul3A_2094, %dma_start3A_2099] : memref<10016x128xf32, #tpu.memory_space<vmem_shared>> -> memref<626x128xf32, #tpu.memory_space<vmem_shared>>
      tpu.enqueue_dma source(%dma_start3A_2100 : memref<626x128xf32, #tpu.memory_space<vmem_shared>>) target(%dma_start3A_2098 : memref<626x128xf32, #tpu.memory_space<hbm>>) target_semaphore(%run_scoped3A : memref<!tpu.dma_semaphore, #tpu.memory_space<semaphore_mem>>)
      %dma_wait3A_2101 = arith.constant 0 : i32
      %dma_wait3A_2102 = arith.constant 0 : i32
      %dma_wait3A_2103 = tpu.memref_slice %arg4[%add3A, %dma_wait3A_2101, %dma_wait3A_2102] : memref<32x626x128xf32, #tpu.memory_space<hbm>> -> memref<1x626x128xf32, #tpu.memory_space<hbm>>
      %dma_wait3A_2104 = tpu.memref_squeeze %dma_wait3A_2103 : memref<1x626x128xf32, #tpu.memory_space<hbm>> -> memref<626x128xf32, #tpu.memory_space<hbm>>
      %dma_wait3A_2105 = arith.constant 0 : i32
      %dma_wait3A_2106 = tpu.memref_slice %arg17[%mul3A_2094, %dma_wait3A_2105] : memref<10016x128xf32, #tpu.memory_space<vmem_shared>> -> memref<626x128xf32, #tpu.memory_space<vmem_shared>>
      tpu.wait_dma2 semaphore(%run_scoped3A : memref<!tpu.dma_semaphore, #tpu.memory_space<semaphore_mem>>) src(%dma_wait3A_2106 : memref<626x128xf32, #tpu.memory_space<vmem_shared>>) dst(%dma_wait3A_2104 : memref<626x128xf32, #tpu.memory_space<hbm>>)
      tpu.yield
    }) : () -> ()
    return
  }
}

module attributes {stable_mosaic.version = 14 : i64} {
  func.func @_mm_body(%arg0: i32, %arg1: memref<1000x128xf32, #tpu.memory_space<vmem>>, %arg2: memref<128x128xf32, #tpu.memory_space<vmem>>, %arg3: memref<1000x128xf32, #tpu.memory_space<vmem>>) attributes {dimension_semantics = [#tpu.dimension_semantics<arbitrary>], iteration_bounds = array<i64: 10>, scalar_prefetch = 0 : i64, scratch_operands = 0 : i64, tpu.core_type = #tpu.core_type<tc>, window_params = [{transform_indices = @transform_0, window_bounds = array<i64: 1000, 128>}, {pipeline_mode = #tpu.pipeline_mode<synchronous>, transform_indices = @transform_1, window_bounds = array<i64: 128, 128>}, {transform_indices = @transform_2, window_bounds = array<i64: 1000, 128>}]} {
    %get3A = arith.constant 0 : index
    %get3A_0 = arith.constant 0 : index
    %get3A_1 = vector.load %arg1[%get3A, %get3A_0] : memref<1000x128xf32, #tpu.memory_space<vmem>>, vector<1000x128xf32>
    %get3A_2 = arith.constant 0 : index
    %get3A_3 = arith.constant 0 : index
    %get3A_4 = vector.load %arg2[%get3A_2, %get3A_3] : memref<128x128xf32, #tpu.memory_space<vmem>>, vector<128x128xf32>
    %dot_general3A = arith.constant dense<0.000000e+00> : vector<1000x128xf32>
    %dot_general3A_5 = tpu.matmul %get3A_1, %get3A_4, %dot_general3A {dimension_numbers = #tpu.dot_dimension_numbers<[1], [0], [0], [1], [0, 0, 1, 1], [], []>, transpose_lhs_hint = false} : vector<1000x128xf32>, vector<128x128xf32>, vector<1000x128xf32> -> vector<1000x128xf32>
    %swap3A = arith.constant 0 : index
    %swap3A_6 = arith.constant 0 : index
    %swap3A_7 = vector.load %arg3[%swap3A, %swap3A_6] : memref<1000x128xf32, #tpu.memory_space<vmem>>, vector<1000x128xf32>
    tpu.vector_store %arg3[%swap3A, %swap3A_6], %dot_general3A_5 {strides = array<i32>} : memref<1000x128xf32, #tpu.memory_space<vmem>>, vector<1000x128xf32>,
    return
  }
  func.func @transform_0(%arg0: i32) -> (i32, i32) {
    %c0_i32 = arith.constant 0 : i32
    %c0_i32_0 = arith.constant 0 : i32
    return %arg0, %c0_i32 : i32, i32
  }
  func.func @transform_1(%arg0: i32) -> (i32, i32) {
    %c0_i32 = arith.constant 0 : i32
    %c0_i32_0 = arith.constant 0 : i32
    %c0_i32_1 = arith.constant 0 : i32
    return %c0_i32, %c0_i32_0 : i32, i32
  }
  func.func @transform_2(%arg0: i32) -> (i32, i32) {
    %c0_i32 = arith.constant 0 : i32
    %c0_i32_0 = arith.constant 0 : i32
    return %arg0, %c0_i32 : i32, i32
  }
}

module attributes {stable_mosaic.version = 14 : i64} {
  func.func @_comb_body(%arg0: i32, %arg1: memref<2x1000x128xf32, #tpu.memory_space<vmem>>, %arg2: memref<1x128xf32, #tpu.memory_space<vmem>>, %arg3: memref<1000x128xf32, #tpu.memory_space<vmem>>) attributes {dimension_semantics = [#tpu.dimension_semantics<arbitrary>], iteration_bounds = array<i64: 10>, scalar_prefetch = 0 : i64, scratch_operands = 0 : i64, tpu.core_type = #tpu.core_type<tc>, window_params = [{transform_indices = @transform_0, window_bounds = array<i64: 2, 1000, 128>}, {pipeline_mode = #tpu.pipeline_mode<synchronous>, transform_indices = @transform_1, window_bounds = array<i64: 1, 128>}, {transform_indices = @transform_2, window_bounds = array<i64: 1000, 128>}]} {
    %get3A = arith.constant 0 : index
    %get3A_0 = arith.constant 0 : index
    %get3A_1 = arith.constant 0 : index
    %get3A_2 = vector.load %arg1[%get3A, %get3A_0, %get3A_1] : memref<2x1000x128xf32, #tpu.memory_space<vmem>>, vector<1x1000x128xf32>
    %get3A_3 = vector.shape_cast %get3A_2 : vector<1x1000x128xf32> to vector<1000x128xf32>
    %get3A_4 = arith.constant 1 : index
    %get3A_5 = arith.constant 0 : index
    %get3A_6 = arith.constant 0 : index
    %get3A_7 = vector.load %arg1[%get3A_4, %get3A_5, %get3A_6] : memref<2x1000x128xf32, #tpu.memory_space<vmem>>, vector<1x1000x128xf32>
    %get3A_8 = vector.shape_cast %get3A_7 : vector<1x1000x128xf32> to vector<1000x128xf32>
    %add3A = arith.addf %get3A_3, %get3A_8 : vector<1000x128xf32>
    %get3A_9 = arith.constant 0 : index
    %get3A_10 = arith.constant 0 : index
    %get3A_11 = vector.load %arg2[%get3A_9, %get3A_10] : memref<1x128xf32, #tpu.memory_space<vmem>>, vector<1x128xf32>
    %add3A_12 = vector.broadcast %get3A_11 : vector<1x128xf32> to vector<1000x128xf32>
    %add3A_13 = arith.addf %add3A, %add3A_12 : vector<1000x128xf32>
    %swap3A = arith.constant 0 : index
    %swap3A_14 = arith.constant 0 : index
    %swap3A_15 = vector.load %arg3[%swap3A, %swap3A_14] : memref<1000x128xf32, #tpu.memory_space<vmem>>, vector<1000x128xf32>
    tpu.vector_store %arg3[%swap3A, %swap3A_14], %add3A_13 {strides = array<i32>} : memref<1000x128xf32, #tpu.memory_space<vmem>>, vector<1000x128xf32>,
    return
  }
  func.func @transform_0(%arg0: i32) -> (i32, i32, i32) {
    %c0_i32 = arith.constant 0 : i32
    %c0_i32_0 = arith.constant 0 : i32
    %c0_i32_1 = arith.constant 0 : i32
    return %c0_i32, %arg0, %c0_i32_0 : i32, i32, i32
  }
  func.func @transform_1(%arg0: i32) -> (i32, i32) {
    %c0_i32 = arith.constant 0 : i32
    %c0_i32_0 = arith.constant 0 : i32
    %c0_i32_1 = arith.constant 0 : i32
    return %c0_i32, %c0_i32_0 : i32, i32
  }
  func.func @transform_2(%arg0: i32) -> (i32, i32) {
    %c0_i32 = arith.constant 0 : i32
    %c0_i32_0 = arith.constant 0 : i32
    return %arg0, %c0_i32 : i32, i32
  }
}

</mosaic_0001>

<sc_bundles>
// kernel: kernel.5.cloned.1.call-start
scs
__scs_entry_jumppad:
0x0: {  	(pc) =	sbr.rel $0x88, $3  }
0x1: {  	(tag) =	ssettag $0x0;
	lr =	simm.s32 $0x1  }
0x2: {  	[smem:$0x3F9D] =	sst lr;
	_ =	strace $0xD0000000  }
0x3: {  	_ = 	snop  }
0x4: {  	_ = 	snop  }
0x5: {  	_ = 	snop  }
0x6: {  	_ = 	snop  }
0x7: {  	_ = 	snop  }
__scs_overlays_trampoline_lowered:
0x8: {  	[smem:$0x3FAC] =	sst s0  }
0x9: {  	[smem:$0x3FAD] =	sst s1  }
0xa: {  	[smem:$0x3FAE] =	sst s2  }
0xb: {  	[smem:$0x3FAF] =	sst s3  }
0xc: {  	[smem:$0x3FB0] =	sst s4  }
0xd: {  	[smem:$0x3FB1] =	sst s5  }
0xe: {  	[smem:$0x3FB2] =	sst s6  }
0xf: {  	[smem:$0x3FB3] =	sst s7  }
0x10: {  	[smem:$0x3FB4] =	sst s8  }
0x11: {  	[smem:$0x3FB5] =	sst s9;
	s0 =	simm.s32 @!p0 $0x0  }
0x12: {  	s1 =	sld [smem:$0x3F9B];
	s0 =	simm.s32 @p0 $0x1  }
0x13: {  	[smem:$0x3FB6] =	sst s0;
	s0 =	simm.s32 @!p1 $0x0  }
0x14: {  	s2 =	sld [smem:$0x3F9A];
	s0 =	simm.s32 @p1 $0x1  }
0x15: {  	[smem:$0x3FB7] =	sst s0;
	s0 =	simm.s32 @!p2 $0x0  }
0x16: {  	s3 =	sld [smem:$0x3FDB];
	s0 =	simm.s32 @p2 $0x1  }
0x17: {  	s4 =	simm.s32 $0x1BF5;
	[smem:$0x3FB9] =	sst s0  }
0x18: {  	s0 =	sld [smem:$0x3F9C];
	_ =	swait.ge [sflag:s4], $0x0  }
0x19: {  	s7 =	sld [smem:$0x3F9D]  }
0x1a: {  	s8 =	sadd.s32 $0xFFFFE003, lr  }
0x1b: {  	s9 =	sadd.s32 $0xFFFFFEF7, lr;
	s5 =	simm.s32 $0xFFFFFFFF;
	p2 =	slt.u32 s8, $0xFFFFF086  }
0x1c: {  	p1 =	slt.u32 s9, $0xF7A;
	s5 =	simm.s32 @!p2 $0x0  }
0x1d: {  	s5 =	simm.s32 @p1 $0x1;
	p0 =	seq.s32 s7, s2  }
0x1e: {  	s7 =	smul.u32 @!p0 $0xF7A, s2;
	p2 =	seq.s32 @!p0 s5, $0x0  }
0x1f: {  	s9 =	smul.u32 $0xF7A, s1;
	s8 =	simm.s32 @!p0 $0x1BF5;
	p2 =	por !p2, p0  }
0x20: {  	[sflag:s8] =	ssyncset.s32 @!p0 $0xFFFFF086;
	s6 =	sadd.s32 @!p0 s3, s7;
	s7 =	simm.s32 @!p0 $0x108  }
0x21: {  	s3 =	sadd.s32 s3, s9;
	s6 =	sadd.s32 @!p0 $0x88, s6;
	s7 =	simm.s32 @p2 $0x1082  }
0x22: {  	[simem:s7], [sflag:s8] =	dma.local @!p0 [hbm:s6], $0xF7A  }
0x23: {  	s9 =	sor.u32 $0xD0000000, s2;
	s6 =	simm.s32 $0x108;
	_ =	swait.ge @!p0 [sflag:s8], $0x0  }
0x24: {  	s3 =	sadd.s32 $0x88, s3;
	s6 =	simm.s32 @!p1 $0x1082;
	[sflag:s4] =	ssyncset.s32 $0xFFFFF086  }
0x25: {  	[simem:s6], [sflag:s4] =	dma.local [hbm:s3], $0xF7A  }
0x26: {  	[smem:$0x3F9D] =	sst s1;
	(tag) =	ssettag s2;
	_ =	strace s9  }
0x27: {  	s1 =	sld [smem:$0x3FAD]  }
0x28: {  	s2 =	sld [smem:$0x3FAE]  }
0x29: {  	s4 =	sld [smem:$0x3FB0]  }
0x2a: {  	p0 =	seq.s32 s5, $0x0;
	s5 =	sld [smem:$0x3FB1]  }
0x2b: {  	s6 =	sld [smem:$0x3FB2]  }
0x2c: {  	s7 =	sld [smem:$0x3FB3]  }
0x2d: {  	s3 =	simm.s32 $0x108;
	s8 =	sld [smem:$0x3FB4]  }
0x2e: {  	s3 =	simm.s32 @!p0 $0x1082;
	s9 =	sld [smem:$0x3FB5]  }
0x2f: {  	lr =	sadd.s32 s0, s3;
	s0 =	sld [smem:$0x3FAC]  }
0x30: {  	s3 =	sld [smem:$0x3FAF]  }
0x31: {  	[smem:$0x3FB8] =	sst s10  }
0x32: {  	s10 =	sld [smem:$0x3FB6];
	_ =	sdelay $0x3  }
0x33: {  	p0 =	seq.s32 s10, $0x1;
	s10 =	sld [smem:$0x3FB8];
	_ =	sdelay $0x3  }
0x34: {  	[smem:$0x3FB8] =	sst s10  }
0x35: {  	s10 =	sld [smem:$0x3FB7];
	_ =	sdelay $0x3  }
0x36: {  	p1 =	seq.s32 s10, $0x1;
	s10 =	sld [smem:$0x3FB8];
	_ =	sdelay $0x3  }
0x37: {  	[smem:$0x3FB8] =	sst s10  }
0x38: {  	s10 =	sld [smem:$0x3FB9]  }
0x39: {  	_ = 	snop;
	(pc) =	sbr.ind lr, $3  }
0x3a: {  	_ = 	snop  }
0x3b: {  	_ = 	snop  }
0x3c: {  	p2 =	seq.s32 s10, $0x1;
	s10 =	sld [smem:$0x3FB8]  }
0x3d: {  	_ =	shalt  }
0x3e: {  	_ =	shalt  }
0x3f: {  	_ =	shalt  }
0x40: {  	_ =	shalt  }
0x41: {  	_ =	shalt  }
0x42: {  	_ =	shalt  }
0x43: {  	_ =	shalt  }
0x44: {  	_ =	shalt  }
0x45: {  	_ =	shalt  }
0x46: {  	_ =	shalt  }
0x47: {  	_ =	shalt  }
0x48: {  	_ =	shalt  }
0x49: {  	_ =	shalt  }
0x4a: {  	_ =	shalt  }
0x4b: {  	_ =	shalt  }
0x4c: {  	_ =	shalt  }
0x4d: {  	_ =	shalt  }
0x4e: {  	_ =	shalt  }
0x4f: {  	_ =	shalt  }
0x50: {  	_ =	shalt  }
0x51: {  	_ =	shalt  }
0x52: {  	_ =	shalt  }
0x53: {  	_ =	shalt  }
0x54: {  	_ =	shalt  }
0x55: {  	_ =	shalt  }
0x56: {  	_ =	shalt  }
0x57: {  	_ =	shalt  }
0x58: {  	_ =	shalt  }
0x59: {  	_ =	shalt  }
0x5a: {  	_ =	shalt  }
0x5b: {  	_ =	shalt  }
0x5c: {  	_ =	shalt  }
0x5d: {  	_ =	shalt  }
0x5e: {  	_ =	shalt  }
0x5f: {  	_ =	shalt  }
0x60: {  	_ =	shalt  }
0x61: {  	_ =	shalt  }
0x62: {  	_ =	shalt  }
0x63: {  	_ =	shalt  }
0x64: {  	_ =	shalt  }
0x65: {  	_ =	shalt  }
0x66: {  	_ =	shalt  }
0x67: {  	_ =	shalt  }
0x68: {  	_ =	shalt  }
0x69: {  	_ =	shalt  }
0x6a: {  	_ =	shalt  }
0x6b: {  	_ =	shalt  }
0x6c: {  	_ =	shalt  }
0x6d: {  	_ =	shalt  }
0x6e: {  	_ =	shalt  }
0x6f: {  	_ =	shalt  }
0x70: {  	_ =	shalt  }
0x71: {  	_ =	shalt  }
0x72: {  	_ =	shalt  }
0x73: {  	_ =	shalt  }
0x74: {  	_ =	shalt  }
0x75: {  	_ =	shalt  }
0x76: {  	_ =	shalt  }
0x77: {  	_ =	shalt  }
0x78: {  	_ =	shalt  }
0x79: {  	_ =	shalt  }
0x7a: {  	_ =	shalt  }
0x7b: {  	_ =	shalt  }
0x7c: {  	_ =	shalt  }
0x7d: {  	_ =	shalt  }
0x7e: {  	_ =	shalt  }
0x7f: {  	_ =	shalt  }
0x80: {  	_ =	shalt  }
0x81: {  	_ =	shalt  }
0x82: {  	_ =	shalt  }
0x83: {  	_ =	shalt  }
0x84: {  	_ =	shalt  }
0x85: {  	_ =	shalt  }
0x86: {  	_ =	shalt  }
0x87: {  	_ =	shalt  }
.Lfunc_end0:
.L_simem_size_0:
called_computation_lowered:
.L_overlay_start_0:
0x88: {  	s2 =	sld [smem:$0x3FD9]  }
0x89: {  	s3 =	sld [smem:$0x3FFE];
	_ =	sdelay $0x1  }
0x8a: {  	s1 =	srdreg.scid  }
0x8b: {  	s0 =	sand.u32 $0x1, s1  }
0x8c: {  	s17 =	sshll.u32 s0, $0xA;
	s2 =	sadd.s32 s3, s2  }
0x8d: {  	s2 =	sadd.s32 s2, s17  }
0x8e: {  	[smem:$0x3FC4] =	sst s2  }
0x8f: {  	_ = 	snop  }
0x90: {  	s2 =	sld [smem:$0x3FD0];
	(tm) =	ssettm $0x1  }
0x91: {  	s18 =	sld [smem:$0x3FFB];
	_ =	sdelay $0x3  }
0x92: {  	_ =	strace s18  }
0x93: {  	s3 =	sld [smem:$0x3FFC];
	_ =	sdelay $0x3  }
0x94: {  	_ =	strace s3  }
0x95: {  	s3 =	sld [smem:$0x3FFD];
	_ =	sdelay $0x3  }
0x96: {  	_ =	strace s3  }
0x97: {  	_ =	strace $0x8FFFFFFF  }
0x98: {  	s19 =	sld [smem:$0x3FDB];
	_ =	sdelay $0x1  }
0x99: {  	s4 =	simm.s32 $_scs_section_size  }
0x9a: {  	s5 =	simm.s32 $_size__tile_overlayer_lowered;
	s6 =	simm.s32 $_tile_overlayer_lowered  }
0x9b: {  	s22 =	simm.s32 $0x1BFF;
	s21 =	sshll.u32 s6, $0x1;
	s3 =	sadd.s32 s4, s19  }
0x9c: {  	s7 =	simm.s32 $0x0;
	s20 =	sshll.u32 s5, $0x1;
	s5 =	sadd.s32 s21, s3  }
0x9d: {  	[timem:s7], [sflag:s22] =	dma.local [hbm:s5], s20  }
0x9e: {  	_ =	swait.ge [sflag:s22], s20  }
0x9f: {  	s4 =	ssub.s32 $0x0, s20;
	[sflag:s22] =	ssyncset.done $0x0  }
0xa0: {  	[sflag:s22] =	ssyncadd.s32 s4;
	_ =	sdelay $0x1  }
0xa1: {  	s23 =	simm.s32 $0x1B8B  }
0xa2: {  	_ =	swait.ge [sflag:s23], $0x1  }
0xa3: {  	[sflag:s23] =	ssyncset.done $0x0  }
0xa4: {  	s25 =	simm.s32 $0x1B8E;
	s24 =	sld [smem:$0x3FFE];
	[sflag:s23] =	ssyncadd.s32 $0xFFFFFFFF  }
0xa5: {  	s26 =	simm.s32 $execute0_lowered;
	[smem:$0x3FD2] =	sst s25  }
0xa6: {  	s5 =	sshll.u32 s26, $0x1;
	_ =	strace $0x80000046;
	[dreg:$0x1] =	wrdreg $0xFFFFFFFF  }
0xa7: {  	s28 =	simm.s32 $_size_execute0_lowered;
	s3 =	sadd.s32 s3, s5;
	[dreg:$0x0] =	wrdreg $0x0  }
0xa8: {  	s5 =	sshll.u32 s28, $0x1;
	[dreg:$0x2] =	wrdreg s3  }
0xa9: {  	[dreg:$0x3] =	wrdreg s5  }
0xaa: {  	[dreg:$0x4] =	wrdreg $0xC0  }
0xab: {  	_ =	task [dreg:s7], $0x5FFFF  }
0xac: {  	[dreg:$0x1] =	wrdreg $0xFFFFFFFF  }
0xad: {  	[dreg:$0x0] =	wrdreg $0x60  }
0xae: {  	[dreg:$0x2] =	wrdreg s24  }
0xaf: {  	[dreg:$0x3] =	wrdreg s2  }
0xb0: {  	[dreg:$0x4] =	wrdreg $0xA8000  }
0xb1: {  	[dreg:$0x5] =	wrdreg $0x9  }
0xb2: {  	_ =	task.clear_ibuf [dreg:s7], $0x6FFFF;
	_ =	strace $0x90000046  }
0xb3: {  	s29 =	simm.s32 $0x9;
	_ =	strace $0x80000048  }
0xb4: {  	_ =	swait.ge [sflag:s29], $0x1  }
0xb5: {  	[sflag:s29] =	ssyncadd.s32 $0xFFFFFFFF  }
0xb6: {  	_ =	strace $0x90000048  }
0xb7: {  	_ =	sfence  }
0xb8: {  	s30 =	sld [smem:$0x0];
	_ =	sdelay $0x2  }
0xb9: {  	s31 =	sshll.u32 s1, $0xD;
	s1 =	sshrl.u32 s1, $0x2  }
0xba: {  	s3 =	sand.u32 $0x4000, s31;
	s1 =	sadd.s32 s1, s30  }
0xbb: {  	s0 =	sor.u32 s3, s0;
	s1 =	sshll.u32 s1, $0x11  }
0xbc: {  	s0 =	sor.u32 s1, s0  }
0xbd: {  	s0 =	sadd.s32 $0x8F2B, s0  }
0xbe: {  	[sflag:s0] =	ssyncadd.remote.s32 $0x1  }
0xbf: {  	_ =	sfence.sel $0xFFFF  }
0xc0: {  	[dreg:$0x0] =	wrdreg $0xFFFFFFFF;
	(pc) =	sbr.abs _section_cstart, $3  }
0xc1: {  	[dreg:$0x1] =	wrdreg $0xFFFFFFFF  }
0xc2: {  	_ =	task.clear_ibuf [dreg:s7], $0x2FFFF;
	_ =	strace $0x9FFFFFFF  }
0xc3: {  	(tm) =	ssettm $0x7FFFFFFF  }
tec
execute0_lowered:
.L_overlay_start_1:
0x0: {  	(tag) =	ssettag $0x1  }
0x1: {  	s0 =	srdreg.scid  }
0x2: {  	s1 =	rddreg [dreg:$0x0];
	s5 =	stileid.u32  }
0x3: {  	s2 =	rddreg [dreg:$0x1];
	s0 =	sand.u32 $0x1, s0;
	s8 =	smul.u32 $0x4E400, s5  }
0x4: {  	s3 =	rddreg [dreg:$0x2];
	s4 =	sshll.u32 s0, $0x4  }
0x5: {  	s6 =	sor.u32 s5, s4;
	s4 =	simm.s32 $0x0;
	s8 =	sshrl.u32 s8, $0x2  }
0x6: {  	[smem:$0x7FF] =	sst s4;
	s10 =	sadd.s32 s8, s3  }
0x7: {  	_ =	strace $0x80000047;
	s22 =	sadd.s32 $0x2000, s10;
	[dreg:$0x5] =	wrdreg s10  }
0x8: {  	s23 =	sadd.s32 $0x4000, s10;
	[dreg:$0x6] =	wrdreg s22  }
0x9: {  	s24 =	sadd.s32 $0x6000, s10;
	[dreg:$0x7] =	wrdreg s23  }
0xa: {  	s0 =	ssub.s32 $0x2, s0;
	s25 =	sadd.s32 $0x8000, s10;
	[dreg:$0x8] =	wrdreg s24  }
0xb: {  	s5 =	sadd.s32 $0xA00, s1;
	s26 =	sadd.s32 $0xA000, s10;
	[dreg:$0x9] =	wrdreg s25  }
0xc: {  	s21 =	sshrl.u32 s0, $0x1;
	s8 =	sadd.s32 $0xC000, s10;
	[dreg:$0xa] =	wrdreg s26  }
0xd: {  	s7 =	smul.u32 $0x2780, s6;
	s9 =	sadd.s32 $0xE000, s10;
	[dreg:$0xb] =	wrdreg s8  }
0xe: {  	s0 =	ssub.s32 s0, s21;
	s12 =	sadd.s32 $0x10000, s10;
	[dreg:$0xc] =	wrdreg s9  }
0xf: {  	s13 =	sadd.s32 $0x12000, s10;
	s0 =	smax.u32 s0, $0x1;
	[dreg:$0xe] =	wrdreg s12  }
0x10: {  	s1 =	sadd.s32 s7, s1;
	s7 =	smul.u32 $0x5000, s6;
	[dreg:$0xf] =	wrdreg s13  }
0x11: {  	[dreg:$0x17] =	wrdreg s0;
	s1 =	sadd.s32 $0x14A00, s1  }
0x12: {  	s28 =	sshrl.u32 s7, $0x3;
	s17 =	sor.u32 $0x400, s7;
	[dreg:$0x16] =	wrdreg s1  }
0x13: {  	s11 =	sadd.s32 s5, s28;
	[dreg:$0x4] =	wrdreg s17  }
0x14: {  	s14 =	sadd.s32 $0x10, s11;
	[dreg:$0xd] =	wrdreg s11  }
0x15: {  	s15 =	sadd.s32 $0x20, s11;
	[dreg:$0x10] =	wrdreg s14  }
0x16: {  	s16 =	sadd.s32 $0x30, s11;
	[dreg:$0x11] =	wrdreg s15  }
0x17: {  	s9 =	sadd.s32 $0x40, s11;
	[dreg:$0x12] =	wrdreg s16  }
0x18: {  	s18 =	sadd.s32 $0x50, s11;
	[dreg:$0x13] =	wrdreg s9  }
0x19: {  	s19 =	sadd.s32 $0x60, s11;
	[dreg:$0x14] =	wrdreg s18  }
0x1a: {  	s31 =	simm.s32 $0x2;
	s20 =	sadd.s32 $0x70, s11;
	[dreg:$0x15] =	wrdreg s19  }
0x1b: {  	s30 =	simm.s32 $0x8800;
	s21 =	sadd.s32 $0x80, s11;
	[dreg:$0x18] =	wrdreg s20  }
0x1c: {  	s29 =	simm.s32 $0xF;
	s22 =	sadd.s32 $0x90, s11;
	[dreg:$0x19] =	wrdreg s21  }
0x1d: {  	s13 =	simm.s32 $0x10;
	s23 =	sadd.s32 $0xA0, s11;
	[dreg:$0x1a] =	wrdreg s22  }
0x1e: {  	s0 =	simm.s32 $0xA;
	s24 =	sadd.s32 $0xB0, s11;
	[dreg:$0x1b] =	wrdreg s23  }
0x1f: {  	s6 =	simm.s32 $0x3;
	s25 =	sadd.s32 $0xC0, s11;
	[dreg:$0x1c] =	wrdreg s24  }
0x20: {  	s12 =	simm.s32 $0x4;
	s26 =	sadd.s32 $0x9E0, s11;
	[dreg:$0x1d] =	wrdreg s25  }
0x21: {  	s8 =	simm.s32 $0x0;
	s28 =	sadd.s32 $0x9F0, s11;
	[dreg:$0x1e] =	wrdreg s26  }
0x22: {  	s17 =	simm.s32 $0x40;
	s11 =	simm.s32 $0xB;
	[dreg:$0x1f] =	wrdreg s28  }
0x23: {  	s9 =	simm.s32 $0x6;
	s19 =	simm.s32 $0x7;
	s20 =	simm.s32 $0x2800  }
0x24: {  	s22 =	simm.s32 $0x8;
	s21 =	simm.s32 $0x4800;
	s16 =	simm.s32 $0x1  }
0x25: {  	s25 =	simm.s32 $0x9;
	s15 =	simm.s32 $0x6800;
	s14 =	simm.s32 $0xC  }
0x26: {  	v0 =	vimm.f32 $0.0e+00;
	s18 =	simm.s32 $0x5;
	s23 =	simm.s32 $0xD;
	s26 =	simm.s32 $0xE  }
.LBB2_1:
0x27: {  	[smem:$0x7FD] =	sst s8;
	s1 =	simm.s32 $0x0;
	s8 =	simm.s32 $0x200  }
.LBB2_2:
0x28: {  	p0 =	sne.s32 s8, $0x7E00;
	[tilespmem:s1+$0x870] =	vst v0  }
0x29: {  	[tilespmem:s1+$0x800] =	vst v0  }
0x2a: {  	[tilespmem:s1+$0x810] =	vst v0  }
.Ltmp0:
0x2b: {  	[tilespmem:s1+$0x820] =	vst v0;
	(pc) =	sbr.rel @p0 .LBB2_2-.Ltmp0, $4  }
0x2c: {  	[tilespmem:s1+$0x830] =	vst v0  }
0x2d: {  	[tilespmem:s1+$0x840] =	vst v0  }
0x2e: {  	[tilespmem:s1+$0x850] =	vst v0  }
0x2f: {  	[tilespmem:s1+$0x860] =	vst v0;
	s1 =	sshra.s32 s8, $0x2;
	s8 =	sadd.s32 $0x200, s8  }
0x30: {  	[tilespmem:s1+$0x870] =	vst v0  }
0x31: {  	[tilespmem:s1+$0x800] =	vst v0  }
0x32: {  	[tilespmem:s1+$0x810] =	vst v0  }
0x33: {  	[tilespmem:s1+$0x820] =	vst v0  }
0x34: {  	[tilespmem:s1+$0x830] =	vst v0  }
0x35: {  	[tilespmem:s1+$0x840] =	vst v0  }
0x36: {  	[tilespmem:s1+$0x850] =	vst v0  }
0x37: {  	[tilespmem:s1+$0x860] =	vst v0;
	s24 =	simm.s32 $0x800  }
0x38: {  	[spmem:s10] =	stream.linear.scatter [tilespmem:s24], [sflag:$0x10], $0x2000, $0x38;
	[tilespmem:$0x1E100] =	vst v63  }
0x39: {  	_ =	swait.ge [sflag:s13], $0x2000  }
0x3a: {  	[sflag:s13] =	ssyncset.done $0x0  }
0x3b: {  	s8 =	rddreg [dreg:$0x6];
	[sflag:s13] =	ssyncadd.s32 $0xFFFFE000  }
0x3c: {  	[spmem:s8] =	stream.linear.scatter [tilespmem:s24], [sflag:$0x10], $0x2000, $0x38;
	[tilespmem:$0x1E100] =	vst v63  }
0x3d: {  	_ =	swait.ge [sflag:s13], $0x2000  }
0x3e: {  	[sflag:s13] =	ssyncset.done $0x0  }
0x3f: {  	s10 =	rddreg [dreg:$0x7];
	[sflag:s13] =	ssyncadd.s32 $0xFFFFE000  }
0x40: {  	[spmem:s10] =	stream.linear.scatter [tilespmem:s24], [sflag:$0x10], $0x2000, $0x38;
	[tilespmem:$0x1E100] =	vst v63  }
0x41: {  	_ =	swait.ge [sflag:s13], $0x2000  }
0x42: {  	[sflag:s13] =	ssyncset.done $0x0  }
0x43: {  	s8 =	rddreg [dreg:$0x8];
	[sflag:s13] =	ssyncadd.s32 $0xFFFFE000  }
0x44: {  	[spmem:s8] =	stream.linear.scatter [tilespmem:s24], [sflag:$0x10], $0x2000, $0x38;
	[tilespmem:$0x1E100] =	vst v63  }
0x45: {  	_ =	swait.ge [sflag:s13], $0x2000  }
0x46: {  	[sflag:s13] =	ssyncset.done $0x0  }
0x47: {  	s10 =	rddreg [dreg:$0x9];
	[sflag:s13] =	ssyncadd.s32 $0xFFFFE000  }
0x48: {  	[spmem:s10] =	stream.linear.scatter [tilespmem:s24], [sflag:$0x10], $0x2000, $0x38;
	[tilespmem:$0x1E100] =	vst v63  }
0x49: {  	_ =	swait.ge [sflag:s13], $0x2000  }
0x4a: {  	[sflag:s13] =	ssyncset.done $0x0  }
0x4b: {  	s8 =	rddreg [dreg:$0xa];
	[sflag:s13] =	ssyncadd.s32 $0xFFFFE000  }
0x4c: {  	[spmem:s8] =	stream.linear.scatter [tilespmem:s24], [sflag:$0x10], $0x2000, $0x38;
	[tilespmem:$0x1E100] =	vst v63  }
0x4d: {  	_ =	swait.ge [sflag:s13], $0x2000  }
0x4e: {  	[sflag:s13] =	ssyncset.done $0x0  }
0x4f: {  	s10 =	rddreg [dreg:$0xb];
	[sflag:s13] =	ssyncadd.s32 $0xFFFFE000  }
0x50: {  	[spmem:s10] =	stream.linear.scatter [tilespmem:s24], [sflag:$0x10], $0x2000, $0x38;
	[tilespmem:$0x1E100] =	vst v63  }
0x51: {  	_ =	swait.ge [sflag:s13], $0x2000  }
0x52: {  	[sflag:s13] =	ssyncset.done $0x0  }
0x53: {  	s8 =	rddreg [dreg:$0xc];
	[sflag:s13] =	ssyncadd.s32 $0xFFFFE000  }
0x54: {  	[spmem:s8] =	stream.linear.scatter [tilespmem:s24], [sflag:$0x10], $0x2000, $0x38;
	[tilespmem:$0x1E100] =	vst v63  }
0x55: {  	_ =	swait.ge [sflag:s13], $0x2000  }
0x56: {  	[sflag:s13] =	ssyncset.done $0x0  }
0x57: {  	s10 =	rddreg [dreg:$0xe];
	[sflag:s13] =	ssyncadd.s32 $0xFFFFE000  }
0x58: {  	[spmem:s10] =	stream.linear.scatter [tilespmem:s24], [sflag:$0x10], $0x2000, $0x38;
	[tilespmem:$0x1E100] =	vst v63  }
0x59: {  	_ =	swait.ge [sflag:s13], $0x2000  }
0x5a: {  	[sflag:s13] =	ssyncset.done $0x0  }
0x5b: {  	s8 =	rddreg [dreg:$0xf];
	[sflag:s13] =	ssyncadd.s32 $0xFFFFE000  }
0x5c: {  	[spmem:s8] =	stream.linear.scatter [tilespmem:s24], [sflag:$0x10], $0x1900, $0x38;
	[tilespmem:$0x1E100] =	vst v63  }
0x5d: {  	_ =	swait.ge [sflag:s13], $0x1900  }
0x5e: {  	[sflag:s13] =	ssyncset.done $0x0  }
0x5f: {  	[sflag:s13] =	ssyncadd.s32 $0xFFFFE700  }
0x60: {  	[bflag:$0x0] =	sbarrier.arrive $0xFFFF  }
0x61: {  	s10 =	rddreg [dreg:$0xd]  }
0x62: {  	[tilespmem:s4], [sflag:$0x6] =	stream.linear.gather [hbm4b:s10+s4], $0x80, $0x38;
	[tilespmem:$0x1E100] =	vst v63  }
0x63: {  	s8 =	simm.s32 $0x80;
	s13 =	rddreg [dreg:$0x10]  }
0x64: {  	[tilespmem:s8], [sflag:$0x7] =	stream.linear.gather [hbm4b:s13+s4], $0x80, $0x38;
	[tilespmem:$0x1E100] =	vst v63  }
0x65: {  	s8 =	rddreg [dreg:$0x11];
	s13 =	simm.s32 $0x100  }
0x66: {  	[tilespmem:s13], [sflag:$0x8] =	stream.linear.gather [hbm4b:s8+s4], $0x80, $0x38;
	[tilespmem:$0x1E100] =	vst v63  }
0x67: {  	s13 =	rddreg [dreg:$0x12];
	s8 =	simm.s32 $0x180  }
0x68: {  	[tilespmem:s8], [sflag:$0x9] =	stream.linear.gather [hbm4b:s13+s4], $0x80, $0x38;
	[tilespmem:$0x1E100] =	vst v63  }
0x69: {  	s1 =	rddreg [dreg:$0x13];
	s13 =	simm.s32 $0x200  }
0x6a: {  	[tilespmem:s13], [sflag:$0xA] =	stream.linear.gather [hbm4b:s1+s4], $0x80, $0x38;
	[tilespmem:$0x1E100] =	vst v63  }
0x6b: {  	_ =	swait.ge [sflag:s9], $0x80  }
0x6c: {  	[sflag:s9] =	ssyncset.done $0x0  }
0x6d: {  	[sflag:s9] =	ssyncadd.s32 $0xFFFFFF80  }
0x6e: {  	v1 =	vld [tilespmem:$0x0];
	_ =	sdelay $0x1  }
0x6f: {  	v2 =	vld [tilespmem:$0x10];
	_ =	sdelay $0x1  }
0x70: {  	v3 =	vld [tilespmem:$0x20]  }
0x71: {  	v4 =	vand.u32 $0xFFFF, v1  }
0x72: {  	v49 =	vld [tilespmem:$0x30];
	v1 =	vshrl.u32 v1, $0x10;
	[tilespmem:$0x400] =	vst v4  }
0x73: {  	[tilespmem:$0x580] =	vst v1;
	v1 =	vand.u32 $0xFFFF, v2  }
0x74: {  	[tilespmem:$0x410] =	vst v1;
	v1 =	vshrl.u32 v2, $0x10  }
0x75: {  	[tilespmem:$0x590] =	vst v1;
	v1 =	vand.u32 $0xFFFF, v3  }
0x76: {  	[tilespmem:$0x420] =	vst v1;
	v1 =	vshrl.u32 v3, $0x10  }
0x77: {  	[tilespmem:$0x5A0] =	vst v1;
	v1 =	vand.u32 $0xFFFF, v49  }
0x78: {  	[tilespmem:$0x430] =	vst v1;
	v1 =	vshrl.u32 v49, $0x10  }
0x79: {  	s9 =	simm.s32 $0x400;
	[tilespmem:$0x5B0] =	vst v1  }
0x7a: {  	[tilespmem:s24], [sflag:$0x1] =	stream.indirect.gather [hbm4b:s2+s17], $0x80, s9, s17, $0xb8;
	[tilespmem:$0x1E100] =	vst v63  }
0x7b: {  	s9 =	rddreg [dreg:$0x14]  }
0x7c: {  	[tilespmem:s4], [sflag:$0x6] =	stream.linear.gather [hbm4b:s9+s4], $0x80, $0x38;
	[tilespmem:$0x1E100] =	vst v63  }
0x7d: {  	_ =	swait.ge [sflag:s19], $0x80  }
0x7e: {  	[sflag:s19] =	ssyncset.done $0x0  }
0x7f: {  	[sflag:s19] =	ssyncadd.s32 $0xFFFFFF80  }
0x80: {  	v1 =	vld [tilespmem:$0x80];
	_ =	sdelay $0x1  }
0x81: {  	v2 =	vld [tilespmem:$0x90];
	_ =	sdelay $0x1  }
0x82: {  	v3 =	vld [tilespmem:$0xA0]  }
0x83: {  	v50 =	vand.u32 $0xFFFF, v1  }
0x84: {  	v51 =	vld [tilespmem:$0xB0];
	v1 =	vshrl.u32 v1, $0x10;
	[tilespmem:$0x440] =	vst v50  }
0x85: {  	[tilespmem:$0x600] =	vst v1;
	v1 =	vand.u32 $0xFFFF, v2  }
0x86: {  	[tilespmem:$0x450] =	vst v1;
	v1 =	vshrl.u32 v2, $0x10  }
0x87: {  	[tilespmem:$0x610] =	vst v1;
	v1 =	vand.u32 $0xFFFF, v3  }
0x88: {  	[tilespmem:$0x460] =	vst v1;
	v1 =	vshrl.u32 v3, $0x10  }
0x89: {  	[tilespmem:$0x620] =	vst v1;
	v1 =	vand.u32 $0xFFFF, v51  }
0x8a: {  	[tilespmem:$0x470] =	vst v1;
	v1 =	vshrl.u32 v51, $0x10  }
0x8b: {  	s9 =	simm.s32 $0x440;
	[tilespmem:$0x630] =	vst v1  }
0x8c: {  	[tilespmem:s20], [sflag:$0x2] =	stream.indirect.gather [hbm4b:s2+s17], $0x80, s9, s17, $0xb8;
	[tilespmem:$0x1E100] =	vst v63  }
0x8d: {  	s10 =	simm.s32 $0x80;
	s9 =	rddreg [dreg:$0x15]  }
0x8e: {  	[tilespmem:s10], [sflag:$0x7] =	stream.linear.gather [hbm4b:s9+s4], $0x80, $0x38;
	[tilespmem:$0x1E100] =	vst v63  }
0x8f: {  	_ =	swait.ge [sflag:s22], $0x80  }
0x90: {  	[sflag:s22] =	ssyncset.done $0x0  }
0x91: {  	[sflag:s22] =	ssyncadd.s32 $0xFFFFFF80  }
0x92: {  	v1 =	vld [tilespmem:$0x100];
	_ =	sdelay $0x1  }
0x93: {  	v2 =	vld [tilespmem:$0x110];
	_ =	sdelay $0x1  }
0x94: {  	v3 =	vld [tilespmem:$0x120]  }
0x95: {  	v52 =	vand.u32 $0xFFFF, v1  }
0x96: {  	v53 =	vld [tilespmem:$0x130];
	v1 =	vshrl.u32 v1, $0x10;
	[tilespmem:$0x480] =	vst v52  }
0x97: {  	[tilespmem:$0x680] =	vst v1;
	v1 =	vand.u32 $0xFFFF, v2  }
0x98: {  	[tilespmem:$0x490] =	vst v1;
	v1 =	vshrl.u32 v2, $0x10  }
0x99: {  	[tilespmem:$0x690] =	vst v1;
	v1 =	vand.u32 $0xFFFF, v3  }
0x9a: {  	[tilespmem:$0x4A0] =	vst v1;
	v1 =	vshrl.u32 v3, $0x10  }
0x9b: {  	[tilespmem:$0x6A0] =	vst v1;
	v1 =	vand.u32 $0xFFFF, v53  }
0x9c: {  	[tilespmem:$0x4B0] =	vst v1;
	v1 =	vshrl.u32 v53, $0x10  }
0x9d: {  	s9 =	simm.s32 $0x480;
	[tilespmem:$0x6B0] =	vst v1  }
0x9e: {  	[tilespmem:s21], [sflag:$0x3] =	stream.indirect.gather [hbm4b:s2+s17], $0x80, s9, s17, $0xb8;
	[tilespmem:$0x1E100] =	vst v63  }
0x9f: {  	s28 =	simm.s32 $0x100;
	s10 =	rddreg [dreg:$0x18]  }
0xa0: {  	[tilespmem:s28], [sflag:$0x8] =	stream.linear.gather [hbm4b:s10+s4], $0x80, $0x38;
	[tilespmem:$0x1E100] =	vst v63  }
0xa1: {  	_ =	swait.ge [sflag:s16], $0x2000  }
0xa2: {  	[sflag:s16] =	ssyncset.done $0x0  }
0xa3: {  	[sflag:s16] =	ssyncadd.s32 $0xFFFFE000;
	s16 =	simm.s32 $0x580  }
0xa4: {  	[spmem:s3] =	stream.indirect.scatter.add.f32 [tilespmem:s24], [sflag:$0xB], $0x80, s16, s17, $0xb8;
	[tilespmem:$0x1E100] =	vst v63  }
0xa5: {  	_ =	swait.ge [sflag:s25], $0x80  }
0xa6: {  	[sflag:s25] =	ssyncset.done $0x0  }
0xa7: {  	[sflag:s25] =	ssyncadd.s32 $0xFFFFFF80  }
0xa8: {  	v1 =	vld [tilespmem:$0x180];
	_ =	sdelay $0x1  }
0xa9: {  	v2 =	vld [tilespmem:$0x190];
	_ =	sdelay $0x1  }
0xaa: {  	v3 =	vld [tilespmem:$0x1A0]  }
0xab: {  	v54 =	vand.u32 $0xFFFF, v1  }
0xac: {  	v55 =	vld [tilespmem:$0x1B0];
	v1 =	vshrl.u32 v1, $0x10;
	[tilespmem:$0x4C0] =	vst v54  }
0xad: {  	[tilespmem:$0x700] =	vst v1;
	v1 =	vand.u32 $0xFFFF, v2  }
0xae: {  	[tilespmem:$0x4D0] =	vst v1;
	v1 =	vshrl.u32 v2, $0x10  }
0xaf: {  	[tilespmem:$0x710] =	vst v1;
	v1 =	vand.u32 $0xFFFF, v3  }
0xb0: {  	[tilespmem:$0x4E0] =	vst v1;
	v1 =	vshrl.u32 v3, $0x10  }
0xb1: {  	[tilespmem:$0x720] =	vst v1;
	v1 =	vand.u32 $0xFFFF, v55  }
0xb2: {  	[tilespmem:$0x4F0] =	vst v1;
	v1 =	vshrl.u32 v55, $0x10  }
0xb3: {  	s24 =	simm.s32 $0x4C0;
	[tilespmem:$0x730] =	vst v1  }
0xb4: {  	[tilespmem:s15], [sflag:$0x4] =	stream.indirect.gather [hbm4b:s2+s17], $0x80, s24, s17, $0xb8;
	[tilespmem:$0x1E100] =	vst v63  }
0xb5: {  	s25 =	rddreg [dreg:$0x19]  }
0xb6: {  	[tilespmem:s8], [sflag:$0x9] =	stream.linear.gather [hbm4b:s25+s4], $0x80, $0x38;
	[tilespmem:$0x1E100] =	vst v63  }
0xb7: {  	_ =	swait.ge [sflag:s31], $0x2000  }
0xb8: {  	[sflag:s31] =	ssyncset.done $0x0  }
0xb9: {  	s9 =	simm.s32 $0x600;
	[sflag:s31] =	ssyncadd.s32 $0xFFFFE000  }
0xba: {  	[spmem:s3] =	stream.indirect.scatter.add.f32 [tilespmem:s20], [sflag:$0xC], $0x80, s9, s17, $0xb8;
	[tilespmem:$0x1E100] =	vst v63  }
0xbb: {  	_ =	swait.ge [sflag:s0], $0x80  }
0xbc: {  	[sflag:s0] =	ssyncset.done $0x0  }
0xbd: {  	[sflag:s0] =	ssyncadd.s32 $0xFFFFFF80  }
0xbe: {  	v1 =	vld [tilespmem:$0x200];
	_ =	sdelay $0x1  }
0xbf: {  	v2 =	vld [tilespmem:$0x210];
	_ =	sdelay $0x1  }
0xc0: {  	v3 =	vld [tilespmem:$0x220]  }
0xc1: {  	v56 =	vand.u32 $0xFFFF, v1  }
0xc2: {  	v57 =	vld [tilespmem:$0x230];
	v1 =	vshrl.u32 v1, $0x10;
	[tilespmem:$0x500] =	vst v56  }
0xc3: {  	[tilespmem:$0x780] =	vst v1;
	v1 =	vand.u32 $0xFFFF, v2  }
0xc4: {  	[tilespmem:$0x510] =	vst v1;
	v1 =	vshrl.u32 v2, $0x10  }
0xc5: {  	[tilespmem:$0x790] =	vst v1;
	v1 =	vand.u32 $0xFFFF, v3  }
0xc6: {  	[tilespmem:$0x520] =	vst v1;
	v1 =	vshrl.u32 v3, $0x10  }
0xc7: {  	[tilespmem:$0x7A0] =	vst v1;
	v1 =	vand.u32 $0xFFFF, v57  }
0xc8: {  	[tilespmem:$0x530] =	vst v1;
	v1 =	vshrl.u32 v57, $0x10  }
0xc9: {  	s10 =	simm.s32 $0x500;
	[tilespmem:$0x7B0] =	vst v1  }
0xca: {  	[tilespmem:s30], [sflag:$0x5] =	stream.indirect.gather [hbm4b:s2+s17], $0x80, s10, s17, $0xb8;
	[tilespmem:$0x1E100] =	vst v63  }
0xcb: {  	s15 =	rddreg [dreg:$0x1a]  }
0xcc: {  	[tilespmem:s13], [sflag:$0xA] =	stream.linear.gather [hbm4b:s15+s4], $0x80, $0x38;
	[tilespmem:$0x1E100] =	vst v63  }
0xcd: {  	_ =	swait.ge [sflag:s6], $0x2000  }
0xce: {  	[sflag:s6] =	ssyncset.done $0x0  }
0xcf: {  	s20 =	simm.s32 $0x680;
	s10 =	simm.s32 $0x4800;
	[sflag:s6] =	ssyncadd.s32 $0xFFFFE000  }
0xd0: {  	[spmem:s3] =	stream.indirect.scatter.add.f32 [tilespmem:s10], [sflag:$0xD], $0x80, s20, s17, $0xb8;
	[tilespmem:$0x1E100] =	vst v63  }
0xd1: {  	_ =	swait.ge [sflag:s11], $0x2000  }
0xd2: {  	[sflag:s11] =	ssyncset.done $0x0  }
0xd3: {  	s9 =	simm.s32 $0x6;
	[sflag:s11] =	ssyncadd.s32 $0xFFFFE000  }
0xd4: {  	_ =	swait.ge [sflag:s9], $0x80  }
0xd5: {  	[sflag:s9] =	ssyncset.done $0x0  }
0xd6: {  	[sflag:s9] =	ssyncadd.s32 $0xFFFFFF80  }
0xd7: {  	v1 =	vld [tilespmem:$0x0];
	_ =	sdelay $0x1  }
0xd8: {  	v2 =	vld [tilespmem:$0x10];
	_ =	sdelay $0x1  }
0xd9: {  	v3 =	vld [tilespmem:$0x20]  }
0xda: {  	v58 =	vand.u32 $0xFFFF, v1  }
0xdb: {  	v59 =	vld [tilespmem:$0x30];
	v1 =	vshrl.u32 v1, $0x10;
	[tilespmem:$0x400] =	vst v58  }
0xdc: {  	[tilespmem:$0x580] =	vst v1;
	v1 =	vand.u32 $0xFFFF, v2  }
0xdd: {  	[tilespmem:$0x410] =	vst v1;
	v1 =	vshrl.u32 v2, $0x10  }
0xde: {  	[tilespmem:$0x590] =	vst v1;
	v1 =	vand.u32 $0xFFFF, v3  }
0xdf: {  	[tilespmem:$0x420] =	vst v1;
	v1 =	vshrl.u32 v3, $0x10  }
0xe0: {  	[tilespmem:$0x5A0] =	vst v1;
	v1 =	vand.u32 $0xFFFF, v59  }
0xe1: {  	[tilespmem:$0x430] =	vst v1;
	v1 =	vshrl.u32 v59, $0x10  }
0xe2: {  	s8 =	simm.s32 $0x800;
	s25 =	simm.s32 $0x400;
	[tilespmem:$0x5B0] =	vst v1  }
0xe3: {  	[tilespmem:s8], [sflag:$0x1] =	stream.indirect.gather [hbm4b:s2+s17], $0x80, s25, s17, $0xb8;
	[tilespmem:$0x1E100] =	vst v63  }
0xe4: {  	s13 =	rddreg [dreg:$0x1b]  }
0xe5: {  	[tilespmem:s4], [sflag:$0x6] =	stream.linear.gather [hbm4b:s13+s4], $0x80, $0x38;
	[tilespmem:$0x1E100] =	vst v63  }
0xe6: {  	_ =	swait.ge [sflag:s12], $0x2000  }
0xe7: {  	[sflag:s12] =	ssyncset.done $0x0  }
0xe8: {  	s16 =	simm.s32 $0x6800;
	s20 =	simm.s32 $0x700;
	[sflag:s12] =	ssyncadd.s32 $0xFFFFE000  }
0xe9: {  	[spmem:s3] =	stream.indirect.scatter.add.f32 [tilespmem:s16], [sflag:$0xE], $0x80, s20, s17, $0xb8;
	[tilespmem:$0x1E100] =	vst v63  }
0xea: {  	_ =	swait.ge [sflag:s14], $0x2000  }
0xeb: {  	[sflag:s14] =	ssyncset.done $0x0  }
0xec: {  	[sflag:s14] =	ssyncadd.s32 $0xFFFFE000  }
0xed: {  	_ =	swait.ge [sflag:s19], $0x80  }
0xee: {  	[sflag:s19] =	ssyncset.done $0x0  }
0xef: {  	[sflag:s19] =	ssyncadd.s32 $0xFFFFFF80  }
0xf0: {  	v1 =	vld [tilespmem:$0x80];
	_ =	sdelay $0x1  }
0xf1: {  	v2 =	vld [tilespmem:$0x90];
	_ =	sdelay $0x1  }
0xf2: {  	v3 =	vld [tilespmem:$0xA0]  }
0xf3: {  	v60 =	vand.u32 $0xFFFF, v1  }
0xf4: {  	v61 =	vld [tilespmem:$0xB0];
	v1 =	vshrl.u32 v1, $0x10;
	[tilespmem:$0x440] =	vst v60  }
0xf5: {  	[tilespmem:$0x600] =	vst v1;
	v1 =	vand.u32 $0xFFFF, v2  }
0xf6: {  	[tilespmem:$0x450] =	vst v1;
	v1 =	vshrl.u32 v2, $0x10  }
0xf7: {  	[tilespmem:$0x610] =	vst v1;
	v1 =	vand.u32 $0xFFFF, v3  }
0xf8: {  	[tilespmem:$0x460] =	vst v1;
	v1 =	vshrl.u32 v3, $0x10  }
0xf9: {  	[tilespmem:$0x620] =	vst v1;
	v1 =	vand.u32 $0xFFFF, v61  }
0xfa: {  	[tilespmem:$0x470] =	vst v1;
	v1 =	vshrl.u32 v61, $0x10  }
0xfb: {  	s24 =	simm.s32 $0x2800;
	s25 =	simm.s32 $0x440;
	[tilespmem:$0x630] =	vst v1  }
0xfc: {  	[tilespmem:s24], [sflag:$0x2] =	stream.indirect.gather [hbm4b:s2+s17], $0x80, s25, s17, $0xb8;
	[tilespmem:$0x1E100] =	vst v63  }
0xfd: {  	s16 =	simm.s32 $0x80;
	s13 =	rddreg [dreg:$0x1c]  }
0xfe: {  	[tilespmem:s16], [sflag:$0x7] =	stream.linear.gather [hbm4b:s13+s4], $0x80, $0x38;
	[tilespmem:$0x1E100] =	vst v63  }
0xff: {  	_ =	swait.ge [sflag:s18], $0x2000  }
0x100: {  	[sflag:s18] =	ssyncset.done $0x0  }
0x101: {  	s15 =	simm.s32 $0x8800;
	s19 =	simm.s32 $0x780;
	[sflag:s18] =	ssyncadd.s32 $0xFFFFE000  }
0x102: {  	[spmem:s3] =	stream.indirect.scatter.add.f32 [tilespmem:s15], [sflag:$0xF], $0x80, s19, s17, $0xb8;
	[tilespmem:$0x1E100] =	vst v63  }
0x103: {  	_ =	swait.ge [sflag:s23], $0x2000  }
0x104: {  	[sflag:s23] =	ssyncset.done $0x0  }
0x105: {  	[sflag:s23] =	ssyncadd.s32 $0xFFFFE000  }
0x106: {  	_ =	swait.ge [sflag:s22], $0x80  }
0x107: {  	[sflag:s22] =	ssyncset.done $0x0  }
0x108: {  	[sflag:s22] =	ssyncadd.s32 $0xFFFFFF80  }
0x109: {  	v1 =	vld [tilespmem:$0x100];
	_ =	sdelay $0x1  }
0x10a: {  	v2 =	vld [tilespmem:$0x110];
	_ =	sdelay $0x1  }
0x10b: {  	v3 =	vld [tilespmem:$0x120]  }
0x10c: {  	v62 =	vand.u32 $0xFFFF, v1  }
0x10d: {  	v63 =	vld [tilespmem:$0x130];
	v1 =	vshrl.u32 v1, $0x10;
	[tilespmem:$0x480] =	vst v62  }
0x10e: {  	[tilespmem:$0x680] =	vst v1;
	v1 =	vand.u32 $0xFFFF, v2  }
0x10f: {  	[tilespmem:$0x490] =	vst v1;
	v1 =	vshrl.u32 v2, $0x10  }
0x110: {  	[tilespmem:$0x690] =	vst v1;
	v1 =	vand.u32 $0xFFFF, v3  }
0x111: {  	[tilespmem:$0x4A0] =	vst v1;
	v1 =	vshrl.u32 v3, $0x10  }
0x112: {  	[tilespmem:$0x6A0] =	vst v1;
	v1 =	vand.u32 $0xFFFF, v63  }
0x113: {  	s1 =	simm.s32 $0x880;
	s21 =	simm.s32 $0x480;
	s28 =	simm.s32 $0x1;
	[tilespmem:$0x4B0] =	vst v1;
	v1 =	vshrl.u32 v63, $0x10  }
0x114: {  	s30 =	simm.s32 $0x9;
	s25 =	simm.s32 $0x8;
	s19 =	simm.s32 $0x100;
	[tilespmem:$0x6B0] =	vst v1  }
0x115: {  	[tilespmem:s10], [sflag:$0x3] =	stream.indirect.gather [hbm4b:s2+s17], $0x80, s21, s17, $0xb8;
	[tilespmem:$0x1E100] =	vst v63  }
0x116: {  	s20 =	rddreg [dreg:$0x1d];
	s22 =	simm.s32 $0x7;
	s21 =	simm.s32 $0x100  }
0x117: {  	[tilespmem:s21], [sflag:$0x8] =	stream.linear.gather [hbm4b:s20+s4], $0x80, $0x38;
	[tilespmem:$0x1E100] =	vst v63  }
.LBB2_4:
0x118: {  	_ =	swait.ge [sflag:s28], $0x2000  }
0x119: {  	[sflag:s28] =	ssyncset.done $0x0  }
0x11a: {  	s10 =	simm.s32 $0x580;
	[sflag:s28] =	ssyncadd.s32 $0xFFFFE000  }
0x11b: {  	[spmem:s3] =	stream.indirect.scatter.add.f32 [tilespmem:s8], [sflag:$0xB], $0x80, s10, s17, $0xb8;
	[tilespmem:$0x1E100] =	vst v63  }
0x11c: {  	_ =	swait.ge [sflag:s26], $0x2000  }
0x11d: {  	[sflag:s26] =	ssyncset.done $0x0  }
0x11e: {  	[sflag:s26] =	ssyncadd.s32 $0xFFFFE000  }
0x11f: {  	_ =	swait.ge [sflag:s30], $0x80  }
0x120: {  	[sflag:s30] =	ssyncset.done $0x0  }
0x121: {  	[sflag:s30] =	ssyncadd.s32 $0xFFFFFF80  }
0x122: {  	v1 =	vld [tilespmem:$0x180];
	_ =	sdelay $0x1  }
0x123: {  	v2 =	vld [tilespmem:$0x190];
	_ =	sdelay $0x1  }
0x124: {  	v3 =	vld [tilespmem:$0x1A0]  }
0x125: {  	v4 =	vand.u32 $0xFFFF, v1  }
0x126: {  	v55 =	vld [tilespmem:$0x1B0];
	v1 =	vshrl.u32 v1, $0x10;
	[tilespmem:$0x4C0] =	vst v4  }
0x127: {  	[tilespmem:$0x700] =	vst v1;
	v1 =	vand.u32 $0xFFFF, v2  }
0x128: {  	[tilespmem:$0x4D0] =	vst v1;
	v1 =	vshrl.u32 v2, $0x10  }
0x129: {  	s15 =	sadd.s32 $0xFFFFFA00, s1;
	[tilespmem:$0x710] =	vst v1;
	v1 =	vand.u32 $0xFFFF, v3  }
0x12a: {  	s13 =	sand.u32 $0x7C00, s15;
	s10 =	rddreg [dreg:$0x4];
	[tilespmem:$0x4E0] =	vst v1;
	v1 =	vshrl.u32 v3, $0x10  }
0x12b: {  	s8 =	sadd.s32 s13, s10;
	s10 =	sand.u32 $0x380, s15;
	[tilespmem:$0x720] =	vst v1;
	v1 =	vand.u32 $0xFFFF, v55  }
0x12c: {  	s8 =	sor.u32 s10, s8;
	[tilespmem:$0x4F0] =	vst v1;
	v1 =	vshrl.u32 v55, $0x10  }
0x12d: {  	s21 =	simm.s32 $0x4C0;
	s16 =	simm.s32 $0x6800;
	s8 =	sshrl.u32 s8, $0x3;
	[tilespmem:$0x730] =	vst v1  }
0x12e: {  	[tilespmem:s16], [sflag:$0x4] =	stream.indirect.gather [hbm4b:s2+s17], $0x80, s21, s17, $0xb8;
	[tilespmem:$0x1E100] =	vst v63  }
0x12f: {  	s13 =	simm.s32 $0x180;
	s8 =	sadd.s32 s5, s8  }
0x130: {  	[tilespmem:s13], [sflag:$0x9] =	stream.linear.gather [hbm4b:s8+s4], $0x80, $0x38;
	[tilespmem:$0x1E100] =	vst v63  }
0x131: {  	_ =	swait.ge [sflag:s31], $0x2000  }
0x132: {  	[sflag:s31] =	ssyncset.done $0x0  }
0x133: {  	s21 =	simm.s32 $0x600;
	[sflag:s31] =	ssyncadd.s32 $0xFFFFE000  }
0x134: {  	[spmem:s3] =	stream.indirect.scatter.add.f32 [tilespmem:s24], [sflag:$0xC], $0x80, s21, s17, $0xb8;
	[tilespmem:$0x1E100] =	vst v63  }
0x135: {  	_ =	swait.ge [sflag:s29], $0x2000  }
0x136: {  	[sflag:s29] =	ssyncset.done $0x0  }
0x137: {  	[sflag:s29] =	ssyncadd.s32 $0xFFFFE000  }
0x138: {  	_ =	swait.ge [sflag:s0], $0x80  }
0x139: {  	[sflag:s0] =	ssyncset.done $0x0  }
0x13a: {  	[sflag:s0] =	ssyncadd.s32 $0xFFFFFF80  }
0x13b: {  	v1 =	vld [tilespmem:$0x200];
	_ =	sdelay $0x1  }
0x13c: {  	v2 =	vld [tilespmem:$0x210];
	_ =	sdelay $0x1  }
0x13d: {  	v3 =	vld [tilespmem:$0x220]  }
0x13e: {  	v56 =	vand.u32 $0xFFFF, v1  }
0x13f: {  	v57 =	vld [tilespmem:$0x230];
	v1 =	vshrl.u32 v1, $0x10;
	[tilespmem:$0x500] =	vst v56  }
0x140: {  	[tilespmem:$0x780] =	vst v1;
	v1 =	vand.u32 $0xFFFF, v2  }
0x141: {  	[tilespmem:$0x510] =	vst v1;
	v1 =	vshrl.u32 v2, $0x10  }
0x142: {  	[tilespmem:$0x790] =	vst v1;
	v1 =	vand.u32 $0xFFFF, v3  }
0x143: {  	[tilespmem:$0x520] =	vst v1;
	v1 =	vshrl.u32 v3, $0x10  }
0x144: {  	[tilespmem:$0x7A0] =	vst v1;
	v1 =	vand.u32 $0xFFFF, v57  }
0x145: {  	s8 =	sadd.s32 $0xFFFFFE80, s1;
	[tilespmem:$0x530] =	vst v1;
	v1 =	vshrl.u32 v57, $0x10  }
0x146: {  	s15 =	simm.s32 $0x8800;
	s10 =	simm.s32 $0x500;
	s21 =	sand.u32 $0xFC00, s8;
	[tilespmem:$0x7B0] =	vst v1  }
0x147: {  	[tilespmem:s15], [sflag:$0x5] =	stream.indirect.gather [hbm4b:s2+s17], $0x80, s10, s17, $0xb8;
	[tilespmem:$0x1E100] =	vst v63  }
0x148: {  	s8 =	sand.u32 $0x380, s8;
	s10 =	sadd.s32 s7, s21  }
0x149: {  	s8 =	sor.u32 s8, s10  }
0x14a: {  	s8 =	sshrl.u32 s8, $0x3  }
0x14b: {  	s21 =	simm.s32 $0x200;
	s8 =	sadd.s32 s5, s8  }
0x14c: {  	[tilespmem:s21], [sflag:$0xA] =	stream.linear.gather [hbm4b:s8+s4], $0x80, $0x38;
	[tilespmem:$0x1E100] =	vst v63  }
0x14d: {  	_ =	swait.ge [sflag:s6], $0x2000  }
0x14e: {  	[sflag:s6] =	ssyncset.done $0x0  }
0x14f: {  	s10 =	simm.s32 $0x680;
	s21 =	simm.s32 $0x4800;
	[sflag:s6] =	ssyncadd.s32 $0xFFFFE000  }
0x150: {  	[spmem:s3] =	stream.indirect.scatter.add.f32 [tilespmem:s21], [sflag:$0xD], $0x80, s10, s17, $0xb8;
	[tilespmem:$0x1E100] =	vst v63  }
0x151: {  	_ =	swait.ge [sflag:s11], $0x2000  }
0x152: {  	[sflag:s11] =	ssyncset.done $0x0  }
0x153: {  	[sflag:s11] =	ssyncadd.s32 $0xFFFFE000  }
0x154: {  	_ =	swait.ge [sflag:s9], $0x80  }
0x155: {  	[sflag:s9] =	ssyncset.done $0x0  }
0x156: {  	[sflag:s9] =	ssyncadd.s32 $0xFFFFFF80  }
0x157: {  	v1 =	vld [tilespmem:$0x0];
	_ =	sdelay $0x1  }
0x158: {  	v2 =	vld [tilespmem:$0x10];
	_ =	sdelay $0x1  }
0x159: {  	v3 =	vld [tilespmem:$0x20]  }
0x15a: {  	v58 =	vand.u32 $0xFFFF, v1  }
0x15b: {  	v59 =	vld [tilespmem:$0x30];
	v1 =	vshrl.u32 v1, $0x10;
	[tilespmem:$0x400] =	vst v58  }
0x15c: {  	[tilespmem:$0x580] =	vst v1;
	v1 =	vand.u32 $0xFFFF, v2  }
0x15d: {  	[tilespmem:$0x410] =	vst v1;
	v1 =	vshrl.u32 v2, $0x10  }
0x15e: {  	[tilespmem:$0x590] =	vst v1;
	v1 =	vand.u32 $0xFFFF, v3  }
0x15f: {  	[tilespmem:$0x420] =	vst v1;
	v1 =	vshrl.u32 v3, $0x10  }
0x160: {  	[tilespmem:$0x5A0] =	vst v1;
	v1 =	vand.u32 $0xFFFF, v59  }
0x161: {  	[tilespmem:$0x430] =	vst v1;
	v1 =	vshrl.u32 v59, $0x10  }
0x162: {  	s20 =	simm.s32 $0x800;
	s8 =	sadd.s32 $0xFFFFFF00, s1;
	s10 =	simm.s32 $0x400;
	[tilespmem:$0x5B0] =	vst v1  }
0x163: {  	[tilespmem:s20], [sflag:$0x1] =	stream.indirect.gather [hbm4b:s2+s17], $0x80, s10, s17, $0xb8;
	[tilespmem:$0x1E100] =	vst v63  }
0x164: {  	s20 =	sand.u32 $0xFC00, s8  }
0x165: {  	s8 =	sand.u32 $0x380, s8;
	s10 =	sadd.s32 s7, s20  }
0x166: {  	s8 =	sor.u32 s8, s10  }
0x167: {  	s8 =	sshrl.u32 s8, $0x3  }
0x168: {  	s8 =	sadd.s32 s5, s8  }
0x169: {  	[tilespmem:s4], [sflag:$0x6] =	stream.linear.gather [hbm4b:s8+s4], $0x80, $0x38;
	[tilespmem:$0x1E100] =	vst v63  }
0x16a: {  	_ =	swait.ge [sflag:s12], $0x2000  }
0x16b: {  	[sflag:s12] =	ssyncset.done $0x0  }
0x16c: {  	s10 =	simm.s32 $0x700;
	[sflag:s12] =	ssyncadd.s32 $0xFFFFE000  }
0x16d: {  	[spmem:s3] =	stream.indirect.scatter.add.f32 [tilespmem:s16], [sflag:$0xE], $0x80, s10, s17, $0xb8;
	[tilespmem:$0x1E100] =	vst v63  }
0x16e: {  	_ =	swait.ge [sflag:s14], $0x2000  }
0x16f: {  	[sflag:s14] =	ssyncset.done $0x0  }
0x170: {  	[sflag:s14] =	ssyncadd.s32 $0xFFFFE000  }
0x171: {  	_ =	swait.ge [sflag:s22], $0x80  }
0x172: {  	[sflag:s22] =	ssyncset.done $0x0  }
0x173: {  	[sflag:s22] =	ssyncadd.s32 $0xFFFFFF80  }
0x174: {  	v1 =	vld [tilespmem:$0x80];
	_ =	sdelay $0x1  }
0x175: {  	v2 =	vld [tilespmem:$0x90];
	_ =	sdelay $0x1  }
0x176: {  	v3 =	vld [tilespmem:$0xA0]  }
0x177: {  	v60 =	vand.u32 $0xFFFF, v1  }
0x178: {  	v61 =	vld [tilespmem:$0xB0];
	v1 =	vshrl.u32 v1, $0x10;
	[tilespmem:$0x440] =	vst v60  }
0x179: {  	[tilespmem:$0x600] =	vst v1;
	v1 =	vand.u32 $0xFFFF, v2  }
0x17a: {  	[tilespmem:$0x450] =	vst v1;
	v1 =	vshrl.u32 v2, $0x10  }
0x17b: {  	[tilespmem:$0x610] =	vst v1;
	v1 =	vand.u32 $0xFFFF, v3  }
0x17c: {  	[tilespmem:$0x460] =	vst v1;
	v1 =	vshrl.u32 v3, $0x10  }
0x17d: {  	[tilespmem:$0x620] =	vst v1;
	v1 =	vand.u32 $0xFFFF, v61  }
0x17e: {  	[tilespmem:$0x470] =	vst v1;
	v1 =	vshrl.u32 v61, $0x10  }
0x17f: {  	s20 =	sadd.s32 $0xFFFFFF80, s1;
	s16 =	simm.s32 $0x440;
	[tilespmem:$0x630] =	vst v1  }
0x180: {  	[tilespmem:s24], [sflag:$0x2] =	stream.indirect.gather [hbm4b:s2+s17], $0x80, s16, s17, $0xb8;
	[tilespmem:$0x1E100] =	vst v63  }
0x181: {  	s16 =	sand.u32 $0xFC00, s20  }
0x182: {  	s8 =	sand.u32 $0x380, s20;
	s10 =	sadd.s32 s7, s16  }
0x183: {  	s8 =	sor.u32 s8, s10  }
0x184: {  	s8 =	sshrl.u32 s8, $0x3  }
0x185: {  	s20 =	simm.s32 $0x80;
	s8 =	sadd.s32 s5, s8  }
0x186: {  	[tilespmem:s20], [sflag:$0x7] =	stream.linear.gather [hbm4b:s8+s4], $0x80, $0x38;
	[tilespmem:$0x1E100] =	vst v63  }
0x187: {  	_ =	swait.ge [sflag:s18], $0x2000  }
0x188: {  	[sflag:s18] =	ssyncset.done $0x0  }
0x189: {  	s10 =	simm.s32 $0x780;
	[sflag:s18] =	ssyncadd.s32 $0xFFFFE000  }
0x18a: {  	[spmem:s3] =	stream.indirect.scatter.add.f32 [tilespmem:s15], [sflag:$0xF], $0x80, s10, s17, $0xb8;
	[tilespmem:$0x1E100] =	vst v63  }
0x18b: {  	_ =	swait.ge [sflag:s23], $0x2000  }
0x18c: {  	[sflag:s23] =	ssyncset.done $0x0  }
0x18d: {  	[sflag:s23] =	ssyncadd.s32 $0xFFFFE000  }
0x18e: {  	_ =	swait.ge [sflag:s25], $0x80  }
0x18f: {  	[sflag:s25] =	ssyncset.done $0x0  }
0x190: {  	[sflag:s25] =	ssyncadd.s32 $0xFFFFFF80  }
0x191: {  	v1 =	vld [tilespmem:$0x100];
	_ =	sdelay $0x1  }
0x192: {  	v2 =	vld [tilespmem:$0x110];
	_ =	sdelay $0x1  }
0x193: {  	v3 =	vld [tilespmem:$0x120]  }
0x194: {  	v62 =	vand.u32 $0xFFFF, v1  }
0x195: {  	v63 =	vld [tilespmem:$0x130];
	v1 =	vshrl.u32 v1, $0x10;
	[tilespmem:$0x480] =	vst v62  }
0x196: {  	[tilespmem:$0x680] =	vst v1;
	v1 =	vand.u32 $0xFFFF, v2  }
0x197: {  	[tilespmem:$0x490] =	vst v1;
	v1 =	vshrl.u32 v2, $0x10  }
0x198: {  	[tilespmem:$0x690] =	vst v1;
	v1 =	vand.u32 $0xFFFF, v3  }
0x199: {  	s16 =	sand.u32 $0xFC00, s1;
	[tilespmem:$0x4A0] =	vst v1;
	v1 =	vshrl.u32 v3, $0x10  }
0x19a: {  	s8 =	sadd.s32 s7, s16;
	s20 =	sand.u32 $0x380, s1;
	[tilespmem:$0x6A0] =	vst v1;
	v1 =	vand.u32 $0xFFFF, v63  }
0x19b: {  	p0 =	sne.s32 s1, $0x4E80;
	s8 =	sor.u32 s20, s8;
	[tilespmem:$0x4B0] =	vst v1;
	v1 =	vshrl.u32 v63, $0x10  }
.Ltmp1:
0x19c: {  	s8 =	sshrl.u32 s8, $0x3;
	s10 =	simm.s32 $0x480;
	[tilespmem:$0x6B0] =	vst v1;
	(pc) =	sbr.rel @p0 .LBB2_4-.Ltmp1, $4  }
0x19d: {  	[tilespmem:s21], [sflag:$0x3] =	stream.indirect.gather [hbm4b:s2+s17], $0x80, s10, s17, $0xb8;
	[tilespmem:$0x1E100] =	vst v63  }
0x19e: {  	s8 =	sadd.s32 s5, s8  }
0x19f: {  	[tilespmem:s19], [sflag:$0x8] =	stream.linear.gather [hbm4b:s8+s4], $0x80, $0x38;
	[tilespmem:$0x1E100] =	vst v63  }
0x1a0: {  	s1 =	sadd.s32 $0x280, s1;
	s8 =	simm.s32 $0x800  }
0x1a1: {  	_ =	swait.ge [sflag:s28], $0x2000  }
0x1a2: {  	[sflag:s28] =	ssyncset.done $0x0  }
0x1a3: {  	s1 =	simm.s32 $0x580;
	[sflag:s28] =	ssyncadd.s32 $0xFFFFE000  }
0x1a4: {  	[spmem:s3] =	stream.indirect.scatter.add.f32 [tilespmem:s8], [sflag:$0xB], $0x80, s1, s17, $0xb8;
	[tilespmem:$0x1E100] =	vst v63  }
0x1a5: {  	_ =	swait.ge [sflag:s26], $0x2000  }
0x1a6: {  	[sflag:s26] =	ssyncset.done $0x0  }
0x1a7: {  	[sflag:s26] =	ssyncadd.s32 $0xFFFFE000  }
0x1a8: {  	_ =	swait.ge [sflag:s30], $0x80  }
0x1a9: {  	[sflag:s30] =	ssyncset.done $0x0  }
0x1aa: {  	[sflag:s30] =	ssyncadd.s32 $0xFFFFFF80  }
0x1ab: {  	v1 =	vld [tilespmem:$0x180];
	_ =	sdelay $0x1  }
0x1ac: {  	v2 =	vld [tilespmem:$0x190];
	_ =	sdelay $0x1  }
0x1ad: {  	v3 =	vld [tilespmem:$0x1A0]  }
0x1ae: {  	v4 =	vand.u32 $0xFFFF, v1  }
0x1af: {  	v51 =	vld [tilespmem:$0x1B0];
	v1 =	vshrl.u32 v1, $0x10;
	[tilespmem:$0x4C0] =	vst v4  }
0x1b0: {  	[tilespmem:$0x700] =	vst v1;
	v1 =	vand.u32 $0xFFFF, v2  }
0x1b1: {  	[tilespmem:$0x4D0] =	vst v1;
	v1 =	vshrl.u32 v2, $0x10  }
0x1b2: {  	[tilespmem:$0x710] =	vst v1;
	v1 =	vand.u32 $0xFFFF, v3  }
0x1b3: {  	[tilespmem:$0x4E0] =	vst v1;
	v1 =	vshrl.u32 v3, $0x10  }
0x1b4: {  	[tilespmem:$0x720] =	vst v1;
	v1 =	vand.u32 $0xFFFF, v51  }
0x1b5: {  	[tilespmem:$0x4F0] =	vst v1;
	v1 =	vshrl.u32 v51, $0x10  }
0x1b6: {  	s20 =	simm.s32 $0x4C0;
	s15 =	simm.s32 $0x6800;
	[tilespmem:$0x730] =	vst v1  }
0x1b7: {  	[tilespmem:s15], [sflag:$0x4] =	stream.indirect.gather [hbm4b:s2+s17], $0x80, s20, s17, $0xb8;
	[tilespmem:$0x1E100] =	vst v63  }
0x1b8: {  	s21 =	rddreg [dreg:$0x1e]  }
0x1b9: {  	[tilespmem:s13], [sflag:$0x9] =	stream.linear.gather [hbm4b:s21+s4], $0x80, $0x38;
	[tilespmem:$0x1E100] =	vst v63  }
0x1ba: {  	_ =	swait.ge [sflag:s31], $0x2000  }
0x1bb: {  	[sflag:s31] =	ssyncset.done $0x0  }
0x1bc: {  	s21 =	simm.s32 $0x600;
	[sflag:s31] =	ssyncadd.s32 $0xFFFFE000  }
0x1bd: {  	[spmem:s3] =	stream.indirect.scatter.add.f32 [tilespmem:s24], [sflag:$0xC], $0x80, s21, s17, $0xb8;
	[tilespmem:$0x1E100] =	vst v63  }
0x1be: {  	_ =	swait.ge [sflag:s29], $0x2000  }
0x1bf: {  	[sflag:s29] =	ssyncset.done $0x0  }
0x1c0: {  	[sflag:s29] =	ssyncadd.s32 $0xFFFFE000  }
0x1c1: {  	_ =	swait.ge [sflag:s0], $0x80  }
0x1c2: {  	[sflag:s0] =	ssyncset.done $0x0  }
0x1c3: {  	[sflag:s0] =	ssyncadd.s32 $0xFFFFFF80  }
0x1c4: {  	v1 =	vld [tilespmem:$0x200];
	_ =	sdelay $0x1  }
0x1c5: {  	v2 =	vld [tilespmem:$0x210];
	_ =	sdelay $0x1  }
0x1c6: {  	v3 =	vld [tilespmem:$0x220]  }
0x1c7: {  	v52 =	vand.u32 $0xFFFF, v1  }
0x1c8: {  	v53 =	vld [tilespmem:$0x230];
	v1 =	vshrl.u32 v1, $0x10;
	[tilespmem:$0x500] =	vst v52  }
0x1c9: {  	[tilespmem:$0x780] =	vst v1;
	v1 =	vand.u32 $0xFFFF, v2  }
0x1ca: {  	[tilespmem:$0x510] =	vst v1;
	v1 =	vshrl.u32 v2, $0x10  }
0x1cb: {  	[tilespmem:$0x790] =	vst v1;
	v1 =	vand.u32 $0xFFFF, v3  }
0x1cc: {  	[tilespmem:$0x520] =	vst v1;
	v1 =	vshrl.u32 v3, $0x10  }
0x1cd: {  	[tilespmem:$0x7A0] =	vst v1;
	v1 =	vand.u32 $0xFFFF, v53  }
0x1ce: {  	[tilespmem:$0x530] =	vst v1;
	v1 =	vshrl.u32 v53, $0x10  }
0x1cf: {  	s16 =	simm.s32 $0x8800;
	s8 =	simm.s32 $0x500;
	[tilespmem:$0x7B0] =	vst v1  }
0x1d0: {  	[tilespmem:s16], [sflag:$0x5] =	stream.indirect.gather [hbm4b:s2+s17], $0x80, s8, s17, $0xb8;
	[tilespmem:$0x1E100] =	vst v63  }
0x1d1: {  	s20 =	simm.s32 $0x200;
	s19 =	rddreg [dreg:$0x1f]  }
0x1d2: {  	[tilespmem:s20], [sflag:$0xA] =	stream.linear.gather [hbm4b:s19+s4], $0x80, $0x38;
	[tilespmem:$0x1E100] =	vst v63  }
0x1d3: {  	_ =	swait.ge [sflag:s6], $0x2000  }
0x1d4: {  	[sflag:s6] =	ssyncset.done $0x0  }
0x1d5: {  	s8 =	simm.s32 $0x680;
	s19 =	simm.s32 $0x4800;
	[sflag:s6] =	ssyncadd.s32 $0xFFFFE000  }
0x1d6: {  	[spmem:s3] =	stream.indirect.scatter.add.f32 [tilespmem:s19], [sflag:$0xD], $0x80, s8, s17, $0xb8;
	[tilespmem:$0x1E100] =	vst v63  }
0x1d7: {  	_ =	swait.ge [sflag:s11], $0x2000  }
0x1d8: {  	[sflag:s11] =	ssyncset.done $0x0  }
0x1d9: {  	[sflag:s11] =	ssyncadd.s32 $0xFFFFE000  }
0x1da: {  	_ =	swait.ge [sflag:s9], $0x80  }
0x1db: {  	[sflag:s9] =	ssyncset.done $0x0  }
0x1dc: {  	[sflag:s9] =	ssyncadd.s32 $0xFFFFFF80  }
0x1dd: {  	v1 =	vld [tilespmem:$0x0];
	_ =	sdelay $0x1  }
0x1de: {  	v2 =	vld [tilespmem:$0x10];
	_ =	sdelay $0x1  }
0x1df: {  	v3 =	vld [tilespmem:$0x20]  }
0x1e0: {  	v54 =	vand.u32 $0xFFFF, v1  }
0x1e1: {  	v55 =	vld [tilespmem:$0x30];
	v1 =	vshrl.u32 v1, $0x10;
	[tilespmem:$0x400] =	vst v54  }
0x1e2: {  	[tilespmem:$0x580] =	vst v1;
	v1 =	vand.u32 $0xFFFF, v2  }
0x1e3: {  	[tilespmem:$0x410] =	vst v1;
	v1 =	vshrl.u32 v2, $0x10  }
0x1e4: {  	[tilespmem:$0x590] =	vst v1;
	v1 =	vand.u32 $0xFFFF, v3  }
0x1e5: {  	[tilespmem:$0x420] =	vst v1;
	v1 =	vshrl.u32 v3, $0x10  }
0x1e6: {  	[tilespmem:$0x5A0] =	vst v1;
	v1 =	vand.u32 $0xFFFF, v55  }
0x1e7: {  	[tilespmem:$0x430] =	vst v1;
	v1 =	vshrl.u32 v55, $0x10  }
0x1e8: {  	s1 =	simm.s32 $0x400;
	s13 =	simm.s32 $0x800;
	[tilespmem:$0x5B0] =	vst v1  }
0x1e9: {  	[tilespmem:s13], [sflag:$0x1] =	stream.indirect.gather [hbm4b:s2+s17], $0x80, s1, s17, $0xb8;
	[tilespmem:$0x1E100] =	vst v63  }
0x1ea: {  	_ =	swait.ge [sflag:s12], $0x2000  }
0x1eb: {  	[sflag:s12] =	ssyncset.done $0x0  }
0x1ec: {  	s1 =	simm.s32 $0x700;
	[sflag:s12] =	ssyncadd.s32 $0xFFFFE000  }
0x1ed: {  	[spmem:s3] =	stream.indirect.scatter.add.f32 [tilespmem:s15], [sflag:$0xE], $0x80, s1, s17, $0xb8;
	[tilespmem:$0x1E100] =	vst v63  }
0x1ee: {  	_ =	swait.ge [sflag:s14], $0x2000  }
0x1ef: {  	[sflag:s14] =	ssyncset.done $0x0  }
0x1f0: {  	[sflag:s14] =	ssyncadd.s32 $0xFFFFE000  }
0x1f1: {  	_ =	swait.ge [sflag:s22], $0x80  }
0x1f2: {  	[sflag:s22] =	ssyncset.done $0x0  }
0x1f3: {  	[sflag:s22] =	ssyncadd.s32 $0xFFFFFF80  }
0x1f4: {  	v1 =	vld [tilespmem:$0x80];
	_ =	sdelay $0x1  }
0x1f5: {  	v2 =	vld [tilespmem:$0x90];
	_ =	sdelay $0x1  }
0x1f6: {  	v3 =	vld [tilespmem:$0xA0]  }
0x1f7: {  	v56 =	vand.u32 $0xFFFF, v1  }
0x1f8: {  	v57 =	vld [tilespmem:$0xB0];
	v1 =	vshrl.u32 v1, $0x10;
	[tilespmem:$0x440] =	vst v56  }
0x1f9: {  	[tilespmem:$0x600] =	vst v1;
	v1 =	vand.u32 $0xFFFF, v2  }
0x1fa: {  	[tilespmem:$0x450] =	vst v1;
	v1 =	vshrl.u32 v2, $0x10  }
0x1fb: {  	[tilespmem:$0x610] =	vst v1;
	v1 =	vand.u32 $0xFFFF, v3  }
0x1fc: {  	[tilespmem:$0x460] =	vst v1;
	v1 =	vshrl.u32 v3, $0x10  }
0x1fd: {  	[tilespmem:$0x620] =	vst v1;
	v1 =	vand.u32 $0xFFFF, v57  }
0x1fe: {  	[tilespmem:$0x470] =	vst v1;
	v1 =	vshrl.u32 v57, $0x10  }
0x1ff: {  	s9 =	simm.s32 $0x440;
	[tilespmem:$0x630] =	vst v1  }
0x200: {  	[tilespmem:s24], [sflag:$0x2] =	stream.indirect.gather [hbm4b:s2+s17], $0x80, s9, s17, $0xb8;
	[tilespmem:$0x1E100] =	vst v63  }
0x201: {  	_ =	swait.ge [sflag:s18], $0x2000  }
0x202: {  	[sflag:s18] =	ssyncset.done $0x0  }
0x203: {  	s22 =	simm.s32 $0x780;
	[sflag:s18] =	ssyncadd.s32 $0xFFFFE000  }
0x204: {  	[spmem:s3] =	stream.indirect.scatter.add.f32 [tilespmem:s16], [sflag:$0xF], $0x80, s22, s17, $0xb8;
	[tilespmem:$0x1E100] =	vst v63  }
0x205: {  	_ =	swait.ge [sflag:s23], $0x2000  }
0x206: {  	[sflag:s23] =	ssyncset.done $0x0  }
0x207: {  	[sflag:s23] =	ssyncadd.s32 $0xFFFFE000  }
0x208: {  	_ =	swait.ge [sflag:s25], $0x80  }
0x209: {  	[sflag:s25] =	ssyncset.done $0x0  }
0x20a: {  	[sflag:s25] =	ssyncadd.s32 $0xFFFFFF80  }
0x20b: {  	v1 =	vld [tilespmem:$0x100];
	_ =	sdelay $0x1  }
0x20c: {  	v2 =	vld [tilespmem:$0x110];
	_ =	sdelay $0x1  }
0x20d: {  	v3 =	vld [tilespmem:$0x120]  }
0x20e: {  	v58 =	vand.u32 $0xFFFF, v1  }
0x20f: {  	v59 =	vld [tilespmem:$0x130];
	v1 =	vshrl.u32 v1, $0x10;
	[tilespmem:$0x480] =	vst v58  }
0x210: {  	[tilespmem:$0x680] =	vst v1;
	v1 =	vand.u32 $0xFFFF, v2  }
0x211: {  	[tilespmem:$0x490] =	vst v1;
	v1 =	vshrl.u32 v2, $0x10  }
0x212: {  	[tilespmem:$0x690] =	vst v1;
	v1 =	vand.u32 $0xFFFF, v3  }
0x213: {  	[tilespmem:$0x4A0] =	vst v1;
	v1 =	vshrl.u32 v3, $0x10  }
0x214: {  	[tilespmem:$0x6A0] =	vst v1;
	v1 =	vand.u32 $0xFFFF, v59  }
0x215: {  	[tilespmem:$0x4B0] =	vst v1;
	v1 =	vshrl.u32 v59, $0x10  }
0x216: {  	[tilespmem:$0x6B0] =	vst v1  }
0x217: {  	[tilespmem:s19], [sflag:$0x3] =	stream.indirect.gather [hbm4b:s2+s17], $0x80, s10, s17, $0xb8;
	[tilespmem:$0x1E100] =	vst v63  }
0x218: {  	_ =	swait.ge [sflag:s28], $0x2000  }
0x219: {  	[sflag:s28] =	ssyncset.done $0x0  }
0x21a: {  	[sflag:s28] =	ssyncadd.s32 $0xFFFFE000;
	s28 =	simm.s32 $0x580  }
0x21b: {  	[spmem:s3] =	stream.indirect.scatter.add.f32 [tilespmem:s13], [sflag:$0xB], $0x80, s28, s17, $0xb8;
	[tilespmem:$0x1E100] =	vst v63  }
0x21c: {  	_ =	swait.ge [sflag:s26], $0x2000  }
0x21d: {  	[sflag:s26] =	ssyncset.done $0x0  }
0x21e: {  	[sflag:s26] =	ssyncadd.s32 $0xFFFFE000  }
0x21f: {  	_ =	swait.ge [sflag:s30], $0x80  }
0x220: {  	[sflag:s30] =	ssyncset.done $0x0  }
0x221: {  	[sflag:s30] =	ssyncadd.s32 $0xFFFFFF80  }
0x222: {  	v1 =	vld [tilespmem:$0x180];
	_ =	sdelay $0x1  }
0x223: {  	v2 =	vld [tilespmem:$0x190];
	_ =	sdelay $0x1  }
0x224: {  	v3 =	vld [tilespmem:$0x1A0]  }
0x225: {  	v60 =	vand.u32 $0xFFFF, v1  }
0x226: {  	v61 =	vld [tilespmem:$0x1B0];
	v1 =	vshrl.u32 v1, $0x10;
	[tilespmem:$0x4C0] =	vst v60  }
0x227: {  	[tilespmem:$0x700] =	vst v1;
	v1 =	vand.u32 $0xFFFF, v2  }
0x228: {  	[tilespmem:$0x4D0] =	vst v1;
	v1 =	vshrl.u32 v2, $0x10  }
0x229: {  	[tilespmem:$0x710] =	vst v1;
	v1 =	vand.u32 $0xFFFF, v3  }
0x22a: {  	[tilespmem:$0x4E0] =	vst v1;
	v1 =	vshrl.u32 v3, $0x10  }
0x22b: {  	[tilespmem:$0x720] =	vst v1;
	v1 =	vand.u32 $0xFFFF, v61  }
0x22c: {  	[tilespmem:$0x4F0] =	vst v1;
	v1 =	vshrl.u32 v61, $0x10  }
0x22d: {  	s10 =	simm.s32 $0x4C0;
	[tilespmem:$0x730] =	vst v1  }
0x22e: {  	[tilespmem:s15], [sflag:$0x4] =	stream.indirect.gather [hbm4b:s2+s17], $0x80, s10, s17, $0xb8;
	[tilespmem:$0x1E100] =	vst v63  }
0x22f: {  	_ =	swait.ge [sflag:s31], $0x2000  }
0x230: {  	[sflag:s31] =	ssyncset.done $0x0  }
0x231: {  	[sflag:s31] =	ssyncadd.s32 $0xFFFFE000  }
0x232: {  	[spmem:s3] =	stream.indirect.scatter.add.f32 [tilespmem:s24], [sflag:$0xC], $0x80, s21, s17, $0xb8;
	[tilespmem:$0x1E100] =	vst v63  }
0x233: {  	_ =	swait.ge [sflag:s29], $0x2000  }
0x234: {  	[sflag:s29] =	ssyncset.done $0x0  }
0x235: {  	[sflag:s29] =	ssyncadd.s32 $0xFFFFE000  }
0x236: {  	_ =	swait.ge [sflag:s0], $0x80  }
0x237: {  	[sflag:s0] =	ssyncset.done $0x0  }
0x238: {  	[sflag:s0] =	ssyncadd.s32 $0xFFFFFF80  }
0x239: {  	v1 =	vld [tilespmem:$0x200];
	_ =	sdelay $0x1  }
0x23a: {  	v2 =	vld [tilespmem:$0x210];
	_ =	sdelay $0x1  }
0x23b: {  	v3 =	vld [tilespmem:$0x220]  }
0x23c: {  	v62 =	vand.u32 $0xFFFF, v1  }
0x23d: {  	v63 =	vld [tilespmem:$0x230];
	v1 =	vshrl.u32 v1, $0x10;
	[tilespmem:$0x500] =	vst v62  }
0x23e: {  	[tilespmem:$0x780] =	vst v1;
	v1 =	vand.u32 $0xFFFF, v2  }
0x23f: {  	[tilespmem:$0x510] =	vst v1;
	v1 =	vshrl.u32 v2, $0x10  }
0x240: {  	[tilespmem:$0x790] =	vst v1;
	v1 =	vand.u32 $0xFFFF, v3  }
0x241: {  	[tilespmem:$0x520] =	vst v1;
	v1 =	vshrl.u32 v3, $0x10  }
0x242: {  	[tilespmem:$0x7A0] =	vst v1;
	v1 =	vand.u32 $0xFFFF, v63  }
0x243: {  	[tilespmem:$0x530] =	vst v1;
	v1 =	vshrl.u32 v63, $0x10  }
0x244: {  	s13 =	simm.s32 $0x500;
	[tilespmem:$0x7B0] =	vst v1  }
0x245: {  	[tilespmem:s16], [sflag:$0x5] =	stream.indirect.gather [hbm4b:s2+s17], $0x80, s13, s17, $0xb8;
	[tilespmem:$0x1E100] =	vst v63  }
0x246: {  	_ =	swait.ge [sflag:s6], $0x2000  }
0x247: {  	[sflag:s6] =	ssyncset.done $0x0  }
0x248: {  	[sflag:s6] =	ssyncadd.s32 $0xFFFFE000  }
0x249: {  	[spmem:s3] =	stream.indirect.scatter.add.f32 [tilespmem:s19], [sflag:$0xD], $0x80, s8, s17, $0xb8;
	[tilespmem:$0x1E100] =	vst v63  }
0x24a: {  	_ =	swait.ge [sflag:s11], $0x2000  }
0x24b: {  	[sflag:s11] =	ssyncset.done $0x0  }
0x24c: {  	[sflag:s11] =	ssyncadd.s32 $0xFFFFE000  }
0x24d: {  	_ =	swait.ge [sflag:s12], $0x2000  }
0x24e: {  	[sflag:s12] =	ssyncset.done $0x0  }
0x24f: {  	[sflag:s12] =	ssyncadd.s32 $0xFFFFE000  }
0x250: {  	[spmem:s3] =	stream.indirect.scatter.add.f32 [tilespmem:s15], [sflag:$0xE], $0x80, s1, s17, $0xb8;
	[tilespmem:$0x1E100] =	vst v63  }
0x251: {  	_ =	swait.ge [sflag:s14], $0x2000  }
0x252: {  	[sflag:s14] =	ssyncset.done $0x0  }
0x253: {  	[sflag:s14] =	ssyncadd.s32 $0xFFFFE000  }
0x254: {  	_ =	swait.ge [sflag:s18], $0x2000  }
0x255: {  	[sflag:s18] =	ssyncset.done $0x0  }
0x256: {  	[sflag:s18] =	ssyncadd.s32 $0xFFFFE000  }
0x257: {  	[spmem:s3] =	stream.indirect.scatter.add.f32 [tilespmem:s16], [sflag:$0xF], $0x80, s22, s17, $0xb8;
	[tilespmem:$0x1E100] =	vst v63  }
0x258: {  	_ =	swait.ge [sflag:s23], $0x2000  }
0x259: {  	[sflag:s23] =	ssyncset.done $0x0  }
0x25a: {  	[sflag:s23] =	ssyncadd.s32 $0xFFFFE000  }
0x25b: {  	_ =	swait.ge [sflag:s26], $0x2000  }
0x25c: {  	[sflag:s26] =	ssyncset.done $0x0  }
0x25d: {  	[sflag:s26] =	ssyncadd.s32 $0xFFFFE000  }
0x25e: {  	_ =	swait.ge [sflag:s29], $0x2000  }
0x25f: {  	[sflag:s29] =	ssyncset.done $0x0  }
0x260: {  	[sflag:s29] =	ssyncadd.s32 $0xFFFFE000  }
0x261: {  	s21 =	stileid.u32;
	[bflag:$0x0] =	sbarrier.arrive $0xFFFF  }
0x262: {  	s13 =	simm.s32 $0x10;
	s1 =	sshll.u32 s21, $0x6;
	s10 =	rddreg [dreg:$0x5]  }
0x263: {  	s1 =	sor.u32 $0x1C10, s1;
	s24 =	rddreg [dreg:$0x16];
	s22 =	sshrl.u32 s10, $0x3  }
0x264: {  	[hbm:s24], [sflag:s1] =	dma.local [spmem:s22], $0x2720  }
0x265: {  	_ =	swait.ge [sflag:s13], $0x2720  }
0x266: {  	s25 =	sld [smem:$0x7FD];
	_ =	sdelay $0x2  }
0x267: {  	s28 =	rddreg [dreg:$0x17];
	s8 =	sadd.s32 $0x1, s25  }
0x268: {  	p0 =	sne.s32 s8, s28  }
.Ltmp2:
0x269: {  	_ = 	snop;
	(pc) =	sbr.rel @p0 .LBB2_1-.Ltmp2, $4  }
0x26a: {  	s20 =	simm.s32 $0x2800;
	s9 =	simm.s32 $0x6  }
0x26b: {  	s30 =	simm.s32 $0x8800;
	s19 =	simm.s32 $0x7;
	s21 =	simm.s32 $0x4800  }
0x26c: {  	s15 =	simm.s32 $0x6800;
	s16 =	simm.s32 $0x1;
	[sflag:s13] =	ssyncset.done $0x0  }
0x26d: {  	s22 =	simm.s32 $0x8;
	[sflag:s13] =	ssyncadd.s32 $0xFFFFD8E0;
	s25 =	simm.s32 $0x9  }
0x26e: {  	_ =	sfence.sel $0x180000  }
0x26f: {  	[bflag:$0x0] =	sbarrier.arrive $0xFFFF  }
0x270: {  	_ =	strace $0x90000047  }
0x271: {  	s0 =	stileid.u32;
	[bflag:$0x2] =	sbarrier.arrive $0xFFFF  }
0x272: {  	p0 =	sne.s32 s0, $0x0;
	s0 =	rddreg [dreg:$0x3]  }
0x273: {  	s0 =	sadd.s32 @!p0 $0x100000, s0  }
0x274: {  	[sflag:s0] =	ssyncadd.tile.s32 @!p0 $0x1;
	_ =	shalt  }
.Lfunc_end2:
_tile_overlayer_lowered:
.L_overlay_start_2:
0x275: {  	(tag) =	ssettag $0x2  }
0x276: {  	s0 =	rddreg [dreg:$0x0];
	s2 =	stileid.u32  }
0x277: {  	s1 =	rddreg [dreg:$0x1];
	p0 =	sne.s32 s2, $0x0  }
0x278: {  	s3 =	rddreg [dreg:$0x2];
	[bflag:$0x3] =	sbarrier.arrive $0xFFFF;
	s2 =	simm.s32 @!p0 $0x1C10  }
0x279: {  	[timem:s3], [sflag:s2] =	dma.local @!p0 [hbm:s0], s1  }
0x27a: {  	s0 =	simm.s32 @!p0 $0x10  }
0x27b: {  	_ =	swait.ge @!p0 [sflag:s0], s1  }
0x27c: {  	s1 =	ssub.s32 @!p0 $0x0, s1;
	[sflag:s0] =	ssyncset.done @!p0 $0x0  }
0x27d: {  	[sflag:s0] =	ssyncadd.s32 @!p0 s1  }
0x27e: {  	[bflag:$0x3] =	sbarrier.arrive $0xFFFF  }
0x27f: {  	_ =	shalt  }

</sc_bundles>
